<compile_context>
chip_gen: v7x
topology: tpu7x:2x2x1
jax: 0.10.2.dev20260603
libtpu: 0.0.44.dev20260713+nightly
codegen_flags: <defaults>
</compile_context>

<pallas_src>
import functools

import jax
import jax.numpy as jnp
from jax import lax
from jax.experimental import pallas as pl
from jax.experimental.pallas import tpu as pltpu
from jax.experimental.pallas import tpu_sc as plsc

N = 4096
D = 768
E = 64
NP = 2 * N
TB = 512
RB = 512
T = 128
NT = 128
R = NT * T
NW = 32
DCH = 128
TCH = 64

_F32 = jnp.float32
_I32 = jnp.int32


D2 = D // 2


def _pack_cols(v):
    b = lax.bitcast_convert_type(v.astype(jnp.bfloat16), jnp.uint16)
    lo = b[:, :D2].astype(jnp.uint32)
    hi = b[:, D2:].astype(jnp.uint32)
    return lax.bitcast_convert_type(lo | (hi << 16), _F32)


def _unpack_cols(p):
    u = lax.bitcast_convert_type(p, jnp.uint32)
    lo = lax.bitcast_convert_type(u << 16, _F32)
    hi = lax.bitcast_convert_type(u & jnp.uint32(0xFFFF0000), _F32)
    return jnp.concatenate([lo, hi], axis=1)


def _gate_body(x_ref, wg_ref, bg_ref, be_ref, i_ref, sx0_ref, sx1_ref, bias_ref):
    x = x_ref[...]
    logits = lax.dot_general(
        x, wg_ref[...], (((1,), (1,)), ((), ())),
        preferred_element_type=_F32) + bg_ref[...]
    m = jnp.max(logits, axis=1, keepdims=True)
    ex = jnp.exp(logits - m)
    p = ex / jnp.sum(ex, axis=1, keepdims=True)
    iota = lax.broadcasted_iota(_I32, (TB, E), 1)
    m1 = jnp.max(p, axis=1, keepdims=True)
    i1 = jnp.min(jnp.where(p == m1, iota, E), axis=1, keepdims=True)
    oh1 = iota == i1
    pm = jnp.where(oh1, -1.0, p)
    m2 = jnp.max(pm, axis=1, keepdims=True)
    i2 = jnp.min(jnp.where(pm == m2, iota, E), axis=1, keepdims=True)
    oh2 = iota == i2
    i_ref[...] = jnp.concatenate([i1, i2], axis=1)
    sx0_ref[...] = _pack_cols(m1 * x)
    sx1_ref[...] = _pack_cols(m2 * x)
    combine = jnp.where(oh1, m1, 0.0) + jnp.where(oh2, m2, 0.0)
    bias_ref[...] = lax.dot_general(
        combine, be_ref[...], (((1,), (0,)), ((), ())),
        preferred_element_type=_F32)


def _gate(x, Wg, bg2, be, interpret=False):
    return pl.pallas_call(
        _gate_body,
        grid=(N // TB,),
        in_specs=[
            pl.BlockSpec((TB, D), lambda i: (i, 0)),
            pl.BlockSpec((E, D), lambda i: (0, 0)),
            pl.BlockSpec((1, E), lambda i: (0, 0)),
            pl.BlockSpec((E, D), lambda i: (0, 0)),
        ],
        out_specs=[
            pl.BlockSpec((TB, 2), lambda i: (i, 0)),
            pl.BlockSpec((TB, D2), lambda i: (i, 0)),
            pl.BlockSpec((TB, D2), lambda i: (i, 0)),
            pl.BlockSpec((TB, D), lambda i: (i, 0)),
        ],
        out_shape=[
            jax.ShapeDtypeStruct((N, 2), _I32),
            jax.ShapeDtypeStruct((N, D2), _F32),
            jax.ShapeDtypeStruct((N, D2), _F32),
            jax.ShapeDtypeStruct((N, D), _F32),
        ],
        interpret=interpret,
    )(x, Wg, bg2, be)


def _route_body(i_ref, dflat_ref, gid_ref, r1_ref, r2_ref):
    nblk = N // RB
    ti = lax.broadcasted_iota(_I32, (RB, RB), 0)
    tj = lax.broadcasted_iota(_I32, (RB, RB), 1)
    tl = (ti > tj).astype(_F32)
    iota_b = lax.broadcasted_iota(_I32, (RB, E), 1)

    def blk(b, carry):
        c0, c1 = carry
        i1b = i_ref[pl.ds(b * RB, RB), pl.ds(0, 1)]
        i2b = i_ref[pl.ds(b * RB, RB), pl.ds(1, 1)]
        h1 = (iota_b == i1b).astype(_F32)
        h2 = (iota_b == i2b).astype(_F32)
        r1_ref[pl.ds(b * RB, RB), :] = lax.dot_general(
            tl, h1, (((1,), (0,)), ((), ())), preferred_element_type=_F32) + c0
        r2_ref[pl.ds(b * RB, RB), :] = lax.dot_general(
            tl, h2, (((1,), (0,)), ((), ())), preferred_element_type=_F32) + c1
        return (c0 + jnp.sum(h1, axis=0, keepdims=True),
                c1 + jnp.sum(h2, axis=0, keepdims=True))

    c0, c1 = lax.fori_loop(
        0, nblk, blk,
        (jnp.zeros((1, E), _F32), jnp.zeros((1, E), _F32)))
    counts = c0 + c1
    ptiles = jnp.floor((counts + float(T - 1)) * (1.0 / T))
    ui = lax.broadcasted_iota(_I32, (E, E), 0)
    uj = lax.broadcasted_iota(_I32, (E, E), 1)
    ul = (ui < uj).astype(_F32)
    tile_off = lax.dot_general(
        ptiles, ul, (((1,), (0,)), ((), ())), preferred_element_type=_F32)
    off_pad = tile_off * float(T)

    iota_f = lax.broadcasted_iota(_I32, (N, E), 1)
    h1f = (iota_f == i_ref[:, pl.ds(0, 1)]).astype(_F32)
    h2f = (iota_f == i_ref[:, pl.ds(1, 1)]).astype(_F32)
    d0 = jnp.sum(h1f * (r1_ref[...] + off_pad), axis=1, keepdims=True)
    d1 = jnp.sum(h2f * (r2_ref[...] + off_pad + c0), axis=1, keepdims=True)
    dflat_ref[pl.ds(0, N), :] = d0.astype(_I32)
    dflat_ref[pl.ds(N, N), :] = d1.astype(_I32)

    gid_ref[pl.ds(0, 1), :] = tile_off.astype(_I32)
    gid_ref[pl.ds(1, 1), :] = ptiles.astype(_I32)


def _route(idx2, interpret=False):
    return pl.pallas_call(
        _route_body,
        out_shape=[
            jax.ShapeDtypeStruct((NP, 1), _I32),
            jax.ShapeDtypeStruct((2, E), _I32),
        ],
        scratch_shapes=[
            pltpu.VMEM((N, E), _F32),
            pltpu.VMEM((N, E), _F32),
        ],
        interpret=interpret,
    )(idx2)


def _dispatch_body(sx0, sx1, dflat, xs_out, xbuf0, xbuf1, dbuf0, dbuf1, s0, s1):
    wid = lax.axis_index("s") * 2 + lax.axis_index("c")
    per = NP // NW
    base = wid * per

    def _do(src, row0):
        pltpu.sync_copy(src.at[pl.ds(row0, DCH)], xbuf0)
        pltpu.sync_copy(dflat.at[pl.ds(base, DCH)], dbuf0)
        sc0 = pltpu.async_copy(xbuf0, xs_out.at[dbuf0], s0)
        pltpu.sync_copy(src.at[pl.ds(row0 + DCH, DCH)], xbuf1)
        pltpu.sync_copy(dflat.at[pl.ds(base + DCH, DCH)], dbuf1)
        sc1 = pltpu.async_copy(xbuf1, xs_out.at[dbuf1], s1)
        sc0.wait()
        sc1.wait()

    @pl.when(wid < NW // 2)
    def _():
        _do(sx0, base)

    @pl.when(wid >= NW // 2)
    def _():
        _do(sx1, base - N)


def _dispatch(sx0, sx1, dflat):
    fn = functools.partial(
        pl.kernel,
        mesh=plsc.VectorSubcoreMesh(core_axis_name="c", subcore_axis_name="s"),
        out_type=jax.ShapeDtypeStruct((R, D2), _F32),
        scratch_types=[
            pltpu.VMEM((DCH, D2), _F32),
            pltpu.VMEM((DCH, D2), _F32),
            pltpu.VMEM((DCH,), _I32),
            pltpu.VMEM((DCH,), _I32),
            pltpu.SemaphoreType.DMA,
            pltpu.SemaphoreType.DMA,
        ],
    )(_dispatch_body)
    return fn(sx0, sx1, dflat)


def _mm_body(meta_ref, xs_ref, we_ref, yw_ref, wbuf, ybuf, sem_w, sem_y):
    def wcopy(e, slot):
        return pltpu.make_async_copy(we_ref.at[e], wbuf.at[slot], sem_w.at[slot])

    wcopy(0, 0).start()

    def expert(e, g):
        slot = lax.rem(e, 2)

        @pl.when(e + 1 < E)
        def _():
            wcopy(e + 1, lax.rem(e + 1, 2)).start()

        wcopy(e, slot).wait()
        base = meta_ref[0, e] * T
        nt = meta_ref[1, e]

        def tile(i, gi):
            ys = lax.rem(gi, 2)
            row = base + i * T

            def ycopy():
                return pltpu.make_async_copy(
                    ybuf.at[ys], yw_ref.at[pl.ds(row, T)], sem_y.at[ys])

            @pl.when(gi >= 2)
            def _():
                ycopy().wait()

            ybuf[ys, ...] = lax.dot_general(
                _unpack_cols(xs_ref[pl.ds(row, T), :]), wbuf[slot],
                (((1,), (1,)), ((), ())), preferred_element_type=_F32)
            ycopy().start()
            return gi + 1

        return lax.fori_loop(0, nt, tile, g)

    lax.fori_loop(0, E, expert, 0)
    for ys in range(2):
        pltpu.make_async_copy(
            ybuf.at[ys], yw_ref.at[pl.ds(0, T)], sem_y.at[ys]).wait()


def _mm(meta, xs, We, interpret=False):
    return pl.pallas_call(
        _mm_body,
        in_specs=[
            pl.BlockSpec(memory_space=pltpu.SMEM),
            pl.BlockSpec(memory_space=pltpu.VMEM),
            pl.BlockSpec(memory_space=pl.ANY),
        ],
        out_specs=pl.BlockSpec(memory_space=pl.ANY),
        out_shape=jax.ShapeDtypeStruct((R, D), _F32),
        scratch_shapes=[
            pltpu.VMEM((2, D, D), _F32),
            pltpu.VMEM((2, T, D), _F32),
            pltpu.SemaphoreType.DMA((2,)),
            pltpu.SemaphoreType.DMA((2,)),
        ],
        interpret=interpret,
    )(meta, xs, We)


def _combine_body(bias, yw, dflat, out_hbm, acc, g0, db0, db1, s0, s1):
    wid = lax.axis_index("s") * 2 + lax.axis_index("c")
    tpw = N // NW

    def addrows(gbuf):
        def addrow(j, _):
            for k in range(D // 16):
                sl = pl.ds(k * 16, 16)
                acc[j, sl] = acc[j, sl] + gbuf[j, sl]
            return 0

        lax.fori_loop(0, TCH, addrow, 0)

    for c in range(tpw // TCH):
        tb = wid * tpw + c * TCH
        pltpu.sync_copy(dflat.at[pl.ds(tb, TCH)], db0)
        pltpu.sync_copy(dflat.at[pl.ds(N + tb, TCH)], db1)
        cp0 = pltpu.async_copy(yw.at[db0], g0, s0)
        pltpu.sync_copy(bias.at[pl.ds(tb, TCH)], acc)
        cp0.wait()
        addrows(g0)
        cp1 = pltpu.async_copy(yw.at[db1], g0, s1)
        cp1.wait()
        addrows(g0)
        pltpu.sync_copy(acc, out_hbm.at[pl.ds(tb, TCH)])


def _combine(bias, yw, dflat):
    fn = functools.partial(
        pl.kernel,
        mesh=plsc.VectorSubcoreMesh(core_axis_name="c", subcore_axis_name="s"),
        out_type=jax.ShapeDtypeStruct((N, D), _F32),
        scratch_types=[
            pltpu.VMEM((TCH, D), _F32),
            pltpu.VMEM((TCH, D), _F32),
            pltpu.VMEM((TCH,), _I32),
            pltpu.VMEM((TCH,), _I32),
            pltpu.SemaphoreType.DMA,
            pltpu.SemaphoreType.DMA,
        ],
    )(_combine_body)
    return fn(bias, yw, dflat)


def kernel(x, Wg, bg, We, be):
    bg2 = bg.reshape(1, E)
    idx2, sx0, sx1, bias = _gate(x, Wg, bg2, be)
    dflat2, meta = _route(idx2)
    dflat = dflat2.reshape(NP)
    xs = _dispatch(sx0, sx1, dflat)
    yw = _mm(meta, xs, We)
    return _combine(bias, yw, dflat)

# --- scband reference (transcript-rebuilt; emitter-appended) ---
"""Pipeline reference for scband-mo-e-61091614819116 (READ-ONLY COPY).

The authoritative reference and input builder live on the scoring server;
editing this copy changes nothing except your own understanding.
"""

import jax, jax.numpy as jnp
import numpy as np

EMBED_DIM = 768
NUM_EXPERTS = 64
TOP_K = 2
N_TOKENS = 4096

def setup_inputs(seed: int = 0) -> dict:
    key = jax.random.key(seed)
    ks = jax.random.split(key, 5)
    x = jax.random.normal(ks[0], (N_TOKENS, EMBED_DIM), dtype=jnp.float32)
    # gate: nn.Linear(embed_dim, num_experts) -> weight [E, D], bias [E]
    Wg = jax.random.normal(ks[1], (NUM_EXPERTS, EMBED_DIM), dtype=jnp.float32) * (1.0 / np.sqrt(EMBED_DIM))
    bg = jax.random.uniform(ks[2], (NUM_EXPERTS,), dtype=jnp.float32, minval=-0.01, maxval=0.01)
    # experts: num_experts x nn.Linear(embed_dim, embed_dim) -> weight [E, D_out, D_in], bias [E, D_out]
    We = jax.random.normal(ks[3], (NUM_EXPERTS, EMBED_DIM, EMBED_DIM), dtype=jnp.float32) * (1.0 / np.sqrt(EMBED_DIM))
    be = jax.random.uniform(ks[4], (NUM_EXPERTS, EMBED_DIM), dtype=jnp.float32, minval=-0.01, maxval=0.01)
    return {"x": x, "Wg": Wg, "bg": bg, "We": We, "be": be}

def reference(x, Wg, bg, We, be):
    # gate_scores = softmax(gate(x))
    gate_logits = x @ Wg.T + bg
    gate_scores = jax.nn.softmax(gate_logits, axis=-1)
    # top-k selection
    top_scores, top_idx = jax.lax.top_k(gate_scores, TOP_K)
    n = x.shape[0]
    # combine weights: scatter top-k scores into dense [N, E] matrix
    combine = jnp.zeros((n, NUM_EXPERTS), dtype=x.dtype)
    combine = combine.at[jnp.arange(n)[:, None], top_idx].add(top_scores)
    # expert outputs for every (token, expert): y[n,e,:] = x[n] @ We[e].T + be[e]
    expert_out = jnp.einsum('ni,eoi->neo', x, We) + be[None, :, :]
    # moe_output[n] = sum_e combine[n,e] * expert_out[n,e]
    moe_output = jnp.einsum('ne,neo->no', combine, expert_out)
    return moe_output

if __name__ == "__main__":
    import jax
    _d = setup_inputs()
    print(jax.jit(kernel)(*tuple(_d.values())))

</pallas_src>

<mosaic_0001>
#map = affine_map<(d0, d1) -> (0, 0)>
#map1 = affine_map<(d0, d1) -> (0)>
module attributes {stable_mosaic.version = 14 : i64} {
  func.func @_combine_body(%arg0: i32, %arg1: i32, %arg2: memref<4096x768xf32, #tpu.memory_space<hbm>>, %arg3: memref<16384x768xf32, #tpu.memory_space<hbm>>, %arg4: memref<8192xi32, #tpu.memory_space<hbm>>, %arg5: memref<4096x768xf32, #tpu.memory_space<hbm>>, %arg6: memref<64x768xf32, #tpu.memory_space<vmem>>, %arg7: memref<64x768xf32, #tpu.memory_space<vmem>>, %arg8: memref<64xi32, #tpu.memory_space<vmem>>, %arg9: memref<64xi32, #tpu.memory_space<vmem>>, %arg10: memref<!tpu.dma_semaphore, #tpu.memory_space<semaphore_mem>>, %arg11: memref<!tpu.dma_semaphore, #tpu.memory_space<semaphore_mem>>) attributes {dimension_semantics = [#tpu.dimension_semantics<core_parallel>, #tpu.dimension_semantics<subcore_parallel>], iteration_bounds = array<i64: 2, 16>, scalar_prefetch = 0 : i64, scratch_operands = 6 : i64, tpu.core_type = #tpu.core_type<sc_vector_subcore>, window_params = [{transform_indices = #map}, {transform_indices = #map}, {transform_indices = #map1}, {transform_indices = #map}]} {
    %mul3A = arith.constant 2 : i32
    %mul3A_0 = arith.muli %arg1, %mul3A : i32
    %add3A = arith.addi %mul3A_0, %arg0 : i32
    %mul3A_1 = arith.constant 128 : i32
    %mul3A_2 = arith.muli %add3A, %mul3A_1 : i32
    %add3A_3 = arith.constant 0 : i32
    %add3A_4 = arith.addi %mul3A_2, %add3A_3 : i32
    "tpu.region"() ({
      %run_scoped3A = tpu.sem_alloc : memref<!tpu.dma_semaphore, #tpu.memory_space<semaphore_mem>>
      %dma_start3A_62 = tpu.memref_slice %arg4[%add3A_4] : memref<8192xi32, #tpu.memory_space<hbm>> -> memref<64xi32, #tpu.memory_space<hbm>>
      %dma_start3A_63 = tpu.memref_slice %arg4[%add3A_4] : memref<8192xi32, #tpu.memory_space<hbm>> -> memref<64xi32, #tpu.memory_space<hbm>>
      tpu.enqueue_dma source(%dma_start3A_63 : memref<64xi32, #tpu.memory_space<hbm>>) target(%arg8 : memref<64xi32, #tpu.memory_space<vmem>>) target_semaphore(%run_scoped3A : memref<!tpu.dma_semaphore, #tpu.memory_space<semaphore_mem>>)
      %dma_wait3A_64 = tpu.memref_slice %arg4[%add3A_4] : memref<8192xi32, #tpu.memory_space<hbm>> -> memref<64xi32, #tpu.memory_space<hbm>>
      %dma_wait3A_65 = tpu.memref_slice %arg4[%add3A_4] : memref<8192xi32, #tpu.memory_space<hbm>> -> memref<64xi32, #tpu.memory_space<hbm>>
      tpu.wait_dma2 semaphore(%run_scoped3A : memref<!tpu.dma_semaphore, #tpu.memory_space<semaphore_mem>>) src(%dma_wait3A_65 : memref<64xi32, #tpu.memory_space<hbm>>) dst(%arg8 : memref<64xi32, #tpu.memory_space<vmem>>)
      tpu.yield
    }) : () -> ()
    %add3A_5 = arith.constant 4096 : i32
    %add3A_6 = arith.addi %add3A_5, %add3A_4 : i32
    "tpu.region"() ({
      %run_scoped3A = tpu.sem_alloc : memref<!tpu.dma_semaphore, #tpu.memory_space<semaphore_mem>>
      %dma_start3A_62 = tpu.memref_slice %arg4[%add3A_6] : memref<8192xi32, #tpu.memory_space<hbm>> -> memref<64xi32, #tpu.memory_space<hbm>>
      %dma_start3A_63 = tpu.memref_slice %arg4[%add3A_6] : memref<8192xi32, #tpu.memory_space<hbm>> -> memref<64xi32, #tpu.memory_space<hbm>>
      tpu.enqueue_dma source(%dma_start3A_63 : memref<64xi32, #tpu.memory_space<hbm>>) target(%arg9 : memref<64xi32, #tpu.memory_space<vmem>>) target_semaphore(%run_scoped3A : memref<!tpu.dma_semaphore, #tpu.memory_space<semaphore_mem>>)
      %dma_wait3A_64 = tpu.memref_slice %arg4[%add3A_6] : memref<8192xi32, #tpu.memory_space<hbm>> -> memref<64xi32, #tpu.memory_space<hbm>>
      %dma_wait3A_65 = tpu.memref_slice %arg4[%add3A_6] : memref<8192xi32, #tpu.memory_space<hbm>> -> memref<64xi32, #tpu.memory_space<hbm>>
      tpu.wait_dma2 semaphore(%run_scoped3A : memref<!tpu.dma_semaphore, #tpu.memory_space<semaphore_mem>>) src(%dma_wait3A_65 : memref<64xi32, #tpu.memory_space<hbm>>) dst(%arg9 : memref<64xi32, #tpu.memory_space<vmem>>)
      tpu.yield
    }) : () -> ()
    %dma_start3A = arith.constant 0 : i32
    %dma_start3A_7 = arith.constant 0 : i32
    %dma_start3A_8 = tpu.memref_slice %arg3[%dma_start3A, %dma_start3A_7] : memref<16384x768xf32, #tpu.memory_space<hbm>> -> memref<16384x768xf32, #tpu.memory_space<hbm>>
    tpu.enqueue_indirect_dma source(%dma_start3A_8 : memref<16384x768xf32, #tpu.memory_space<hbm>>) target(%arg7 : memref<64x768xf32, #tpu.memory_space<vmem>>) offsets(%arg8 : memref<64xi32, #tpu.memory_space<vmem>>) semaphore(%arg10 : memref<!tpu.dma_semaphore, #tpu.memory_space<semaphore_mem>>)
    "tpu.region"() ({
      %run_scoped3A = tpu.sem_alloc : memref<!tpu.dma_semaphore, #tpu.memory_space<semaphore_mem>>
      %dma_start3A_62 = arith.constant 0 : i32
      %dma_start3A_63 = tpu.memref_slice %arg2[%add3A_4, %dma_start3A_62] : memref<4096x768xf32, #tpu.memory_space<hbm>> -> memref<64x768xf32, #tpu.memory_space<hbm>>
      %dma_start3A_64 = arith.constant 0 : i32
      %dma_start3A_65 = tpu.memref_slice %arg2[%add3A_4, %dma_start3A_64] : memref<4096x768xf32, #tpu.memory_space<hbm>> -> memref<64x768xf32, #tpu.memory_space<hbm>>
      tpu.enqueue_dma source(%dma_start3A_65 : memref<64x768xf32, #tpu.memory_space<hbm>>) target(%arg6 : memref<64x768xf32, #tpu.memory_space<vmem>>) target_semaphore(%run_scoped3A : memref<!tpu.dma_semaphore, #tpu.memory_space<semaphore_mem>>)
      %dma_wait3A_66 = arith.constant 0 : i32
      %dma_wait3A_67 = tpu.memref_slice %arg2[%add3A_4, %dma_wait3A_66] : memref<4096x768xf32, #tpu.memory_space<hbm>> -> memref<64x768xf32, #tpu.memory_space<hbm>>
      %dma_wait3A_68 = arith.constant 0 : i32
      %dma_wait3A_69 = tpu.memref_slice %arg2[%add3A_4, %dma_wait3A_68] : memref<4096x768xf32, #tpu.memory_space<hbm>> -> memref<64x768xf32, #tpu.memory_space<hbm>>
      tpu.wait_dma2 semaphore(%run_scoped3A : memref<!tpu.dma_semaphore, #tpu.memory_space<semaphore_mem>>) src(%dma_wait3A_69 : memref<64x768xf32, #tpu.memory_space<hbm>>) dst(%arg6 : memref<64x768xf32, #tpu.memory_space<vmem>>)
      tpu.yield
    }) : () -> ()
    %dma_wait3A = arith.constant 0 : i32
    %dma_wait3A_9 = arith.constant 0 : i32
    %dma_wait3A_10 = tpu.memref_slice %arg3[%dma_wait3A, %dma_wait3A_9] : memref<16384x768xf32, #tpu.memory_space<hbm>> -> memref<16384x768xf32, #tpu.memory_space<hbm>>
    tpu.wait_indirect_dma semaphore(%arg10 : memref<!tpu.dma_semaphore, #tpu.memory_space<semaphore_mem>>) src(%dma_wait3A_10 : memref<16384x768xf32, #tpu.memory_space<hbm>>) dst(%arg7 : memref<64x768xf32, #tpu.memory_space<vmem>>)
    %scan3A = arith.constant 0 : i32
    %scan3A_11 = arith.constant 0 : i32
    %scan3A_12 = arith.constant 64 : i32
    %scan3A_13 = arith.addi %scan3A_11, %scan3A_12 : i32
    %scan3A_14 = arith.constant 1 : i32
    %scan3A_15 = scf.for %scan3A_62 = %scan3A_11 to %scan3A_13 step %scan3A_14 iter_args(%scan3A_63 = %scan3A) -> (i32)  : i32 {
      %get3A = arith.index_cast %scan3A_62 : i32 to index
      %get3A_64 = arith.constant 0 : index
      %get3A_65 = tpu.vector_load %arg6[%get3A, %get3A_64] {strides = array<i32>} : memref<64x768xf32, #tpu.memory_space<vmem>>, vector<1x16xf32>,
      %get3A_66 = vector.shape_cast %get3A_65 : vector<1x16xf32> to vector<16xf32>
      %get3A_67 = arith.index_cast %scan3A_62 : i32 to index
      %get3A_68 = arith.constant 0 : index
      %get3A_69 = tpu.vector_load %arg7[%get3A_67, %get3A_68] {strides = array<i32>} : memref<64x768xf32, #tpu.memory_space<vmem>>, vector<1x16xf32>,
      %get3A_70 = vector.shape_cast %get3A_69 : vector<1x16xf32> to vector<16xf32>
      %add3A_71 = arith.addf %get3A_66, %get3A_70 : vector<16xf32>
      %swap3A = arith.index_cast %scan3A_62 : i32 to index
      %swap3A_72 = arith.constant 0 : index
      %swap3A_73 = tpu.vector_load %arg6[%swap3A, %swap3A_72] {strides = array<i32>} : memref<64x768xf32, #tpu.memory_space<vmem>>, vector<1x16xf32>,
      %swap3A_74 = vector.shape_cast %swap3A_73 : vector<1x16xf32> to vector<16xf32>
      %swap3A_75 = vector.shape_cast %add3A_71 : vector<16xf32> to vector<1x16xf32>
      tpu.vector_store %arg6[%swap3A, %swap3A_72], %swap3A_75 {strides = array<i32>} : memref<64x768xf32, #tpu.memory_space<vmem>>, vector<1x16xf32>,
      %get3A_76 = arith.index_cast %scan3A_62 : i32 to index
      %get3A_77 = arith.constant 16 : index
      %get3A_78 = tpu.vector_load %arg6[%get3A_76, %get3A_77] {strides = array<i32>} : memref<64x768xf32, #tpu.memory_space<vmem>>, vector<1x16xf32>,
      %get3A_79 = vector.shape_cast %get3A_78 : vector<1x16xf32> to vector<16xf32>
      %get3A_80 = arith.index_cast %scan3A_62 : i32 to index
      %get3A_81 = arith.constant 16 : index
      %get3A_82 = tpu.vector_load %arg7[%get3A_80, %get3A_81] {strides = array<i32>} : memref<64x768xf32, #tpu.memory_space<vmem>>, vector<1x16xf32>,
      %get3A_83 = vector.shape_cast %get3A_82 : vector<1x16xf32> to vector<16xf32>
      %add3A_84 = arith.addf %get3A_79, %get3A_83 : vector<16xf32>
      %swap3A_85 = arith.index_cast %scan3A_62 : i32 to index
      %swap3A_86 = arith.constant 16 : index
      %swap3A_87 = tpu.vector_load %arg6[%swap3A_85, %swap3A_86] {strides = array<i32>} : memref<64x768xf32, #tpu.memory_space<vmem>>, vector<1x16xf32>,
      %swap3A_88 = vector.shape_cast %swap3A_87 : vector<1x16xf32> to vector<16xf32>
      %swap3A_89 = vector.shape_cast %add3A_84 : vector<16xf32> to vector<1x16xf32>
      tpu.vector_store %arg6[%swap3A_85, %swap3A_86], %swap3A_89 {strides = array<i32>} : memref<64x768xf32, #tpu.memory_space<vmem>>, vector<1x16xf32>,
      %get3A_90 = arith.index_cast %scan3A_62 : i32 to index
      %get3A_91 = arith.constant 32 : index
      %get3A_92 = tpu.vector_load %arg6[%get3A_90, %get3A_91] {strides = array<i32>} : memref<64x768xf32, #tpu.memory_space<vmem>>, vector<1x16xf32>,
      %get3A_93 = vector.shape_cast %get3A_92 : vector<1x16xf32> to vector<16xf32>
      %get3A_94 = arith.index_cast %scan3A_62 : i32 to index
      %get3A_95 = arith.constant 32 : index
      %get3A_96 = tpu.vector_load %arg7[%get3A_94, %get3A_95] {strides = array<i32>} : memref<64x768xf32, #tpu.memory_space<vmem>>, vector<1x16xf32>,
      %get3A_97 = vector.shape_cast %get3A_96 : vector<1x16xf32> to vector<16xf32>
      %add3A_98 = arith.addf %get3A_93, %get3A_97 : vector<16xf32>
      %swap3A_99 = arith.index_cast %scan3A_62 : i32 to index
      %swap3A_100 = arith.constant 32 : index
      %swap3A_101 = tpu.vector_load %arg6[%swap3A_99, %swap3A_100] {strides = array<i32>} : memref<64x768xf32, #tpu.memory_space<vmem>>, vector<1x16xf32>,
      %swap3A_102 = vector.shape_cast %swap3A_101 : vector<1x16xf32> to vector<16xf32>
      %swap3A_103 = vector.shape_cast %add3A_98 : vector<16xf32> to vector<1x16xf32>
      tpu.vector_store %arg6[%swap3A_99, %swap3A_100], %swap3A_103 {strides = array<i32>} : memref<64x768xf32, #tpu.memory_space<vmem>>, vector<1x16xf32>,
      %get3A_104 = arith.index_cast %scan3A_62 : i32 to index
      %get3A_105 = arith.constant 48 : index
      %get3A_106 = tpu.vector_load %arg6[%get3A_104, %get3A_105] {strides = array<i32>} : memref<64x768xf32, #tpu.memory_space<vmem>>, vector<1x16xf32>,
      %get3A_107 = vector.shape_cast %get3A_106 : vector<1x16xf32> to vector<16xf32>
      %get3A_108 = arith.index_cast %scan3A_62 : i32 to index
      %get3A_109 = arith.constant 48 : index
      %get3A_110 = tpu.vector_load %arg7[%get3A_108, %get3A_109] {strides = array<i32>} : memref<64x768xf32, #tpu.memory_space<vmem>>, vector<1x16xf32>,
      %get3A_111 = vector.shape_cast %get3A_110 : vector<1x16xf32> to vector<16xf32>
      %add3A_112 = arith.addf %get3A_107, %get3A_111 : vector<16xf32>
      %swap3A_113 = arith.index_cast %scan3A_62 : i32 to index
      %swap3A_114 = arith.constant 48 : index
      %swap3A_115 = tpu.vector_load %arg6[%swap3A_113, %swap3A_114] {strides = array<i32>} : memref<64x768xf32, #tpu.memory_space<vmem>>, vector<1x16xf32>,
      %swap3A_116 = vector.shape_cast %swap3A_115 : vector<1x16xf32> to vector<16xf32>
      %swap3A_117 = vector.shape_cast %add3A_112 : vector<16xf32> to vector<1x16xf32>
      tpu.vector_store %arg6[%swap3A_113, %swap3A_114], %swap3A_117 {strides = array<i32>} : memref<64x768xf32, #tpu.memory_space<vmem>>, vector<1x16xf32>,
      %get3A_118 = arith.index_cast %scan3A_62 : i32 to index
      %get3A_119 = arith.constant 64 : index
      %get3A_120 = tpu.vector_load %arg6[%get3A_118, %get3A_119] {strides = array<i32>} : memref<64x768xf32, #tpu.memory_space<vmem>>, vector<1x16xf32>,
      %get3A_121 = vector.shape_cast %get3A_120 : vector<1x16xf32> to vector<16xf32>
      %get3A_122 = arith.index_cast %scan3A_62 : i32 to index
      %get3A_123 = arith.constant 64 : index
      %get3A_124 = tpu.vector_load %arg7[%get3A_122, %get3A_123] {strides = array<i32>} : memref<64x768xf32, #tpu.memory_space<vmem>>, vector<1x16xf32>,
      %get3A_125 = vector.shape_cast %get3A_124 : vector<1x16xf32> to vector<16xf32>
      %add3A_126 = arith.addf %get3A_121, %get3A_125 : vector<16xf32>
      %swap3A_127 = arith.index_cast %scan3A_62 : i32 to index
      %swap3A_128 = arith.constant 64 : index
      %swap3A_129 = tpu.vector_load %arg6[%swap3A_127, %swap3A_128] {strides = array<i32>} : memref<64x768xf32, #tpu.memory_space<vmem>>, vector<1x16xf32>,
      %swap3A_130 = vector.shape_cast %swap3A_129 : vector<1x16xf32> to vector<16xf32>
      %swap3A_131 = vector.shape_cast %add3A_126 : vector<16xf32> to vector<1x16xf32>
      tpu.vector_store %arg6[%swap3A_127, %swap3A_128], %swap3A_131 {strides = array<i32>} : memref<64x768xf32, #tpu.memory_space<vmem>>, vector<1x16xf32>,
      %get3A_132 = arith.index_cast %scan3A_62 : i32 to index
      %get3A_133 = arith.constant 80 : index
      %get3A_134 = tpu.vector_load %arg6[%get3A_132, %get3A_133] {strides = array<i32>} : memref<64x768xf32, #tpu.memory_space<vmem>>, vector<1x16xf32>,
      %get3A_135 = vector.shape_cast %get3A_134 : vector<1x16xf32> to vector<16xf32>
      %get3A_136 = arith.index_cast %scan3A_62 : i32 to index
      %get3A_137 = arith.constant 80 : index
      %get3A_138 = tpu.vector_load %arg7[%get3A_136, %get3A_137] {strides = array<i32>} : memref<64x768xf32, #tpu.memory_space<vmem>>, vector<1x16xf32>,
      %get3A_139 = vector.shape_cast %get3A_138 : vector<1x16xf32> to vector<16xf32>
      %add3A_140 = arith.addf %get3A_135, %get3A_139 : vector<16xf32>
      %swap3A_141 = arith.index_cast %scan3A_62 : i32 to index
      %swap3A_142 = arith.constant 80 : index
      %swap3A_143 = tpu.vector_load %arg6[%swap3A_141, %swap3A_142] {strides = array<i32>} : memref<64x768xf32, #tpu.memory_space<vmem>>, vector<1x16xf32>,
      %swap3A_144 = vector.shape_cast %swap3A_143 : vector<1x16xf32> to vector<16xf32>
      %swap3A_145 = vector.shape_cast %add3A_140 : vector<16xf32> to vector<1x16xf32>
      tpu.vector_store %arg6[%swap3A_141, %swap3A_142], %swap3A_145 {strides = array<i32>} : memref<64x768xf32, #tpu.memory_space<vmem>>, vector<1x16xf32>,
      %get3A_146 = arith.index_cast %scan3A_62 : i32 to index
      %get3A_147 = arith.constant 96 : index
      %get3A_148 = tpu.vector_load %arg6[%get3A_146, %get3A_147] {strides = array<i32>} : memref<64x768xf32, #tpu.memory_space<vmem>>, vector<1x16xf32>,
      %get3A_149 = vector.shape_cast %get3A_148 : vector<1x16xf32> to vector<16xf32>
      %get3A_150 = arith.index_cast %scan3A_62 : i32 to index
      %get3A_151 = arith.constant 96 : index
      %get3A_152 = tpu.vector_load %arg7[%get3A_150, %get3A_151] {strides = array<i32>} : memref<64x768xf32, #tpu.memory_space<vmem>>, vector<1x16xf32>,
      %get3A_153 = vector.shape_cast %get3A_152 : vector<1x16xf32> to vector<16xf32>
      %add3A_154 = arith.addf %get3A_149, %get3A_153 : vector<16xf32>
      %swap3A_155 = arith.index_cast %scan3A_62 : i32 to index
      %swap3A_156 = arith.constant 96 : index
      %swap3A_157 = tpu.vector_load %arg6[%swap3A_155, %swap3A_156] {strides = array<i32>} : memref<64x768xf32, #tpu.memory_space<vmem>>, vector<1x16xf32>,
      %swap3A_158 = vector.shape_cast %swap3A_157 : vector<1x16xf32> to vector<16xf32>
      %swap3A_159 = vector.shape_cast %add3A_154 : vector<16xf32> to vector<1x16xf32>
      tpu.vector_store %arg6[%swap3A_155, %swap3A_156], %swap3A_159 {strides = array<i32>} : memref<64x768xf32, #tpu.memory_space<vmem>>, vector<1x16xf32>,
      %get3A_160 = arith.index_cast %scan3A_62 : i32 to index
      %get3A_161 = arith.constant 112 : index
      %get3A_162 = tpu.vector_load %arg6[%get3A_160, %get3A_161] {strides = array<i32>} : memref<64x768xf32, #tpu.memory_space<vmem>>, vector<1x16xf32>,
      %get3A_163 = vector.shape_cast %get3A_162 : vector<1x16xf32> to vector<16xf32>
      %get3A_164 = arith.index_cast %scan3A_62 : i32 to index
      %get3A_165 = arith.constant 112 : index
      %get3A_166 = tpu.vector_load %arg7[%get3A_164, %get3A_165] {strides = array<i32>} : memref<64x768xf32, #tpu.memory_space<vmem>>, vector<1x16xf32>,
      %get3A_167 = vector.shape_cast %get3A_166 : vector<1x16xf32> to vector<16xf32>
      %add3A_168 = arith.addf %get3A_163, %get3A_167 : vector<16xf32>
      %swap3A_169 = arith.index_cast %scan3A_62 : i32 to index
      %swap3A_170 = arith.constant 112 : index
      %swap3A_171 = tpu.vector_load %arg6[%swap3A_169, %swap3A_170] {strides = array<i32>} : memref<64x768xf32, #tpu.memory_space<vmem>>, vector<1x16xf32>,
      %swap3A_172 = vector.shape_cast %swap3A_171 : vector<1x16xf32> to vector<16xf32>
      %swap3A_173 = vector.shape_cast %add3A_168 : vector<16xf32> to vector<1x16xf32>
      tpu.vector_store %arg6[%swap3A_169, %swap3A_170], %swap3A_173 {strides = array<i32>} : memref<64x768xf32, #tpu.memory_space<vmem>>, vector<1x16xf32>,
      %get3A_174 = arith.index_cast %scan3A_62 : i32 to index
      %get3A_175 = arith.constant 128 : index
      %get3A_176 = tpu.vector_load %arg6[%get3A_174, %get3A_175] {strides = array<i32>} : memref<64x768xf32, #tpu.memory_space<vmem>>, vector<1x16xf32>,
      %get3A_177 = vector.shape_cast %get3A_176 : vector<1x16xf32> to vector<16xf32>
      %get3A_178 = arith.index_cast %scan3A_62 : i32 to index
      %get3A_179 = arith.constant 128 : index
      %get3A_180 = tpu.vector_load %arg7[%get3A_178, %get3A_179] {strides = array<i32>} : memref<64x768xf32, #tpu.memory_space<vmem>>, vector<1x16xf32>,
      %get3A_181 = vector.shape_cast %get3A_180 : vector<1x16xf32> to vector<16xf32>
      %add3A_182 = arith.addf %get3A_177, %get3A_181 : vector<16xf32>
      %swap3A_183 = arith.index_cast %scan3A_62 : i32 to index
      %swap3A_184 = arith.constant 128 : index
      %swap3A_185 = tpu.vector_load %arg6[%swap3A_183, %swap3A_184] {strides = array<i32>} : memref<64x768xf32, #tpu.memory_space<vmem>>, vector<1x16xf32>,
      %swap3A_186 = vector.shape_cast %swap3A_185 : vector<1x16xf32> to vector<16xf32>
      %swap3A_187 = vector.shape_cast %add3A_182 : vector<16xf32> to vector<1x16xf32>
      tpu.vector_store %arg6[%swap3A_183, %swap3A_184], %swap3A_187 {strides = array<i32>} : memref<64x768xf32, #tpu.memory_space<vmem>>, vector<1x16xf32>,
      %get3A_188 = arith.index_cast %scan3A_62 : i32 to index
      %get3A_189 = arith.constant 144 : index
      %get3A_190 = tpu.vector_load %arg6[%get3A_188, %get3A_189] {strides = array<i32>} : memref<64x768xf32, #tpu.memory_space<vmem>>, vector<1x16xf32>,
      %get3A_191 = vector.shape_cast %get3A_190 : vector<1x16xf32> to vector<16xf32>
      %get3A_192 = arith.index_cast %scan3A_62 : i32 to index
      %get3A_193 = arith.constant 144 : index
      %get3A_194 = tpu.vector_load %arg7[%get3A_192, %get3A_193] {strides = array<i32>} : memref<64x768xf32, #tpu.memory_space<vmem>>, vector<1x16xf32>,
      %get3A_195 = vector.shape_cast %get3A_194 : vector<1x16xf32> to vector<16xf32>
      %add3A_196 = arith.addf %get3A_191, %get3A_195 : vector<16xf32>
      %swap3A_197 = arith.index_cast %scan3A_62 : i32 to index
      %swap3A_198 = arith.constant 144 : index
      %swap3A_199 = tpu.vector_load %arg6[%swap3A_197, %swap3A_198] {strides = array<i32>} : memref<64x768xf32, #tpu.memory_space<vmem>>, vector<1x16xf32>,
      %swap3A_200 = vector.shape_cast %swap3A_199 : vector<1x16xf32> to vector<16xf32>
      %swap3A_201 = vector.shape_cast %add3A_196 : vector<16xf32> to vector<1x16xf32>
      tpu.vector_store %arg6[%swap3A_197, %swap3A_198], %swap3A_201 {strides = array<i32>} : memref<64x768xf32, #tpu.memory_space<vmem>>, vector<1x16xf32>,
      %get3A_202 = arith.index_cast %scan3A_62 : i32 to index
      %get3A_203 = arith.constant 160 : index
      %get3A_204 = tpu.vector_load %arg6[%get3A_202, %get3A_203] {strides = array<i32>} : memref<64x768xf32, #tpu.memory_space<vmem>>, vector<1x16xf32>,
      %get3A_205 = vector.shape_cast %get3A_204 : vector<1x16xf32> to vector<16xf32>
      %get3A_206 = arith.index_cast %scan3A_62 : i32 to index
      %get3A_207 = arith.constant 160 : index
      %get3A_208 = tpu.vector_load %arg7[%get3A_206, %get3A_207] {strides = array<i32>} : memref<64x768xf32, #tpu.memory_space<vmem>>, vector<1x16xf32>,
      %get3A_209 = vector.shape_cast %get3A_208 : vector<1x16xf32> to vector<16xf32>
      %add3A_210 = arith.addf %get3A_205, %get3A_209 : vector<16xf32>
      %swap3A_211 = arith.index_cast %scan3A_62 : i32 to index
      %swap3A_212 = arith.constant 160 : index
      %swap3A_213 = tpu.vector_load %arg6[%swap3A_211, %swap3A_212] {strides = array<i32>} : memref<64x768xf32, #tpu.memory_space<vmem>>, vector<1x16xf32>,
      %swap3A_214 = vector.shape_cast %swap3A_213 : vector<1x16xf32> to vector<16xf32>
      %swap3A_215 = vector.shape_cast %add3A_210 : vector<16xf32> to vector<1x16xf32>
      tpu.vector_store %arg6[%swap3A_211, %swap3A_212], %swap3A_215 {strides = array<i32>} : memref<64x768xf32, #tpu.memory_space<vmem>>, vector<1x16xf32>,
      %get3A_216 = arith.index_cast %scan3A_62 : i32 to index
      %get3A_217 = arith.constant 176 : index
      %get3A_218 = tpu.vector_load %arg6[%get3A_216, %get3A_217] {strides = array<i32>} : memref<64x768xf32, #tpu.memory_space<vmem>>, vector<1x16xf32>,
      %get3A_219 = vector.shape_cast %get3A_218 : vector<1x16xf32> to vector<16xf32>
      %get3A_220 = arith.index_cast %scan3A_62 : i32 to index
      %get3A_221 = arith.constant 176 : index
      %get3A_222 = tpu.vector_load %arg7[%get3A_220, %get3A_221] {strides = array<i32>} : memref<64x768xf32, #tpu.memory_space<vmem>>, vector<1x16xf32>,
      %get3A_223 = vector.shape_cast %get3A_222 : vector<1x16xf32> to vector<16xf32>
      %add3A_224 = arith.addf %get3A_219, %get3A_223 : vector<16xf32>
      %swap3A_225 = arith.index_cast %scan3A_62 : i32 to index
      %swap3A_226 = arith.constant 176 : index
      %swap3A_227 = tpu.vector_load %arg6[%swap3A_225, %swap3A_226] {strides = array<i32>} : memref<64x768xf32, #tpu.memory_space<vmem>>, vector<1x16xf32>,
      %swap3A_228 = vector.shape_cast %swap3A_227 : vector<1x16xf32> to vector<16xf32>
      %swap3A_229 = vector.shape_cast %add3A_224 : vector<16xf32> to vector<1x16xf32>
      tpu.vector_store %arg6[%swap3A_225, %swap3A_226], %swap3A_229 {strides = array<i32>} : memref<64x768xf32, #tpu.memory_space<vmem>>, vector<1x16xf32>,
      %get3A_230 = arith.index_cast %scan3A_62 : i32 to index
      %get3A_231 = arith.constant 192 : index
      %get3A_232 = tpu.vector_load %arg6[%get3A_230, %get3A_231] {strides = array<i32>} : memref<64x768xf32, #tpu.memory_space<vmem>>, vector<1x16xf32>,
      %get3A_233 = vector.shape_cast %get3A_232 : vector<1x16xf32> to vector<16xf32>
      %get3A_234 = arith.index_cast %scan3A_62 : i32 to index
      %get3A_235 = arith.constant 192 : index
      %get3A_236 = tpu.vector_load %arg7[%get3A_234, %get3A_235] {strides = array<i32>} : memref<64x768xf32, #tpu.memory_space<vmem>>, vector<1x16xf32>,
      %get3A_237 = vector.shape_cast %get3A_236 : vector<1x16xf32> to vector<16xf32>
      %add3A_238 = arith.addf %get3A_233, %get3A_237 : vector<16xf32>
      %swap3A_239 = arith.index_cast %scan3A_62 : i32 to index
      %swap3A_240 = arith.constant 192 : index
      %swap3A_241 = tpu.vector_load %arg6[%swap3A_239, %swap3A_240] {strides = array<i32>} : memref<64x768xf32, #tpu.memory_space<vmem>>, vector<1x16xf32>,
      %swap3A_242 = vector.shape_cast %swap3A_241 : vector<1x16xf32> to vector<16xf32>
      %swap3A_243 = vector.shape_cast %add3A_238 : vector<16xf32> to vector<1x16xf32>
      tpu.vector_store %arg6[%swap3A_239, %swap3A_240], %swap3A_243 {strides = array<i32>} : memref<64x768xf32, #tpu.memory_space<vmem>>, vector<1x16xf32>,
      %get3A_244 = arith.index_cast %scan3A_62 : i32 to index
      %get3A_245 = arith.constant 208 : index
      %get3A_246 = tpu.vector_load %arg6[%get3A_244, %get3A_245] {strides = array<i32>} : memref<64x768xf32, #tpu.memory_space<vmem>>, vector<1x16xf32>,
      %get3A_247 = vector.shape_cast %get3A_246 : vector<1x16xf32> to vector<16xf32>
      %get3A_248 = arith.index_cast %scan3A_62 : i32 to index
      %get3A_249 = arith.constant 208 : index
      %get3A_250 = tpu.vector_load %arg7[%get3A_248, %get3A_249] {strides = array<i32>} : memref<64x768xf32, #tpu.memory_space<vmem>>, vector<1x16xf32>,
      %get3A_251 = vector.shape_cast %get3A_250 : vector<1x16xf32> to vector<16xf32>
      %add3A_252 = arith.addf %get3A_247, %get3A_251 : vector<16xf32>
      %swap3A_253 = arith.index_cast %scan3A_62 : i32 to index
      %swap3A_254 = arith.constant 208 : index
      %swap3A_255 = tpu.vector_load %arg6[%swap3A_253, %swap3A_254] {strides = array<i32>} : memref<64x768xf32, #tpu.memory_space<vmem>>, vector<1x16xf32>,
      %swap3A_256 = vector.shape_cast %swap3A_255 : vector<1x16xf32> to vector<16xf32>
      %swap3A_257 = vector.shape_cast %add3A_252 : vector<16xf32> to vector<1x16xf32>
      tpu.vector_store %arg6[%swap3A_253, %swap3A_254], %swap3A_257 {strides = array<i32>} : memref<64x768xf32, #tpu.memory_space<vmem>>, vector<1x16xf32>,
      %get3A_258 = arith.index_cast %scan3A_62 : i32 to index
      %get3A_259 = arith.constant 224 : index
      %get3A_260 = tpu.vector_load %arg6[%get3A_258, %get3A_259] {strides = array<i32>} : memref<64x768xf32, #tpu.memory_space<vmem>>, vector<1x16xf32>,
      %get3A_261 = vector.shape_cast %get3A_260 : vector<1x16xf32> to vector<16xf32>
      %get3A_262 = arith.index_cast %scan3A_62 : i32 to index
      %get3A_263 = arith.constant 224 : index
      %get3A_264 = tpu.vector_load %arg7[%get3A_262, %get3A_263] {strides = array<i32>} : memref<64x768xf32, #tpu.memory_space<vmem>>, vector<1x16xf32>,
      %get3A_265 = vector.shape_cast %get3A_264 : vector<1x16xf32> to vector<16xf32>
      %add3A_266 = arith.addf %get3A_261, %get3A_265 : vector<16xf32>
      %swap3A_267 = arith.index_cast %scan3A_62 : i32 to index
      %swap3A_268 = arith.constant 224 : index
      %swap3A_269 = tpu.vector_load %arg6[%swap3A_267, %swap3A_268] {strides = array<i32>} : memref<64x768xf32, #tpu.memory_space<vmem>>, vector<1x16xf32>,
      %swap3A_270 = vector.shape_cast %swap3A_269 : vector<1x16xf32> to vector<16xf32>
      %swap3A_271 = vector.shape_cast %add3A_266 : vector<16xf32> to vector<1x16xf32>
      tpu.vector_store %arg6[%swap3A_267, %swap3A_268], %swap3A_271 {strides = array<i32>} : memref<64x768xf32, #tpu.memory_space<vmem>>, vector<1x16xf32>,
      %get3A_272 = arith.index_cast %scan3A_62 : i32 to index
      %get3A_273 = arith.constant 240 : index
      %get3A_274 = tpu.vector_load %arg6[%get3A_272, %get3A_273] {strides = array<i32>} : memref<64x768xf32, #tpu.memory_space<vmem>>, vector<1x16xf32>,
      %get3A_275 = vector.shape_cast %get3A_274 : vector<1x16xf32> to vector<16xf32>
      %get3A_276 = arith.index_cast %scan3A_62 : i32 to index
      %get3A_277 = arith.constant 240 : index
      %get3A_278 = tpu.vector_load %arg7[%get3A_276, %get3A_277] {strides = array<i32>} : memref<64x768xf32, #tpu.memory_space<vmem>>, vector<1x16xf32>,
      %get3A_279 = vector.shape_cast %get3A_278 : vector<1x16xf32> to vector<16xf32>
      %add3A_280 = arith.addf %get3A_275, %get3A_279 : vector<16xf32>
      %swap3A_281 = arith.index_cast %scan3A_62 : i32 to index
      %swap3A_282 = arith.constant 240 : index
      %swap3A_283 = tpu.vector_load %arg6[%swap3A_281, %swap3A_282] {strides = array<i32>} : memref<64x768xf32, #tpu.memory_space<vmem>>, vector<1x16xf32>,
      %swap3A_284 = vector.shape_cast %swap3A_283 : vector<1x16xf32> to vector<16xf32>
      %swap3A_285 = vector.shape_cast %add3A_280 : vector<16xf32> to vector<1x16xf32>
      tpu.vector_store %arg6[%swap3A_281, %swap3A_282], %swap3A_285 {strides = array<i32>} : memref<64x768xf32, #tpu.memory_space<vmem>>, vector<1x16xf32>,
      %get3A_286 = arith.index_cast %scan3A_62 : i32 to index
      %get3A_287 = arith.constant 256 : index
      %get3A_288 = tpu.vector_load %arg6[%get3A_286, %get3A_287] {strides = array<i32>} : memref<64x768xf32, #tpu.memory_space<vmem>>, vector<1x16xf32>,
      %get3A_289 = vector.shape_cast %get3A_288 : vector<1x16xf32> to vector<16xf32>
      %get3A_290 = arith.index_cast %scan3A_62 : i32 to index
      %get3A_291 = arith.constant 256 : index
      %get3A_292 = tpu.vector_load %arg7[%get3A_290, %get3A_291] {strides = array<i32>} : memref<64x768xf32, #tpu.memory_space<vmem>>, vector<1x16xf32>,
      %get3A_293 = vector.shape_cast %get3A_292 : vector<1x16xf32> to vector<16xf32>
      %add3A_294 = arith.addf %get3A_289, %get3A_293 : vector<16xf32>
      %swap3A_295 = arith.index_cast %scan3A_62 : i32 to index
      %swap3A_296 = arith.constant 256 : index
      %swap3A_297 = tpu.vector_load %arg6[%swap3A_295, %swap3A_296] {strides = array<i32>} : memref<64x768xf32, #tpu.memory_space<vmem>>, vector<1x16xf32>,
      %swap3A_298 = vector.shape_cast %swap3A_297 : vector<1x16xf32> to vector<16xf32>
      %swap3A_299 = vector.shape_cast %add3A_294 : vector<16xf32> to vector<1x16xf32>
      tpu.vector_store %arg6[%swap3A_295, %swap3A_296], %swap3A_299 {strides = array<i32>} : memref<64x768xf32, #tpu.memory_space<vmem>>, vector<1x16xf32>,
      %get3A_300 = arith.index_cast %scan3A_62 : i32 to index
      %get3A_301 = arith.constant 272 : index
      %get3A_302 = tpu.vector_load %arg6[%get3A_300, %get3A_301] {strides = array<i32>} : memref<64x768xf32, #tpu.memory_space<vmem>>, vector<1x16xf32>,
      %get3A_303 = vector.shape_cast %get3A_302 : vector<1x16xf32> to vector<16xf32>
      %get3A_304 = arith.index_cast %scan3A_62 : i32 to index
      %get3A_305 = arith.constant 272 : index
      %get3A_306 = tpu.vector_load %arg7[%get3A_304, %get3A_305] {strides = array<i32>} : memref<64x768xf32, #tpu.memory_space<vmem>>, vector<1x16xf32>,
      %get3A_307 = vector.shape_cast %get3A_306 : vector<1x16xf32> to vector<16xf32>
      %add3A_308 = arith.addf %get3A_303, %get3A_307 : vector<16xf32>
      %swap3A_309 = arith.index_cast %scan3A_62 : i32 to index
      %swap3A_310 = arith.constant 272 : index
      %swap3A_311 = tpu.vector_load %arg6[%swap3A_309, %swap3A_310] {strides = array<i32>} : memref<64x768xf32, #tpu.memory_space<vmem>>, vector<1x16xf32>,
      %swap3A_312 = vector.shape_cast %swap3A_311 : vector<1x16xf32> to vector<16xf32>
      %swap3A_313 = vector.shape_cast %add3A_308 : vector<16xf32> to vector<1x16xf32>
      tpu.vector_store %arg6[%swap3A_309, %swap3A_310], %swap3A_313 {strides = array<i32>} : memref<64x768xf32, #tpu.memory_space<vmem>>, vector<1x16xf32>,
      %get3A_314 = arith.index_cast %scan3A_62 : i32 to index
      %get3A_315 = arith.constant 288 : index
      %get3A_316 = tpu.vector_load %arg6[%get3A_314, %get3A_315] {strides = array<i32>} : memref<64x768xf32, #tpu.memory_space<vmem>>, vector<1x16xf32>,
      %get3A_317 = vector.shape_cast %get3A_316 : vector<1x16xf32> to vector<16xf32>
      %get3A_318 = arith.index_cast %scan3A_62 : i32 to index
      %get3A_319 = arith.constant 288 : index
      %get3A_320 = tpu.vector_load %arg7[%get3A_318, %get3A_319] {strides = array<i32>} : memref<64x768xf32, #tpu.memory_space<vmem>>, vector<1x16xf32>,
      %get3A_321 = vector.shape_cast %get3A_320 : vector<1x16xf32> to vector<16xf32>
      %add3A_322 = arith.addf %get3A_317, %get3A_321 : vector<16xf32>
      %swap3A_323 = arith.index_cast %scan3A_62 : i32 to index
      %swap3A_324 = arith.constant 288 : index
      %swap3A_325 = tpu.vector_load %arg6[%swap3A_323, %swap3A_324] {strides = array<i32>} : memref<64x768xf32, #tpu.memory_space<vmem>>, vector<1x16xf32>,
      %swap3A_326 = vector.shape_cast %swap3A_325 : vector<1x16xf32> to vector<16xf32>
      %swap3A_327 = vector.shape_cast %add3A_322 : vector<16xf32> to vector<1x16xf32>
      tpu.vector_store %arg6[%swap3A_323, %swap3A_324], %swap3A_327 {strides = array<i32>} : memref<64x768xf32, #tpu.memory_space<vmem>>, vector<1x16xf32>,
      %get3A_328 = arith.index_cast %scan3A_62 : i32 to index
      %get3A_329 = arith.constant 304 : index
      %get3A_330 = tpu.vector_load %arg6[%get3A_328, %get3A_329] {strides = array<i32>} : memref<64x768xf32, #tpu.memory_space<vmem>>, vector<1x16xf32>,
      %get3A_331 = vector.shape_cast %get3A_330 : vector<1x16xf32> to vector<16xf32>
      %get3A_332 = arith.index_cast %scan3A_62 : i32 to index
      %get3A_333 = arith.constant 304 : index
      %get3A_334 = tpu.vector_load %arg7[%get3A_332, %get3A_333] {strides = array<i32>} : memref<64x768xf32, #tpu.memory_space<vmem>>, vector<1x16xf32>,
      %get3A_335 = vector.shape_cast %get3A_334 : vector<1x16xf32> to vector<16xf32>
      %add3A_336 = arith.addf %get3A_331, %get3A_335 : vector<16xf32>
      %swap3A_337 = arith.index_cast %scan3A_62 : i32 to index
      %swap3A_338 = arith.constant 304 : index
      %swap3A_339 = tpu.vector_load %arg6[%swap3A_337, %swap3A_338] {strides = array<i32>} : memref<64x768xf32, #tpu.memory_space<vmem>>, vector<1x16xf32>,
      %swap3A_340 = vector.shape_cast %swap3A_339 : vector<1x16xf32> to vector<16xf32>
      %swap3A_341 = vector.shape_cast %add3A_336 : vector<16xf32> to vector<1x16xf32>
      tpu.vector_store %arg6[%swap3A_337, %swap3A_338], %swap3A_341 {strides = array<i32>} : memref<64x768xf32, #tpu.memory_space<vmem>>, vector<1x16xf32>,
      %get3A_342 = arith.index_cast %scan3A_62 : i32 to index
      %get3A_343 = arith.constant 320 : index
      %get3A_344 = tpu.vector_load %arg6[%get3A_342, %get3A_343] {strides = array<i32>} : memref<64x768xf32, #tpu.memory_space<vmem>>, vector<1x16xf32>,
      %get3A_345 = vector.shape_cast %get3A_344 : vector<1x16xf32> to vector<16xf32>
      %get3A_346 = arith.index_cast %scan3A_62 : i32 to index
      %get3A_347 = arith.constant 320 : index
      %get3A_348 = tpu.vector_load %arg7[%get3A_346, %get3A_347] {strides = array<i32>} : memref<64x768xf32, #tpu.memory_space<vmem>>, vector<1x16xf32>,
      %get3A_349 = vector.shape_cast %get3A_348 : vector<1x16xf32> to vector<16xf32>
      %add3A_350 = arith.addf %get3A_345, %get3A_349 : vector<16xf32>
      %swap3A_351 = arith.index_cast %scan3A_62 : i32 to index
      %swap3A_352 = arith.constant 320 : index
      %swap3A_353 = tpu.vector_load %arg6[%swap3A_351, %swap3A_352] {strides = array<i32>} : memref<64x768xf32, #tpu.memory_space<vmem>>, vector<1x16xf32>,
      %swap3A_354 = vector.shape_cast %swap3A_353 : vector<1x16xf32> to vector<16xf32>
      %swap3A_355 = vector.shape_cast %add3A_350 : vector<16xf32> to vector<1x16xf32>
      tpu.vector_store %arg6[%swap3A_351, %swap3A_352], %swap3A_355 {strides = array<i32>} : memref<64x768xf32, #tpu.memory_space<vmem>>, vector<1x16xf32>,
      %get3A_356 = arith.index_cast %scan3A_62 : i32 to index
      %get3A_357 = arith.constant 336 : index
      %get3A_358 = tpu.vector_load %arg6[%get3A_356, %get3A_357] {strides = array<i32>} : memref<64x768xf32, #tpu.memory_space<vmem>>, vector<1x16xf32>,
      %get3A_359 = vector.shape_cast %get3A_358 : vector<1x16xf32> to vector<16xf32>
      %get3A_360 = arith.index_cast %scan3A_62 : i32 to index
      %get3A_361 = arith.constant 336 : index
      %get3A_362 = tpu.vector_load %arg7[%get3A_360, %get3A_361] {strides = array<i32>} : memref<64x768xf32, #tpu.memory_space<vmem>>, vector<1x16xf32>,
      %get3A_363 = vector.shape_cast %get3A_362 : vector<1x16xf32> to vector<16xf32>
      %add3A_364 = arith.addf %get3A_359, %get3A_363 : vector<16xf32>
      %swap3A_365 = arith.index_cast %scan3A_62 : i32 to index
      %swap3A_366 = arith.constant 336 : index
      %swap3A_367 = tpu.vector_load %arg6[%swap3A_365, %swap3A_366] {strides = array<i32>} : memref<64x768xf32, #tpu.memory_space<vmem>>, vector<1x16xf32>,
      %swap3A_368 = vector.shape_cast %swap3A_367 : vector<1x16xf32> to vector<16xf32>
      %swap3A_369 = vector.shape_cast %add3A_364 : vector<16xf32> to vector<1x16xf32>
      tpu.vector_store %arg6[%swap3A_365, %swap3A_366], %swap3A_369 {strides = array<i32>} : memref<64x768xf32, #tpu.memory_space<vmem>>, vector<1x16xf32>,
      %get3A_370 = arith.index_cast %scan3A_62 : i32 to index
      %get3A_371 = arith.constant 352 : index
      %get3A_372 = tpu.vector_load %arg6[%get3A_370, %get3A_371] {strides = array<i32>} : memref<64x768xf32, #tpu.memory_space<vmem>>, vector<1x16xf32>,
      %get3A_373 = vector.shape_cast %get3A_372 : vector<1x16xf32> to vector<16xf32>
      %get3A_374 = arith.index_cast %scan3A_62 : i32 to index
      %get3A_375 = arith.constant 352 : index
      %get3A_376 = tpu.vector_load %arg7[%get3A_374, %get3A_375] {strides = array<i32>} : memref<64x768xf32, #tpu.memory_space<vmem>>, vector<1x16xf32>,
      %get3A_377 = vector.shape_cast %get3A_376 : vector<1x16xf32> to vector<16xf32>
      %add3A_378 = arith.addf %get3A_373, %get3A_377 : vector<16xf32>
      %swap3A_379 = arith.index_cast %scan3A_62 : i32 to index
      %swap3A_380 = arith.constant 352 : index
      %swap3A_381 = tpu.vector_load %arg6[%swap3A_379, %swap3A_380] {strides = array<i32>} : memref<64x768xf32, #tpu.memory_space<vmem>>, vector<1x16xf32>,
      %swap3A_382 = vector.shape_cast %swap3A_381 : vector<1x16xf32> to vector<16xf32>
      %swap3A_383 = vector.shape_cast %add3A_378 : vector<16xf32> to vector<1x16xf32>
      tpu.vector_store %arg6[%swap3A_379, %swap3A_380], %swap3A_383 {strides = array<i32>} : memref<64x768xf32, #tpu.memory_space<vmem>>, vector<1x16xf32>,
      %get3A_384 = arith.index_cast %scan3A_62 : i32 to index
      %get3A_385 = arith.constant 368 : index
      %get3A_386 = tpu.vector_load %arg6[%get3A_384, %get3A_385] {strides = array<i32>} : memref<64x768xf32, #tpu.memory_space<vmem>>, vector<1x16xf32>,
      %get3A_387 = vector.shape_cast %get3A_386 : vector<1x16xf32> to vector<16xf32>
      %get3A_388 = arith.index_cast %scan3A_62 : i32 to index
      %get3A_389 = arith.constant 368 : index
      %get3A_390 = tpu.vector_load %arg7[%get3A_388, %get3A_389] {strides = array<i32>} : memref<64x768xf32, #tpu.memory_space<vmem>>, vector<1x16xf32>,
      %get3A_391 = vector.shape_cast %get3A_390 : vector<1x16xf32> to vector<16xf32>
      %add3A_392 = arith.addf %get3A_387, %get3A_391 : vector<16xf32>
      %swap3A_393 = arith.index_cast %scan3A_62 : i32 to index
      %swap3A_394 = arith.constant 368 : index
      %swap3A_395 = tpu.vector_load %arg6[%swap3A_393, %swap3A_394] {strides = array<i32>} : memref<64x768xf32, #tpu.memory_space<vmem>>, vector<1x16xf32>,
      %swap3A_396 = vector.shape_cast %swap3A_395 : vector<1x16xf32> to vector<16xf32>
      %swap3A_397 = vector.shape_cast %add3A_392 : vector<16xf32> to vector<1x16xf32>
      tpu.vector_store %arg6[%swap3A_393, %swap3A_394], %swap3A_397 {strides = array<i32>} : memref<64x768xf32, #tpu.memory_space<vmem>>, vector<1x16xf32>,
      %get3A_398 = arith.index_cast %scan3A_62 : i32 to index
      %get3A_399 = arith.constant 384 : index
      %get3A_400 = tpu.vector_load %arg6[%get3A_398, %get3A_399] {strides = array<i32>} : memref<64x768xf32, #tpu.memory_space<vmem>>, vector<1x16xf32>,
      %get3A_401 = vector.shape_cast %get3A_400 : vector<1x16xf32> to vector<16xf32>
      %get3A_402 = arith.index_cast %scan3A_62 : i32 to index
      %get3A_403 = arith.constant 384 : index
      %get3A_404 = tpu.vector_load %arg7[%get3A_402, %get3A_403] {strides = array<i32>} : memref<64x768xf32, #tpu.memory_space<vmem>>, vector<1x16xf32>,
      %get3A_405 = vector.shape_cast %get3A_404 : vector<1x16xf32> to vector<16xf32>
      %add3A_406 = arith.addf %get3A_401, %get3A_405 : vector<16xf32>
      %swap3A_407 = arith.index_cast %scan3A_62 : i32 to index
      %swap3A_408 = arith.constant 384 : index
      %swap3A_409 = tpu.vector_load %arg6[%swap3A_407, %swap3A_408] {strides = array<i32>} : memref<64x768xf32, #tpu.memory_space<vmem>>, vector<1x16xf32>,
      %swap3A_410 = vector.shape_cast %swap3A_409 : vector<1x16xf32> to vector<16xf32>
      %swap3A_411 = vector.shape_cast %add3A_406 : vector<16xf32> to vector<1x16xf32>
      tpu.vector_store %arg6[%swap3A_407, %swap3A_408], %swap3A_411 {strides = array<i32>} : memref<64x768xf32, #tpu.memory_space<vmem>>, vector<1x16xf32>,
      %get3A_412 = arith.index_cast %scan3A_62 : i32 to index
      %get3A_413 = arith.constant 400 : index
      %get3A_414 = tpu.vector_load %arg6[%get3A_412, %get3A_413] {strides = array<i32>} : memref<64x768xf32, #tpu.memory_space<vmem>>, vector<1x16xf32>,
      %get3A_415 = vector.shape_cast %get3A_414 : vector<1x16xf32> to vector<16xf32>
      %get3A_416 = arith.index_cast %scan3A_62 : i32 to index
      %get3A_417 = arith.constant 400 : index
      %get3A_418 = tpu.vector_load %arg7[%get3A_416, %get3A_417] {strides = array<i32>} : memref<64x768xf32, #tpu.memory_space<vmem>>, vector<1x16xf32>,
      %get3A_419 = vector.shape_cast %get3A_418 : vector<1x16xf32> to vector<16xf32>
      %add3A_420 = arith.addf %get3A_415, %get3A_419 : vector<16xf32>
      %swap3A_421 = arith.index_cast %scan3A_62 : i32 to index
      %swap3A_422 = arith.constant 400 : index
      %swap3A_423 = tpu.vector_load %arg6[%swap3A_421, %swap3A_422] {strides = array<i32>} : memref<64x768xf32, #tpu.memory_space<vmem>>, vector<1x16xf32>,
      %swap3A_424 = vector.shape_cast %swap3A_423 : vector<1x16xf32> to vector<16xf32>
      %swap3A_425 = vector.shape_cast %add3A_420 : vector<16xf32> to vector<1x16xf32>
      tpu.vector_store %arg6[%swap3A_421, %swap3A_422], %swap3A_425 {strides = array<i32>} : memref<64x768xf32, #tpu.memory_space<vmem>>, vector<1x16xf32>,
      %get3A_426 = arith.index_cast %scan3A_62 : i32 to index
      %get3A_427 = arith.constant 416 : index
      %get3A_428 = tpu.vector_load %arg6[%get3A_426, %get3A_427] {strides = array<i32>} : memref<64x768xf32, #tpu.memory_space<vmem>>, vector<1x16xf32>,
      %get3A_429 = vector.shape_cast %get3A_428 : vector<1x16xf32> to vector<16xf32>
      %get3A_430 = arith.index_cast %scan3A_62 : i32 to index
      %get3A_431 = arith.constant 416 : index
      %get3A_432 = tpu.vector_load %arg7[%get3A_430, %get3A_431] {strides = array<i32>} : memref<64x768xf32, #tpu.memory_space<vmem>>, vector<1x16xf32>,
      %get3A_433 = vector.shape_cast %get3A_432 : vector<1x16xf32> to vector<16xf32>
      %add3A_434 = arith.addf %get3A_429, %get3A_433 : vector<16xf32>
      %swap3A_435 = arith.index_cast %scan3A_62 : i32 to index
      %swap3A_436 = arith.constant 416 : index
      %swap3A_437 = tpu.vector_load %arg6[%swap3A_435, %swap3A_436] {strides = array<i32>} : memref<64x768xf32, #tpu.memory_space<vmem>>, vector<1x16xf32>,
      %swap3A_438 = vector.shape_cast %swap3A_437 : vector<1x16xf32> to vector<16xf32>
      %swap3A_439 = vector.shape_cast %add3A_434 : vector<16xf32> to vector<1x16xf32>
      tpu.vector_store %arg6[%swap3A_435, %swap3A_436], %swap3A_439 {strides = array<i32>} : memref<64x768xf32, #tpu.memory_space<vmem>>, vector<1x16xf32>,
      %get3A_440 = arith.index_cast %scan3A_62 : i32 to index
      %get3A_441 = arith.constant 432 : index
      %get3A_442 = tpu.vector_load %arg6[%get3A_440, %get3A_441] {strides = array<i32>} : memref<64x768xf32, #tpu.memory_space<vmem>>, vector<1x16xf32>,
      %get3A_443 = vector.shape_cast %get3A_442 : vector<1x16xf32> to vector<16xf32>
      %get3A_444 = arith.index_cast %scan3A_62 : i32 to index
      %get3A_445 = arith.constant 432 : index
      %get3A_446 = tpu.vector_load %arg7[%get3A_444, %get3A_445] {strides = array<i32>} : memref<64x768xf32, #tpu.memory_space<vmem>>, vector<1x16xf32>,
      %get3A_447 = vector.shape_cast %get3A_446 : vector<1x16xf32> to vector<16xf32>
      %add3A_448 = arith.addf %get3A_443, %get3A_447 : vector<16xf32>
      %swap3A_449 = arith.index_cast %scan3A_62 : i32 to index
      %swap3A_450 = arith.constant 432 : index
      %swap3A_451 = tpu.vector_load %arg6[%swap3A_449, %swap3A_450] {strides = array<i32>} : memref<64x768xf32, #tpu.memory_space<vmem>>, vector<1x16xf32>,
      %swap3A_452 = vector.shape_cast %swap3A_451 : vector<1x16xf32> to vector<16xf32>
      %swap3A_453 = vector.shape_cast %add3A_448 : vector<16xf32> to vector<1x16xf32>
      tpu.vector_store %arg6[%swap3A_449, %swap3A_450], %swap3A_453 {strides = array<i32>} : memref<64x768xf32, #tpu.memory_space<vmem>>, vector<1x16xf32>,
      %get3A_454 = arith.index_cast %scan3A_62 : i32 to index
      %get3A_455 = arith.constant 448 : index
      %get3A_456 = tpu.vector_load %arg6[%get3A_454, %get3A_455] {strides = array<i32>} : memref<64x768xf32, #tpu.memory_space<vmem>>, vector<1x16xf32>,
      %get3A_457 = vector.shape_cast %get3A_456 : vector<1x16xf32> to vector<16xf32>
      %get3A_458 = arith.index_cast %scan3A_62 : i32 to index
      %get3A_459 = arith.constant 448 : index
      %get3A_460 = tpu.vector_load %arg7[%get3A_458, %get3A_459] {strides = array<i32>} : memref<64x768xf32, #tpu.memory_space<vmem>>, vector<1x16xf32>,
      %get3A_461 = vector.shape_cast %get3A_460 : vector<1x16xf32> to vector<16xf32>
      %add3A_462 = arith.addf %get3A_457, %get3A_461 : vector<16xf32>
      %swap3A_463 = arith.index_cast %scan3A_62 : i32 to index
      %swap3A_464 = arith.constant 448 : index
      %swap3A_465 = tpu.vector_load %arg6[%swap3A_463, %swap3A_464] {strides = array<i32>} : memref<64x768xf32, #tpu.memory_space<vmem>>, vector<1x16xf32>,
      %swap3A_466 = vector.shape_cast %swap3A_465 : vector<1x16xf32> to vector<16xf32>
      %swap3A_467 = vector.shape_cast %add3A_462 : vector<16xf32> to vector<1x16xf32>
      tpu.vector_store %arg6[%swap3A_463, %swap3A_464], %swap3A_467 {strides = array<i32>} : memref<64x768xf32, #tpu.memory_space<vmem>>, vector<1x16xf32>,
      %get3A_468 = arith.index_cast %scan3A_62 : i32 to index
      %get3A_469 = arith.constant 464 : index
      %get3A_470 = tpu.vector_load %arg6[%get3A_468, %get3A_469] {strides = array<i32>} : memref<64x768xf32, #tpu.memory_space<vmem>>, vector<1x16xf32>,
      %get3A_471 = vector.shape_cast %get3A_470 : vector<1x16xf32> to vector<16xf32>
      %get3A_472 = arith.index_cast %scan3A_62 : i32 to index
      %get3A_473 = arith.constant 464 : index
      %get3A_474 = tpu.vector_load %arg7[%get3A_472, %get3A_473] {strides = array<i32>} : memref<64x768xf32, #tpu.memory_space<vmem>>, vector<1x16xf32>,
      %get3A_475 = vector.shape_cast %get3A_474 : vector<1x16xf32> to vector<16xf32>
      %add3A_476 = arith.addf %get3A_471, %get3A_475 : vector<16xf32>
      %swap3A_477 = arith.index_cast %scan3A_62 : i32 to index
      %swap3A_478 = arith.constant 464 : index
      %swap3A_479 = tpu.vector_load %arg6[%swap3A_477, %swap3A_478] {strides = array<i32>} : memref<64x768xf32, #tpu.memory_space<vmem>>, vector<1x16xf32>,
      %swap3A_480 = vector.shape_cast %swap3A_479 : vector<1x16xf32> to vector<16xf32>
      %swap3A_481 = vector.shape_cast %add3A_476 : vector<16xf32> to vector<1x16xf32>
      tpu.vector_store %arg6[%swap3A_477, %swap3A_478], %swap3A_481 {strides = array<i32>} : memref<64x768xf32, #tpu.memory_space<vmem>>, vector<1x16xf32>,
      %get3A_482 = arith.index_cast %scan3A_62 : i32 to index
      %get3A_483 = arith.constant 480 : index
      %get3A_484 = tpu.vector_load %arg6[%get3A_482, %get3A_483] {strides = array<i32>} : memref<64x768xf32, #tpu.memory_space<vmem>>, vector<1x16xf32>,
      %get3A_485 = vector.shape_cast %get3A_484 : vector<1x16xf32> to vector<16xf32>
      %get3A_486 = arith.index_cast %scan3A_62 : i32 to index
      %get3A_487 = arith.constant 480 : index
      %get3A_488 = tpu.vector_load %arg7[%get3A_486, %get3A_487] {strides = array<i32>} : memref<64x768xf32, #tpu.memory_space<vmem>>, vector<1x16xf32>,
      %get3A_489 = vector.shape_cast %get3A_488 : vector<1x16xf32> to vector<16xf32>
      %add3A_490 = arith.addf %get3A_485, %get3A_489 : vector<16xf32>
      %swap3A_491 = arith.index_cast %scan3A_62 : i32 to index
      %swap3A_492 = arith.constant 480 : index
      %swap3A_493 = tpu.vector_load %arg6[%swap3A_491, %swap3A_492] {strides = array<i32>} : memref<64x768xf32, #tpu.memory_space<vmem>>, vector<1x16xf32>,
      %swap3A_494 = vector.shape_cast %swap3A_493 : vector<1x16xf32> to vector<16xf32>
      %swap3A_495 = vector.shape_cast %add3A_490 : vector<16xf32> to vector<1x16xf32>
      tpu.vector_store %arg6[%swap3A_491, %swap3A_492], %swap3A_495 {strides = array<i32>} : memref<64x768xf32, #tpu.memory_space<vmem>>, vector<1x16xf32>,
      %get3A_496 = arith.index_cast %scan3A_62 : i32 to index
      %get3A_497 = arith.constant 496 : index
      %get3A_498 = tpu.vector_load %arg6[%get3A_496, %get3A_497] {strides = array<i32>} : memref<64x768xf32, #tpu.memory_space<vmem>>, vector<1x16xf32>,
      %get3A_499 = vector.shape_cast %get3A_498 : vector<1x16xf32> to vector<16xf32>
      %get3A_500 = arith.index_cast %scan3A_62 : i32 to index
      %get3A_501 = arith.constant 496 : index
      %get3A_502 = tpu.vector_load %arg7[%get3A_500, %get3A_501] {strides = array<i32>} : memref<64x768xf32, #tpu.memory_space<vmem>>, vector<1x16xf32>,
      %get3A_503 = vector.shape_cast %get3A_502 : vector<1x16xf32> to vector<16xf32>
      %add3A_504 = arith.addf %get3A_499, %get3A_503 : vector<16xf32>
      %swap3A_505 = arith.index_cast %scan3A_62 : i32 to index
      %swap3A_506 = arith.constant 496 : index
      %swap3A_507 = tpu.vector_load %arg6[%swap3A_505, %swap3A_506] {strides = array<i32>} : memref<64x768xf32, #tpu.memory_space<vmem>>, vector<1x16xf32>,
      %swap3A_508 = vector.shape_cast %swap3A_507 : vector<1x16xf32> to vector<16xf32>
      %swap3A_509 = vector.shape_cast %add3A_504 : vector<16xf32> to vector<1x16xf32>
      tpu.vector_store %arg6[%swap3A_505, %swap3A_506], %swap3A_509 {strides = array<i32>} : memref<64x768xf32, #tpu.memory_space<vmem>>, vector<1x16xf32>,
      %get3A_510 = arith.index_cast %scan3A_62 : i32 to index
      %get3A_511 = arith.constant 512 : index
      %get3A_512 = tpu.vector_load %arg6[%get3A_510, %get3A_511] {strides = array<i32>} : memref<64x768xf32, #tpu.memory_space<vmem>>, vector<1x16xf32>,
      %get3A_513 = vector.shape_cast %get3A_512 : vector<1x16xf32> to vector<16xf32>
      %get3A_514 = arith.index_cast %scan3A_62 : i32 to index
      %get3A_515 = arith.constant 512 : index
      %get3A_516 = tpu.vector_load %arg7[%get3A_514, %get3A_515] {strides = array<i32>} : memref<64x768xf32, #tpu.memory_space<vmem>>, vector<1x16xf32>,
      %get3A_517 = vector.shape_cast %get3A_516 : vector<1x16xf32> to vector<16xf32>
      %add3A_518 = arith.addf %get3A_513, %get3A_517 : vector<16xf32>
      %swap3A_519 = arith.index_cast %scan3A_62 : i32 to index
      %swap3A_520 = arith.constant 512 : index
      %swap3A_521 = tpu.vector_load %arg6[%swap3A_519, %swap3A_520] {strides = array<i32>} : memref<64x768xf32, #tpu.memory_space<vmem>>, vector<1x16xf32>,
      %swap3A_522 = vector.shape_cast %swap3A_521 : vector<1x16xf32> to vector<16xf32>
      %swap3A_523 = vector.shape_cast %add3A_518 : vector<16xf32> to vector<1x16xf32>
      tpu.vector_store %arg6[%swap3A_519, %swap3A_520], %swap3A_523 {strides = array<i32>} : memref<64x768xf32, #tpu.memory_space<vmem>>, vector<1x16xf32>,
      %get3A_524 = arith.index_cast %scan3A_62 : i32 to index
      %get3A_525 = arith.constant 528 : index
      %get3A_526 = tpu.vector_load %arg6[%get3A_524, %get3A_525] {strides = array<i32>} : memref<64x768xf32, #tpu.memory_space<vmem>>, vector<1x16xf32>,
      %get3A_527 = vector.shape_cast %get3A_526 : vector<1x16xf32> to vector<16xf32>
      %get3A_528 = arith.index_cast %scan3A_62 : i32 to index
      %get3A_529 = arith.constant 528 : index
      %get3A_530 = tpu.vector_load %arg7[%get3A_528, %get3A_529] {strides = array<i32>} : memref<64x768xf32, #tpu.memory_space<vmem>>, vector<1x16xf32>,
      %get3A_531 = vector.shape_cast %get3A_530 : vector<1x16xf32> to vector<16xf32>
      %add3A_532 = arith.addf %get3A_527, %get3A_531 : vector<16xf32>
      %swap3A_533 = arith.index_cast %scan3A_62 : i32 to index
      %swap3A_534 = arith.constant 528 : index
      %swap3A_535 = tpu.vector_load %arg6[%swap3A_533, %swap3A_534] {strides = array<i32>} : memref<64x768xf32, #tpu.memory_space<vmem>>, vector<1x16xf32>,
      %swap3A_536 = vector.shape_cast %swap3A_535 : vector<1x16xf32> to vector<16xf32>
      %swap3A_537 = vector.shape_cast %add3A_532 : vector<16xf32> to vector<1x16xf32>
      tpu.vector_store %arg6[%swap3A_533, %swap3A_534], %swap3A_537 {strides = array<i32>} : memref<64x768xf32, #tpu.memory_space<vmem>>, vector<1x16xf32>,
      %get3A_538 = arith.index_cast %scan3A_62 : i32 to index
      %get3A_539 = arith.constant 544 : index
      %get3A_540 = tpu.vector_load %arg6[%get3A_538, %get3A_539] {strides = array<i32>} : memref<64x768xf32, #tpu.memory_space<vmem>>, vector<1x16xf32>,
      %get3A_541 = vector.shape_cast %get3A_540 : vector<1x16xf32> to vector<16xf32>
      %get3A_542 = arith.index_cast %scan3A_62 : i32 to index
      %get3A_543 = arith.constant 544 : index
      %get3A_544 = tpu.vector_load %arg7[%get3A_542, %get3A_543] {strides = array<i32>} : memref<64x768xf32, #tpu.memory_space<vmem>>, vector<1x16xf32>,
      %get3A_545 = vector.shape_cast %get3A_544 : vector<1x16xf32> to vector<16xf32>
      %add3A_546 = arith.addf %get3A_541, %get3A_545 : vector<16xf32>
      %swap3A_547 = arith.index_cast %scan3A_62 : i32 to index
      %swap3A_548 = arith.constant 544 : index
      %swap3A_549 = tpu.vector_load %arg6[%swap3A_547, %swap3A_548] {strides = array<i32>} : memref<64x768xf32, #tpu.memory_space<vmem>>, vector<1x16xf32>,
      %swap3A_550 = vector.shape_cast %swap3A_549 : vector<1x16xf32> to vector<16xf32>
      %swap3A_551 = vector.shape_cast %add3A_546 : vector<16xf32> to vector<1x16xf32>
      tpu.vector_store %arg6[%swap3A_547, %swap3A_548], %swap3A_551 {strides = array<i32>} : memref<64x768xf32, #tpu.memory_space<vmem>>, vector<1x16xf32>,
      %get3A_552 = arith.index_cast %scan3A_62 : i32 to index
      %get3A_553 = arith.constant 560 : index
      %get3A_554 = tpu.vector_load %arg6[%get3A_552, %get3A_553] {strides = array<i32>} : memref<64x768xf32, #tpu.memory_space<vmem>>, vector<1x16xf32>,
      %get3A_555 = vector.shape_cast %get3A_554 : vector<1x16xf32> to vector<16xf32>
      %get3A_556 = arith.index_cast %scan3A_62 : i32 to index
      %get3A_557 = arith.constant 560 : index
      %get3A_558 = tpu.vector_load %arg7[%get3A_556, %get3A_557] {strides = array<i32>} : memref<64x768xf32, #tpu.memory_space<vmem>>, vector<1x16xf32>,
      %get3A_559 = vector.shape_cast %get3A_558 : vector<1x16xf32> to vector<16xf32>
      %add3A_560 = arith.addf %get3A_555, %get3A_559 : vector<16xf32>
      %swap3A_561 = arith.index_cast %scan3A_62 : i32 to index
      %swap3A_562 = arith.constant 560 : index
      %swap3A_563 = tpu.vector_load %arg6[%swap3A_561, %swap3A_562] {strides = array<i32>} : memref<64x768xf32, #tpu.memory_space<vmem>>, vector<1x16xf32>,
      %swap3A_564 = vector.shape_cast %swap3A_563 : vector<1x16xf32> to vector<16xf32>
      %swap3A_565 = vector.shape_cast %add3A_560 : vector<16xf32> to vector<1x16xf32>
      tpu.vector_store %arg6[%swap3A_561, %swap3A_562], %swap3A_565 {strides = array<i32>} : memref<64x768xf32, #tpu.memory_space<vmem>>, vector<1x16xf32>,
      %get3A_566 = arith.index_cast %scan3A_62 : i32 to index
      %get3A_567 = arith.constant 576 : index
      %get3A_568 = tpu.vector_load %arg6[%get3A_566, %get3A_567] {strides = array<i32>} : memref<64x768xf32, #tpu.memory_space<vmem>>, vector<1x16xf32>,
      %get3A_569 = vector.shape_cast %get3A_568 : vector<1x16xf32> to vector<16xf32>
      %get3A_570 = arith.index_cast %scan3A_62 : i32 to index
      %get3A_571 = arith.constant 576 : index
      %get3A_572 = tpu.vector_load %arg7[%get3A_570, %get3A_571] {strides = array<i32>} : memref<64x768xf32, #tpu.memory_space<vmem>>, vector<1x16xf32>,
      %get3A_573 = vector.shape_cast %get3A_572 : vector<1x16xf32> to vector<16xf32>
      %add3A_574 = arith.addf %get3A_569, %get3A_573 : vector<16xf32>
      %swap3A_575 = arith.index_cast %scan3A_62 : i32 to index
      %swap3A_576 = arith.constant 576 : index
      %swap3A_577 = tpu.vector_load %arg6[%swap3A_575, %swap3A_576] {strides = array<i32>} : memref<64x768xf32, #tpu.memory_space<vmem>>, vector<1x16xf32>,
      %swap3A_578 = vector.shape_cast %swap3A_577 : vector<1x16xf32> to vector<16xf32>
      %swap3A_579 = vector.shape_cast %add3A_574 : vector<16xf32> to vector<1x16xf32>
      tpu.vector_store %arg6[%swap3A_575, %swap3A_576], %swap3A_579 {strides = array<i32>} : memref<64x768xf32, #tpu.memory_space<vmem>>, vector<1x16xf32>,
      %get3A_580 = arith.index_cast %scan3A_62 : i32 to index
      %get3A_581 = arith.constant 592 : index
      %get3A_582 = tpu.vector_load %arg6[%get3A_580, %get3A_581] {strides = array<i32>} : memref<64x768xf32, #tpu.memory_space<vmem>>, vector<1x16xf32>,
      %get3A_583 = vector.shape_cast %get3A_582 : vector<1x16xf32> to vector<16xf32>
      %get3A_584 = arith.index_cast %scan3A_62 : i32 to index
      %get3A_585 = arith.constant 592 : index
      %get3A_586 = tpu.vector_load %arg7[%get3A_584, %get3A_585] {strides = array<i32>} : memref<64x768xf32, #tpu.memory_space<vmem>>, vector<1x16xf32>,
      %get3A_587 = vector.shape_cast %get3A_586 : vector<1x16xf32> to vector<16xf32>
      %add3A_588 = arith.addf %get3A_583, %get3A_587 : vector<16xf32>
      %swap3A_589 = arith.index_cast %scan3A_62 : i32 to index
      %swap3A_590 = arith.constant 592 : index
      %swap3A_591 = tpu.vector_load %arg6[%swap3A_589, %swap3A_590] {strides = array<i32>} : memref<64x768xf32, #tpu.memory_space<vmem>>, vector<1x16xf32>,
      %swap3A_592 = vector.shape_cast %swap3A_591 : vector<1x16xf32> to vector<16xf32>
      %swap3A_593 = vector.shape_cast %add3A_588 : vector<16xf32> to vector<1x16xf32>
      tpu.vector_store %arg6[%swap3A_589, %swap3A_590], %swap3A_593 {strides = array<i32>} : memref<64x768xf32, #tpu.memory_space<vmem>>, vector<1x16xf32>,
      %get3A_594 = arith.index_cast %scan3A_62 : i32 to index
      %get3A_595 = arith.constant 608 : index
      %get3A_596 = tpu.vector_load %arg6[%get3A_594, %get3A_595] {strides = array<i32>} : memref<64x768xf32, #tpu.memory_space<vmem>>, vector<1x16xf32>,
      %get3A_597 = vector.shape_cast %get3A_596 : vector<1x16xf32> to vector<16xf32>
      %get3A_598 = arith.index_cast %scan3A_62 : i32 to index
      %get3A_599 = arith.constant 608 : index
      %get3A_600 = tpu.vector_load %arg7[%get3A_598, %get3A_599] {strides = array<i32>} : memref<64x768xf32, #tpu.memory_space<vmem>>, vector<1x16xf32>,
      %get3A_601 = vector.shape_cast %get3A_600 : vector<1x16xf32> to vector<16xf32>
      %add3A_602 = arith.addf %get3A_597, %get3A_601 : vector<16xf32>
      %swap3A_603 = arith.index_cast %scan3A_62 : i32 to index
      %swap3A_604 = arith.constant 608 : index
      %swap3A_605 = tpu.vector_load %arg6[%swap3A_603, %swap3A_604] {strides = array<i32>} : memref<64x768xf32, #tpu.memory_space<vmem>>, vector<1x16xf32>,
      %swap3A_606 = vector.shape_cast %swap3A_605 : vector<1x16xf32> to vector<16xf32>
      %swap3A_607 = vector.shape_cast %add3A_602 : vector<16xf32> to vector<1x16xf32>
      tpu.vector_store %arg6[%swap3A_603, %swap3A_604], %swap3A_607 {strides = array<i32>} : memref<64x768xf32, #tpu.memory_space<vmem>>, vector<1x16xf32>,
      %get3A_608 = arith.index_cast %scan3A_62 : i32 to index
      %get3A_609 = arith.constant 624 : index
      %get3A_610 = tpu.vector_load %arg6[%get3A_608, %get3A_609] {strides = array<i32>} : memref<64x768xf32, #tpu.memory_space<vmem>>, vector<1x16xf32>,
      %get3A_611 = vector.shape_cast %get3A_610 : vector<1x16xf32> to vector<16xf32>
      %get3A_612 = arith.index_cast %scan3A_62 : i32 to index
      %get3A_613 = arith.constant 624 : index
      %get3A_614 = tpu.vector_load %arg7[%get3A_612, %get3A_613] {strides = array<i32>} : memref<64x768xf32, #tpu.memory_space<vmem>>, vector<1x16xf32>,
      %get3A_615 = vector.shape_cast %get3A_614 : vector<1x16xf32> to vector<16xf32>
      %add3A_616 = arith.addf %get3A_611, %get3A_615 : vector<16xf32>
      %swap3A_617 = arith.index_cast %scan3A_62 : i32 to index
      %swap3A_618 = arith.constant 624 : index
      %swap3A_619 = tpu.vector_load %arg6[%swap3A_617, %swap3A_618] {strides = array<i32>} : memref<64x768xf32, #tpu.memory_space<vmem>>, vector<1x16xf32>,
      %swap3A_620 = vector.shape_cast %swap3A_619 : vector<1x16xf32> to vector<16xf32>
      %swap3A_621 = vector.shape_cast %add3A_616 : vector<16xf32> to vector<1x16xf32>
      tpu.vector_store %arg6[%swap3A_617, %swap3A_618], %swap3A_621 {strides = array<i32>} : memref<64x768xf32, #tpu.memory_space<vmem>>, vector<1x16xf32>,
      %get3A_622 = arith.index_cast %scan3A_62 : i32 to index
      %get3A_623 = arith.constant 640 : index
      %get3A_624 = tpu.vector_load %arg6[%get3A_622, %get3A_623] {strides = array<i32>} : memref<64x768xf32, #tpu.memory_space<vmem>>, vector<1x16xf32>,
      %get3A_625 = vector.shape_cast %get3A_624 : vector<1x16xf32> to vector<16xf32>
      %get3A_626 = arith.index_cast %scan3A_62 : i32 to index
      %get3A_627 = arith.constant 640 : index
      %get3A_628 = tpu.vector_load %arg7[%get3A_626, %get3A_627] {strides = array<i32>} : memref<64x768xf32, #tpu.memory_space<vmem>>, vector<1x16xf32>,
      %get3A_629 = vector.shape_cast %get3A_628 : vector<1x16xf32> to vector<16xf32>
      %add3A_630 = arith.addf %get3A_625, %get3A_629 : vector<16xf32>
      %swap3A_631 = arith.index_cast %scan3A_62 : i32 to index
      %swap3A_632 = arith.constant 640 : index
      %swap3A_633 = tpu.vector_load %arg6[%swap3A_631, %swap3A_632] {strides = array<i32>} : memref<64x768xf32, #tpu.memory_space<vmem>>, vector<1x16xf32>,
      %swap3A_634 = vector.shape_cast %swap3A_633 : vector<1x16xf32> to vector<16xf32>
      %swap3A_635 = vector.shape_cast %add3A_630 : vector<16xf32> to vector<1x16xf32>
      tpu.vector_store %arg6[%swap3A_631, %swap3A_632], %swap3A_635 {strides = array<i32>} : memref<64x768xf32, #tpu.memory_space<vmem>>, vector<1x16xf32>,
      %get3A_636 = arith.index_cast %scan3A_62 : i32 to index
      %get3A_637 = arith.constant 656 : index
      %get3A_638 = tpu.vector_load %arg6[%get3A_636, %get3A_637] {strides = array<i32>} : memref<64x768xf32, #tpu.memory_space<vmem>>, vector<1x16xf32>,
      %get3A_639 = vector.shape_cast %get3A_638 : vector<1x16xf32> to vector<16xf32>
      %get3A_640 = arith.index_cast %scan3A_62 : i32 to index
      %get3A_641 = arith.constant 656 : index
      %get3A_642 = tpu.vector_load %arg7[%get3A_640, %get3A_641] {strides = array<i32>} : memref<64x768xf32, #tpu.memory_space<vmem>>, vector<1x16xf32>,
      %get3A_643 = vector.shape_cast %get3A_642 : vector<1x16xf32> to vector<16xf32>
      %add3A_644 = arith.addf %get3A_639, %get3A_643 : vector<16xf32>
      %swap3A_645 = arith.index_cast %scan3A_62 : i32 to index
      %swap3A_646 = arith.constant 656 : index
      %swap3A_647 = tpu.vector_load %arg6[%swap3A_645, %swap3A_646] {strides = array<i32>} : memref<64x768xf32, #tpu.memory_space<vmem>>, vector<1x16xf32>,
      %swap3A_648 = vector.shape_cast %swap3A_647 : vector<1x16xf32> to vector<16xf32>
      %swap3A_649 = vector.shape_cast %add3A_644 : vector<16xf32> to vector<1x16xf32>
      tpu.vector_store %arg6[%swap3A_645, %swap3A_646], %swap3A_649 {strides = array<i32>} : memref<64x768xf32, #tpu.memory_space<vmem>>, vector<1x16xf32>,
      %get3A_650 = arith.index_cast %scan3A_62 : i32 to index
      %get3A_651 = arith.constant 672 : index
      %get3A_652 = tpu.vector_load %arg6[%get3A_650, %get3A_651] {strides = array<i32>} : memref<64x768xf32, #tpu.memory_space<vmem>>, vector<1x16xf32>,
      %get3A_653 = vector.shape_cast %get3A_652 : vector<1x16xf32> to vector<16xf32>
      %get3A_654 = arith.index_cast %scan3A_62 : i32 to index
      %get3A_655 = arith.constant 672 : index
      %get3A_656 = tpu.vector_load %arg7[%get3A_654, %get3A_655] {strides = array<i32>} : memref<64x768xf32, #tpu.memory_space<vmem>>, vector<1x16xf32>,
      %get3A_657 = vector.shape_cast %get3A_656 : vector<1x16xf32> to vector<16xf32>
      %add3A_658 = arith.addf %get3A_653, %get3A_657 : vector<16xf32>
      %swap3A_659 = arith.index_cast %scan3A_62 : i32 to index
      %swap3A_660 = arith.constant 672 : index
      %swap3A_661 = tpu.vector_load %arg6[%swap3A_659, %swap3A_660] {strides = array<i32>} : memref<64x768xf32, #tpu.memory_space<vmem>>, vector<1x16xf32>,
      %swap3A_662 = vector.shape_cast %swap3A_661 : vector<1x16xf32> to vector<16xf32>
      %swap3A_663 = vector.shape_cast %add3A_658 : vector<16xf32> to vector<1x16xf32>
      tpu.vector_store %arg6[%swap3A_659, %swap3A_660], %swap3A_663 {strides = array<i32>} : memref<64x768xf32, #tpu.memory_space<vmem>>, vector<1x16xf32>,
      %get3A_664 = arith.index_cast %scan3A_62 : i32 to index
      %get3A_665 = arith.constant 688 : index
      %get3A_666 = tpu.vector_load %arg6[%get3A_664, %get3A_665] {strides = array<i32>} : memref<64x768xf32, #tpu.memory_space<vmem>>, vector<1x16xf32>,
      %get3A_667 = vector.shape_cast %get3A_666 : vector<1x16xf32> to vector<16xf32>
      %get3A_668 = arith.index_cast %scan3A_62 : i32 to index
      %get3A_669 = arith.constant 688 : index
      %get3A_670 = tpu.vector_load %arg7[%get3A_668, %get3A_669] {strides = array<i32>} : memref<64x768xf32, #tpu.memory_space<vmem>>, vector<1x16xf32>,
      %get3A_671 = vector.shape_cast %get3A_670 : vector<1x16xf32> to vector<16xf32>
      %add3A_672 = arith.addf %get3A_667, %get3A_671 : vector<16xf32>
      %swap3A_673 = arith.index_cast %scan3A_62 : i32 to index
      %swap3A_674 = arith.constant 688 : index
      %swap3A_675 = tpu.vector_load %arg6[%swap3A_673, %swap3A_674] {strides = array<i32>} : memref<64x768xf32, #tpu.memory_space<vmem>>, vector<1x16xf32>,
      %swap3A_676 = vector.shape_cast %swap3A_675 : vector<1x16xf32> to vector<16xf32>
      %swap3A_677 = vector.shape_cast %add3A_672 : vector<16xf32> to vector<1x16xf32>
      tpu.vector_store %arg6[%swap3A_673, %swap3A_674], %swap3A_677 {strides = array<i32>} : memref<64x768xf32, #tpu.memory_space<vmem>>, vector<1x16xf32>,
      %get3A_678 = arith.index_cast %scan3A_62 : i32 to index
      %get3A_679 = arith.constant 704 : index
      %get3A_680 = tpu.vector_load %arg6[%get3A_678, %get3A_679] {strides = array<i32>} : memref<64x768xf32, #tpu.memory_space<vmem>>, vector<1x16xf32>,
      %get3A_681 = vector.shape_cast %get3A_680 : vector<1x16xf32> to vector<16xf32>
      %get3A_682 = arith.index_cast %scan3A_62 : i32 to index
      %get3A_683 = arith.constant 704 : index
      %get3A_684 = tpu.vector_load %arg7[%get3A_682, %get3A_683] {strides = array<i32>} : memref<64x768xf32, #tpu.memory_space<vmem>>, vector<1x16xf32>,
      %get3A_685 = vector.shape_cast %get3A_684 : vector<1x16xf32> to vector<16xf32>
      %add3A_686 = arith.addf %get3A_681, %get3A_685 : vector<16xf32>
      %swap3A_687 = arith.index_cast %scan3A_62 : i32 to index
      %swap3A_688 = arith.constant 704 : index
      %swap3A_689 = tpu.vector_load %arg6[%swap3A_687, %swap3A_688] {strides = array<i32>} : memref<64x768xf32, #tpu.memory_space<vmem>>, vector<1x16xf32>,
      %swap3A_690 = vector.shape_cast %swap3A_689 : vector<1x16xf32> to vector<16xf32>
      %swap3A_691 = vector.shape_cast %add3A_686 : vector<16xf32> to vector<1x16xf32>
      tpu.vector_store %arg6[%swap3A_687, %swap3A_688], %swap3A_691 {strides = array<i32>} : memref<64x768xf32, #tpu.memory_space<vmem>>, vector<1x16xf32>,
      %get3A_692 = arith.index_cast %scan3A_62 : i32 to index
      %get3A_693 = arith.constant 720 : index
      %get3A_694 = tpu.vector_load %arg6[%get3A_692, %get3A_693] {strides = array<i32>} : memref<64x768xf32, #tpu.memory_space<vmem>>, vector<1x16xf32>,
      %get3A_695 = vector.shape_cast %get3A_694 : vector<1x16xf32> to vector<16xf32>
      %get3A_696 = arith.index_cast %scan3A_62 : i32 to index
      %get3A_697 = arith.constant 720 : index
      %get3A_698 = tpu.vector_load %arg7[%get3A_696, %get3A_697] {strides = array<i32>} : memref<64x768xf32, #tpu.memory_space<vmem>>, vector<1x16xf32>,
      %get3A_699 = vector.shape_cast %get3A_698 : vector<1x16xf32> to vector<16xf32>
      %add3A_700 = arith.addf %get3A_695, %get3A_699 : vector<16xf32>
      %swap3A_701 = arith.index_cast %scan3A_62 : i32 to index
      %swap3A_702 = arith.constant 720 : index
      %swap3A_703 = tpu.vector_load %arg6[%swap3A_701, %swap3A_702] {strides = array<i32>} : memref<64x768xf32, #tpu.memory_space<vmem>>, vector<1x16xf32>,
      %swap3A_704 = vector.shape_cast %swap3A_703 : vector<1x16xf32> to vector<16xf32>
      %swap3A_705 = vector.shape_cast %add3A_700 : vector<16xf32> to vector<1x16xf32>
      tpu.vector_store %arg6[%swap3A_701, %swap3A_702], %swap3A_705 {strides = array<i32>} : memref<64x768xf32, #tpu.memory_space<vmem>>, vector<1x16xf32>,
      %get3A_706 = arith.index_cast %scan3A_62 : i32 to index
      %get3A_707 = arith.constant 736 : index
      %get3A_708 = tpu.vector_load %arg6[%get3A_706, %get3A_707] {strides = array<i32>} : memref<64x768xf32, #tpu.memory_space<vmem>>, vector<1x16xf32>,
      %get3A_709 = vector.shape_cast %get3A_708 : vector<1x16xf32> to vector<16xf32>
      %get3A_710 = arith.index_cast %scan3A_62 : i32 to index
      %get3A_711 = arith.constant 736 : index
      %get3A_712 = tpu.vector_load %arg7[%get3A_710, %get3A_711] {strides = array<i32>} : memref<64x768xf32, #tpu.memory_space<vmem>>, vector<1x16xf32>,
      %get3A_713 = vector.shape_cast %get3A_712 : vector<1x16xf32> to vector<16xf32>
      %add3A_714 = arith.addf %get3A_709, %get3A_713 : vector<16xf32>
      %swap3A_715 = arith.index_cast %scan3A_62 : i32 to index
      %swap3A_716 = arith.constant 736 : index
      %swap3A_717 = tpu.vector_load %arg6[%swap3A_715, %swap3A_716] {strides = array<i32>} : memref<64x768xf32, #tpu.memory_space<vmem>>, vector<1x16xf32>,
      %swap3A_718 = vector.shape_cast %swap3A_717 : vector<1x16xf32> to vector<16xf32>
      %swap3A_719 = vector.shape_cast %add3A_714 : vector<16xf32> to vector<1x16xf32>
      tpu.vector_store %arg6[%swap3A_715, %swap3A_716], %swap3A_719 {strides = array<i32>} : memref<64x768xf32, #tpu.memory_space<vmem>>, vector<1x16xf32>,
      %get3A_720 = arith.index_cast %scan3A_62 : i32 to index
      %get3A_721 = arith.constant 752 : index
      %get3A_722 = tpu.vector_load %arg6[%get3A_720, %get3A_721] {strides = array<i32>} : memref<64x768xf32, #tpu.memory_space<vmem>>, vector<1x16xf32>,
      %get3A_723 = vector.shape_cast %get3A_722 : vector<1x16xf32> to vector<16xf32>
      %get3A_724 = arith.index_cast %scan3A_62 : i32 to index
      %get3A_725 = arith.constant 752 : index
      %get3A_726 = tpu.vector_load %arg7[%get3A_724, %get3A_725] {strides = array<i32>} : memref<64x768xf32, #tpu.memory_space<vmem>>, vector<1x16xf32>,
      %get3A_727 = vector.shape_cast %get3A_726 : vector<1x16xf32> to vector<16xf32>
      %add3A_728 = arith.addf %get3A_723, %get3A_727 : vector<16xf32>
      %swap3A_729 = arith.index_cast %scan3A_62 : i32 to index
      %swap3A_730 = arith.constant 752 : index
      %swap3A_731 = tpu.vector_load %arg6[%swap3A_729, %swap3A_730] {strides = array<i32>} : memref<64x768xf32, #tpu.memory_space<vmem>>, vector<1x16xf32>,
      %swap3A_732 = vector.shape_cast %swap3A_731 : vector<1x16xf32> to vector<16xf32>
      %swap3A_733 = vector.shape_cast %add3A_728 : vector<16xf32> to vector<1x16xf32>
      tpu.vector_store %arg6[%swap3A_729, %swap3A_730], %swap3A_733 {strides = array<i32>} : memref<64x768xf32, #tpu.memory_space<vmem>>, vector<1x16xf32>,
      %scan3A_734 = arith.constant 0 : i32
      scf.yield %scan3A_734 : i32
    }
    %scan3A_16 = arith.constant 64 : i32
    %dma_start3A_17 = arith.constant 0 : i32
    %dma_start3A_18 = arith.constant 0 : i32
    %dma_start3A_19 = tpu.memref_slice %arg3[%dma_start3A_17, %dma_start3A_18] : memref<16384x768xf32, #tpu.memory_space<hbm>> -> memref<16384x768xf32, #tpu.memory_space<hbm>>
    tpu.enqueue_indirect_dma source(%dma_start3A_19 : memref<16384x768xf32, #tpu.memory_space<hbm>>) target(%arg7 : memref<64x768xf32, #tpu.memory_space<vmem>>) offsets(%arg9 : memref<64xi32, #tpu.memory_space<vmem>>) semaphore(%arg11 : memref<!tpu.dma_semaphore, #tpu.memory_space<semaphore_mem>>)
    %dma_wait3A_20 = arith.constant 0 : i32
    %dma_wait3A_21 = arith.constant 0 : i32
    %dma_wait3A_22 = tpu.memref_slice %arg3[%dma_wait3A_20, %dma_wait3A_21] : memref<16384x768xf32, #tpu.memory_space<hbm>> -> memref<16384x768xf32, #tpu.memory_space<hbm>>
    tpu.wait_indirect_dma semaphore(%arg11 : memref<!tpu.dma_semaphore, #tpu.memory_space<semaphore_mem>>) src(%dma_wait3A_22 : memref<16384x768xf32, #tpu.memory_space<hbm>>) dst(%arg7 : memref<64x768xf32, #tpu.memory_space<vmem>>)
    %scan3A_23 = arith.constant 0 : i32
    %scan3A_24 = arith.constant 0 : i32
    %scan3A_25 = arith.constant 64 : i32
    %scan3A_26 = arith.addi %scan3A_24, %scan3A_25 : i32
    %scan3A_27 = arith.constant 1 : i32
    %scan3A_28 = scf.for %scan3A_62 = %scan3A_24 to %scan3A_26 step %scan3A_27 iter_args(%scan3A_63 = %scan3A_23) -> (i32)  : i32 {
      %get3A = arith.index_cast %scan3A_62 : i32 to index
      %get3A_64 = arith.constant 0 : index
      %get3A_65 = tpu.vector_load %arg6[%get3A, %get3A_64] {strides = array<i32>} : memref<64x768xf32, #tpu.memory_space<vmem>>, vector<1x16xf32>,
      %get3A_66 = vector.shape_cast %get3A_65 : vector<1x16xf32> to vector<16xf32>
      %get3A_67 = arith.index_cast %scan3A_62 : i32 to index
      %get3A_68 = arith.constant 0 : index
      %get3A_69 = tpu.vector_load %arg7[%get3A_67, %get3A_68] {strides = array<i32>} : memref<64x768xf32, #tpu.memory_space<vmem>>, vector<1x16xf32>,
      %get3A_70 = vector.shape_cast %get3A_69 : vector<1x16xf32> to vector<16xf32>
      %add3A_71 = arith.addf %get3A_66, %get3A_70 : vector<16xf32>
      %swap3A = arith.index_cast %scan3A_62 : i32 to index
      %swap3A_72 = arith.constant 0 : index
      %swap3A_73 = tpu.vector_load %arg6[%swap3A, %swap3A_72] {strides = array<i32>} : memref<64x768xf32, #tpu.memory_space<vmem>>, vector<1x16xf32>,
      %swap3A_74 = vector.shape_cast %swap3A_73 : vector<1x16xf32> to vector<16xf32>
      %swap3A_75 = vector.shape_cast %add3A_71 : vector<16xf32> to vector<1x16xf32>
      tpu.vector_store %arg6[%swap3A, %swap3A_72], %swap3A_75 {strides = array<i32>} : memref<64x768xf32, #tpu.memory_space<vmem>>, vector<1x16xf32>,
      %get3A_76 = arith.index_cast %scan3A_62 : i32 to index
      %get3A_77 = arith.constant 16 : index
      %get3A_78 = tpu.vector_load %arg6[%get3A_76, %get3A_77] {strides = array<i32>} : memref<64x768xf32, #tpu.memory_space<vmem>>, vector<1x16xf32>,
      %get3A_79 = vector.shape_cast %get3A_78 : vector<1x16xf32> to vector<16xf32>
      %get3A_80 = arith.index_cast %scan3A_62 : i32 to index
      %get3A_81 = arith.constant 16 : index
      %get3A_82 = tpu.vector_load %arg7[%get3A_80, %get3A_81] {strides = array<i32>} : memref<64x768xf32, #tpu.memory_space<vmem>>, vector<1x16xf32>,
      %get3A_83 = vector.shape_cast %get3A_82 : vector<1x16xf32> to vector<16xf32>
      %add3A_84 = arith.addf %get3A_79, %get3A_83 : vector<16xf32>
      %swap3A_85 = arith.index_cast %scan3A_62 : i32 to index
      %swap3A_86 = arith.constant 16 : index
      %swap3A_87 = tpu.vector_load %arg6[%swap3A_85, %swap3A_86] {strides = array<i32>} : memref<64x768xf32, #tpu.memory_space<vmem>>, vector<1x16xf32>,
      %swap3A_88 = vector.shape_cast %swap3A_87 : vector<1x16xf32> to vector<16xf32>
      %swap3A_89 = vector.shape_cast %add3A_84 : vector<16xf32> to vector<1x16xf32>
      tpu.vector_store %arg6[%swap3A_85, %swap3A_86], %swap3A_89 {strides = array<i32>} : memref<64x768xf32, #tpu.memory_space<vmem>>, vector<1x16xf32>,
      %get3A_90 = arith.index_cast %scan3A_62 : i32 to index
      %get3A_91 = arith.constant 32 : index
      %get3A_92 = tpu.vector_load %arg6[%get3A_90, %get3A_91] {strides = array<i32>} : memref<64x768xf32, #tpu.memory_space<vmem>>, vector<1x16xf32>,
      %get3A_93 = vector.shape_cast %get3A_92 : vector<1x16xf32> to vector<16xf32>
      %get3A_94 = arith.index_cast %scan3A_62 : i32 to index
      %get3A_95 = arith.constant 32 : index
      %get3A_96 = tpu.vector_load %arg7[%get3A_94, %get3A_95] {strides = array<i32>} : memref<64x768xf32, #tpu.memory_space<vmem>>, vector<1x16xf32>,
      %get3A_97 = vector.shape_cast %get3A_96 : vector<1x16xf32> to vector<16xf32>
      %add3A_98 = arith.addf %get3A_93, %get3A_97 : vector<16xf32>
      %swap3A_99 = arith.index_cast %scan3A_62 : i32 to index
      %swap3A_100 = arith.constant 32 : index
      %swap3A_101 = tpu.vector_load %arg6[%swap3A_99, %swap3A_100] {strides = array<i32>} : memref<64x768xf32, #tpu.memory_space<vmem>>, vector<1x16xf32>,
      %swap3A_102 = vector.shape_cast %swap3A_101 : vector<1x16xf32> to vector<16xf32>
      %swap3A_103 = vector.shape_cast %add3A_98 : vector<16xf32> to vector<1x16xf32>
      tpu.vector_store %arg6[%swap3A_99, %swap3A_100], %swap3A_103 {strides = array<i32>} : memref<64x768xf32, #tpu.memory_space<vmem>>, vector<1x16xf32>,
      %get3A_104 = arith.index_cast %scan3A_62 : i32 to index
      %get3A_105 = arith.constant 48 : index
      %get3A_106 = tpu.vector_load %arg6[%get3A_104, %get3A_105] {strides = array<i32>} : memref<64x768xf32, #tpu.memory_space<vmem>>, vector<1x16xf32>,
      %get3A_107 = vector.shape_cast %get3A_106 : vector<1x16xf32> to vector<16xf32>
      %get3A_108 = arith.index_cast %scan3A_62 : i32 to index
      %get3A_109 = arith.constant 48 : index
      %get3A_110 = tpu.vector_load %arg7[%get3A_108, %get3A_109] {strides = array<i32>} : memref<64x768xf32, #tpu.memory_space<vmem>>, vector<1x16xf32>,
      %get3A_111 = vector.shape_cast %get3A_110 : vector<1x16xf32> to vector<16xf32>
      %add3A_112 = arith.addf %get3A_107, %get3A_111 : vector<16xf32>
      %swap3A_113 = arith.index_cast %scan3A_62 : i32 to index
      %swap3A_114 = arith.constant 48 : index
      %swap3A_115 = tpu.vector_load %arg6[%swap3A_113, %swap3A_114] {strides = array<i32>} : memref<64x768xf32, #tpu.memory_space<vmem>>, vector<1x16xf32>,
      %swap3A_116 = vector.shape_cast %swap3A_115 : vector<1x16xf32> to vector<16xf32>
      %swap3A_117 = vector.shape_cast %add3A_112 : vector<16xf32> to vector<1x16xf32>
      tpu.vector_store %arg6[%swap3A_113, %swap3A_114], %swap3A_117 {strides = array<i32>} : memref<64x768xf32, #tpu.memory_space<vmem>>, vector<1x16xf32>,
      %get3A_118 = arith.index_cast %scan3A_62 : i32 to index
      %get3A_119 = arith.constant 64 : index
      %get3A_120 = tpu.vector_load %arg6[%get3A_118, %get3A_119] {strides = array<i32>} : memref<64x768xf32, #tpu.memory_space<vmem>>, vector<1x16xf32>,
      %get3A_121 = vector.shape_cast %get3A_120 : vector<1x16xf32> to vector<16xf32>
      %get3A_122 = arith.index_cast %scan3A_62 : i32 to index
      %get3A_123 = arith.constant 64 : index
      %get3A_124 = tpu.vector_load %arg7[%get3A_122, %get3A_123] {strides = array<i32>} : memref<64x768xf32, #tpu.memory_space<vmem>>, vector<1x16xf32>,
      %get3A_125 = vector.shape_cast %get3A_124 : vector<1x16xf32> to vector<16xf32>
      %add3A_126 = arith.addf %get3A_121, %get3A_125 : vector<16xf32>
      %swap3A_127 = arith.index_cast %scan3A_62 : i32 to index
      %swap3A_128 = arith.constant 64 : index
      %swap3A_129 = tpu.vector_load %arg6[%swap3A_127, %swap3A_128] {strides = array<i32>} : memref<64x768xf32, #tpu.memory_space<vmem>>, vector<1x16xf32>,
      %swap3A_130 = vector.shape_cast %swap3A_129 : vector<1x16xf32> to vector<16xf32>
      %swap3A_131 = vector.shape_cast %add3A_126 : vector<16xf32> to vector<1x16xf32>
      tpu.vector_store %arg6[%swap3A_127, %swap3A_128], %swap3A_131 {strides = array<i32>} : memref<64x768xf32, #tpu.memory_space<vmem>>, vector<1x16xf32>,
      %get3A_132 = arith.index_cast %scan3A_62 : i32 to index
      %get3A_133 = arith.constant 80 : index
      %get3A_134 = tpu.vector_load %arg6[%get3A_132, %get3A_133] {strides = array<i32>} : memref<64x768xf32, #tpu.memory_space<vmem>>, vector<1x16xf32>,
      %get3A_135 = vector.shape_cast %get3A_134 : vector<1x16xf32> to vector<16xf32>
      %get3A_136 = arith.index_cast %scan3A_62 : i32 to index
      %get3A_137 = arith.constant 80 : index
      %get3A_138 = tpu.vector_load %arg7[%get3A_136, %get3A_137] {strides = array<i32>} : memref<64x768xf32, #tpu.memory_space<vmem>>, vector<1x16xf32>,
      %get3A_139 = vector.shape_cast %get3A_138 : vector<1x16xf32> to vector<16xf32>
      %add3A_140 = arith.addf %get3A_135, %get3A_139 : vector<16xf32>
      %swap3A_141 = arith.index_cast %scan3A_62 : i32 to index
      %swap3A_142 = arith.constant 80 : index
      %swap3A_143 = tpu.vector_load %arg6[%swap3A_141, %swap3A_142] {strides = array<i32>} : memref<64x768xf32, #tpu.memory_space<vmem>>, vector<1x16xf32>,
      %swap3A_144 = vector.shape_cast %swap3A_143 : vector<1x16xf32> to vector<16xf32>
      %swap3A_145 = vector.shape_cast %add3A_140 : vector<16xf32> to vector<1x16xf32>
      tpu.vector_store %arg6[%swap3A_141, %swap3A_142], %swap3A_145 {strides = array<i32>} : memref<64x768xf32, #tpu.memory_space<vmem>>, vector<1x16xf32>,
      %get3A_146 = arith.index_cast %scan3A_62 : i32 to index
      %get3A_147 = arith.constant 96 : index
      %get3A_148 = tpu.vector_load %arg6[%get3A_146, %get3A_147] {strides = array<i32>} : memref<64x768xf32, #tpu.memory_space<vmem>>, vector<1x16xf32>,
      %get3A_149 = vector.shape_cast %get3A_148 : vector<1x16xf32> to vector<16xf32>
      %get3A_150 = arith.index_cast %scan3A_62 : i32 to index
      %get3A_151 = arith.constant 96 : index
      %get3A_152 = tpu.vector_load %arg7[%get3A_150, %get3A_151] {strides = array<i32>} : memref<64x768xf32, #tpu.memory_space<vmem>>, vector<1x16xf32>,
      %get3A_153 = vector.shape_cast %get3A_152 : vector<1x16xf32> to vector<16xf32>
      %add3A_154 = arith.addf %get3A_149, %get3A_153 : vector<16xf32>
      %swap3A_155 = arith.index_cast %scan3A_62 : i32 to index
      %swap3A_156 = arith.constant 96 : index
      %swap3A_157 = tpu.vector_load %arg6[%swap3A_155, %swap3A_156] {strides = array<i32>} : memref<64x768xf32, #tpu.memory_space<vmem>>, vector<1x16xf32>,
      %swap3A_158 = vector.shape_cast %swap3A_157 : vector<1x16xf32> to vector<16xf32>
      %swap3A_159 = vector.shape_cast %add3A_154 : vector<16xf32> to vector<1x16xf32>
      tpu.vector_store %arg6[%swap3A_155, %swap3A_156], %swap3A_159 {strides = array<i32>} : memref<64x768xf32, #tpu.memory_space<vmem>>, vector<1x16xf32>,
      %get3A_160 = arith.index_cast %scan3A_62 : i32 to index
      %get3A_161 = arith.constant 112 : index
      %get3A_162 = tpu.vector_load %arg6[%get3A_160, %get3A_161] {strides = array<i32>} : memref<64x768xf32, #tpu.memory_space<vmem>>, vector<1x16xf32>,
      %get3A_163 = vector.shape_cast %get3A_162 : vector<1x16xf32> to vector<16xf32>
      %get3A_164 = arith.index_cast %scan3A_62 : i32 to index
      %get3A_165 = arith.constant 112 : index
      %get3A_166 = tpu.vector_load %arg7[%get3A_164, %get3A_165] {strides = array<i32>} : memref<64x768xf32, #tpu.memory_space<vmem>>, vector<1x16xf32>,
      %get3A_167 = vector.shape_cast %get3A_166 : vector<1x16xf32> to vector<16xf32>
      %add3A_168 = arith.addf %get3A_163, %get3A_167 : vector<16xf32>
      %swap3A_169 = arith.index_cast %scan3A_62 : i32 to index
      %swap3A_170 = arith.constant 112 : index
      %swap3A_171 = tpu.vector_load %arg6[%swap3A_169, %swap3A_170] {strides = array<i32>} : memref<64x768xf32, #tpu.memory_space<vmem>>, vector<1x16xf32>,
      %swap3A_172 = vector.shape_cast %swap3A_171 : vector<1x16xf32> to vector<16xf32>
      %swap3A_173 = vector.shape_cast %add3A_168 : vector<16xf32> to vector<1x16xf32>
      tpu.vector_store %arg6[%swap3A_169, %swap3A_170], %swap3A_173 {strides = array<i32>} : memref<64x768xf32, #tpu.memory_space<vmem>>, vector<1x16xf32>,
      %get3A_174 = arith.index_cast %scan3A_62 : i32 to index
      %get3A_175 = arith.constant 128 : index
      %get3A_176 = tpu.vector_load %arg6[%get3A_174, %get3A_175] {strides = array<i32>} : memref<64x768xf32, #tpu.memory_space<vmem>>, vector<1x16xf32>,
      %get3A_177 = vector.shape_cast %get3A_176 : vector<1x16xf32> to vector<16xf32>
      %get3A_178 = arith.index_cast %scan3A_62 : i32 to index
      %get3A_179 = arith.constant 128 : index
      %get3A_180 = tpu.vector_load %arg7[%get3A_178, %get3A_179] {strides = array<i32>} : memref<64x768xf32, #tpu.memory_space<vmem>>, vector<1x16xf32>,
      %get3A_181 = vector.shape_cast %get3A_180 : vector<1x16xf32> to vector<16xf32>
      %add3A_182 = arith.addf %get3A_177, %get3A_181 : vector<16xf32>
      %swap3A_183 = arith.index_cast %scan3A_62 : i32 to index
      %swap3A_184 = arith.constant 128 : index
      %swap3A_185 = tpu.vector_load %arg6[%swap3A_183, %swap3A_184] {strides = array<i32>} : memref<64x768xf32, #tpu.memory_space<vmem>>, vector<1x16xf32>,
      %swap3A_186 = vector.shape_cast %swap3A_185 : vector<1x16xf32> to vector<16xf32>
      %swap3A_187 = vector.shape_cast %add3A_182 : vector<16xf32> to vector<1x16xf32>
      tpu.vector_store %arg6[%swap3A_183, %swap3A_184], %swap3A_187 {strides = array<i32>} : memref<64x768xf32, #tpu.memory_space<vmem>>, vector<1x16xf32>,
      %get3A_188 = arith.index_cast %scan3A_62 : i32 to index
      %get3A_189 = arith.constant 144 : index
      %get3A_190 = tpu.vector_load %arg6[%get3A_188, %get3A_189] {strides = array<i32>} : memref<64x768xf32, #tpu.memory_space<vmem>>, vector<1x16xf32>,
      %get3A_191 = vector.shape_cast %get3A_190 : vector<1x16xf32> to vector<16xf32>
      %get3A_192 = arith.index_cast %scan3A_62 : i32 to index
      %get3A_193 = arith.constant 144 : index
      %get3A_194 = tpu.vector_load %arg7[%get3A_192, %get3A_193] {strides = array<i32>} : memref<64x768xf32, #tpu.memory_space<vmem>>, vector<1x16xf32>,
      %get3A_195 = vector.shape_cast %get3A_194 : vector<1x16xf32> to vector<16xf32>
      %add3A_196 = arith.addf %get3A_191, %get3A_195 : vector<16xf32>
      %swap3A_197 = arith.index_cast %scan3A_62 : i32 to index
      %swap3A_198 = arith.constant 144 : index
      %swap3A_199 = tpu.vector_load %arg6[%swap3A_197, %swap3A_198] {strides = array<i32>} : memref<64x768xf32, #tpu.memory_space<vmem>>, vector<1x16xf32>,
      %swap3A_200 = vector.shape_cast %swap3A_199 : vector<1x16xf32> to vector<16xf32>
      %swap3A_201 = vector.shape_cast %add3A_196 : vector<16xf32> to vector<1x16xf32>
      tpu.vector_store %arg6[%swap3A_197, %swap3A_198], %swap3A_201 {strides = array<i32>} : memref<64x768xf32, #tpu.memory_space<vmem>>, vector<1x16xf32>,
      %get3A_202 = arith.index_cast %scan3A_62 : i32 to index
      %get3A_203 = arith.constant 160 : index
      %get3A_204 = tpu.vector_load %arg6[%get3A_202, %get3A_203] {strides = array<i32>} : memref<64x768xf32, #tpu.memory_space<vmem>>, vector<1x16xf32>,
      %get3A_205 = vector.shape_cast %get3A_204 : vector<1x16xf32> to vector<16xf32>
      %get3A_206 = arith.index_cast %scan3A_62 : i32 to index
      %get3A_207 = arith.constant 160 : index
      %get3A_208 = tpu.vector_load %arg7[%get3A_206, %get3A_207] {strides = array<i32>} : memref<64x768xf32, #tpu.memory_space<vmem>>, vector<1x16xf32>,
      %get3A_209 = vector.shape_cast %get3A_208 : vector<1x16xf32> to vector<16xf32>
      %add3A_210 = arith.addf %get3A_205, %get3A_209 : vector<16xf32>
      %swap3A_211 = arith.index_cast %scan3A_62 : i32 to index
      %swap3A_212 = arith.constant 160 : index
      %swap3A_213 = tpu.vector_load %arg6[%swap3A_211, %swap3A_212] {strides = array<i32>} : memref<64x768xf32, #tpu.memory_space<vmem>>, vector<1x16xf32>,
      %swap3A_214 = vector.shape_cast %swap3A_213 : vector<1x16xf32> to vector<16xf32>
      %swap3A_215 = vector.shape_cast %add3A_210 : vector<16xf32> to vector<1x16xf32>
      tpu.vector_store %arg6[%swap3A_211, %swap3A_212], %swap3A_215 {strides = array<i32>} : memref<64x768xf32, #tpu.memory_space<vmem>>, vector<1x16xf32>,
      %get3A_216 = arith.index_cast %scan3A_62 : i32 to index
      %get3A_217 = arith.constant 176 : index
      %get3A_218 = tpu.vector_load %arg6[%get3A_216, %get3A_217] {strides = array<i32>} : memref<64x768xf32, #tpu.memory_space<vmem>>, vector<1x16xf32>,
      %get3A_219 = vector.shape_cast %get3A_218 : vector<1x16xf32> to vector<16xf32>
      %get3A_220 = arith.index_cast %scan3A_62 : i32 to index
      %get3A_221 = arith.constant 176 : index
      %get3A_222 = tpu.vector_load %arg7[%get3A_220, %get3A_221] {strides = array<i32>} : memref<64x768xf32, #tpu.memory_space<vmem>>, vector<1x16xf32>,
      %get3A_223 = vector.shape_cast %get3A_222 : vector<1x16xf32> to vector<16xf32>
      %add3A_224 = arith.addf %get3A_219, %get3A_223 : vector<16xf32>
      %swap3A_225 = arith.index_cast %scan3A_62 : i32 to index
      %swap3A_226 = arith.constant 176 : index
      %swap3A_227 = tpu.vector_load %arg6[%swap3A_225, %swap3A_226] {strides = array<i32>} : memref<64x768xf32, #tpu.memory_space<vmem>>, vector<1x16xf32>,
      %swap3A_228 = vector.shape_cast %swap3A_227 : vector<1x16xf32> to vector<16xf32>
      %swap3A_229 = vector.shape_cast %add3A_224 : vector<16xf32> to vector<1x16xf32>
      tpu.vector_store %arg6[%swap3A_225, %swap3A_226], %swap3A_229 {strides = array<i32>} : memref<64x768xf32, #tpu.memory_space<vmem>>, vector<1x16xf32>,
      %get3A_230 = arith.index_cast %scan3A_62 : i32 to index
      %get3A_231 = arith.constant 192 : index
      %get3A_232 = tpu.vector_load %arg6[%get3A_230, %get3A_231] {strides = array<i32>} : memref<64x768xf32, #tpu.memory_space<vmem>>, vector<1x16xf32>,
      %get3A_233 = vector.shape_cast %get3A_232 : vector<1x16xf32> to vector<16xf32>
      %get3A_234 = arith.index_cast %scan3A_62 : i32 to index
      %get3A_235 = arith.constant 192 : index
      %get3A_236 = tpu.vector_load %arg7[%get3A_234, %get3A_235] {strides = array<i32>} : memref<64x768xf32, #tpu.memory_space<vmem>>, vector<1x16xf32>,
      %get3A_237 = vector.shape_cast %get3A_236 : vector<1x16xf32> to vector<16xf32>
      %add3A_238 = arith.addf %get3A_233, %get3A_237 : vector<16xf32>
      %swap3A_239 = arith.index_cast %scan3A_62 : i32 to index
      %swap3A_240 = arith.constant 192 : index
      %swap3A_241 = tpu.vector_load %arg6[%swap3A_239, %swap3A_240] {strides = array<i32>} : memref<64x768xf32, #tpu.memory_space<vmem>>, vector<1x16xf32>,
      %swap3A_242 = vector.shape_cast %swap3A_241 : vector<1x16xf32> to vector<16xf32>
      %swap3A_243 = vector.shape_cast %add3A_238 : vector<16xf32> to vector<1x16xf32>
      tpu.vector_store %arg6[%swap3A_239, %swap3A_240], %swap3A_243 {strides = array<i32>} : memref<64x768xf32, #tpu.memory_space<vmem>>, vector<1x16xf32>,
      %get3A_244 = arith.index_cast %scan3A_62 : i32 to index
      %get3A_245 = arith.constant 208 : index
      %get3A_246 = tpu.vector_load %arg6[%get3A_244, %get3A_245] {strides = array<i32>} : memref<64x768xf32, #tpu.memory_space<vmem>>, vector<1x16xf32>,
      %get3A_247 = vector.shape_cast %get3A_246 : vector<1x16xf32> to vector<16xf32>
      %get3A_248 = arith.index_cast %scan3A_62 : i32 to index
      %get3A_249 = arith.constant 208 : index
      %get3A_250 = tpu.vector_load %arg7[%get3A_248, %get3A_249] {strides = array<i32>} : memref<64x768xf32, #tpu.memory_space<vmem>>, vector<1x16xf32>,
      %get3A_251 = vector.shape_cast %get3A_250 : vector<1x16xf32> to vector<16xf32>
      %add3A_252 = arith.addf %get3A_247, %get3A_251 : vector<16xf32>
      %swap3A_253 = arith.index_cast %scan3A_62 : i32 to index
      %swap3A_254 = arith.constant 208 : index
      %swap3A_255 = tpu.vector_load %arg6[%swap3A_253, %swap3A_254] {strides = array<i32>} : memref<64x768xf32, #tpu.memory_space<vmem>>, vector<1x16xf32>,
      %swap3A_256 = vector.shape_cast %swap3A_255 : vector<1x16xf32> to vector<16xf32>
      %swap3A_257 = vector.shape_cast %add3A_252 : vector<16xf32> to vector<1x16xf32>
      tpu.vector_store %arg6[%swap3A_253, %swap3A_254], %swap3A_257 {strides = array<i32>} : memref<64x768xf32, #tpu.memory_space<vmem>>, vector<1x16xf32>,
      %get3A_258 = arith.index_cast %scan3A_62 : i32 to index
      %get3A_259 = arith.constant 224 : index
      %get3A_260 = tpu.vector_load %arg6[%get3A_258, %get3A_259] {strides = array<i32>} : memref<64x768xf32, #tpu.memory_space<vmem>>, vector<1x16xf32>,
      %get3A_261 = vector.shape_cast %get3A_260 : vector<1x16xf32> to vector<16xf32>
      %get3A_262 = arith.index_cast %scan3A_62 : i32 to index
      %get3A_263 = arith.constant 224 : index
      %get3A_264 = tpu.vector_load %arg7[%get3A_262, %get3A_263] {strides = array<i32>} : memref<64x768xf32, #tpu.memory_space<vmem>>, vector<1x16xf32>,
      %get3A_265 = vector.shape_cast %get3A_264 : vector<1x16xf32> to vector<16xf32>
      %add3A_266 = arith.addf %get3A_261, %get3A_265 : vector<16xf32>
      %swap3A_267 = arith.index_cast %scan3A_62 : i32 to index
      %swap3A_268 = arith.constant 224 : index
      %swap3A_269 = tpu.vector_load %arg6[%swap3A_267, %swap3A_268] {strides = array<i32>} : memref<64x768xf32, #tpu.memory_space<vmem>>, vector<1x16xf32>,
      %swap3A_270 = vector.shape_cast %swap3A_269 : vector<1x16xf32> to vector<16xf32>
      %swap3A_271 = vector.shape_cast %add3A_266 : vector<16xf32> to vector<1x16xf32>
      tpu.vector_store %arg6[%swap3A_267, %swap3A_268], %swap3A_271 {strides = array<i32>} : memref<64x768xf32, #tpu.memory_space<vmem>>, vector<1x16xf32>,
      %get3A_272 = arith.index_cast %scan3A_62 : i32 to index
      %get3A_273 = arith.constant 240 : index
      %get3A_274 = tpu.vector_load %arg6[%get3A_272, %get3A_273] {strides = array<i32>} : memref<64x768xf32, #tpu.memory_space<vmem>>, vector<1x16xf32>,
      %get3A_275 = vector.shape_cast %get3A_274 : vector<1x16xf32> to vector<16xf32>
      %get3A_276 = arith.index_cast %scan3A_62 : i32 to index
      %get3A_277 = arith.constant 240 : index
      %get3A_278 = tpu.vector_load %arg7[%get3A_276, %get3A_277] {strides = array<i32>} : memref<64x768xf32, #tpu.memory_space<vmem>>, vector<1x16xf32>,
      %get3A_279 = vector.shape_cast %get3A_278 : vector<1x16xf32> to vector<16xf32>
      %add3A_280 = arith.addf %get3A_275, %get3A_279 : vector<16xf32>
      %swap3A_281 = arith.index_cast %scan3A_62 : i32 to index
      %swap3A_282 = arith.constant 240 : index
      %swap3A_283 = tpu.vector_load %arg6[%swap3A_281, %swap3A_282] {strides = array<i32>} : memref<64x768xf32, #tpu.memory_space<vmem>>, vector<1x16xf32>,
      %swap3A_284 = vector.shape_cast %swap3A_283 : vector<1x16xf32> to vector<16xf32>
      %swap3A_285 = vector.shape_cast %add3A_280 : vector<16xf32> to vector<1x16xf32>
      tpu.vector_store %arg6[%swap3A_281, %swap3A_282], %swap3A_285 {strides = array<i32>} : memref<64x768xf32, #tpu.memory_space<vmem>>, vector<1x16xf32>,
      %get3A_286 = arith.index_cast %scan3A_62 : i32 to index
      %get3A_287 = arith.constant 256 : index
      %get3A_288 = tpu.vector_load %arg6[%get3A_286, %get3A_287] {strides = array<i32>} : memref<64x768xf32, #tpu.memory_space<vmem>>, vector<1x16xf32>,
      %get3A_289 = vector.shape_cast %get3A_288 : vector<1x16xf32> to vector<16xf32>
      %get3A_290 = arith.index_cast %scan3A_62 : i32 to index
      %get3A_291 = arith.constant 256 : index
      %get3A_292 = tpu.vector_load %arg7[%get3A_290, %get3A_291] {strides = array<i32>} : memref<64x768xf32, #tpu.memory_space<vmem>>, vector<1x16xf32>,
      %get3A_293 = vector.shape_cast %get3A_292 : vector<1x16xf32> to vector<16xf32>
      %add3A_294 = arith.addf %get3A_289, %get3A_293 : vector<16xf32>
      %swap3A_295 = arith.index_cast %scan3A_62 : i32 to index
      %swap3A_296 = arith.constant 256 : index
      %swap3A_297 = tpu.vector_load %arg6[%swap3A_295, %swap3A_296] {strides = array<i32>} : memref<64x768xf32, #tpu.memory_space<vmem>>, vector<1x16xf32>,
      %swap3A_298 = vector.shape_cast %swap3A_297 : vector<1x16xf32> to vector<16xf32>
      %swap3A_299 = vector.shape_cast %add3A_294 : vector<16xf32> to vector<1x16xf32>
      tpu.vector_store %arg6[%swap3A_295, %swap3A_296], %swap3A_299 {strides = array<i32>} : memref<64x768xf32, #tpu.memory_space<vmem>>, vector<1x16xf32>,
      %get3A_300 = arith.index_cast %scan3A_62 : i32 to index
      %get3A_301 = arith.constant 272 : index
      %get3A_302 = tpu.vector_load %arg6[%get3A_300, %get3A_301] {strides = array<i32>} : memref<64x768xf32, #tpu.memory_space<vmem>>, vector<1x16xf32>,
      %get3A_303 = vector.shape_cast %get3A_302 : vector<1x16xf32> to vector<16xf32>
      %get3A_304 = arith.index_cast %scan3A_62 : i32 to index
      %get3A_305 = arith.constant 272 : index
      %get3A_306 = tpu.vector_load %arg7[%get3A_304, %get3A_305] {strides = array<i32>} : memref<64x768xf32, #tpu.memory_space<vmem>>, vector<1x16xf32>,
      %get3A_307 = vector.shape_cast %get3A_306 : vector<1x16xf32> to vector<16xf32>
      %add3A_308 = arith.addf %get3A_303, %get3A_307 : vector<16xf32>
      %swap3A_309 = arith.index_cast %scan3A_62 : i32 to index
      %swap3A_310 = arith.constant 272 : index
      %swap3A_311 = tpu.vector_load %arg6[%swap3A_309, %swap3A_310] {strides = array<i32>} : memref<64x768xf32, #tpu.memory_space<vmem>>, vector<1x16xf32>,
      %swap3A_312 = vector.shape_cast %swap3A_311 : vector<1x16xf32> to vector<16xf32>
      %swap3A_313 = vector.shape_cast %add3A_308 : vector<16xf32> to vector<1x16xf32>
      tpu.vector_store %arg6[%swap3A_309, %swap3A_310], %swap3A_313 {strides = array<i32>} : memref<64x768xf32, #tpu.memory_space<vmem>>, vector<1x16xf32>,
      %get3A_314 = arith.index_cast %scan3A_62 : i32 to index
      %get3A_315 = arith.constant 288 : index
      %get3A_316 = tpu.vector_load %arg6[%get3A_314, %get3A_315] {strides = array<i32>} : memref<64x768xf32, #tpu.memory_space<vmem>>, vector<1x16xf32>,
      %get3A_317 = vector.shape_cast %get3A_316 : vector<1x16xf32> to vector<16xf32>
      %get3A_318 = arith.index_cast %scan3A_62 : i32 to index
      %get3A_319 = arith.constant 288 : index
      %get3A_320 = tpu.vector_load %arg7[%get3A_318, %get3A_319] {strides = array<i32>} : memref<64x768xf32, #tpu.memory_space<vmem>>, vector<1x16xf32>,
      %get3A_321 = vector.shape_cast %get3A_320 : vector<1x16xf32> to vector<16xf32>
      %add3A_322 = arith.addf %get3A_317, %get3A_321 : vector<16xf32>
      %swap3A_323 = arith.index_cast %scan3A_62 : i32 to index
      %swap3A_324 = arith.constant 288 : index
      %swap3A_325 = tpu.vector_load %arg6[%swap3A_323, %swap3A_324] {strides = array<i32>} : memref<64x768xf32, #tpu.memory_space<vmem>>, vector<1x16xf32>,
      %swap3A_326 = vector.shape_cast %swap3A_325 : vector<1x16xf32> to vector<16xf32>
      %swap3A_327 = vector.shape_cast %add3A_322 : vector<16xf32> to vector<1x16xf32>
      tpu.vector_store %arg6[%swap3A_323, %swap3A_324], %swap3A_327 {strides = array<i32>} : memref<64x768xf32, #tpu.memory_space<vmem>>, vector<1x16xf32>,
      %get3A_328 = arith.index_cast %scan3A_62 : i32 to index
      %get3A_329 = arith.constant 304 : index
      %get3A_330 = tpu.vector_load %arg6[%get3A_328, %get3A_329] {strides = array<i32>} : memref<64x768xf32, #tpu.memory_space<vmem>>, vector<1x16xf32>,
      %get3A_331 = vector.shape_cast %get3A_330 : vector<1x16xf32> to vector<16xf32>
      %get3A_332 = arith.index_cast %scan3A_62 : i32 to index
      %get3A_333 = arith.constant 304 : index
      %get3A_334 = tpu.vector_load %arg7[%get3A_332, %get3A_333] {strides = array<i32>} : memref<64x768xf32, #tpu.memory_space<vmem>>, vector<1x16xf32>,
      %get3A_335 = vector.shape_cast %get3A_334 : vector<1x16xf32> to vector<16xf32>
      %add3A_336 = arith.addf %get3A_331, %get3A_335 : vector<16xf32>
      %swap3A_337 = arith.index_cast %scan3A_62 : i32 to index
      %swap3A_338 = arith.constant 304 : index
      %swap3A_339 = tpu.vector_load %arg6[%swap3A_337, %swap3A_338] {strides = array<i32>} : memref<64x768xf32, #tpu.memory_space<vmem>>, vector<1x16xf32>,
      %swap3A_340 = vector.shape_cast %swap3A_339 : vector<1x16xf32> to vector<16xf32>
      %swap3A_341 = vector.shape_cast %add3A_336 : vector<16xf32> to vector<1x16xf32>
      tpu.vector_store %arg6[%swap3A_337, %swap3A_338], %swap3A_341 {strides = array<i32>} : memref<64x768xf32, #tpu.memory_space<vmem>>, vector<1x16xf32>,
      %get3A_342 = arith.index_cast %scan3A_62 : i32 to index
      %get3A_343 = arith.constant 320 : index
      %get3A_344 = tpu.vector_load %arg6[%get3A_342, %get3A_343] {strides = array<i32>} : memref<64x768xf32, #tpu.memory_space<vmem>>, vector<1x16xf32>,
      %get3A_345 = vector.shape_cast %get3A_344 : vector<1x16xf32> to vector<16xf32>
      %get3A_346 = arith.index_cast %scan3A_62 : i32 to index
      %get3A_347 = arith.constant 320 : index
      %get3A_348 = tpu.vector_load %arg7[%get3A_346, %get3A_347] {strides = array<i32>} : memref<64x768xf32, #tpu.memory_space<vmem>>, vector<1x16xf32>,
      %get3A_349 = vector.shape_cast %get3A_348 : vector<1x16xf32> to vector<16xf32>
      %add3A_350 = arith.addf %get3A_345, %get3A_349 : vector<16xf32>
      %swap3A_351 = arith.index_cast %scan3A_62 : i32 to index
      %swap3A_352 = arith.constant 320 : index
      %swap3A_353 = tpu.vector_load %arg6[%swap3A_351, %swap3A_352] {strides = array<i32>} : memref<64x768xf32, #tpu.memory_space<vmem>>, vector<1x16xf32>,
      %swap3A_354 = vector.shape_cast %swap3A_353 : vector<1x16xf32> to vector<16xf32>
      %swap3A_355 = vector.shape_cast %add3A_350 : vector<16xf32> to vector<1x16xf32>
      tpu.vector_store %arg6[%swap3A_351, %swap3A_352], %swap3A_355 {strides = array<i32>} : memref<64x768xf32, #tpu.memory_space<vmem>>, vector<1x16xf32>,
      %get3A_356 = arith.index_cast %scan3A_62 : i32 to index
      %get3A_357 = arith.constant 336 : index
      %get3A_358 = tpu.vector_load %arg6[%get3A_356, %get3A_357] {strides = array<i32>} : memref<64x768xf32, #tpu.memory_space<vmem>>, vector<1x16xf32>,
      %get3A_359 = vector.shape_cast %get3A_358 : vector<1x16xf32> to vector<16xf32>
      %get3A_360 = arith.index_cast %scan3A_62 : i32 to index
      %get3A_361 = arith.constant 336 : index
      %get3A_362 = tpu.vector_load %arg7[%get3A_360, %get3A_361] {strides = array<i32>} : memref<64x768xf32, #tpu.memory_space<vmem>>, vector<1x16xf32>,
      %get3A_363 = vector.shape_cast %get3A_362 : vector<1x16xf32> to vector<16xf32>
      %add3A_364 = arith.addf %get3A_359, %get3A_363 : vector<16xf32>
      %swap3A_365 = arith.index_cast %scan3A_62 : i32 to index
      %swap3A_366 = arith.constant 336 : index
      %swap3A_367 = tpu.vector_load %arg6[%swap3A_365, %swap3A_366] {strides = array<i32>} : memref<64x768xf32, #tpu.memory_space<vmem>>, vector<1x16xf32>,
      %swap3A_368 = vector.shape_cast %swap3A_367 : vector<1x16xf32> to vector<16xf32>
      %swap3A_369 = vector.shape_cast %add3A_364 : vector<16xf32> to vector<1x16xf32>
      tpu.vector_store %arg6[%swap3A_365, %swap3A_366], %swap3A_369 {strides = array<i32>} : memref<64x768xf32, #tpu.memory_space<vmem>>, vector<1x16xf32>,
      %get3A_370 = arith.index_cast %scan3A_62 : i32 to index
      %get3A_371 = arith.constant 352 : index
      %get3A_372 = tpu.vector_load %arg6[%get3A_370, %get3A_371] {strides = array<i32>} : memref<64x768xf32, #tpu.memory_space<vmem>>, vector<1x16xf32>,
      %get3A_373 = vector.shape_cast %get3A_372 : vector<1x16xf32> to vector<16xf32>
      %get3A_374 = arith.index_cast %scan3A_62 : i32 to index
      %get3A_375 = arith.constant 352 : index
      %get3A_376 = tpu.vector_load %arg7[%get3A_374, %get3A_375] {strides = array<i32>} : memref<64x768xf32, #tpu.memory_space<vmem>>, vector<1x16xf32>,
      %get3A_377 = vector.shape_cast %get3A_376 : vector<1x16xf32> to vector<16xf32>
      %add3A_378 = arith.addf %get3A_373, %get3A_377 : vector<16xf32>
      %swap3A_379 = arith.index_cast %scan3A_62 : i32 to index
      %swap3A_380 = arith.constant 352 : index
      %swap3A_381 = tpu.vector_load %arg6[%swap3A_379, %swap3A_380] {strides = array<i32>} : memref<64x768xf32, #tpu.memory_space<vmem>>, vector<1x16xf32>,
      %swap3A_382 = vector.shape_cast %swap3A_381 : vector<1x16xf32> to vector<16xf32>
      %swap3A_383 = vector.shape_cast %add3A_378 : vector<16xf32> to vector<1x16xf32>
      tpu.vector_store %arg6[%swap3A_379, %swap3A_380], %swap3A_383 {strides = array<i32>} : memref<64x768xf32, #tpu.memory_space<vmem>>, vector<1x16xf32>,
      %get3A_384 = arith.index_cast %scan3A_62 : i32 to index
      %get3A_385 = arith.constant 368 : index
      %get3A_386 = tpu.vector_load %arg6[%get3A_384, %get3A_385] {strides = array<i32>} : memref<64x768xf32, #tpu.memory_space<vmem>>, vector<1x16xf32>,
      %get3A_387 = vector.shape_cast %get3A_386 : vector<1x16xf32> to vector<16xf32>
      %get3A_388 = arith.index_cast %scan3A_62 : i32 to index
      %get3A_389 = arith.constant 368 : index
      %get3A_390 = tpu.vector_load %arg7[%get3A_388, %get3A_389] {strides = array<i32>} : memref<64x768xf32, #tpu.memory_space<vmem>>, vector<1x16xf32>,
      %get3A_391 = vector.shape_cast %get3A_390 : vector<1x16xf32> to vector<16xf32>
      %add3A_392 = arith.addf %get3A_387, %get3A_391 : vector<16xf32>
      %swap3A_393 = arith.index_cast %scan3A_62 : i32 to index
      %swap3A_394 = arith.constant 368 : index
      %swap3A_395 = tpu.vector_load %arg6[%swap3A_393, %swap3A_394] {strides = array<i32>} : memref<64x768xf32, #tpu.memory_space<vmem>>, vector<1x16xf32>,
      %swap3A_396 = vector.shape_cast %swap3A_395 : vector<1x16xf32> to vector<16xf32>
      %swap3A_397 = vector.shape_cast %add3A_392 : vector<16xf32> to vector<1x16xf32>
      tpu.vector_store %arg6[%swap3A_393, %swap3A_394], %swap3A_397 {strides = array<i32>} : memref<64x768xf32, #tpu.memory_space<vmem>>, vector<1x16xf32>,
      %get3A_398 = arith.index_cast %scan3A_62 : i32 to index
      %get3A_399 = arith.constant 384 : index
      %get3A_400 = tpu.vector_load %arg6[%get3A_398, %get3A_399] {strides = array<i32>} : memref<64x768xf32, #tpu.memory_space<vmem>>, vector<1x16xf32>,
      %get3A_401 = vector.shape_cast %get3A_400 : vector<1x16xf32> to vector<16xf32>
      %get3A_402 = arith.index_cast %scan3A_62 : i32 to index
      %get3A_403 = arith.constant 384 : index
      %get3A_404 = tpu.vector_load %arg7[%get3A_402, %get3A_403] {strides = array<i32>} : memref<64x768xf32, #tpu.memory_space<vmem>>, vector<1x16xf32>,
      %get3A_405 = vector.shape_cast %get3A_404 : vector<1x16xf32> to vector<16xf32>
      %add3A_406 = arith.addf %get3A_401, %get3A_405 : vector<16xf32>
      %swap3A_407 = arith.index_cast %scan3A_62 : i32 to index
      %swap3A_408 = arith.constant 384 : index
      %swap3A_409 = tpu.vector_load %arg6[%swap3A_407, %swap3A_408] {strides = array<i32>} : memref<64x768xf32, #tpu.memory_space<vmem>>, vector<1x16xf32>,
      %swap3A_410 = vector.shape_cast %swap3A_409 : vector<1x16xf32> to vector<16xf32>
      %swap3A_411 = vector.shape_cast %add3A_406 : vector<16xf32> to vector<1x16xf32>
      tpu.vector_store %arg6[%swap3A_407, %swap3A_408], %swap3A_411 {strides = array<i32>} : memref<64x768xf32, #tpu.memory_space<vmem>>, vector<1x16xf32>,
      %get3A_412 = arith.index_cast %scan3A_62 : i32 to index
      %get3A_413 = arith.constant 400 : index
      %get3A_414 = tpu.vector_load %arg6[%get3A_412, %get3A_413] {strides = array<i32>} : memref<64x768xf32, #tpu.memory_space<vmem>>, vector<1x16xf32>,
      %get3A_415 = vector.shape_cast %get3A_414 : vector<1x16xf32> to vector<16xf32>
      %get3A_416 = arith.index_cast %scan3A_62 : i32 to index
      %get3A_417 = arith.constant 400 : index
      %get3A_418 = tpu.vector_load %arg7[%get3A_416, %get3A_417] {strides = array<i32>} : memref<64x768xf32, #tpu.memory_space<vmem>>, vector<1x16xf32>,
      %get3A_419 = vector.shape_cast %get3A_418 : vector<1x16xf32> to vector<16xf32>
      %add3A_420 = arith.addf %get3A_415, %get3A_419 : vector<16xf32>
      %swap3A_421 = arith.index_cast %scan3A_62 : i32 to index
      %swap3A_422 = arith.constant 400 : index
      %swap3A_423 = tpu.vector_load %arg6[%swap3A_421, %swap3A_422] {strides = array<i32>} : memref<64x768xf32, #tpu.memory_space<vmem>>, vector<1x16xf32>,
      %swap3A_424 = vector.shape_cast %swap3A_423 : vector<1x16xf32> to vector<16xf32>
      %swap3A_425 = vector.shape_cast %add3A_420 : vector<16xf32> to vector<1x16xf32>
      tpu.vector_store %arg6[%swap3A_421, %swap3A_422], %swap3A_425 {strides = array<i32>} : memref<64x768xf32, #tpu.memory_space<vmem>>, vector<1x16xf32>,
      %get3A_426 = arith.index_cast %scan3A_62 : i32 to index
      %get3A_427 = arith.constant 416 : index
      %get3A_428 = tpu.vector_load %arg6[%get3A_426, %get3A_427] {strides = array<i32>} : memref<64x768xf32, #tpu.memory_space<vmem>>, vector<1x16xf32>,
      %get3A_429 = vector.shape_cast %get3A_428 : vector<1x16xf32> to vector<16xf32>
      %get3A_430 = arith.index_cast %scan3A_62 : i32 to index
      %get3A_431 = arith.constant 416 : index
      %get3A_432 = tpu.vector_load %arg7[%get3A_430, %get3A_431] {strides = array<i32>} : memref<64x768xf32, #tpu.memory_space<vmem>>, vector<1x16xf32>,
      %get3A_433 = vector.shape_cast %get3A_432 : vector<1x16xf32> to vector<16xf32>
      %add3A_434 = arith.addf %get3A_429, %get3A_433 : vector<16xf32>
      %swap3A_435 = arith.index_cast %scan3A_62 : i32 to index
      %swap3A_436 = arith.constant 416 : index
      %swap3A_437 = tpu.vector_load %arg6[%swap3A_435, %swap3A_436] {strides = array<i32>} : memref<64x768xf32, #tpu.memory_space<vmem>>, vector<1x16xf32>,
      %swap3A_438 = vector.shape_cast %swap3A_437 : vector<1x16xf32> to vector<16xf32>
      %swap3A_439 = vector.shape_cast %add3A_434 : vector<16xf32> to vector<1x16xf32>
      tpu.vector_store %arg6[%swap3A_435, %swap3A_436], %swap3A_439 {strides = array<i32>} : memref<64x768xf32, #tpu.memory_space<vmem>>, vector<1x16xf32>,
      %get3A_440 = arith.index_cast %scan3A_62 : i32 to index
      %get3A_441 = arith.constant 432 : index
      %get3A_442 = tpu.vector_load %arg6[%get3A_440, %get3A_441] {strides = array<i32>} : memref<64x768xf32, #tpu.memory_space<vmem>>, vector<1x16xf32>,
      %get3A_443 = vector.shape_cast %get3A_442 : vector<1x16xf32> to vector<16xf32>
      %get3A_444 = arith.index_cast %scan3A_62 : i32 to index
      %get3A_445 = arith.constant 432 : index
      %get3A_446 = tpu.vector_load %arg7[%get3A_444, %get3A_445] {strides = array<i32>} : memref<64x768xf32, #tpu.memory_space<vmem>>, vector<1x16xf32>,
      %get3A_447 = vector.shape_cast %get3A_446 : vector<1x16xf32> to vector<16xf32>
      %add3A_448 = arith.addf %get3A_443, %get3A_447 : vector<16xf32>
      %swap3A_449 = arith.index_cast %scan3A_62 : i32 to index
      %swap3A_450 = arith.constant 432 : index
      %swap3A_451 = tpu.vector_load %arg6[%swap3A_449, %swap3A_450] {strides = array<i32>} : memref<64x768xf32, #tpu.memory_space<vmem>>, vector<1x16xf32>,
      %swap3A_452 = vector.shape_cast %swap3A_451 : vector<1x16xf32> to vector<16xf32>
      %swap3A_453 = vector.shape_cast %add3A_448 : vector<16xf32> to vector<1x16xf32>
      tpu.vector_store %arg6[%swap3A_449, %swap3A_450], %swap3A_453 {strides = array<i32>} : memref<64x768xf32, #tpu.memory_space<vmem>>, vector<1x16xf32>,
      %get3A_454 = arith.index_cast %scan3A_62 : i32 to index
      %get3A_455 = arith.constant 448 : index
      %get3A_456 = tpu.vector_load %arg6[%get3A_454, %get3A_455] {strides = array<i32>} : memref<64x768xf32, #tpu.memory_space<vmem>>, vector<1x16xf32>,
      %get3A_457 = vector.shape_cast %get3A_456 : vector<1x16xf32> to vector<16xf32>
      %get3A_458 = arith.index_cast %scan3A_62 : i32 to index
      %get3A_459 = arith.constant 448 : index
      %get3A_460 = tpu.vector_load %arg7[%get3A_458, %get3A_459] {strides = array<i32>} : memref<64x768xf32, #tpu.memory_space<vmem>>, vector<1x16xf32>,
      %get3A_461 = vector.shape_cast %get3A_460 : vector<1x16xf32> to vector<16xf32>
      %add3A_462 = arith.addf %get3A_457, %get3A_461 : vector<16xf32>
      %swap3A_463 = arith.index_cast %scan3A_62 : i32 to index
      %swap3A_464 = arith.constant 448 : index
      %swap3A_465 = tpu.vector_load %arg6[%swap3A_463, %swap3A_464] {strides = array<i32>} : memref<64x768xf32, #tpu.memory_space<vmem>>, vector<1x16xf32>,
      %swap3A_466 = vector.shape_cast %swap3A_465 : vector<1x16xf32> to vector<16xf32>
      %swap3A_467 = vector.shape_cast %add3A_462 : vector<16xf32> to vector<1x16xf32>
      tpu.vector_store %arg6[%swap3A_463, %swap3A_464], %swap3A_467 {strides = array<i32>} : memref<64x768xf32, #tpu.memory_space<vmem>>, vector<1x16xf32>,
      %get3A_468 = arith.index_cast %scan3A_62 : i32 to index
      %get3A_469 = arith.constant 464 : index
      %get3A_470 = tpu.vector_load %arg6[%get3A_468, %get3A_469] {strides = array<i32>} : memref<64x768xf32, #tpu.memory_space<vmem>>, vector<1x16xf32>,
      %get3A_471 = vector.shape_cast %get3A_470 : vector<1x16xf32> to vector<16xf32>
      %get3A_472 = arith.index_cast %scan3A_62 : i32 to index
      %get3A_473 = arith.constant 464 : index
      %get3A_474 = tpu.vector_load %arg7[%get3A_472, %get3A_473] {strides = array<i32>} : memref<64x768xf32, #tpu.memory_space<vmem>>, vector<1x16xf32>,
      %get3A_475 = vector.shape_cast %get3A_474 : vector<1x16xf32> to vector<16xf32>
      %add3A_476 = arith.addf %get3A_471, %get3A_475 : vector<16xf32>
      %swap3A_477 = arith.index_cast %scan3A_62 : i32 to index
      %swap3A_478 = arith.constant 464 : index
      %swap3A_479 = tpu.vector_load %arg6[%swap3A_477, %swap3A_478] {strides = array<i32>} : memref<64x768xf32, #tpu.memory_space<vmem>>, vector<1x16xf32>,
      %swap3A_480 = vector.shape_cast %swap3A_479 : vector<1x16xf32> to vector<16xf32>
      %swap3A_481 = vector.shape_cast %add3A_476 : vector<16xf32> to vector<1x16xf32>
      tpu.vector_store %arg6[%swap3A_477, %swap3A_478], %swap3A_481 {strides = array<i32>} : memref<64x768xf32, #tpu.memory_space<vmem>>, vector<1x16xf32>,
      %get3A_482 = arith.index_cast %scan3A_62 : i32 to index
      %get3A_483 = arith.constant 480 : index
      %get3A_484 = tpu.vector_load %arg6[%get3A_482, %get3A_483] {strides = array<i32>} : memref<64x768xf32, #tpu.memory_space<vmem>>, vector<1x16xf32>,
      %get3A_485 = vector.shape_cast %get3A_484 : vector<1x16xf32> to vector<16xf32>
      %get3A_486 = arith.index_cast %scan3A_62 : i32 to index
      %get3A_487 = arith.constant 480 : index
      %get3A_488 = tpu.vector_load %arg7[%get3A_486, %get3A_487] {strides = array<i32>} : memref<64x768xf32, #tpu.memory_space<vmem>>, vector<1x16xf32>,
      %get3A_489 = vector.shape_cast %get3A_488 : vector<1x16xf32> to vector<16xf32>
      %add3A_490 = arith.addf %get3A_485, %get3A_489 : vector<16xf32>
      %swap3A_491 = arith.index_cast %scan3A_62 : i32 to index
      %swap3A_492 = arith.constant 480 : index
      %swap3A_493 = tpu.vector_load %arg6[%swap3A_491, %swap3A_492] {strides = array<i32>} : memref<64x768xf32, #tpu.memory_space<vmem>>, vector<1x16xf32>,
      %swap3A_494 = vector.shape_cast %swap3A_493 : vector<1x16xf32> to vector<16xf32>
      %swap3A_495 = vector.shape_cast %add3A_490 : vector<16xf32> to vector<1x16xf32>
      tpu.vector_store %arg6[%swap3A_491, %swap3A_492], %swap3A_495 {strides = array<i32>} : memref<64x768xf32, #tpu.memory_space<vmem>>, vector<1x16xf32>,
      %get3A_496 = arith.index_cast %scan3A_62 : i32 to index
      %get3A_497 = arith.constant 496 : index
      %get3A_498 = tpu.vector_load %arg6[%get3A_496, %get3A_497] {strides = array<i32>} : memref<64x768xf32, #tpu.memory_space<vmem>>, vector<1x16xf32>,
      %get3A_499 = vector.shape_cast %get3A_498 : vector<1x16xf32> to vector<16xf32>
      %get3A_500 = arith.index_cast %scan3A_62 : i32 to index
      %get3A_501 = arith.constant 496 : index
      %get3A_502 = tpu.vector_load %arg7[%get3A_500, %get3A_501] {strides = array<i32>} : memref<64x768xf32, #tpu.memory_space<vmem>>, vector<1x16xf32>,
      %get3A_503 = vector.shape_cast %get3A_502 : vector<1x16xf32> to vector<16xf32>
      %add3A_504 = arith.addf %get3A_499, %get3A_503 : vector<16xf32>
      %swap3A_505 = arith.index_cast %scan3A_62 : i32 to index
      %swap3A_506 = arith.constant 496 : index
      %swap3A_507 = tpu.vector_load %arg6[%swap3A_505, %swap3A_506] {strides = array<i32>} : memref<64x768xf32, #tpu.memory_space<vmem>>, vector<1x16xf32>,
      %swap3A_508 = vector.shape_cast %swap3A_507 : vector<1x16xf32> to vector<16xf32>
      %swap3A_509 = vector.shape_cast %add3A_504 : vector<16xf32> to vector<1x16xf32>
      tpu.vector_store %arg6[%swap3A_505, %swap3A_506], %swap3A_509 {strides = array<i32>} : memref<64x768xf32, #tpu.memory_space<vmem>>, vector<1x16xf32>,
      %get3A_510 = arith.index_cast %scan3A_62 : i32 to index
      %get3A_511 = arith.constant 512 : index
      %get3A_512 = tpu.vector_load %arg6[%get3A_510, %get3A_511] {strides = array<i32>} : memref<64x768xf32, #tpu.memory_space<vmem>>, vector<1x16xf32>,
      %get3A_513 = vector.shape_cast %get3A_512 : vector<1x16xf32> to vector<16xf32>
      %get3A_514 = arith.index_cast %scan3A_62 : i32 to index
      %get3A_515 = arith.constant 512 : index
      %get3A_516 = tpu.vector_load %arg7[%get3A_514, %get3A_515] {strides = array<i32>} : memref<64x768xf32, #tpu.memory_space<vmem>>, vector<1x16xf32>,
      %get3A_517 = vector.shape_cast %get3A_516 : vector<1x16xf32> to vector<16xf32>
      %add3A_518 = arith.addf %get3A_513, %get3A_517 : vector<16xf32>
      %swap3A_519 = arith.index_cast %scan3A_62 : i32 to index
      %swap3A_520 = arith.constant 512 : index
      %swap3A_521 = tpu.vector_load %arg6[%swap3A_519, %swap3A_520] {strides = array<i32>} : memref<64x768xf32, #tpu.memory_space<vmem>>, vector<1x16xf32>,
      %swap3A_522 = vector.shape_cast %swap3A_521 : vector<1x16xf32> to vector<16xf32>
      %swap3A_523 = vector.shape_cast %add3A_518 : vector<16xf32> to vector<1x16xf32>
      tpu.vector_store %arg6[%swap3A_519, %swap3A_520], %swap3A_523 {strides = array<i32>} : memref<64x768xf32, #tpu.memory_space<vmem>>, vector<1x16xf32>,
      %get3A_524 = arith.index_cast %scan3A_62 : i32 to index
      %get3A_525 = arith.constant 528 : index
      %get3A_526 = tpu.vector_load %arg6[%get3A_524, %get3A_525] {strides = array<i32>} : memref<64x768xf32, #tpu.memory_space<vmem>>, vector<1x16xf32>,
      %get3A_527 = vector.shape_cast %get3A_526 : vector<1x16xf32> to vector<16xf32>
      %get3A_528 = arith.index_cast %scan3A_62 : i32 to index
      %get3A_529 = arith.constant 528 : index
      %get3A_530 = tpu.vector_load %arg7[%get3A_528, %get3A_529] {strides = array<i32>} : memref<64x768xf32, #tpu.memory_space<vmem>>, vector<1x16xf32>,
      %get3A_531 = vector.shape_cast %get3A_530 : vector<1x16xf32> to vector<16xf32>
      %add3A_532 = arith.addf %get3A_527, %get3A_531 : vector<16xf32>
      %swap3A_533 = arith.index_cast %scan3A_62 : i32 to index
      %swap3A_534 = arith.constant 528 : index
      %swap3A_535 = tpu.vector_load %arg6[%swap3A_533, %swap3A_534] {strides = array<i32>} : memref<64x768xf32, #tpu.memory_space<vmem>>, vector<1x16xf32>,
      %swap3A_536 = vector.shape_cast %swap3A_535 : vector<1x16xf32> to vector<16xf32>
      %swap3A_537 = vector.shape_cast %add3A_532 : vector<16xf32> to vector<1x16xf32>
      tpu.vector_store %arg6[%swap3A_533, %swap3A_534], %swap3A_537 {strides = array<i32>} : memref<64x768xf32, #tpu.memory_space<vmem>>, vector<1x16xf32>,
      %get3A_538 = arith.index_cast %scan3A_62 : i32 to index
      %get3A_539 = arith.constant 544 : index
      %get3A_540 = tpu.vector_load %arg6[%get3A_538, %get3A_539] {strides = array<i32>} : memref<64x768xf32, #tpu.memory_space<vmem>>, vector<1x16xf32>,
      %get3A_541 = vector.shape_cast %get3A_540 : vector<1x16xf32> to vector<16xf32>
      %get3A_542 = arith.index_cast %scan3A_62 : i32 to index
      %get3A_543 = arith.constant 544 : index
      %get3A_544 = tpu.vector_load %arg7[%get3A_542, %get3A_543] {strides = array<i32>} : memref<64x768xf32, #tpu.memory_space<vmem>>, vector<1x16xf32>,
      %get3A_545 = vector.shape_cast %get3A_544 : vector<1x16xf32> to vector<16xf32>
      %add3A_546 = arith.addf %get3A_541, %get3A_545 : vector<16xf32>
      %swap3A_547 = arith.index_cast %scan3A_62 : i32 to index
      %swap3A_548 = arith.constant 544 : index
      %swap3A_549 = tpu.vector_load %arg6[%swap3A_547, %swap3A_548] {strides = array<i32>} : memref<64x768xf32, #tpu.memory_space<vmem>>, vector<1x16xf32>,
      %swap3A_550 = vector.shape_cast %swap3A_549 : vector<1x16xf32> to vector<16xf32>
      %swap3A_551 = vector.shape_cast %add3A_546 : vector<16xf32> to vector<1x16xf32>
      tpu.vector_store %arg6[%swap3A_547, %swap3A_548], %swap3A_551 {strides = array<i32>} : memref<64x768xf32, #tpu.memory_space<vmem>>, vector<1x16xf32>,
      %get3A_552 = arith.index_cast %scan3A_62 : i32 to index
      %get3A_553 = arith.constant 560 : index
      %get3A_554 = tpu.vector_load %arg6[%get3A_552, %get3A_553] {strides = array<i32>} : memref<64x768xf32, #tpu.memory_space<vmem>>, vector<1x16xf32>,
      %get3A_555 = vector.shape_cast %get3A_554 : vector<1x16xf32> to vector<16xf32>
      %get3A_556 = arith.index_cast %scan3A_62 : i32 to index
      %get3A_557 = arith.constant 560 : index
      %get3A_558 = tpu.vector_load %arg7[%get3A_556, %get3A_557] {strides = array<i32>} : memref<64x768xf32, #tpu.memory_space<vmem>>, vector<1x16xf32>,
      %get3A_559 = vector.shape_cast %get3A_558 : vector<1x16xf32> to vector<16xf32>
      %add3A_560 = arith.addf %get3A_555, %get3A_559 : vector<16xf32>
      %swap3A_561 = arith.index_cast %scan3A_62 : i32 to index
      %swap3A_562 = arith.constant 560 : index
      %swap3A_563 = tpu.vector_load %arg6[%swap3A_561, %swap3A_562] {strides = array<i32>} : memref<64x768xf32, #tpu.memory_space<vmem>>, vector<1x16xf32>,
      %swap3A_564 = vector.shape_cast %swap3A_563 : vector<1x16xf32> to vector<16xf32>
      %swap3A_565 = vector.shape_cast %add3A_560 : vector<16xf32> to vector<1x16xf32>
      tpu.vector_store %arg6[%swap3A_561, %swap3A_562], %swap3A_565 {strides = array<i32>} : memref<64x768xf32, #tpu.memory_space<vmem>>, vector<1x16xf32>,
      %get3A_566 = arith.index_cast %scan3A_62 : i32 to index
      %get3A_567 = arith.constant 576 : index
      %get3A_568 = tpu.vector_load %arg6[%get3A_566, %get3A_567] {strides = array<i32>} : memref<64x768xf32, #tpu.memory_space<vmem>>, vector<1x16xf32>,
      %get3A_569 = vector.shape_cast %get3A_568 : vector<1x16xf32> to vector<16xf32>
      %get3A_570 = arith.index_cast %scan3A_62 : i32 to index
      %get3A_571 = arith.constant 576 : index
      %get3A_572 = tpu.vector_load %arg7[%get3A_570, %get3A_571] {strides = array<i32>} : memref<64x768xf32, #tpu.memory_space<vmem>>, vector<1x16xf32>,
      %get3A_573 = vector.shape_cast %get3A_572 : vector<1x16xf32> to vector<16xf32>
      %add3A_574 = arith.addf %get3A_569, %get3A_573 : vector<16xf32>
      %swap3A_575 = arith.index_cast %scan3A_62 : i32 to index
      %swap3A_576 = arith.constant 576 : index
      %swap3A_577 = tpu.vector_load %arg6[%swap3A_575, %swap3A_576] {strides = array<i32>} : memref<64x768xf32, #tpu.memory_space<vmem>>, vector<1x16xf32>,
      %swap3A_578 = vector.shape_cast %swap3A_577 : vector<1x16xf32> to vector<16xf32>
      %swap3A_579 = vector.shape_cast %add3A_574 : vector<16xf32> to vector<1x16xf32>
      tpu.vector_store %arg6[%swap3A_575, %swap3A_576], %swap3A_579 {strides = array<i32>} : memref<64x768xf32, #tpu.memory_space<vmem>>, vector<1x16xf32>,
      %get3A_580 = arith.index_cast %scan3A_62 : i32 to index
      %get3A_581 = arith.constant 592 : index
      %get3A_582 = tpu.vector_load %arg6[%get3A_580, %get3A_581] {strides = array<i32>} : memref<64x768xf32, #tpu.memory_space<vmem>>, vector<1x16xf32>,
      %get3A_583 = vector.shape_cast %get3A_582 : vector<1x16xf32> to vector<16xf32>
      %get3A_584 = arith.index_cast %scan3A_62 : i32 to index
      %get3A_585 = arith.constant 592 : index
      %get3A_586 = tpu.vector_load %arg7[%get3A_584, %get3A_585] {strides = array<i32>} : memref<64x768xf32, #tpu.memory_space<vmem>>, vector<1x16xf32>,
      %get3A_587 = vector.shape_cast %get3A_586 : vector<1x16xf32> to vector<16xf32>
      %add3A_588 = arith.addf %get3A_583, %get3A_587 : vector<16xf32>
      %swap3A_589 = arith.index_cast %scan3A_62 : i32 to index
      %swap3A_590 = arith.constant 592 : index
      %swap3A_591 = tpu.vector_load %arg6[%swap3A_589, %swap3A_590] {strides = array<i32>} : memref<64x768xf32, #tpu.memory_space<vmem>>, vector<1x16xf32>,
      %swap3A_592 = vector.shape_cast %swap3A_591 : vector<1x16xf32> to vector<16xf32>
      %swap3A_593 = vector.shape_cast %add3A_588 : vector<16xf32> to vector<1x16xf32>
      tpu.vector_store %arg6[%swap3A_589, %swap3A_590], %swap3A_593 {strides = array<i32>} : memref<64x768xf32, #tpu.memory_space<vmem>>, vector<1x16xf32>,
      %get3A_594 = arith.index_cast %scan3A_62 : i32 to index
      %get3A_595 = arith.constant 608 : index
      %get3A_596 = tpu.vector_load %arg6[%get3A_594, %get3A_595] {strides = array<i32>} : memref<64x768xf32, #tpu.memory_space<vmem>>, vector<1x16xf32>,
      %get3A_597 = vector.shape_cast %get3A_596 : vector<1x16xf32> to vector<16xf32>
      %get3A_598 = arith.index_cast %scan3A_62 : i32 to index
      %get3A_599 = arith.constant 608 : index
      %get3A_600 = tpu.vector_load %arg7[%get3A_598, %get3A_599] {strides = array<i32>} : memref<64x768xf32, #tpu.memory_space<vmem>>, vector<1x16xf32>,
      %get3A_601 = vector.shape_cast %get3A_600 : vector<1x16xf32> to vector<16xf32>
      %add3A_602 = arith.addf %get3A_597, %get3A_601 : vector<16xf32>
      %swap3A_603 = arith.index_cast %scan3A_62 : i32 to index
      %swap3A_604 = arith.constant 608 : index
      %swap3A_605 = tpu.vector_load %arg6[%swap3A_603, %swap3A_604] {strides = array<i32>} : memref<64x768xf32, #tpu.memory_space<vmem>>, vector<1x16xf32>,
      %swap3A_606 = vector.shape_cast %swap3A_605 : vector<1x16xf32> to vector<16xf32>
      %swap3A_607 = vector.shape_cast %add3A_602 : vector<16xf32> to vector<1x16xf32>
      tpu.vector_store %arg6[%swap3A_603, %swap3A_604], %swap3A_607 {strides = array<i32>} : memref<64x768xf32, #tpu.memory_space<vmem>>, vector<1x16xf32>,
      %get3A_608 = arith.index_cast %scan3A_62 : i32 to index
      %get3A_609 = arith.constant 624 : index
      %get3A_610 = tpu.vector_load %arg6[%get3A_608, %get3A_609] {strides = array<i32>} : memref<64x768xf32, #tpu.memory_space<vmem>>, vector<1x16xf32>,
      %get3A_611 = vector.shape_cast %get3A_610 : vector<1x16xf32> to vector<16xf32>
      %get3A_612 = arith.index_cast %scan3A_62 : i32 to index
      %get3A_613 = arith.constant 624 : index
      %get3A_614 = tpu.vector_load %arg7[%get3A_612, %get3A_613] {strides = array<i32>} : memref<64x768xf32, #tpu.memory_space<vmem>>, vector<1x16xf32>,
      %get3A_615 = vector.shape_cast %get3A_614 : vector<1x16xf32> to vector<16xf32>
      %add3A_616 = arith.addf %get3A_611, %get3A_615 : vector<16xf32>
      %swap3A_617 = arith.index_cast %scan3A_62 : i32 to index
      %swap3A_618 = arith.constant 624 : index
      %swap3A_619 = tpu.vector_load %arg6[%swap3A_617, %swap3A_618] {strides = array<i32>} : memref<64x768xf32, #tpu.memory_space<vmem>>, vector<1x16xf32>,
      %swap3A_620 = vector.shape_cast %swap3A_619 : vector<1x16xf32> to vector<16xf32>
      %swap3A_621 = vector.shape_cast %add3A_616 : vector<16xf32> to vector<1x16xf32>
      tpu.vector_store %arg6[%swap3A_617, %swap3A_618], %swap3A_621 {strides = array<i32>} : memref<64x768xf32, #tpu.memory_space<vmem>>, vector<1x16xf32>,
      %get3A_622 = arith.index_cast %scan3A_62 : i32 to index
      %get3A_623 = arith.constant 640 : index
      %get3A_624 = tpu.vector_load %arg6[%get3A_622, %get3A_623] {strides = array<i32>} : memref<64x768xf32, #tpu.memory_space<vmem>>, vector<1x16xf32>,
      %get3A_625 = vector.shape_cast %get3A_624 : vector<1x16xf32> to vector<16xf32>
      %get3A_626 = arith.index_cast %scan3A_62 : i32 to index
      %get3A_627 = arith.constant 640 : index
      %get3A_628 = tpu.vector_load %arg7[%get3A_626, %get3A_627] {strides = array<i32>} : memref<64x768xf32, #tpu.memory_space<vmem>>, vector<1x16xf32>,
      %get3A_629 = vector.shape_cast %get3A_628 : vector<1x16xf32> to vector<16xf32>
      %add3A_630 = arith.addf %get3A_625, %get3A_629 : vector<16xf32>
      %swap3A_631 = arith.index_cast %scan3A_62 : i32 to index
      %swap3A_632 = arith.constant 640 : index
      %swap3A_633 = tpu.vector_load %arg6[%swap3A_631, %swap3A_632] {strides = array<i32>} : memref<64x768xf32, #tpu.memory_space<vmem>>, vector<1x16xf32>,
      %swap3A_634 = vector.shape_cast %swap3A_633 : vector<1x16xf32> to vector<16xf32>
      %swap3A_635 = vector.shape_cast %add3A_630 : vector<16xf32> to vector<1x16xf32>
      tpu.vector_store %arg6[%swap3A_631, %swap3A_632], %swap3A_635 {strides = array<i32>} : memref<64x768xf32, #tpu.memory_space<vmem>>, vector<1x16xf32>,
      %get3A_636 = arith.index_cast %scan3A_62 : i32 to index
      %get3A_637 = arith.constant 656 : index
      %get3A_638 = tpu.vector_load %arg6[%get3A_636, %get3A_637] {strides = array<i32>} : memref<64x768xf32, #tpu.memory_space<vmem>>, vector<1x16xf32>,
      %get3A_639 = vector.shape_cast %get3A_638 : vector<1x16xf32> to vector<16xf32>
      %get3A_640 = arith.index_cast %scan3A_62 : i32 to index
      %get3A_641 = arith.constant 656 : index
      %get3A_642 = tpu.vector_load %arg7[%get3A_640, %get3A_641] {strides = array<i32>} : memref<64x768xf32, #tpu.memory_space<vmem>>, vector<1x16xf32>,
      %get3A_643 = vector.shape_cast %get3A_642 : vector<1x16xf32> to vector<16xf32>
      %add3A_644 = arith.addf %get3A_639, %get3A_643 : vector<16xf32>
      %swap3A_645 = arith.index_cast %scan3A_62 : i32 to index
      %swap3A_646 = arith.constant 656 : index
      %swap3A_647 = tpu.vector_load %arg6[%swap3A_645, %swap3A_646] {strides = array<i32>} : memref<64x768xf32, #tpu.memory_space<vmem>>, vector<1x16xf32>,
      %swap3A_648 = vector.shape_cast %swap3A_647 : vector<1x16xf32> to vector<16xf32>
      %swap3A_649 = vector.shape_cast %add3A_644 : vector<16xf32> to vector<1x16xf32>
      tpu.vector_store %arg6[%swap3A_645, %swap3A_646], %swap3A_649 {strides = array<i32>} : memref<64x768xf32, #tpu.memory_space<vmem>>, vector<1x16xf32>,
      %get3A_650 = arith.index_cast %scan3A_62 : i32 to index
      %get3A_651 = arith.constant 672 : index
      %get3A_652 = tpu.vector_load %arg6[%get3A_650, %get3A_651] {strides = array<i32>} : memref<64x768xf32, #tpu.memory_space<vmem>>, vector<1x16xf32>,
      %get3A_653 = vector.shape_cast %get3A_652 : vector<1x16xf32> to vector<16xf32>
      %get3A_654 = arith.index_cast %scan3A_62 : i32 to index
      %get3A_655 = arith.constant 672 : index
      %get3A_656 = tpu.vector_load %arg7[%get3A_654, %get3A_655] {strides = array<i32>} : memref<64x768xf32, #tpu.memory_space<vmem>>, vector<1x16xf32>,
      %get3A_657 = vector.shape_cast %get3A_656 : vector<1x16xf32> to vector<16xf32>
      %add3A_658 = arith.addf %get3A_653, %get3A_657 : vector<16xf32>
      %swap3A_659 = arith.index_cast %scan3A_62 : i32 to index
      %swap3A_660 = arith.constant 672 : index
      %swap3A_661 = tpu.vector_load %arg6[%swap3A_659, %swap3A_660] {strides = array<i32>} : memref<64x768xf32, #tpu.memory_space<vmem>>, vector<1x16xf32>,
      %swap3A_662 = vector.shape_cast %swap3A_661 : vector<1x16xf32> to vector<16xf32>
      %swap3A_663 = vector.shape_cast %add3A_658 : vector<16xf32> to vector<1x16xf32>
      tpu.vector_store %arg6[%swap3A_659, %swap3A_660], %swap3A_663 {strides = array<i32>} : memref<64x768xf32, #tpu.memory_space<vmem>>, vector<1x16xf32>,
      %get3A_664 = arith.index_cast %scan3A_62 : i32 to index
      %get3A_665 = arith.constant 688 : index
      %get3A_666 = tpu.vector_load %arg6[%get3A_664, %get3A_665] {strides = array<i32>} : memref<64x768xf32, #tpu.memory_space<vmem>>, vector<1x16xf32>,
      %get3A_667 = vector.shape_cast %get3A_666 : vector<1x16xf32> to vector<16xf32>
      %get3A_668 = arith.index_cast %scan3A_62 : i32 to index
      %get3A_669 = arith.constant 688 : index
      %get3A_670 = tpu.vector_load %arg7[%get3A_668, %get3A_669] {strides = array<i32>} : memref<64x768xf32, #tpu.memory_space<vmem>>, vector<1x16xf32>,
      %get3A_671 = vector.shape_cast %get3A_670 : vector<1x16xf32> to vector<16xf32>
      %add3A_672 = arith.addf %get3A_667, %get3A_671 : vector<16xf32>
      %swap3A_673 = arith.index_cast %scan3A_62 : i32 to index
      %swap3A_674 = arith.constant 688 : index
      %swap3A_675 = tpu.vector_load %arg6[%swap3A_673, %swap3A_674] {strides = array<i32>} : memref<64x768xf32, #tpu.memory_space<vmem>>, vector<1x16xf32>,
      %swap3A_676 = vector.shape_cast %swap3A_675 : vector<1x16xf32> to vector<16xf32>
      %swap3A_677 = vector.shape_cast %add3A_672 : vector<16xf32> to vector<1x16xf32>
      tpu.vector_store %arg6[%swap3A_673, %swap3A_674], %swap3A_677 {strides = array<i32>} : memref<64x768xf32, #tpu.memory_space<vmem>>, vector<1x16xf32>,
      %get3A_678 = arith.index_cast %scan3A_62 : i32 to index
      %get3A_679 = arith.constant 704 : index
      %get3A_680 = tpu.vector_load %arg6[%get3A_678, %get3A_679] {strides = array<i32>} : memref<64x768xf32, #tpu.memory_space<vmem>>, vector<1x16xf32>,
      %get3A_681 = vector.shape_cast %get3A_680 : vector<1x16xf32> to vector<16xf32>
      %get3A_682 = arith.index_cast %scan3A_62 : i32 to index
      %get3A_683 = arith.constant 704 : index
      %get3A_684 = tpu.vector_load %arg7[%get3A_682, %get3A_683] {strides = array<i32>} : memref<64x768xf32, #tpu.memory_space<vmem>>, vector<1x16xf32>,
      %get3A_685 = vector.shape_cast %get3A_684 : vector<1x16xf32> to vector<16xf32>
      %add3A_686 = arith.addf %get3A_681, %get3A_685 : vector<16xf32>
      %swap3A_687 = arith.index_cast %scan3A_62 : i32 to index
      %swap3A_688 = arith.constant 704 : index
      %swap3A_689 = tpu.vector_load %arg6[%swap3A_687, %swap3A_688] {strides = array<i32>} : memref<64x768xf32, #tpu.memory_space<vmem>>, vector<1x16xf32>,
      %swap3A_690 = vector.shape_cast %swap3A_689 : vector<1x16xf32> to vector<16xf32>
      %swap3A_691 = vector.shape_cast %add3A_686 : vector<16xf32> to vector<1x16xf32>
      tpu.vector_store %arg6[%swap3A_687, %swap3A_688], %swap3A_691 {strides = array<i32>} : memref<64x768xf32, #tpu.memory_space<vmem>>, vector<1x16xf32>,
      %get3A_692 = arith.index_cast %scan3A_62 : i32 to index
      %get3A_693 = arith.constant 720 : index
      %get3A_694 = tpu.vector_load %arg6[%get3A_692, %get3A_693] {strides = array<i32>} : memref<64x768xf32, #tpu.memory_space<vmem>>, vector<1x16xf32>,
      %get3A_695 = vector.shape_cast %get3A_694 : vector<1x16xf32> to vector<16xf32>
      %get3A_696 = arith.index_cast %scan3A_62 : i32 to index
      %get3A_697 = arith.constant 720 : index
      %get3A_698 = tpu.vector_load %arg7[%get3A_696, %get3A_697] {strides = array<i32>} : memref<64x768xf32, #tpu.memory_space<vmem>>, vector<1x16xf32>,
      %get3A_699 = vector.shape_cast %get3A_698 : vector<1x16xf32> to vector<16xf32>
      %add3A_700 = arith.addf %get3A_695, %get3A_699 : vector<16xf32>
      %swap3A_701 = arith.index_cast %scan3A_62 : i32 to index
      %swap3A_702 = arith.constant 720 : index
      %swap3A_703 = tpu.vector_load %arg6[%swap3A_701, %swap3A_702] {strides = array<i32>} : memref<64x768xf32, #tpu.memory_space<vmem>>, vector<1x16xf32>,
      %swap3A_704 = vector.shape_cast %swap3A_703 : vector<1x16xf32> to vector<16xf32>
      %swap3A_705 = vector.shape_cast %add3A_700 : vector<16xf32> to vector<1x16xf32>
      tpu.vector_store %arg6[%swap3A_701, %swap3A_702], %swap3A_705 {strides = array<i32>} : memref<64x768xf32, #tpu.memory_space<vmem>>, vector<1x16xf32>,
      %get3A_706 = arith.index_cast %scan3A_62 : i32 to index
      %get3A_707 = arith.constant 736 : index
      %get3A_708 = tpu.vector_load %arg6[%get3A_706, %get3A_707] {strides = array<i32>} : memref<64x768xf32, #tpu.memory_space<vmem>>, vector<1x16xf32>,
      %get3A_709 = vector.shape_cast %get3A_708 : vector<1x16xf32> to vector<16xf32>
      %get3A_710 = arith.index_cast %scan3A_62 : i32 to index
      %get3A_711 = arith.constant 736 : index
      %get3A_712 = tpu.vector_load %arg7[%get3A_710, %get3A_711] {strides = array<i32>} : memref<64x768xf32, #tpu.memory_space<vmem>>, vector<1x16xf32>,
      %get3A_713 = vector.shape_cast %get3A_712 : vector<1x16xf32> to vector<16xf32>
      %add3A_714 = arith.addf %get3A_709, %get3A_713 : vector<16xf32>
      %swap3A_715 = arith.index_cast %scan3A_62 : i32 to index
      %swap3A_716 = arith.constant 736 : index
      %swap3A_717 = tpu.vector_load %arg6[%swap3A_715, %swap3A_716] {strides = array<i32>} : memref<64x768xf32, #tpu.memory_space<vmem>>, vector<1x16xf32>,
      %swap3A_718 = vector.shape_cast %swap3A_717 : vector<1x16xf32> to vector<16xf32>
      %swap3A_719 = vector.shape_cast %add3A_714 : vector<16xf32> to vector<1x16xf32>
      tpu.vector_store %arg6[%swap3A_715, %swap3A_716], %swap3A_719 {strides = array<i32>} : memref<64x768xf32, #tpu.memory_space<vmem>>, vector<1x16xf32>,
      %get3A_720 = arith.index_cast %scan3A_62 : i32 to index
      %get3A_721 = arith.constant 752 : index
      %get3A_722 = tpu.vector_load %arg6[%get3A_720, %get3A_721] {strides = array<i32>} : memref<64x768xf32, #tpu.memory_space<vmem>>, vector<1x16xf32>,
      %get3A_723 = vector.shape_cast %get3A_722 : vector<1x16xf32> to vector<16xf32>
      %get3A_724 = arith.index_cast %scan3A_62 : i32 to index
      %get3A_725 = arith.constant 752 : index
      %get3A_726 = tpu.vector_load %arg7[%get3A_724, %get3A_725] {strides = array<i32>} : memref<64x768xf32, #tpu.memory_space<vmem>>, vector<1x16xf32>,
      %get3A_727 = vector.shape_cast %get3A_726 : vector<1x16xf32> to vector<16xf32>
      %add3A_728 = arith.addf %get3A_723, %get3A_727 : vector<16xf32>
      %swap3A_729 = arith.index_cast %scan3A_62 : i32 to index
      %swap3A_730 = arith.constant 752 : index
      %swap3A_731 = tpu.vector_load %arg6[%swap3A_729, %swap3A_730] {strides = array<i32>} : memref<64x768xf32, #tpu.memory_space<vmem>>, vector<1x16xf32>,
      %swap3A_732 = vector.shape_cast %swap3A_731 : vector<1x16xf32> to vector<16xf32>
      %swap3A_733 = vector.shape_cast %add3A_728 : vector<16xf32> to vector<1x16xf32>
      tpu.vector_store %arg6[%swap3A_729, %swap3A_730], %swap3A_733 {strides = array<i32>} : memref<64x768xf32, #tpu.memory_space<vmem>>, vector<1x16xf32>,
      %scan3A_734 = arith.constant 0 : i32
      scf.yield %scan3A_734 : i32
    }
    %scan3A_29 = arith.constant 64 : i32
    "tpu.region"() ({
      %run_scoped3A = tpu.sem_alloc : memref<!tpu.dma_semaphore, #tpu.memory_space<semaphore_mem>>
      %dma_start3A_62 = arith.constant 0 : i32
      %dma_start3A_63 = tpu.memref_slice %arg5[%add3A_4, %dma_start3A_62] : memref<4096x768xf32, #tpu.memory_space<hbm>> -> memref<64x768xf32, #tpu.memory_space<hbm>>
      %dma_start3A_64 = arith.constant 0 : i32
      %dma_start3A_65 = tpu.memref_slice %arg5[%add3A_4, %dma_start3A_64] : memref<4096x768xf32, #tpu.memory_space<hbm>> -> memref<64x768xf32, #tpu.memory_space<hbm>>
      tpu.enqueue_dma source(%arg6 : memref<64x768xf32, #tpu.memory_space<vmem>>) target(%dma_start3A_65 : memref<64x768xf32, #tpu.memory_space<hbm>>) target_semaphore(%run_scoped3A : memref<!tpu.dma_semaphore, #tpu.memory_space<semaphore_mem>>)
      %dma_wait3A_66 = arith.constant 0 : i32
      %dma_wait3A_67 = tpu.memref_slice %arg5[%add3A_4, %dma_wait3A_66] : memref<4096x768xf32, #tpu.memory_space<hbm>> -> memref<64x768xf32, #tpu.memory_space<hbm>>
      %dma_wait3A_68 = arith.constant 0 : i32
      %dma_wait3A_69 = tpu.memref_slice %arg5[%add3A_4, %dma_wait3A_68] : memref<4096x768xf32, #tpu.memory_space<hbm>> -> memref<64x768xf32, #tpu.memory_space<hbm>>
      tpu.wait_dma2 semaphore(%run_scoped3A : memref<!tpu.dma_semaphore, #tpu.memory_space<semaphore_mem>>) src(%arg6 : memref<64x768xf32, #tpu.memory_space<vmem>>) dst(%dma_wait3A_69 : memref<64x768xf32, #tpu.memory_space<hbm>>)
      tpu.yield
    }) : () -> ()
    %mul3A_30 = arith.constant 128 : i32
    %mul3A_31 = arith.muli %add3A, %mul3A_30 : i32
    %add3A_32 = arith.constant 64 : i32
    %add3A_33 = arith.addi %mul3A_31, %add3A_32 : i32
    "tpu.region"() ({
      %run_scoped3A = tpu.sem_alloc : memref<!tpu.dma_semaphore, #tpu.memory_space<semaphore_mem>>
      %dma_start3A_62 = tpu.memref_slice %arg4[%add3A_33] : memref<8192xi32, #tpu.memory_space<hbm>> -> memref<64xi32, #tpu.memory_space<hbm>>
      %dma_start3A_63 = tpu.memref_slice %arg4[%add3A_33] : memref<8192xi32, #tpu.memory_space<hbm>> -> memref<64xi32, #tpu.memory_space<hbm>>
      tpu.enqueue_dma source(%dma_start3A_63 : memref<64xi32, #tpu.memory_space<hbm>>) target(%arg8 : memref<64xi32, #tpu.memory_space<vmem>>) target_semaphore(%run_scoped3A : memref<!tpu.dma_semaphore, #tpu.memory_space<semaphore_mem>>)
      %dma_wait3A_64 = tpu.memref_slice %arg4[%add3A_33] : memref<8192xi32, #tpu.memory_space<hbm>> -> memref<64xi32, #tpu.memory_space<hbm>>
      %dma_wait3A_65 = tpu.memref_slice %arg4[%add3A_33] : memref<8192xi32, #tpu.memory_space<hbm>> -> memref<64xi32, #tpu.memory_space<hbm>>
      tpu.wait_dma2 semaphore(%run_scoped3A : memref<!tpu.dma_semaphore, #tpu.memory_space<semaphore_mem>>) src(%dma_wait3A_65 : memref<64xi32, #tpu.memory_space<hbm>>) dst(%arg8 : memref<64xi32, #tpu.memory_space<vmem>>)
      tpu.yield
    }) : () -> ()
    %add3A_34 = arith.constant 4096 : i32
    %add3A_35 = arith.addi %add3A_34, %add3A_33 : i32
    "tpu.region"() ({
      %run_scoped3A = tpu.sem_alloc : memref<!tpu.dma_semaphore, #tpu.memory_space<semaphore_mem>>
      %dma_start3A_62 = tpu.memref_slice %arg4[%add3A_35] : memref<8192xi32, #tpu.memory_space<hbm>> -> memref<64xi32, #tpu.memory_space<hbm>>
      %dma_start3A_63 = tpu.memref_slice %arg4[%add3A_35] : memref<8192xi32, #tpu.memory_space<hbm>> -> memref<64xi32, #tpu.memory_space<hbm>>
      tpu.enqueue_dma source(%dma_start3A_63 : memref<64xi32, #tpu.memory_space<hbm>>) target(%arg9 : memref<64xi32, #tpu.memory_space<vmem>>) target_semaphore(%run_scoped3A : memref<!tpu.dma_semaphore, #tpu.memory_space<semaphore_mem>>)
      %dma_wait3A_64 = tpu.memref_slice %arg4[%add3A_35] : memref<8192xi32, #tpu.memory_space<hbm>> -> memref<64xi32, #tpu.memory_space<hbm>>
      %dma_wait3A_65 = tpu.memref_slice %arg4[%add3A_35] : memref<8192xi32, #tpu.memory_space<hbm>> -> memref<64xi32, #tpu.memory_space<hbm>>
      tpu.wait_dma2 semaphore(%run_scoped3A : memref<!tpu.dma_semaphore, #tpu.memory_space<semaphore_mem>>) src(%dma_wait3A_65 : memref<64xi32, #tpu.memory_space<hbm>>) dst(%arg9 : memref<64xi32, #tpu.memory_space<vmem>>)
      tpu.yield
    }) : () -> ()
    %dma_start3A_36 = arith.constant 0 : i32
    %dma_start3A_37 = arith.constant 0 : i32
    %dma_start3A_38 = tpu.memref_slice %arg3[%dma_start3A_36, %dma_start3A_37] : memref<16384x768xf32, #tpu.memory_space<hbm>> -> memref<16384x768xf32, #tpu.memory_space<hbm>>
    tpu.enqueue_indirect_dma source(%dma_start3A_38 : memref<16384x768xf32, #tpu.memory_space<hbm>>) target(%arg7 : memref<64x768xf32, #tpu.memory_space<vmem>>) offsets(%arg8 : memref<64xi32, #tpu.memory_space<vmem>>) semaphore(%arg10 : memref<!tpu.dma_semaphore, #tpu.memory_space<semaphore_mem>>)
    "tpu.region"() ({
      %run_scoped3A = tpu.sem_alloc : memref<!tpu.dma_semaphore, #tpu.memory_space<semaphore_mem>>
      %dma_start3A_62 = arith.constant 0 : i32
      %dma_start3A_63 = tpu.memref_slice %arg2[%add3A_33, %dma_start3A_62] : memref<4096x768xf32, #tpu.memory_space<hbm>> -> memref<64x768xf32, #tpu.memory_space<hbm>>
      %dma_start3A_64 = arith.constant 0 : i32
      %dma_start3A_65 = tpu.memref_slice %arg2[%add3A_33, %dma_start3A_64] : memref<4096x768xf32, #tpu.memory_space<hbm>> -> memref<64x768xf32, #tpu.memory_space<hbm>>
      tpu.enqueue_dma source(%dma_start3A_65 : memref<64x768xf32, #tpu.memory_space<hbm>>) target(%arg6 : memref<64x768xf32, #tpu.memory_space<vmem>>) target_semaphore(%run_scoped3A : memref<!tpu.dma_semaphore, #tpu.memory_space<semaphore_mem>>)
      %dma_wait3A_66 = arith.constant 0 : i32
      %dma_wait3A_67 = tpu.memref_slice %arg2[%add3A_33, %dma_wait3A_66] : memref<4096x768xf32, #tpu.memory_space<hbm>> -> memref<64x768xf32, #tpu.memory_space<hbm>>
      %dma_wait3A_68 = arith.constant 0 : i32
      %dma_wait3A_69 = tpu.memref_slice %arg2[%add3A_33, %dma_wait3A_68] : memref<4096x768xf32, #tpu.memory_space<hbm>> -> memref<64x768xf32, #tpu.memory_space<hbm>>
      tpu.wait_dma2 semaphore(%run_scoped3A : memref<!tpu.dma_semaphore, #tpu.memory_space<semaphore_mem>>) src(%dma_wait3A_69 : memref<64x768xf32, #tpu.memory_space<hbm>>) dst(%arg6 : memref<64x768xf32, #tpu.memory_space<vmem>>)
      tpu.yield
    }) : () -> ()
    %dma_wait3A_39 = arith.constant 0 : i32
    %dma_wait3A_40 = arith.constant 0 : i32
    %dma_wait3A_41 = tpu.memref_slice %arg3[%dma_wait3A_39, %dma_wait3A_40] : memref<16384x768xf32, #tpu.memory_space<hbm>> -> memref<16384x768xf32, #tpu.memory_space<hbm>>
    tpu.wait_indirect_dma semaphore(%arg10 : memref<!tpu.dma_semaphore, #tpu.memory_space<semaphore_mem>>) src(%dma_wait3A_41 : memref<16384x768xf32, #tpu.memory_space<hbm>>) dst(%arg7 : memref<64x768xf32, #tpu.memory_space<vmem>>)
    %scan3A_42 = arith.constant 0 : i32
    %scan3A_43 = arith.constant 0 : i32
    %scan3A_44 = arith.constant 64 : i32
    %scan3A_45 = arith.addi %scan3A_43, %scan3A_44 : i32
    %scan3A_46 = arith.constant 1 : i32
    %scan3A_47 = scf.for %scan3A_62 = %scan3A_43 to %scan3A_45 step %scan3A_46 iter_args(%scan3A_63 = %scan3A_42) -> (i32)  : i32 {
      %get3A = arith.index_cast %scan3A_62 : i32 to index
      %get3A_64 = arith.constant 0 : index
      %get3A_65 = tpu.vector_load %arg6[%get3A, %get3A_64] {strides = array<i32>} : memref<64x768xf32, #tpu.memory_space<vmem>>, vector<1x16xf32>,
      %get3A_66 = vector.shape_cast %get3A_65 : vector<1x16xf32> to vector<16xf32>
      %get3A_67 = arith.index_cast %scan3A_62 : i32 to index
      %get3A_68 = arith.constant 0 : index
      %get3A_69 = tpu.vector_load %arg7[%get3A_67, %get3A_68] {strides = array<i32>} : memref<64x768xf32, #tpu.memory_space<vmem>>, vector<1x16xf32>,
      %get3A_70 = vector.shape_cast %get3A_69 : vector<1x16xf32> to vector<16xf32>
      %add3A_71 = arith.addf %get3A_66, %get3A_70 : vector<16xf32>
      %swap3A = arith.index_cast %scan3A_62 : i32 to index
      %swap3A_72 = arith.constant 0 : index
      %swap3A_73 = tpu.vector_load %arg6[%swap3A, %swap3A_72] {strides = array<i32>} : memref<64x768xf32, #tpu.memory_space<vmem>>, vector<1x16xf32>,
      %swap3A_74 = vector.shape_cast %swap3A_73 : vector<1x16xf32> to vector<16xf32>
      %swap3A_75 = vector.shape_cast %add3A_71 : vector<16xf32> to vector<1x16xf32>
      tpu.vector_store %arg6[%swap3A, %swap3A_72], %swap3A_75 {strides = array<i32>} : memref<64x768xf32, #tpu.memory_space<vmem>>, vector<1x16xf32>,
      %get3A_76 = arith.index_cast %scan3A_62 : i32 to index
      %get3A_77 = arith.constant 16 : index
      %get3A_78 = tpu.vector_load %arg6[%get3A_76, %get3A_77] {strides = array<i32>} : memref<64x768xf32, #tpu.memory_space<vmem>>, vector<1x16xf32>,
      %get3A_79 = vector.shape_cast %get3A_78 : vector<1x16xf32> to vector<16xf32>
      %get3A_80 = arith.index_cast %scan3A_62 : i32 to index
      %get3A_81 = arith.constant 16 : index
      %get3A_82 = tpu.vector_load %arg7[%get3A_80, %get3A_81] {strides = array<i32>} : memref<64x768xf32, #tpu.memory_space<vmem>>, vector<1x16xf32>,
      %get3A_83 = vector.shape_cast %get3A_82 : vector<1x16xf32> to vector<16xf32>
      %add3A_84 = arith.addf %get3A_79, %get3A_83 : vector<16xf32>
      %swap3A_85 = arith.index_cast %scan3A_62 : i32 to index
      %swap3A_86 = arith.constant 16 : index
      %swap3A_87 = tpu.vector_load %arg6[%swap3A_85, %swap3A_86] {strides = array<i32>} : memref<64x768xf32, #tpu.memory_space<vmem>>, vector<1x16xf32>,
      %swap3A_88 = vector.shape_cast %swap3A_87 : vector<1x16xf32> to vector<16xf32>
      %swap3A_89 = vector.shape_cast %add3A_84 : vector<16xf32> to vector<1x16xf32>
      tpu.vector_store %arg6[%swap3A_85, %swap3A_86], %swap3A_89 {strides = array<i32>} : memref<64x768xf32, #tpu.memory_space<vmem>>, vector<1x16xf32>,
      %get3A_90 = arith.index_cast %scan3A_62 : i32 to index
      %get3A_91 = arith.constant 32 : index
      %get3A_92 = tpu.vector_load %arg6[%get3A_90, %get3A_91] {strides = array<i32>} : memref<64x768xf32, #tpu.memory_space<vmem>>, vector<1x16xf32>,
      %get3A_93 = vector.shape_cast %get3A_92 : vector<1x16xf32> to vector<16xf32>
      %get3A_94 = arith.index_cast %scan3A_62 : i32 to index
      %get3A_95 = arith.constant 32 : index
      %get3A_96 = tpu.vector_load %arg7[%get3A_94, %get3A_95] {strides = array<i32>} : memref<64x768xf32, #tpu.memory_space<vmem>>, vector<1x16xf32>,
      %get3A_97 = vector.shape_cast %get3A_96 : vector<1x16xf32> to vector<16xf32>
      %add3A_98 = arith.addf %get3A_93, %get3A_97 : vector<16xf32>
      %swap3A_99 = arith.index_cast %scan3A_62 : i32 to index
      %swap3A_100 = arith.constant 32 : index
      %swap3A_101 = tpu.vector_load %arg6[%swap3A_99, %swap3A_100] {strides = array<i32>} : memref<64x768xf32, #tpu.memory_space<vmem>>, vector<1x16xf32>,
      %swap3A_102 = vector.shape_cast %swap3A_101 : vector<1x16xf32> to vector<16xf32>
      %swap3A_103 = vector.shape_cast %add3A_98 : vector<16xf32> to vector<1x16xf32>
      tpu.vector_store %arg6[%swap3A_99, %swap3A_100], %swap3A_103 {strides = array<i32>} : memref<64x768xf32, #tpu.memory_space<vmem>>, vector<1x16xf32>,
      %get3A_104 = arith.index_cast %scan3A_62 : i32 to index
      %get3A_105 = arith.constant 48 : index
      %get3A_106 = tpu.vector_load %arg6[%get3A_104, %get3A_105] {strides = array<i32>} : memref<64x768xf32, #tpu.memory_space<vmem>>, vector<1x16xf32>,
      %get3A_107 = vector.shape_cast %get3A_106 : vector<1x16xf32> to vector<16xf32>
      %get3A_108 = arith.index_cast %scan3A_62 : i32 to index
      %get3A_109 = arith.constant 48 : index
      %get3A_110 = tpu.vector_load %arg7[%get3A_108, %get3A_109] {strides = array<i32>} : memref<64x768xf32, #tpu.memory_space<vmem>>, vector<1x16xf32>,
      %get3A_111 = vector.shape_cast %get3A_110 : vector<1x16xf32> to vector<16xf32>
      %add3A_112 = arith.addf %get3A_107, %get3A_111 : vector<16xf32>
      %swap3A_113 = arith.index_cast %scan3A_62 : i32 to index
      %swap3A_114 = arith.constant 48 : index
      %swap3A_115 = tpu.vector_load %arg6[%swap3A_113, %swap3A_114] {strides = array<i32>} : memref<64x768xf32, #tpu.memory_space<vmem>>, vector<1x16xf32>,
      %swap3A_116 = vector.shape_cast %swap3A_115 : vector<1x16xf32> to vector<16xf32>
      %swap3A_117 = vector.shape_cast %add3A_112 : vector<16xf32> to vector<1x16xf32>
      tpu.vector_store %arg6[%swap3A_113, %swap3A_114], %swap3A_117 {strides = array<i32>} : memref<64x768xf32, #tpu.memory_space<vmem>>, vector<1x16xf32>,
      %get3A_118 = arith.index_cast %scan3A_62 : i32 to index
      %get3A_119 = arith.constant 64 : index
      %get3A_120 = tpu.vector_load %arg6[%get3A_118, %get3A_119] {strides = array<i32>} : memref<64x768xf32, #tpu.memory_space<vmem>>, vector<1x16xf32>,
      %get3A_121 = vector.shape_cast %get3A_120 : vector<1x16xf32> to vector<16xf32>
      %get3A_122 = arith.index_cast %scan3A_62 : i32 to index
      %get3A_123 = arith.constant 64 : index
      %get3A_124 = tpu.vector_load %arg7[%get3A_122, %get3A_123] {strides = array<i32>} : memref<64x768xf32, #tpu.memory_space<vmem>>, vector<1x16xf32>,
      %get3A_125 = vector.shape_cast %get3A_124 : vector<1x16xf32> to vector<16xf32>
      %add3A_126 = arith.addf %get3A_121, %get3A_125 : vector<16xf32>
      %swap3A_127 = arith.index_cast %scan3A_62 : i32 to index
      %swap3A_128 = arith.constant 64 : index
      %swap3A_129 = tpu.vector_load %arg6[%swap3A_127, %swap3A_128] {strides = array<i32>} : memref<64x768xf32, #tpu.memory_space<vmem>>, vector<1x16xf32>,
      %swap3A_130 = vector.shape_cast %swap3A_129 : vector<1x16xf32> to vector<16xf32>
      %swap3A_131 = vector.shape_cast %add3A_126 : vector<16xf32> to vector<1x16xf32>
      tpu.vector_store %arg6[%swap3A_127, %swap3A_128], %swap3A_131 {strides = array<i32>} : memref<64x768xf32, #tpu.memory_space<vmem>>, vector<1x16xf32>,
      %get3A_132 = arith.index_cast %scan3A_62 : i32 to index
      %get3A_133 = arith.constant 80 : index
      %get3A_134 = tpu.vector_load %arg6[%get3A_132, %get3A_133] {strides = array<i32>} : memref<64x768xf32, #tpu.memory_space<vmem>>, vector<1x16xf32>,
      %get3A_135 = vector.shape_cast %get3A_134 : vector<1x16xf32> to vector<16xf32>
      %get3A_136 = arith.index_cast %scan3A_62 : i32 to index
      %get3A_137 = arith.constant 80 : index
      %get3A_138 = tpu.vector_load %arg7[%get3A_136, %get3A_137] {strides = array<i32>} : memref<64x768xf32, #tpu.memory_space<vmem>>, vector<1x16xf32>,
      %get3A_139 = vector.shape_cast %get3A_138 : vector<1x16xf32> to vector<16xf32>
      %add3A_140 = arith.addf %get3A_135, %get3A_139 : vector<16xf32>
      %swap3A_141 = arith.index_cast %scan3A_62 : i32 to index
      %swap3A_142 = arith.constant 80 : index
      %swap3A_143 = tpu.vector_load %arg6[%swap3A_141, %swap3A_142] {strides = array<i32>} : memref<64x768xf32, #tpu.memory_space<vmem>>, vector<1x16xf32>,
      %swap3A_144 = vector.shape_cast %swap3A_143 : vector<1x16xf32> to vector<16xf32>
      %swap3A_145 = vector.shape_cast %add3A_140 : vector<16xf32> to vector<1x16xf32>
      tpu.vector_store %arg6[%swap3A_141, %swap3A_142], %swap3A_145 {strides = array<i32>} : memref<64x768xf32, #tpu.memory_space<vmem>>, vector<1x16xf32>,
      %get3A_146 = arith.index_cast %scan3A_62 : i32 to index
      %get3A_147 = arith.constant 96 : index
      %get3A_148 = tpu.vector_load %arg6[%get3A_146, %get3A_147] {strides = array<i32>} : memref<64x768xf32, #tpu.memory_space<vmem>>, vector<1x16xf32>,
      %get3A_149 = vector.shape_cast %get3A_148 : vector<1x16xf32> to vector<16xf32>
      %get3A_150 = arith.index_cast %scan3A_62 : i32 to index
      %get3A_151 = arith.constant 96 : index
      %get3A_152 = tpu.vector_load %arg7[%get3A_150, %get3A_151] {strides = array<i32>} : memref<64x768xf32, #tpu.memory_space<vmem>>, vector<1x16xf32>,
      %get3A_153 = vector.shape_cast %get3A_152 : vector<1x16xf32> to vector<16xf32>
      %add3A_154 = arith.addf %get3A_149, %get3A_153 : vector<16xf32>
      %swap3A_155 = arith.index_cast %scan3A_62 : i32 to index
      %swap3A_156 = arith.constant 96 : index
      %swap3A_157 = tpu.vector_load %arg6[%swap3A_155, %swap3A_156] {strides = array<i32>} : memref<64x768xf32, #tpu.memory_space<vmem>>, vector<1x16xf32>,
      %swap3A_158 = vector.shape_cast %swap3A_157 : vector<1x16xf32> to vector<16xf32>
      %swap3A_159 = vector.shape_cast %add3A_154 : vector<16xf32> to vector<1x16xf32>
      tpu.vector_store %arg6[%swap3A_155, %swap3A_156], %swap3A_159 {strides = array<i32>} : memref<64x768xf32, #tpu.memory_space<vmem>>, vector<1x16xf32>,
      %get3A_160 = arith.index_cast %scan3A_62 : i32 to index
      %get3A_161 = arith.constant 112 : index
      %get3A_162 = tpu.vector_load %arg6[%get3A_160, %get3A_161] {strides = array<i32>} : memref<64x768xf32, #tpu.memory_space<vmem>>, vector<1x16xf32>,
      %get3A_163 = vector.shape_cast %get3A_162 : vector<1x16xf32> to vector<16xf32>
      %get3A_164 = arith.index_cast %scan3A_62 : i32 to index
      %get3A_165 = arith.constant 112 : index
      %get3A_166 = tpu.vector_load %arg7[%get3A_164, %get3A_165] {strides = array<i32>} : memref<64x768xf32, #tpu.memory_space<vmem>>, vector<1x16xf32>,
      %get3A_167 = vector.shape_cast %get3A_166 : vector<1x16xf32> to vector<16xf32>
      %add3A_168 = arith.addf %get3A_163, %get3A_167 : vector<16xf32>
      %swap3A_169 = arith.index_cast %scan3A_62 : i32 to index
      %swap3A_170 = arith.constant 112 : index
      %swap3A_171 = tpu.vector_load %arg6[%swap3A_169, %swap3A_170] {strides = array<i32>} : memref<64x768xf32, #tpu.memory_space<vmem>>, vector<1x16xf32>,
      %swap3A_172 = vector.shape_cast %swap3A_171 : vector<1x16xf32> to vector<16xf32>
      %swap3A_173 = vector.shape_cast %add3A_168 : vector<16xf32> to vector<1x16xf32>
      tpu.vector_store %arg6[%swap3A_169, %swap3A_170], %swap3A_173 {strides = array<i32>} : memref<64x768xf32, #tpu.memory_space<vmem>>, vector<1x16xf32>,
      %get3A_174 = arith.index_cast %scan3A_62 : i32 to index
      %get3A_175 = arith.constant 128 : index
      %get3A_176 = tpu.vector_load %arg6[%get3A_174, %get3A_175] {strides = array<i32>} : memref<64x768xf32, #tpu.memory_space<vmem>>, vector<1x16xf32>,
      %get3A_177 = vector.shape_cast %get3A_176 : vector<1x16xf32> to vector<16xf32>
      %get3A_178 = arith.index_cast %scan3A_62 : i32 to index
      %get3A_179 = arith.constant 128 : index
      %get3A_180 = tpu.vector_load %arg7[%get3A_178, %get3A_179] {strides = array<i32>} : memref<64x768xf32, #tpu.memory_space<vmem>>, vector<1x16xf32>,
      %get3A_181 = vector.shape_cast %get3A_180 : vector<1x16xf32> to vector<16xf32>
      %add3A_182 = arith.addf %get3A_177, %get3A_181 : vector<16xf32>
      %swap3A_183 = arith.index_cast %scan3A_62 : i32 to index
      %swap3A_184 = arith.constant 128 : index
      %swap3A_185 = tpu.vector_load %arg6[%swap3A_183, %swap3A_184] {strides = array<i32>} : memref<64x768xf32, #tpu.memory_space<vmem>>, vector<1x16xf32>,
      %swap3A_186 = vector.shape_cast %swap3A_185 : vector<1x16xf32> to vector<16xf32>
      %swap3A_187 = vector.shape_cast %add3A_182 : vector<16xf32> to vector<1x16xf32>
      tpu.vector_store %arg6[%swap3A_183, %swap3A_184], %swap3A_187 {strides = array<i32>} : memref<64x768xf32, #tpu.memory_space<vmem>>, vector<1x16xf32>,
      %get3A_188 = arith.index_cast %scan3A_62 : i32 to index
      %get3A_189 = arith.constant 144 : index
      %get3A_190 = tpu.vector_load %arg6[%get3A_188, %get3A_189] {strides = array<i32>} : memref<64x768xf32, #tpu.memory_space<vmem>>, vector<1x16xf32>,
      %get3A_191 = vector.shape_cast %get3A_190 : vector<1x16xf32> to vector<16xf32>
      %get3A_192 = arith.index_cast %scan3A_62 : i32 to index
      %get3A_193 = arith.constant 144 : index
      %get3A_194 = tpu.vector_load %arg7[%get3A_192, %get3A_193] {strides = array<i32>} : memref<64x768xf32, #tpu.memory_space<vmem>>, vector<1x16xf32>,
      %get3A_195 = vector.shape_cast %get3A_194 : vector<1x16xf32> to vector<16xf32>
      %add3A_196 = arith.addf %get3A_191, %get3A_195 : vector<16xf32>
      %swap3A_197 = arith.index_cast %scan3A_62 : i32 to index
      %swap3A_198 = arith.constant 144 : index
      %swap3A_199 = tpu.vector_load %arg6[%swap3A_197, %swap3A_198] {strides = array<i32>} : memref<64x768xf32, #tpu.memory_space<vmem>>, vector<1x16xf32>,
      %swap3A_200 = vector.shape_cast %swap3A_199 : vector<1x16xf32> to vector<16xf32>
      %swap3A_201 = vector.shape_cast %add3A_196 : vector<16xf32> to vector<1x16xf32>
      tpu.vector_store %arg6[%swap3A_197, %swap3A_198], %swap3A_201 {strides = array<i32>} : memref<64x768xf32, #tpu.memory_space<vmem>>, vector<1x16xf32>,
      %get3A_202 = arith.index_cast %scan3A_62 : i32 to index
      %get3A_203 = arith.constant 160 : index
      %get3A_204 = tpu.vector_load %arg6[%get3A_202, %get3A_203] {strides = array<i32>} : memref<64x768xf32, #tpu.memory_space<vmem>>, vector<1x16xf32>,
      %get3A_205 = vector.shape_cast %get3A_204 : vector<1x16xf32> to vector<16xf32>
      %get3A_206 = arith.index_cast %scan3A_62 : i32 to index
      %get3A_207 = arith.constant 160 : index
      %get3A_208 = tpu.vector_load %arg7[%get3A_206, %get3A_207] {strides = array<i32>} : memref<64x768xf32, #tpu.memory_space<vmem>>, vector<1x16xf32>,
      %get3A_209 = vector.shape_cast %get3A_208 : vector<1x16xf32> to vector<16xf32>
      %add3A_210 = arith.addf %get3A_205, %get3A_209 : vector<16xf32>
      %swap3A_211 = arith.index_cast %scan3A_62 : i32 to index
      %swap3A_212 = arith.constant 160 : index
      %swap3A_213 = tpu.vector_load %arg6[%swap3A_211, %swap3A_212] {strides = array<i32>} : memref<64x768xf32, #tpu.memory_space<vmem>>, vector<1x16xf32>,
      %swap3A_214 = vector.shape_cast %swap3A_213 : vector<1x16xf32> to vector<16xf32>
      %swap3A_215 = vector.shape_cast %add3A_210 : vector<16xf32> to vector<1x16xf32>
      tpu.vector_store %arg6[%swap3A_211, %swap3A_212], %swap3A_215 {strides = array<i32>} : memref<64x768xf32, #tpu.memory_space<vmem>>, vector<1x16xf32>,
      %get3A_216 = arith.index_cast %scan3A_62 : i32 to index
      %get3A_217 = arith.constant 176 : index
      %get3A_218 = tpu.vector_load %arg6[%get3A_216, %get3A_217] {strides = array<i32>} : memref<64x768xf32, #tpu.memory_space<vmem>>, vector<1x16xf32>,
      %get3A_219 = vector.shape_cast %get3A_218 : vector<1x16xf32> to vector<16xf32>
      %get3A_220 = arith.index_cast %scan3A_62 : i32 to index
      %get3A_221 = arith.constant 176 : index
      %get3A_222 = tpu.vector_load %arg7[%get3A_220, %get3A_221] {strides = array<i32>} : memref<64x768xf32, #tpu.memory_space<vmem>>, vector<1x16xf32>,
      %get3A_223 = vector.shape_cast %get3A_222 : vector<1x16xf32> to vector<16xf32>
      %add3A_224 = arith.addf %get3A_219, %get3A_223 : vector<16xf32>
      %swap3A_225 = arith.index_cast %scan3A_62 : i32 to index
      %swap3A_226 = arith.constant 176 : index
      %swap3A_227 = tpu.vector_load %arg6[%swap3A_225, %swap3A_226] {strides = array<i32>} : memref<64x768xf32, #tpu.memory_space<vmem>>, vector<1x16xf32>,
      %swap3A_228 = vector.shape_cast %swap3A_227 : vector<1x16xf32> to vector<16xf32>
      %swap3A_229 = vector.shape_cast %add3A_224 : vector<16xf32> to vector<1x16xf32>
      tpu.vector_store %arg6[%swap3A_225, %swap3A_226], %swap3A_229 {strides = array<i32>} : memref<64x768xf32, #tpu.memory_space<vmem>>, vector<1x16xf32>,
      %get3A_230 = arith.index_cast %scan3A_62 : i32 to index
      %get3A_231 = arith.constant 192 : index
      %get3A_232 = tpu.vector_load %arg6[%get3A_230, %get3A_231] {strides = array<i32>} : memref<64x768xf32, #tpu.memory_space<vmem>>, vector<1x16xf32>,
      %get3A_233 = vector.shape_cast %get3A_232 : vector<1x16xf32> to vector<16xf32>
      %get3A_234 = arith.index_cast %scan3A_62 : i32 to index
      %get3A_235 = arith.constant 192 : index
      %get3A_236 = tpu.vector_load %arg7[%get3A_234, %get3A_235] {strides = array<i32>} : memref<64x768xf32, #tpu.memory_space<vmem>>, vector<1x16xf32>,
      %get3A_237 = vector.shape_cast %get3A_236 : vector<1x16xf32> to vector<16xf32>
      %add3A_238 = arith.addf %get3A_233, %get3A_237 : vector<16xf32>
      %swap3A_239 = arith.index_cast %scan3A_62 : i32 to index
      %swap3A_240 = arith.constant 192 : index
      %swap3A_241 = tpu.vector_load %arg6[%swap3A_239, %swap3A_240] {strides = array<i32>} : memref<64x768xf32, #tpu.memory_space<vmem>>, vector<1x16xf32>,
      %swap3A_242 = vector.shape_cast %swap3A_241 : vector<1x16xf32> to vector<16xf32>
      %swap3A_243 = vector.shape_cast %add3A_238 : vector<16xf32> to vector<1x16xf32>
      tpu.vector_store %arg6[%swap3A_239, %swap3A_240], %swap3A_243 {strides = array<i32>} : memref<64x768xf32, #tpu.memory_space<vmem>>, vector<1x16xf32>,
      %get3A_244 = arith.index_cast %scan3A_62 : i32 to index
      %get3A_245 = arith.constant 208 : index
      %get3A_246 = tpu.vector_load %arg6[%get3A_244, %get3A_245] {strides = array<i32>} : memref<64x768xf32, #tpu.memory_space<vmem>>, vector<1x16xf32>,
      %get3A_247 = vector.shape_cast %get3A_246 : vector<1x16xf32> to vector<16xf32>
      %get3A_248 = arith.index_cast %scan3A_62 : i32 to index
      %get3A_249 = arith.constant 208 : index
      %get3A_250 = tpu.vector_load %arg7[%get3A_248, %get3A_249] {strides = array<i32>} : memref<64x768xf32, #tpu.memory_space<vmem>>, vector<1x16xf32>,
      %get3A_251 = vector.shape_cast %get3A_250 : vector<1x16xf32> to vector<16xf32>
      %add3A_252 = arith.addf %get3A_247, %get3A_251 : vector<16xf32>
      %swap3A_253 = arith.index_cast %scan3A_62 : i32 to index
      %swap3A_254 = arith.constant 208 : index
      %swap3A_255 = tpu.vector_load %arg6[%swap3A_253, %swap3A_254] {strides = array<i32>} : memref<64x768xf32, #tpu.memory_space<vmem>>, vector<1x16xf32>,
      %swap3A_256 = vector.shape_cast %swap3A_255 : vector<1x16xf32> to vector<16xf32>
      %swap3A_257 = vector.shape_cast %add3A_252 : vector<16xf32> to vector<1x16xf32>
      tpu.vector_store %arg6[%swap3A_253, %swap3A_254], %swap3A_257 {strides = array<i32>} : memref<64x768xf32, #tpu.memory_space<vmem>>, vector<1x16xf32>,
      %get3A_258 = arith.index_cast %scan3A_62 : i32 to index
      %get3A_259 = arith.constant 224 : index
      %get3A_260 = tpu.vector_load %arg6[%get3A_258, %get3A_259] {strides = array<i32>} : memref<64x768xf32, #tpu.memory_space<vmem>>, vector<1x16xf32>,
      %get3A_261 = vector.shape_cast %get3A_260 : vector<1x16xf32> to vector<16xf32>
      %get3A_262 = arith.index_cast %scan3A_62 : i32 to index
      %get3A_263 = arith.constant 224 : index
      %get3A_264 = tpu.vector_load %arg7[%get3A_262, %get3A_263] {strides = array<i32>} : memref<64x768xf32, #tpu.memory_space<vmem>>, vector<1x16xf32>,
      %get3A_265 = vector.shape_cast %get3A_264 : vector<1x16xf32> to vector<16xf32>
      %add3A_266 = arith.addf %get3A_261, %get3A_265 : vector<16xf32>
      %swap3A_267 = arith.index_cast %scan3A_62 : i32 to index
      %swap3A_268 = arith.constant 224 : index
      %swap3A_269 = tpu.vector_load %arg6[%swap3A_267, %swap3A_268] {strides = array<i32>} : memref<64x768xf32, #tpu.memory_space<vmem>>, vector<1x16xf32>,
      %swap3A_270 = vector.shape_cast %swap3A_269 : vector<1x16xf32> to vector<16xf32>
      %swap3A_271 = vector.shape_cast %add3A_266 : vector<16xf32> to vector<1x16xf32>
      tpu.vector_store %arg6[%swap3A_267, %swap3A_268], %swap3A_271 {strides = array<i32>} : memref<64x768xf32, #tpu.memory_space<vmem>>, vector<1x16xf32>,
      %get3A_272 = arith.index_cast %scan3A_62 : i32 to index
      %get3A_273 = arith.constant 240 : index
      %get3A_274 = tpu.vector_load %arg6[%get3A_272, %get3A_273] {strides = array<i32>} : memref<64x768xf32, #tpu.memory_space<vmem>>, vector<1x16xf32>,
      %get3A_275 = vector.shape_cast %get3A_274 : vector<1x16xf32> to vector<16xf32>
      %get3A_276 = arith.index_cast %scan3A_62 : i32 to index
      %get3A_277 = arith.constant 240 : index
      %get3A_278 = tpu.vector_load %arg7[%get3A_276, %get3A_277] {strides = array<i32>} : memref<64x768xf32, #tpu.memory_space<vmem>>, vector<1x16xf32>,
      %get3A_279 = vector.shape_cast %get3A_278 : vector<1x16xf32> to vector<16xf32>
      %add3A_280 = arith.addf %get3A_275, %get3A_279 : vector<16xf32>
      %swap3A_281 = arith.index_cast %scan3A_62 : i32 to index
      %swap3A_282 = arith.constant 240 : index
      %swap3A_283 = tpu.vector_load %arg6[%swap3A_281, %swap3A_282] {strides = array<i32>} : memref<64x768xf32, #tpu.memory_space<vmem>>, vector<1x16xf32>,
      %swap3A_284 = vector.shape_cast %swap3A_283 : vector<1x16xf32> to vector<16xf32>
      %swap3A_285 = vector.shape_cast %add3A_280 : vector<16xf32> to vector<1x16xf32>
      tpu.vector_store %arg6[%swap3A_281, %swap3A_282], %swap3A_285 {strides = array<i32>} : memref<64x768xf32, #tpu.memory_space<vmem>>, vector<1x16xf32>,
      %get3A_286 = arith.index_cast %scan3A_62 : i32 to index
      %get3A_287 = arith.constant 256 : index
      %get3A_288 = tpu.vector_load %arg6[%get3A_286, %get3A_287] {strides = array<i32>} : memref<64x768xf32, #tpu.memory_space<vmem>>, vector<1x16xf32>,
      %get3A_289 = vector.shape_cast %get3A_288 : vector<1x16xf32> to vector<16xf32>
      %get3A_290 = arith.index_cast %scan3A_62 : i32 to index
      %get3A_291 = arith.constant 256 : index
      %get3A_292 = tpu.vector_load %arg7[%get3A_290, %get3A_291] {strides = array<i32>} : memref<64x768xf32, #tpu.memory_space<vmem>>, vector<1x16xf32>,
      %get3A_293 = vector.shape_cast %get3A_292 : vector<1x16xf32> to vector<16xf32>
      %add3A_294 = arith.addf %get3A_289, %get3A_293 : vector<16xf32>
      %swap3A_295 = arith.index_cast %scan3A_62 : i32 to index
      %swap3A_296 = arith.constant 256 : index
      %swap3A_297 = tpu.vector_load %arg6[%swap3A_295, %swap3A_296] {strides = array<i32>} : memref<64x768xf32, #tpu.memory_space<vmem>>, vector<1x16xf32>,
      %swap3A_298 = vector.shape_cast %swap3A_297 : vector<1x16xf32> to vector<16xf32>
      %swap3A_299 = vector.shape_cast %add3A_294 : vector<16xf32> to vector<1x16xf32>
      tpu.vector_store %arg6[%swap3A_295, %swap3A_296], %swap3A_299 {strides = array<i32>} : memref<64x768xf32, #tpu.memory_space<vmem>>, vector<1x16xf32>,
      %get3A_300 = arith.index_cast %scan3A_62 : i32 to index
      %get3A_301 = arith.constant 272 : index
      %get3A_302 = tpu.vector_load %arg6[%get3A_300, %get3A_301] {strides = array<i32>} : memref<64x768xf32, #tpu.memory_space<vmem>>, vector<1x16xf32>,
      %get3A_303 = vector.shape_cast %get3A_302 : vector<1x16xf32> to vector<16xf32>
      %get3A_304 = arith.index_cast %scan3A_62 : i32 to index
      %get3A_305 = arith.constant 272 : index
      %get3A_306 = tpu.vector_load %arg7[%get3A_304, %get3A_305] {strides = array<i32>} : memref<64x768xf32, #tpu.memory_space<vmem>>, vector<1x16xf32>,
      %get3A_307 = vector.shape_cast %get3A_306 : vector<1x16xf32> to vector<16xf32>
      %add3A_308 = arith.addf %get3A_303, %get3A_307 : vector<16xf32>
      %swap3A_309 = arith.index_cast %scan3A_62 : i32 to index
      %swap3A_310 = arith.constant 272 : index
      %swap3A_311 = tpu.vector_load %arg6[%swap3A_309, %swap3A_310] {strides = array<i32>} : memref<64x768xf32, #tpu.memory_space<vmem>>, vector<1x16xf32>,
      %swap3A_312 = vector.shape_cast %swap3A_311 : vector<1x16xf32> to vector<16xf32>
      %swap3A_313 = vector.shape_cast %add3A_308 : vector<16xf32> to vector<1x16xf32>
      tpu.vector_store %arg6[%swap3A_309, %swap3A_310], %swap3A_313 {strides = array<i32>} : memref<64x768xf32, #tpu.memory_space<vmem>>, vector<1x16xf32>,
      %get3A_314 = arith.index_cast %scan3A_62 : i32 to index
      %get3A_315 = arith.constant 288 : index
      %get3A_316 = tpu.vector_load %arg6[%get3A_314, %get3A_315] {strides = array<i32>} : memref<64x768xf32, #tpu.memory_space<vmem>>, vector<1x16xf32>,
      %get3A_317 = vector.shape_cast %get3A_316 : vector<1x16xf32> to vector<16xf32>
      %get3A_318 = arith.index_cast %scan3A_62 : i32 to index
      %get3A_319 = arith.constant 288 : index
      %get3A_320 = tpu.vector_load %arg7[%get3A_318, %get3A_319] {strides = array<i32>} : memref<64x768xf32, #tpu.memory_space<vmem>>, vector<1x16xf32>,
      %get3A_321 = vector.shape_cast %get3A_320 : vector<1x16xf32> to vector<16xf32>
      %add3A_322 = arith.addf %get3A_317, %get3A_321 : vector<16xf32>
      %swap3A_323 = arith.index_cast %scan3A_62 : i32 to index
      %swap3A_324 = arith.constant 288 : index
      %swap3A_325 = tpu.vector_load %arg6[%swap3A_323, %swap3A_324] {strides = array<i32>} : memref<64x768xf32, #tpu.memory_space<vmem>>, vector<1x16xf32>,
      %swap3A_326 = vector.shape_cast %swap3A_325 : vector<1x16xf32> to vector<16xf32>
      %swap3A_327 = vector.shape_cast %add3A_322 : vector<16xf32> to vector<1x16xf32>
      tpu.vector_store %arg6[%swap3A_323, %swap3A_324], %swap3A_327 {strides = array<i32>} : memref<64x768xf32, #tpu.memory_space<vmem>>, vector<1x16xf32>,
      %get3A_328 = arith.index_cast %scan3A_62 : i32 to index
      %get3A_329 = arith.constant 304 : index
      %get3A_330 = tpu.vector_load %arg6[%get3A_328, %get3A_329] {strides = array<i32>} : memref<64x768xf32, #tpu.memory_space<vmem>>, vector<1x16xf32>,
      %get3A_331 = vector.shape_cast %get3A_330 : vector<1x16xf32> to vector<16xf32>
      %get3A_332 = arith.index_cast %scan3A_62 : i32 to index
      %get3A_333 = arith.constant 304 : index
      %get3A_334 = tpu.vector_load %arg7[%get3A_332, %get3A_333] {strides = array<i32>} : memref<64x768xf32, #tpu.memory_space<vmem>>, vector<1x16xf32>,
      %get3A_335 = vector.shape_cast %get3A_334 : vector<1x16xf32> to vector<16xf32>
      %add3A_336 = arith.addf %get3A_331, %get3A_335 : vector<16xf32>
      %swap3A_337 = arith.index_cast %scan3A_62 : i32 to index
      %swap3A_338 = arith.constant 304 : index
      %swap3A_339 = tpu.vector_load %arg6[%swap3A_337, %swap3A_338] {strides = array<i32>} : memref<64x768xf32, #tpu.memory_space<vmem>>, vector<1x16xf32>,
      %swap3A_340 = vector.shape_cast %swap3A_339 : vector<1x16xf32> to vector<16xf32>
      %swap3A_341 = vector.shape_cast %add3A_336 : vector<16xf32> to vector<1x16xf32>
      tpu.vector_store %arg6[%swap3A_337, %swap3A_338], %swap3A_341 {strides = array<i32>} : memref<64x768xf32, #tpu.memory_space<vmem>>, vector<1x16xf32>,
      %get3A_342 = arith.index_cast %scan3A_62 : i32 to index
      %get3A_343 = arith.constant 320 : index
      %get3A_344 = tpu.vector_load %arg6[%get3A_342, %get3A_343] {strides = array<i32>} : memref<64x768xf32, #tpu.memory_space<vmem>>, vector<1x16xf32>,
      %get3A_345 = vector.shape_cast %get3A_344 : vector<1x16xf32> to vector<16xf32>
      %get3A_346 = arith.index_cast %scan3A_62 : i32 to index
      %get3A_347 = arith.constant 320 : index
      %get3A_348 = tpu.vector_load %arg7[%get3A_346, %get3A_347] {strides = array<i32>} : memref<64x768xf32, #tpu.memory_space<vmem>>, vector<1x16xf32>,
      %get3A_349 = vector.shape_cast %get3A_348 : vector<1x16xf32> to vector<16xf32>
      %add3A_350 = arith.addf %get3A_345, %get3A_349 : vector<16xf32>
      %swap3A_351 = arith.index_cast %scan3A_62 : i32 to index
      %swap3A_352 = arith.constant 320 : index
      %swap3A_353 = tpu.vector_load %arg6[%swap3A_351, %swap3A_352] {strides = array<i32>} : memref<64x768xf32, #tpu.memory_space<vmem>>, vector<1x16xf32>,
      %swap3A_354 = vector.shape_cast %swap3A_353 : vector<1x16xf32> to vector<16xf32>
      %swap3A_355 = vector.shape_cast %add3A_350 : vector<16xf32> to vector<1x16xf32>
      tpu.vector_store %arg6[%swap3A_351, %swap3A_352], %swap3A_355 {strides = array<i32>} : memref<64x768xf32, #tpu.memory_space<vmem>>, vector<1x16xf32>,
      %get3A_356 = arith.index_cast %scan3A_62 : i32 to index
      %get3A_357 = arith.constant 336 : index
      %get3A_358 = tpu.vector_load %arg6[%get3A_356, %get3A_357] {strides = array<i32>} : memref<64x768xf32, #tpu.memory_space<vmem>>, vector<1x16xf32>,
      %get3A_359 = vector.shape_cast %get3A_358 : vector<1x16xf32> to vector<16xf32>
      %get3A_360 = arith.index_cast %scan3A_62 : i32 to index
      %get3A_361 = arith.constant 336 : index
      %get3A_362 = tpu.vector_load %arg7[%get3A_360, %get3A_361] {strides = array<i32>} : memref<64x768xf32, #tpu.memory_space<vmem>>, vector<1x16xf32>,
      %get3A_363 = vector.shape_cast %get3A_362 : vector<1x16xf32> to vector<16xf32>
      %add3A_364 = arith.addf %get3A_359, %get3A_363 : vector<16xf32>
      %swap3A_365 = arith.index_cast %scan3A_62 : i32 to index
      %swap3A_366 = arith.constant 336 : index
      %swap3A_367 = tpu.vector_load %arg6[%swap3A_365, %swap3A_366] {strides = array<i32>} : memref<64x768xf32, #tpu.memory_space<vmem>>, vector<1x16xf32>,
      %swap3A_368 = vector.shape_cast %swap3A_367 : vector<1x16xf32> to vector<16xf32>
      %swap3A_369 = vector.shape_cast %add3A_364 : vector<16xf32> to vector<1x16xf32>
      tpu.vector_store %arg6[%swap3A_365, %swap3A_366], %swap3A_369 {strides = array<i32>} : memref<64x768xf32, #tpu.memory_space<vmem>>, vector<1x16xf32>,
      %get3A_370 = arith.index_cast %scan3A_62 : i32 to index
      %get3A_371 = arith.constant 352 : index
      %get3A_372 = tpu.vector_load %arg6[%get3A_370, %get3A_371] {strides = array<i32>} : memref<64x768xf32, #tpu.memory_space<vmem>>, vector<1x16xf32>,
      %get3A_373 = vector.shape_cast %get3A_372 : vector<1x16xf32> to vector<16xf32>
      %get3A_374 = arith.index_cast %scan3A_62 : i32 to index
      %get3A_375 = arith.constant 352 : index
      %get3A_376 = tpu.vector_load %arg7[%get3A_374, %get3A_375] {strides = array<i32>} : memref<64x768xf32, #tpu.memory_space<vmem>>, vector<1x16xf32>,
      %get3A_377 = vector.shape_cast %get3A_376 : vector<1x16xf32> to vector<16xf32>
      %add3A_378 = arith.addf %get3A_373, %get3A_377 : vector<16xf32>
      %swap3A_379 = arith.index_cast %scan3A_62 : i32 to index
      %swap3A_380 = arith.constant 352 : index
      %swap3A_381 = tpu.vector_load %arg6[%swap3A_379, %swap3A_380] {strides = array<i32>} : memref<64x768xf32, #tpu.memory_space<vmem>>, vector<1x16xf32>,
      %swap3A_382 = vector.shape_cast %swap3A_381 : vector<1x16xf32> to vector<16xf32>
      %swap3A_383 = vector.shape_cast %add3A_378 : vector<16xf32> to vector<1x16xf32>
      tpu.vector_store %arg6[%swap3A_379, %swap3A_380], %swap3A_383 {strides = array<i32>} : memref<64x768xf32, #tpu.memory_space<vmem>>, vector<1x16xf32>,
      %get3A_384 = arith.index_cast %scan3A_62 : i32 to index
      %get3A_385 = arith.constant 368 : index
      %get3A_386 = tpu.vector_load %arg6[%get3A_384, %get3A_385] {strides = array<i32>} : memref<64x768xf32, #tpu.memory_space<vmem>>, vector<1x16xf32>,
      %get3A_387 = vector.shape_cast %get3A_386 : vector<1x16xf32> to vector<16xf32>
      %get3A_388 = arith.index_cast %scan3A_62 : i32 to index
      %get3A_389 = arith.constant 368 : index
      %get3A_390 = tpu.vector_load %arg7[%get3A_388, %get3A_389] {strides = array<i32>} : memref<64x768xf32, #tpu.memory_space<vmem>>, vector<1x16xf32>,
      %get3A_391 = vector.shape_cast %get3A_390 : vector<1x16xf32> to vector<16xf32>
      %add3A_392 = arith.addf %get3A_387, %get3A_391 : vector<16xf32>
      %swap3A_393 = arith.index_cast %scan3A_62 : i32 to index
      %swap3A_394 = arith.constant 368 : index
      %swap3A_395 = tpu.vector_load %arg6[%swap3A_393, %swap3A_394] {strides = array<i32>} : memref<64x768xf32, #tpu.memory_space<vmem>>, vector<1x16xf32>,
      %swap3A_396 = vector.shape_cast %swap3A_395 : vector<1x16xf32> to vector<16xf32>
      %swap3A_397 = vector.shape_cast %add3A_392 : vector<16xf32> to vector<1x16xf32>
      tpu.vector_store %arg6[%swap3A_393, %swap3A_394], %swap3A_397 {strides = array<i32>} : memref<64x768xf32, #tpu.memory_space<vmem>>, vector<1x16xf32>,
      %get3A_398 = arith.index_cast %scan3A_62 : i32 to index
      %get3A_399 = arith.constant 384 : index
      %get3A_400 = tpu.vector_load %arg6[%get3A_398, %get3A_399] {strides = array<i32>} : memref<64x768xf32, #tpu.memory_space<vmem>>, vector<1x16xf32>,
      %get3A_401 = vector.shape_cast %get3A_400 : vector<1x16xf32> to vector<16xf32>
      %get3A_402 = arith.index_cast %scan3A_62 : i32 to index
      %get3A_403 = arith.constant 384 : index
      %get3A_404 = tpu.vector_load %arg7[%get3A_402, %get3A_403] {strides = array<i32>} : memref<64x768xf32, #tpu.memory_space<vmem>>, vector<1x16xf32>,
      %get3A_405 = vector.shape_cast %get3A_404 : vector<1x16xf32> to vector<16xf32>
      %add3A_406 = arith.addf %get3A_401, %get3A_405 : vector<16xf32>
      %swap3A_407 = arith.index_cast %scan3A_62 : i32 to index
      %swap3A_408 = arith.constant 384 : index
      %swap3A_409 = tpu.vector_load %arg6[%swap3A_407, %swap3A_408] {strides = array<i32>} : memref<64x768xf32, #tpu.memory_space<vmem>>, vector<1x16xf32>,
      %swap3A_410 = vector.shape_cast %swap3A_409 : vector<1x16xf32> to vector<16xf32>
      %swap3A_411 = vector.shape_cast %add3A_406 : vector<16xf32> to vector<1x16xf32>
      tpu.vector_store %arg6[%swap3A_407, %swap3A_408], %swap3A_411 {strides = array<i32>} : memref<64x768xf32, #tpu.memory_space<vmem>>, vector<1x16xf32>,
      %get3A_412 = arith.index_cast %scan3A_62 : i32 to index
      %get3A_413 = arith.constant 400 : index
      %get3A_414 = tpu.vector_load %arg6[%get3A_412, %get3A_413] {strides = array<i32>} : memref<64x768xf32, #tpu.memory_space<vmem>>, vector<1x16xf32>,
      %get3A_415 = vector.shape_cast %get3A_414 : vector<1x16xf32> to vector<16xf32>
      %get3A_416 = arith.index_cast %scan3A_62 : i32 to index
      %get3A_417 = arith.constant 400 : index
      %get3A_418 = tpu.vector_load %arg7[%get3A_416, %get3A_417] {strides = array<i32>} : memref<64x768xf32, #tpu.memory_space<vmem>>, vector<1x16xf32>,
      %get3A_419 = vector.shape_cast %get3A_418 : vector<1x16xf32> to vector<16xf32>
      %add3A_420 = arith.addf %get3A_415, %get3A_419 : vector<16xf32>
      %swap3A_421 = arith.index_cast %scan3A_62 : i32 to index
      %swap3A_422 = arith.constant 400 : index
      %swap3A_423 = tpu.vector_load %arg6[%swap3A_421, %swap3A_422] {strides = array<i32>} : memref<64x768xf32, #tpu.memory_space<vmem>>, vector<1x16xf32>,
      %swap3A_424 = vector.shape_cast %swap3A_423 : vector<1x16xf32> to vector<16xf32>
      %swap3A_425 = vector.shape_cast %add3A_420 : vector<16xf32> to vector<1x16xf32>
      tpu.vector_store %arg6[%swap3A_421, %swap3A_422], %swap3A_425 {strides = array<i32>} : memref<64x768xf32, #tpu.memory_space<vmem>>, vector<1x16xf32>,
      %get3A_426 = arith.index_cast %scan3A_62 : i32 to index
      %get3A_427 = arith.constant 416 : index
      %get3A_428 = tpu.vector_load %arg6[%get3A_426, %get3A_427] {strides = array<i32>} : memref<64x768xf32, #tpu.memory_space<vmem>>, vector<1x16xf32>,
      %get3A_429 = vector.shape_cast %get3A_428 : vector<1x16xf32> to vector<16xf32>
      %get3A_430 = arith.index_cast %scan3A_62 : i32 to index
      %get3A_431 = arith.constant 416 : index
      %get3A_432 = tpu.vector_load %arg7[%get3A_430, %get3A_431] {strides = array<i32>} : memref<64x768xf32, #tpu.memory_space<vmem>>, vector<1x16xf32>,
      %get3A_433 = vector.shape_cast %get3A_432 : vector<1x16xf32> to vector<16xf32>
      %add3A_434 = arith.addf %get3A_429, %get3A_433 : vector<16xf32>
      %swap3A_435 = arith.index_cast %scan3A_62 : i32 to index
      %swap3A_436 = arith.constant 416 : index
      %swap3A_437 = tpu.vector_load %arg6[%swap3A_435, %swap3A_436] {strides = array<i32>} : memref<64x768xf32, #tpu.memory_space<vmem>>, vector<1x16xf32>,
      %swap3A_438 = vector.shape_cast %swap3A_437 : vector<1x16xf32> to vector<16xf32>
      %swap3A_439 = vector.shape_cast %add3A_434 : vector<16xf32> to vector<1x16xf32>
      tpu.vector_store %arg6[%swap3A_435, %swap3A_436], %swap3A_439 {strides = array<i32>} : memref<64x768xf32, #tpu.memory_space<vmem>>, vector<1x16xf32>,
      %get3A_440 = arith.index_cast %scan3A_62 : i32 to index
      %get3A_441 = arith.constant 432 : index
      %get3A_442 = tpu.vector_load %arg6[%get3A_440, %get3A_441] {strides = array<i32>} : memref<64x768xf32, #tpu.memory_space<vmem>>, vector<1x16xf32>,
      %get3A_443 = vector.shape_cast %get3A_442 : vector<1x16xf32> to vector<16xf32>
      %get3A_444 = arith.index_cast %scan3A_62 : i32 to index
      %get3A_445 = arith.constant 432 : index
      %get3A_446 = tpu.vector_load %arg7[%get3A_444, %get3A_445] {strides = array<i32>} : memref<64x768xf32, #tpu.memory_space<vmem>>, vector<1x16xf32>,
      %get3A_447 = vector.shape_cast %get3A_446 : vector<1x16xf32> to vector<16xf32>
      %add3A_448 = arith.addf %get3A_443, %get3A_447 : vector<16xf32>
      %swap3A_449 = arith.index_cast %scan3A_62 : i32 to index
      %swap3A_450 = arith.constant 432 : index
      %swap3A_451 = tpu.vector_load %arg6[%swap3A_449, %swap3A_450] {strides = array<i32>} : memref<64x768xf32, #tpu.memory_space<vmem>>, vector<1x16xf32>,
      %swap3A_452 = vector.shape_cast %swap3A_451 : vector<1x16xf32> to vector<16xf32>
      %swap3A_453 = vector.shape_cast %add3A_448 : vector<16xf32> to vector<1x16xf32>
      tpu.vector_store %arg6[%swap3A_449, %swap3A_450], %swap3A_453 {strides = array<i32>} : memref<64x768xf32, #tpu.memory_space<vmem>>, vector<1x16xf32>,
      %get3A_454 = arith.index_cast %scan3A_62 : i32 to index
      %get3A_455 = arith.constant 448 : index
      %get3A_456 = tpu.vector_load %arg6[%get3A_454, %get3A_455] {strides = array<i32>} : memref<64x768xf32, #tpu.memory_space<vmem>>, vector<1x16xf32>,
      %get3A_457 = vector.shape_cast %get3A_456 : vector<1x16xf32> to vector<16xf32>
      %get3A_458 = arith.index_cast %scan3A_62 : i32 to index
      %get3A_459 = arith.constant 448 : index
      %get3A_460 = tpu.vector_load %arg7[%get3A_458, %get3A_459] {strides = array<i32>} : memref<64x768xf32, #tpu.memory_space<vmem>>, vector<1x16xf32>,
      %get3A_461 = vector.shape_cast %get3A_460 : vector<1x16xf32> to vector<16xf32>
      %add3A_462 = arith.addf %get3A_457, %get3A_461 : vector<16xf32>
      %swap3A_463 = arith.index_cast %scan3A_62 : i32 to index
      %swap3A_464 = arith.constant 448 : index
      %swap3A_465 = tpu.vector_load %arg6[%swap3A_463, %swap3A_464] {strides = array<i32>} : memref<64x768xf32, #tpu.memory_space<vmem>>, vector<1x16xf32>,
      %swap3A_466 = vector.shape_cast %swap3A_465 : vector<1x16xf32> to vector<16xf32>
      %swap3A_467 = vector.shape_cast %add3A_462 : vector<16xf32> to vector<1x16xf32>
      tpu.vector_store %arg6[%swap3A_463, %swap3A_464], %swap3A_467 {strides = array<i32>} : memref<64x768xf32, #tpu.memory_space<vmem>>, vector<1x16xf32>,
      %get3A_468 = arith.index_cast %scan3A_62 : i32 to index
      %get3A_469 = arith.constant 464 : index
      %get3A_470 = tpu.vector_load %arg6[%get3A_468, %get3A_469] {strides = array<i32>} : memref<64x768xf32, #tpu.memory_space<vmem>>, vector<1x16xf32>,
      %get3A_471 = vector.shape_cast %get3A_470 : vector<1x16xf32> to vector<16xf32>
      %get3A_472 = arith.index_cast %scan3A_62 : i32 to index
      %get3A_473 = arith.constant 464 : index
      %get3A_474 = tpu.vector_load %arg7[%get3A_472, %get3A_473] {strides = array<i32>} : memref<64x768xf32, #tpu.memory_space<vmem>>, vector<1x16xf32>,
      %get3A_475 = vector.shape_cast %get3A_474 : vector<1x16xf32> to vector<16xf32>
      %add3A_476 = arith.addf %get3A_471, %get3A_475 : vector<16xf32>
      %swap3A_477 = arith.index_cast %scan3A_62 : i32 to index
      %swap3A_478 = arith.constant 464 : index
      %swap3A_479 = tpu.vector_load %arg6[%swap3A_477, %swap3A_478] {strides = array<i32>} : memref<64x768xf32, #tpu.memory_space<vmem>>, vector<1x16xf32>,
      %swap3A_480 = vector.shape_cast %swap3A_479 : vector<1x16xf32> to vector<16xf32>
      %swap3A_481 = vector.shape_cast %add3A_476 : vector<16xf32> to vector<1x16xf32>
      tpu.vector_store %arg6[%swap3A_477, %swap3A_478], %swap3A_481 {strides = array<i32>} : memref<64x768xf32, #tpu.memory_space<vmem>>, vector<1x16xf32>,
      %get3A_482 = arith.index_cast %scan3A_62 : i32 to index
      %get3A_483 = arith.constant 480 : index
      %get3A_484 = tpu.vector_load %arg6[%get3A_482, %get3A_483] {strides = array<i32>} : memref<64x768xf32, #tpu.memory_space<vmem>>, vector<1x16xf32>,
      %get3A_485 = vector.shape_cast %get3A_484 : vector<1x16xf32> to vector<16xf32>
      %get3A_486 = arith.index_cast %scan3A_62 : i32 to index
      %get3A_487 = arith.constant 480 : index
      %get3A_488 = tpu.vector_load %arg7[%get3A_486, %get3A_487] {strides = array<i32>} : memref<64x768xf32, #tpu.memory_space<vmem>>, vector<1x16xf32>,
      %get3A_489 = vector.shape_cast %get3A_488 : vector<1x16xf32> to vector<16xf32>
      %add3A_490 = arith.addf %get3A_485, %get3A_489 : vector<16xf32>
      %swap3A_491 = arith.index_cast %scan3A_62 : i32 to index
      %swap3A_492 = arith.constant 480 : index
      %swap3A_493 = tpu.vector_load %arg6[%swap3A_491, %swap3A_492] {strides = array<i32>} : memref<64x768xf32, #tpu.memory_space<vmem>>, vector<1x16xf32>,
      %swap3A_494 = vector.shape_cast %swap3A_493 : vector<1x16xf32> to vector<16xf32>
      %swap3A_495 = vector.shape_cast %add3A_490 : vector<16xf32> to vector<1x16xf32>
      tpu.vector_store %arg6[%swap3A_491, %swap3A_492], %swap3A_495 {strides = array<i32>} : memref<64x768xf32, #tpu.memory_space<vmem>>, vector<1x16xf32>,
      %get3A_496 = arith.index_cast %scan3A_62 : i32 to index
      %get3A_497 = arith.constant 496 : index
      %get3A_498 = tpu.vector_load %arg6[%get3A_496, %get3A_497] {strides = array<i32>} : memref<64x768xf32, #tpu.memory_space<vmem>>, vector<1x16xf32>,
      %get3A_499 = vector.shape_cast %get3A_498 : vector<1x16xf32> to vector<16xf32>
      %get3A_500 = arith.index_cast %scan3A_62 : i32 to index
      %get3A_501 = arith.constant 496 : index
      %get3A_502 = tpu.vector_load %arg7[%get3A_500, %get3A_501] {strides = array<i32>} : memref<64x768xf32, #tpu.memory_space<vmem>>, vector<1x16xf32>,
      %get3A_503 = vector.shape_cast %get3A_502 : vector<1x16xf32> to vector<16xf32>
      %add3A_504 = arith.addf %get3A_499, %get3A_503 : vector<16xf32>
      %swap3A_505 = arith.index_cast %scan3A_62 : i32 to index
      %swap3A_506 = arith.constant 496 : index
      %swap3A_507 = tpu.vector_load %arg6[%swap3A_505, %swap3A_506] {strides = array<i32>} : memref<64x768xf32, #tpu.memory_space<vmem>>, vector<1x16xf32>,
      %swap3A_508 = vector.shape_cast %swap3A_507 : vector<1x16xf32> to vector<16xf32>
      %swap3A_509 = vector.shape_cast %add3A_504 : vector<16xf32> to vector<1x16xf32>
      tpu.vector_store %arg6[%swap3A_505, %swap3A_506], %swap3A_509 {strides = array<i32>} : memref<64x768xf32, #tpu.memory_space<vmem>>, vector<1x16xf32>,
      %get3A_510 = arith.index_cast %scan3A_62 : i32 to index
      %get3A_511 = arith.constant 512 : index
      %get3A_512 = tpu.vector_load %arg6[%get3A_510, %get3A_511] {strides = array<i32>} : memref<64x768xf32, #tpu.memory_space<vmem>>, vector<1x16xf32>,
      %get3A_513 = vector.shape_cast %get3A_512 : vector<1x16xf32> to vector<16xf32>
      %get3A_514 = arith.index_cast %scan3A_62 : i32 to index
      %get3A_515 = arith.constant 512 : index
      %get3A_516 = tpu.vector_load %arg7[%get3A_514, %get3A_515] {strides = array<i32>} : memref<64x768xf32, #tpu.memory_space<vmem>>, vector<1x16xf32>,
      %get3A_517 = vector.shape_cast %get3A_516 : vector<1x16xf32> to vector<16xf32>
      %add3A_518 = arith.addf %get3A_513, %get3A_517 : vector<16xf32>
      %swap3A_519 = arith.index_cast %scan3A_62 : i32 to index
      %swap3A_520 = arith.constant 512 : index
      %swap3A_521 = tpu.vector_load %arg6[%swap3A_519, %swap3A_520] {strides = array<i32>} : memref<64x768xf32, #tpu.memory_space<vmem>>, vector<1x16xf32>,
      %swap3A_522 = vector.shape_cast %swap3A_521 : vector<1x16xf32> to vector<16xf32>
      %swap3A_523 = vector.shape_cast %add3A_518 : vector<16xf32> to vector<1x16xf32>
      tpu.vector_store %arg6[%swap3A_519, %swap3A_520], %swap3A_523 {strides = array<i32>} : memref<64x768xf32, #tpu.memory_space<vmem>>, vector<1x16xf32>,
      %get3A_524 = arith.index_cast %scan3A_62 : i32 to index
      %get3A_525 = arith.constant 528 : index
      %get3A_526 = tpu.vector_load %arg6[%get3A_524, %get3A_525] {strides = array<i32>} : memref<64x768xf32, #tpu.memory_space<vmem>>, vector<1x16xf32>,
      %get3A_527 = vector.shape_cast %get3A_526 : vector<1x16xf32> to vector<16xf32>
      %get3A_528 = arith.index_cast %scan3A_62 : i32 to index
      %get3A_529 = arith.constant 528 : index
      %get3A_530 = tpu.vector_load %arg7[%get3A_528, %get3A_529] {strides = array<i32>} : memref<64x768xf32, #tpu.memory_space<vmem>>, vector<1x16xf32>,
      %get3A_531 = vector.shape_cast %get3A_530 : vector<1x16xf32> to vector<16xf32>
      %add3A_532 = arith.addf %get3A_527, %get3A_531 : vector<16xf32>
      %swap3A_533 = arith.index_cast %scan3A_62 : i32 to index
      %swap3A_534 = arith.constant 528 : index
      %swap3A_535 = tpu.vector_load %arg6[%swap3A_533, %swap3A_534] {strides = array<i32>} : memref<64x768xf32, #tpu.memory_space<vmem>>, vector<1x16xf32>,
      %swap3A_536 = vector.shape_cast %swap3A_535 : vector<1x16xf32> to vector<16xf32>
      %swap3A_537 = vector.shape_cast %add3A_532 : vector<16xf32> to vector<1x16xf32>
      tpu.vector_store %arg6[%swap3A_533, %swap3A_534], %swap3A_537 {strides = array<i32>} : memref<64x768xf32, #tpu.memory_space<vmem>>, vector<1x16xf32>,
      %get3A_538 = arith.index_cast %scan3A_62 : i32 to index
      %get3A_539 = arith.constant 544 : index
      %get3A_540 = tpu.vector_load %arg6[%get3A_538, %get3A_539] {strides = array<i32>} : memref<64x768xf32, #tpu.memory_space<vmem>>, vector<1x16xf32>,
      %get3A_541 = vector.shape_cast %get3A_540 : vector<1x16xf32> to vector<16xf32>
      %get3A_542 = arith.index_cast %scan3A_62 : i32 to index
      %get3A_543 = arith.constant 544 : index
      %get3A_544 = tpu.vector_load %arg7[%get3A_542, %get3A_543] {strides = array<i32>} : memref<64x768xf32, #tpu.memory_space<vmem>>, vector<1x16xf32>,
      %get3A_545 = vector.shape_cast %get3A_544 : vector<1x16xf32> to vector<16xf32>
      %add3A_546 = arith.addf %get3A_541, %get3A_545 : vector<16xf32>
      %swap3A_547 = arith.index_cast %scan3A_62 : i32 to index
      %swap3A_548 = arith.constant 544 : index
      %swap3A_549 = tpu.vector_load %arg6[%swap3A_547, %swap3A_548] {strides = array<i32>} : memref<64x768xf32, #tpu.memory_space<vmem>>, vector<1x16xf32>,
      %swap3A_550 = vector.shape_cast %swap3A_549 : vector<1x16xf32> to vector<16xf32>
      %swap3A_551 = vector.shape_cast %add3A_546 : vector<16xf32> to vector<1x16xf32>
      tpu.vector_store %arg6[%swap3A_547, %swap3A_548], %swap3A_551 {strides = array<i32>} : memref<64x768xf32, #tpu.memory_space<vmem>>, vector<1x16xf32>,
      %get3A_552 = arith.index_cast %scan3A_62 : i32 to index
      %get3A_553 = arith.constant 560 : index
      %get3A_554 = tpu.vector_load %arg6[%get3A_552, %get3A_553] {strides = array<i32>} : memref<64x768xf32, #tpu.memory_space<vmem>>, vector<1x16xf32>,
      %get3A_555 = vector.shape_cast %get3A_554 : vector<1x16xf32> to vector<16xf32>
      %get3A_556 = arith.index_cast %scan3A_62 : i32 to index
      %get3A_557 = arith.constant 560 : index
      %get3A_558 = tpu.vector_load %arg7[%get3A_556, %get3A_557] {strides = array<i32>} : memref<64x768xf32, #tpu.memory_space<vmem>>, vector<1x16xf32>,
      %get3A_559 = vector.shape_cast %get3A_558 : vector<1x16xf32> to vector<16xf32>
      %add3A_560 = arith.addf %get3A_555, %get3A_559 : vector<16xf32>
      %swap3A_561 = arith.index_cast %scan3A_62 : i32 to index
      %swap3A_562 = arith.constant 560 : index
      %swap3A_563 = tpu.vector_load %arg6[%swap3A_561, %swap3A_562] {strides = array<i32>} : memref<64x768xf32, #tpu.memory_space<vmem>>, vector<1x16xf32>,
      %swap3A_564 = vector.shape_cast %swap3A_563 : vector<1x16xf32> to vector<16xf32>
      %swap3A_565 = vector.shape_cast %add3A_560 : vector<16xf32> to vector<1x16xf32>
      tpu.vector_store %arg6[%swap3A_561, %swap3A_562], %swap3A_565 {strides = array<i32>} : memref<64x768xf32, #tpu.memory_space<vmem>>, vector<1x16xf32>,
      %get3A_566 = arith.index_cast %scan3A_62 : i32 to index
      %get3A_567 = arith.constant 576 : index
      %get3A_568 = tpu.vector_load %arg6[%get3A_566, %get3A_567] {strides = array<i32>} : memref<64x768xf32, #tpu.memory_space<vmem>>, vector<1x16xf32>,
      %get3A_569 = vector.shape_cast %get3A_568 : vector<1x16xf32> to vector<16xf32>
      %get3A_570 = arith.index_cast %scan3A_62 : i32 to index
      %get3A_571 = arith.constant 576 : index
      %get3A_572 = tpu.vector_load %arg7[%get3A_570, %get3A_571] {strides = array<i32>} : memref<64x768xf32, #tpu.memory_space<vmem>>, vector<1x16xf32>,
      %get3A_573 = vector.shape_cast %get3A_572 : vector<1x16xf32> to vector<16xf32>
      %add3A_574 = arith.addf %get3A_569, %get3A_573 : vector<16xf32>
      %swap3A_575 = arith.index_cast %scan3A_62 : i32 to index
      %swap3A_576 = arith.constant 576 : index
      %swap3A_577 = tpu.vector_load %arg6[%swap3A_575, %swap3A_576] {strides = array<i32>} : memref<64x768xf32, #tpu.memory_space<vmem>>, vector<1x16xf32>,
      %swap3A_578 = vector.shape_cast %swap3A_577 : vector<1x16xf32> to vector<16xf32>
      %swap3A_579 = vector.shape_cast %add3A_574 : vector<16xf32> to vector<1x16xf32>
      tpu.vector_store %arg6[%swap3A_575, %swap3A_576], %swap3A_579 {strides = array<i32>} : memref<64x768xf32, #tpu.memory_space<vmem>>, vector<1x16xf32>,
      %get3A_580 = arith.index_cast %scan3A_62 : i32 to index
      %get3A_581 = arith.constant 592 : index
      %get3A_582 = tpu.vector_load %arg6[%get3A_580, %get3A_581] {strides = array<i32>} : memref<64x768xf32, #tpu.memory_space<vmem>>, vector<1x16xf32>,
      %get3A_583 = vector.shape_cast %get3A_582 : vector<1x16xf32> to vector<16xf32>
      %get3A_584 = arith.index_cast %scan3A_62 : i32 to index
      %get3A_585 = arith.constant 592 : index
      %get3A_586 = tpu.vector_load %arg7[%get3A_584, %get3A_585] {strides = array<i32>} : memref<64x768xf32, #tpu.memory_space<vmem>>, vector<1x16xf32>,
      %get3A_587 = vector.shape_cast %get3A_586 : vector<1x16xf32> to vector<16xf32>
      %add3A_588 = arith.addf %get3A_583, %get3A_587 : vector<16xf32>
      %swap3A_589 = arith.index_cast %scan3A_62 : i32 to index
      %swap3A_590 = arith.constant 592 : index
      %swap3A_591 = tpu.vector_load %arg6[%swap3A_589, %swap3A_590] {strides = array<i32>} : memref<64x768xf32, #tpu.memory_space<vmem>>, vector<1x16xf32>,
      %swap3A_592 = vector.shape_cast %swap3A_591 : vector<1x16xf32> to vector<16xf32>
      %swap3A_593 = vector.shape_cast %add3A_588 : vector<16xf32> to vector<1x16xf32>
      tpu.vector_store %arg6[%swap3A_589, %swap3A_590], %swap3A_593 {strides = array<i32>} : memref<64x768xf32, #tpu.memory_space<vmem>>, vector<1x16xf32>,
      %get3A_594 = arith.index_cast %scan3A_62 : i32 to index
      %get3A_595 = arith.constant 608 : index
      %get3A_596 = tpu.vector_load %arg6[%get3A_594, %get3A_595] {strides = array<i32>} : memref<64x768xf32, #tpu.memory_space<vmem>>, vector<1x16xf32>,
      %get3A_597 = vector.shape_cast %get3A_596 : vector<1x16xf32> to vector<16xf32>
      %get3A_598 = arith.index_cast %scan3A_62 : i32 to index
      %get3A_599 = arith.constant 608 : index
      %get3A_600 = tpu.vector_load %arg7[%get3A_598, %get3A_599] {strides = array<i32>} : memref<64x768xf32, #tpu.memory_space<vmem>>, vector<1x16xf32>,
      %get3A_601 = vector.shape_cast %get3A_600 : vector<1x16xf32> to vector<16xf32>
      %add3A_602 = arith.addf %get3A_597, %get3A_601 : vector<16xf32>
      %swap3A_603 = arith.index_cast %scan3A_62 : i32 to index
      %swap3A_604 = arith.constant 608 : index
      %swap3A_605 = tpu.vector_load %arg6[%swap3A_603, %swap3A_604] {strides = array<i32>} : memref<64x768xf32, #tpu.memory_space<vmem>>, vector<1x16xf32>,
      %swap3A_606 = vector.shape_cast %swap3A_605 : vector<1x16xf32> to vector<16xf32>
      %swap3A_607 = vector.shape_cast %add3A_602 : vector<16xf32> to vector<1x16xf32>
      tpu.vector_store %arg6[%swap3A_603, %swap3A_604], %swap3A_607 {strides = array<i32>} : memref<64x768xf32, #tpu.memory_space<vmem>>, vector<1x16xf32>,
      %get3A_608 = arith.index_cast %scan3A_62 : i32 to index
      %get3A_609 = arith.constant 624 : index
      %get3A_610 = tpu.vector_load %arg6[%get3A_608, %get3A_609] {strides = array<i32>} : memref<64x768xf32, #tpu.memory_space<vmem>>, vector<1x16xf32>,
      %get3A_611 = vector.shape_cast %get3A_610 : vector<1x16xf32> to vector<16xf32>
      %get3A_612 = arith.index_cast %scan3A_62 : i32 to index
      %get3A_613 = arith.constant 624 : index
      %get3A_614 = tpu.vector_load %arg7[%get3A_612, %get3A_613] {strides = array<i32>} : memref<64x768xf32, #tpu.memory_space<vmem>>, vector<1x16xf32>,
      %get3A_615 = vector.shape_cast %get3A_614 : vector<1x16xf32> to vector<16xf32>
      %add3A_616 = arith.addf %get3A_611, %get3A_615 : vector<16xf32>
      %swap3A_617 = arith.index_cast %scan3A_62 : i32 to index
      %swap3A_618 = arith.constant 624 : index
      %swap3A_619 = tpu.vector_load %arg6[%swap3A_617, %swap3A_618] {strides = array<i32>} : memref<64x768xf32, #tpu.memory_space<vmem>>, vector<1x16xf32>,
      %swap3A_620 = vector.shape_cast %swap3A_619 : vector<1x16xf32> to vector<16xf32>
      %swap3A_621 = vector.shape_cast %add3A_616 : vector<16xf32> to vector<1x16xf32>
      tpu.vector_store %arg6[%swap3A_617, %swap3A_618], %swap3A_621 {strides = array<i32>} : memref<64x768xf32, #tpu.memory_space<vmem>>, vector<1x16xf32>,
      %get3A_622 = arith.index_cast %scan3A_62 : i32 to index
      %get3A_623 = arith.constant 640 : index
      %get3A_624 = tpu.vector_load %arg6[%get3A_622, %get3A_623] {strides = array<i32>} : memref<64x768xf32, #tpu.memory_space<vmem>>, vector<1x16xf32>,
      %get3A_625 = vector.shape_cast %get3A_624 : vector<1x16xf32> to vector<16xf32>
      %get3A_626 = arith.index_cast %scan3A_62 : i32 to index
      %get3A_627 = arith.constant 640 : index
      %get3A_628 = tpu.vector_load %arg7[%get3A_626, %get3A_627] {strides = array<i32>} : memref<64x768xf32, #tpu.memory_space<vmem>>, vector<1x16xf32>,
      %get3A_629 = vector.shape_cast %get3A_628 : vector<1x16xf32> to vector<16xf32>
      %add3A_630 = arith.addf %get3A_625, %get3A_629 : vector<16xf32>
      %swap3A_631 = arith.index_cast %scan3A_62 : i32 to index
      %swap3A_632 = arith.constant 640 : index
      %swap3A_633 = tpu.vector_load %arg6[%swap3A_631, %swap3A_632] {strides = array<i32>} : memref<64x768xf32, #tpu.memory_space<vmem>>, vector<1x16xf32>,
      %swap3A_634 = vector.shape_cast %swap3A_633 : vector<1x16xf32> to vector<16xf32>
      %swap3A_635 = vector.shape_cast %add3A_630 : vector<16xf32> to vector<1x16xf32>
      tpu.vector_store %arg6[%swap3A_631, %swap3A_632], %swap3A_635 {strides = array<i32>} : memref<64x768xf32, #tpu.memory_space<vmem>>, vector<1x16xf32>,
      %get3A_636 = arith.index_cast %scan3A_62 : i32 to index
      %get3A_637 = arith.constant 656 : index
      %get3A_638 = tpu.vector_load %arg6[%get3A_636, %get3A_637] {strides = array<i32>} : memref<64x768xf32, #tpu.memory_space<vmem>>, vector<1x16xf32>,
      %get3A_639 = vector.shape_cast %get3A_638 : vector<1x16xf32> to vector<16xf32>
      %get3A_640 = arith.index_cast %scan3A_62 : i32 to index
      %get3A_641 = arith.constant 656 : index
      %get3A_642 = tpu.vector_load %arg7[%get3A_640, %get3A_641] {strides = array<i32>} : memref<64x768xf32, #tpu.memory_space<vmem>>, vector<1x16xf32>,
      %get3A_643 = vector.shape_cast %get3A_642 : vector<1x16xf32> to vector<16xf32>
      %add3A_644 = arith.addf %get3A_639, %get3A_643 : vector<16xf32>
      %swap3A_645 = arith.index_cast %scan3A_62 : i32 to index
      %swap3A_646 = arith.constant 656 : index
      %swap3A_647 = tpu.vector_load %arg6[%swap3A_645, %swap3A_646] {strides = array<i32>} : memref<64x768xf32, #tpu.memory_space<vmem>>, vector<1x16xf32>,
      %swap3A_648 = vector.shape_cast %swap3A_647 : vector<1x16xf32> to vector<16xf32>
      %swap3A_649 = vector.shape_cast %add3A_644 : vector<16xf32> to vector<1x16xf32>
      tpu.vector_store %arg6[%swap3A_645, %swap3A_646], %swap3A_649 {strides = array<i32>} : memref<64x768xf32, #tpu.memory_space<vmem>>, vector<1x16xf32>,
      %get3A_650 = arith.index_cast %scan3A_62 : i32 to index
      %get3A_651 = arith.constant 672 : index
      %get3A_652 = tpu.vector_load %arg6[%get3A_650, %get3A_651] {strides = array<i32>} : memref<64x768xf32, #tpu.memory_space<vmem>>, vector<1x16xf32>,
      %get3A_653 = vector.shape_cast %get3A_652 : vector<1x16xf32> to vector<16xf32>
      %get3A_654 = arith.index_cast %scan3A_62 : i32 to index
      %get3A_655 = arith.constant 672 : index
      %get3A_656 = tpu.vector_load %arg7[%get3A_654, %get3A_655] {strides = array<i32>} : memref<64x768xf32, #tpu.memory_space<vmem>>, vector<1x16xf32>,
      %get3A_657 = vector.shape_cast %get3A_656 : vector<1x16xf32> to vector<16xf32>
      %add3A_658 = arith.addf %get3A_653, %get3A_657 : vector<16xf32>
      %swap3A_659 = arith.index_cast %scan3A_62 : i32 to index
      %swap3A_660 = arith.constant 672 : index
      %swap3A_661 = tpu.vector_load %arg6[%swap3A_659, %swap3A_660] {strides = array<i32>} : memref<64x768xf32, #tpu.memory_space<vmem>>, vector<1x16xf32>,
      %swap3A_662 = vector.shape_cast %swap3A_661 : vector<1x16xf32> to vector<16xf32>
      %swap3A_663 = vector.shape_cast %add3A_658 : vector<16xf32> to vector<1x16xf32>
      tpu.vector_store %arg6[%swap3A_659, %swap3A_660], %swap3A_663 {strides = array<i32>} : memref<64x768xf32, #tpu.memory_space<vmem>>, vector<1x16xf32>,
      %get3A_664 = arith.index_cast %scan3A_62 : i32 to index
      %get3A_665 = arith.constant 688 : index
      %get3A_666 = tpu.vector_load %arg6[%get3A_664, %get3A_665] {strides = array<i32>} : memref<64x768xf32, #tpu.memory_space<vmem>>, vector<1x16xf32>,
      %get3A_667 = vector.shape_cast %get3A_666 : vector<1x16xf32> to vector<16xf32>
      %get3A_668 = arith.index_cast %scan3A_62 : i32 to index
      %get3A_669 = arith.constant 688 : index
      %get3A_670 = tpu.vector_load %arg7[%get3A_668, %get3A_669] {strides = array<i32>} : memref<64x768xf32, #tpu.memory_space<vmem>>, vector<1x16xf32>,
      %get3A_671 = vector.shape_cast %get3A_670 : vector<1x16xf32> to vector<16xf32>
      %add3A_672 = arith.addf %get3A_667, %get3A_671 : vector<16xf32>
      %swap3A_673 = arith.index_cast %scan3A_62 : i32 to index
      %swap3A_674 = arith.constant 688 : index
      %swap3A_675 = tpu.vector_load %arg6[%swap3A_673, %swap3A_674] {strides = array<i32>} : memref<64x768xf32, #tpu.memory_space<vmem>>, vector<1x16xf32>,
      %swap3A_676 = vector.shape_cast %swap3A_675 : vector<1x16xf32> to vector<16xf32>
      %swap3A_677 = vector.shape_cast %add3A_672 : vector<16xf32> to vector<1x16xf32>
      tpu.vector_store %arg6[%swap3A_673, %swap3A_674], %swap3A_677 {strides = array<i32>} : memref<64x768xf32, #tpu.memory_space<vmem>>, vector<1x16xf32>,
      %get3A_678 = arith.index_cast %scan3A_62 : i32 to index
      %get3A_679 = arith.constant 704 : index
      %get3A_680 = tpu.vector_load %arg6[%get3A_678, %get3A_679] {strides = array<i32>} : memref<64x768xf32, #tpu.memory_space<vmem>>, vector<1x16xf32>,
      %get3A_681 = vector.shape_cast %get3A_680 : vector<1x16xf32> to vector<16xf32>
      %get3A_682 = arith.index_cast %scan3A_62 : i32 to index
      %get3A_683 = arith.constant 704 : index
      %get3A_684 = tpu.vector_load %arg7[%get3A_682, %get3A_683] {strides = array<i32>} : memref<64x768xf32, #tpu.memory_space<vmem>>, vector<1x16xf32>,
      %get3A_685 = vector.shape_cast %get3A_684 : vector<1x16xf32> to vector<16xf32>
      %add3A_686 = arith.addf %get3A_681, %get3A_685 : vector<16xf32>
      %swap3A_687 = arith.index_cast %scan3A_62 : i32 to index
      %swap3A_688 = arith.constant 704 : index
      %swap3A_689 = tpu.vector_load %arg6[%swap3A_687, %swap3A_688] {strides = array<i32>} : memref<64x768xf32, #tpu.memory_space<vmem>>, vector<1x16xf32>,
      %swap3A_690 = vector.shape_cast %swap3A_689 : vector<1x16xf32> to vector<16xf32>
      %swap3A_691 = vector.shape_cast %add3A_686 : vector<16xf32> to vector<1x16xf32>
      tpu.vector_store %arg6[%swap3A_687, %swap3A_688], %swap3A_691 {strides = array<i32>} : memref<64x768xf32, #tpu.memory_space<vmem>>, vector<1x16xf32>,
      %get3A_692 = arith.index_cast %scan3A_62 : i32 to index
      %get3A_693 = arith.constant 720 : index
      %get3A_694 = tpu.vector_load %arg6[%get3A_692, %get3A_693] {strides = array<i32>} : memref<64x768xf32, #tpu.memory_space<vmem>>, vector<1x16xf32>,
      %get3A_695 = vector.shape_cast %get3A_694 : vector<1x16xf32> to vector<16xf32>
      %get3A_696 = arith.index_cast %scan3A_62 : i32 to index
      %get3A_697 = arith.constant 720 : index
      %get3A_698 = tpu.vector_load %arg7[%get3A_696, %get3A_697] {strides = array<i32>} : memref<64x768xf32, #tpu.memory_space<vmem>>, vector<1x16xf32>,
      %get3A_699 = vector.shape_cast %get3A_698 : vector<1x16xf32> to vector<16xf32>
      %add3A_700 = arith.addf %get3A_695, %get3A_699 : vector<16xf32>
      %swap3A_701 = arith.index_cast %scan3A_62 : i32 to index
      %swap3A_702 = arith.constant 720 : index
      %swap3A_703 = tpu.vector_load %arg6[%swap3A_701, %swap3A_702] {strides = array<i32>} : memref<64x768xf32, #tpu.memory_space<vmem>>, vector<1x16xf32>,
      %swap3A_704 = vector.shape_cast %swap3A_703 : vector<1x16xf32> to vector<16xf32>
      %swap3A_705 = vector.shape_cast %add3A_700 : vector<16xf32> to vector<1x16xf32>
      tpu.vector_store %arg6[%swap3A_701, %swap3A_702], %swap3A_705 {strides = array<i32>} : memref<64x768xf32, #tpu.memory_space<vmem>>, vector<1x16xf32>,
      %get3A_706 = arith.index_cast %scan3A_62 : i32 to index
      %get3A_707 = arith.constant 736 : index
      %get3A_708 = tpu.vector_load %arg6[%get3A_706, %get3A_707] {strides = array<i32>} : memref<64x768xf32, #tpu.memory_space<vmem>>, vector<1x16xf32>,
      %get3A_709 = vector.shape_cast %get3A_708 : vector<1x16xf32> to vector<16xf32>
      %get3A_710 = arith.index_cast %scan3A_62 : i32 to index
      %get3A_711 = arith.constant 736 : index
      %get3A_712 = tpu.vector_load %arg7[%get3A_710, %get3A_711] {strides = array<i32>} : memref<64x768xf32, #tpu.memory_space<vmem>>, vector<1x16xf32>,
      %get3A_713 = vector.shape_cast %get3A_712 : vector<1x16xf32> to vector<16xf32>
      %add3A_714 = arith.addf %get3A_709, %get3A_713 : vector<16xf32>
      %swap3A_715 = arith.index_cast %scan3A_62 : i32 to index
      %swap3A_716 = arith.constant 736 : index
      %swap3A_717 = tpu.vector_load %arg6[%swap3A_715, %swap3A_716] {strides = array<i32>} : memref<64x768xf32, #tpu.memory_space<vmem>>, vector<1x16xf32>,
      %swap3A_718 = vector.shape_cast %swap3A_717 : vector<1x16xf32> to vector<16xf32>
      %swap3A_719 = vector.shape_cast %add3A_714 : vector<16xf32> to vector<1x16xf32>
      tpu.vector_store %arg6[%swap3A_715, %swap3A_716], %swap3A_719 {strides = array<i32>} : memref<64x768xf32, #tpu.memory_space<vmem>>, vector<1x16xf32>,
      %get3A_720 = arith.index_cast %scan3A_62 : i32 to index
      %get3A_721 = arith.constant 752 : index
      %get3A_722 = tpu.vector_load %arg6[%get3A_720, %get3A_721] {strides = array<i32>} : memref<64x768xf32, #tpu.memory_space<vmem>>, vector<1x16xf32>,
      %get3A_723 = vector.shape_cast %get3A_722 : vector<1x16xf32> to vector<16xf32>
      %get3A_724 = arith.index_cast %scan3A_62 : i32 to index
      %get3A_725 = arith.constant 752 : index
      %get3A_726 = tpu.vector_load %arg7[%get3A_724, %get3A_725] {strides = array<i32>} : memref<64x768xf32, #tpu.memory_space<vmem>>, vector<1x16xf32>,
      %get3A_727 = vector.shape_cast %get3A_726 : vector<1x16xf32> to vector<16xf32>
      %add3A_728 = arith.addf %get3A_723, %get3A_727 : vector<16xf32>
      %swap3A_729 = arith.index_cast %scan3A_62 : i32 to index
      %swap3A_730 = arith.constant 752 : index
      %swap3A_731 = tpu.vector_load %arg6[%swap3A_729, %swap3A_730] {strides = array<i32>} : memref<64x768xf32, #tpu.memory_space<vmem>>, vector<1x16xf32>,
      %swap3A_732 = vector.shape_cast %swap3A_731 : vector<1x16xf32> to vector<16xf32>
      %swap3A_733 = vector.shape_cast %add3A_728 : vector<16xf32> to vector<1x16xf32>
      tpu.vector_store %arg6[%swap3A_729, %swap3A_730], %swap3A_733 {strides = array<i32>} : memref<64x768xf32, #tpu.memory_space<vmem>>, vector<1x16xf32>,
      %scan3A_734 = arith.constant 0 : i32
      scf.yield %scan3A_734 : i32
    }
    %scan3A_48 = arith.constant 64 : i32
    %dma_start3A_49 = arith.constant 0 : i32
    %dma_start3A_50 = arith.constant 0 : i32
    %dma_start3A_51 = tpu.memref_slice %arg3[%dma_start3A_49, %dma_start3A_50] : memref<16384x768xf32, #tpu.memory_space<hbm>> -> memref<16384x768xf32, #tpu.memory_space<hbm>>
    tpu.enqueue_indirect_dma source(%dma_start3A_51 : memref<16384x768xf32, #tpu.memory_space<hbm>>) target(%arg7 : memref<64x768xf32, #tpu.memory_space<vmem>>) offsets(%arg9 : memref<64xi32, #tpu.memory_space<vmem>>) semaphore(%arg11 : memref<!tpu.dma_semaphore, #tpu.memory_space<semaphore_mem>>)
    %dma_wait3A_52 = arith.constant 0 : i32
    %dma_wait3A_53 = arith.constant 0 : i32
    %dma_wait3A_54 = tpu.memref_slice %arg3[%dma_wait3A_52, %dma_wait3A_53] : memref<16384x768xf32, #tpu.memory_space<hbm>> -> memref<16384x768xf32, #tpu.memory_space<hbm>>
    tpu.wait_indirect_dma semaphore(%arg11 : memref<!tpu.dma_semaphore, #tpu.memory_space<semaphore_mem>>) src(%dma_wait3A_54 : memref<16384x768xf32, #tpu.memory_space<hbm>>) dst(%arg7 : memref<64x768xf32, #tpu.memory_space<vmem>>)
    %scan3A_55 = arith.constant 0 : i32
    %scan3A_56 = arith.constant 0 : i32
    %scan3A_57 = arith.constant 64 : i32
    %scan3A_58 = arith.addi %scan3A_56, %scan3A_57 : i32
    %scan3A_59 = arith.constant 1 : i32
    %scan3A_60 = scf.for %scan3A_62 = %scan3A_56 to %scan3A_58 step %scan3A_59 iter_args(%scan3A_63 = %scan3A_55) -> (i32)  : i32 {
      %get3A = arith.index_cast %scan3A_62 : i32 to index
      %get3A_64 = arith.constant 0 : index
      %get3A_65 = tpu.vector_load %arg6[%get3A, %get3A_64] {strides = array<i32>} : memref<64x768xf32, #tpu.memory_space<vmem>>, vector<1x16xf32>,
      %get3A_66 = vector.shape_cast %get3A_65 : vector<1x16xf32> to vector<16xf32>
      %get3A_67 = arith.index_cast %scan3A_62 : i32 to index
      %get3A_68 = arith.constant 0 : index
      %get3A_69 = tpu.vector_load %arg7[%get3A_67, %get3A_68] {strides = array<i32>} : memref<64x768xf32, #tpu.memory_space<vmem>>, vector<1x16xf32>,
      %get3A_70 = vector.shape_cast %get3A_69 : vector<1x16xf32> to vector<16xf32>
      %add3A_71 = arith.addf %get3A_66, %get3A_70 : vector<16xf32>
      %swap3A = arith.index_cast %scan3A_62 : i32 to index
      %swap3A_72 = arith.constant 0 : index
      %swap3A_73 = tpu.vector_load %arg6[%swap3A, %swap3A_72] {strides = array<i32>} : memref<64x768xf32, #tpu.memory_space<vmem>>, vector<1x16xf32>,
      %swap3A_74 = vector.shape_cast %swap3A_73 : vector<1x16xf32> to vector<16xf32>
      %swap3A_75 = vector.shape_cast %add3A_71 : vector<16xf32> to vector<1x16xf32>
      tpu.vector_store %arg6[%swap3A, %swap3A_72], %swap3A_75 {strides = array<i32>} : memref<64x768xf32, #tpu.memory_space<vmem>>, vector<1x16xf32>,
      %get3A_76 = arith.index_cast %scan3A_62 : i32 to index
      %get3A_77 = arith.constant 16 : index
      %get3A_78 = tpu.vector_load %arg6[%get3A_76, %get3A_77] {strides = array<i32>} : memref<64x768xf32, #tpu.memory_space<vmem>>, vector<1x16xf32>,
      %get3A_79 = vector.shape_cast %get3A_78 : vector<1x16xf32> to vector<16xf32>
      %get3A_80 = arith.index_cast %scan3A_62 : i32 to index
      %get3A_81 = arith.constant 16 : index
      %get3A_82 = tpu.vector_load %arg7[%get3A_80, %get3A_81] {strides = array<i32>} : memref<64x768xf32, #tpu.memory_space<vmem>>, vector<1x16xf32>,
      %get3A_83 = vector.shape_cast %get3A_82 : vector<1x16xf32> to vector<16xf32>
      %add3A_84 = arith.addf %get3A_79, %get3A_83 : vector<16xf32>
      %swap3A_85 = arith.index_cast %scan3A_62 : i32 to index
      %swap3A_86 = arith.constant 16 : index
      %swap3A_87 = tpu.vector_load %arg6[%swap3A_85, %swap3A_86] {strides = array<i32>} : memref<64x768xf32, #tpu.memory_space<vmem>>, vector<1x16xf32>,
      %swap3A_88 = vector.shape_cast %swap3A_87 : vector<1x16xf32> to vector<16xf32>
      %swap3A_89 = vector.shape_cast %add3A_84 : vector<16xf32> to vector<1x16xf32>
      tpu.vector_store %arg6[%swap3A_85, %swap3A_86], %swap3A_89 {strides = array<i32>} : memref<64x768xf32, #tpu.memory_space<vmem>>, vector<1x16xf32>,
      %get3A_90 = arith.index_cast %scan3A_62 : i32 to index
      %get3A_91 = arith.constant 32 : index
      %get3A_92 = tpu.vector_load %arg6[%get3A_90, %get3A_91] {strides = array<i32>} : memref<64x768xf32, #tpu.memory_space<vmem>>, vector<1x16xf32>,
      %get3A_93 = vector.shape_cast %get3A_92 : vector<1x16xf32> to vector<16xf32>
      %get3A_94 = arith.index_cast %scan3A_62 : i32 to index
      %get3A_95 = arith.constant 32 : index
      %get3A_96 = tpu.vector_load %arg7[%get3A_94, %get3A_95] {strides = array<i32>} : memref<64x768xf32, #tpu.memory_space<vmem>>, vector<1x16xf32>,
      %get3A_97 = vector.shape_cast %get3A_96 : vector<1x16xf32> to vector<16xf32>
      %add3A_98 = arith.addf %get3A_93, %get3A_97 : vector<16xf32>
      %swap3A_99 = arith.index_cast %scan3A_62 : i32 to index
      %swap3A_100 = arith.constant 32 : index
      %swap3A_101 = tpu.vector_load %arg6[%swap3A_99, %swap3A_100] {strides = array<i32>} : memref<64x768xf32, #tpu.memory_space<vmem>>, vector<1x16xf32>,
      %swap3A_102 = vector.shape_cast %swap3A_101 : vector<1x16xf32> to vector<16xf32>
      %swap3A_103 = vector.shape_cast %add3A_98 : vector<16xf32> to vector<1x16xf32>
      tpu.vector_store %arg6[%swap3A_99, %swap3A_100], %swap3A_103 {strides = array<i32>} : memref<64x768xf32, #tpu.memory_space<vmem>>, vector<1x16xf32>,
      %get3A_104 = arith.index_cast %scan3A_62 : i32 to index
      %get3A_105 = arith.constant 48 : index
      %get3A_106 = tpu.vector_load %arg6[%get3A_104, %get3A_105] {strides = array<i32>} : memref<64x768xf32, #tpu.memory_space<vmem>>, vector<1x16xf32>,
      %get3A_107 = vector.shape_cast %get3A_106 : vector<1x16xf32> to vector<16xf32>
      %get3A_108 = arith.index_cast %scan3A_62 : i32 to index
      %get3A_109 = arith.constant 48 : index
      %get3A_110 = tpu.vector_load %arg7[%get3A_108, %get3A_109] {strides = array<i32>} : memref<64x768xf32, #tpu.memory_space<vmem>>, vector<1x16xf32>,
      %get3A_111 = vector.shape_cast %get3A_110 : vector<1x16xf32> to vector<16xf32>
      %add3A_112 = arith.addf %get3A_107, %get3A_111 : vector<16xf32>
      %swap3A_113 = arith.index_cast %scan3A_62 : i32 to index
      %swap3A_114 = arith.constant 48 : index
      %swap3A_115 = tpu.vector_load %arg6[%swap3A_113, %swap3A_114] {strides = array<i32>} : memref<64x768xf32, #tpu.memory_space<vmem>>, vector<1x16xf32>,
      %swap3A_116 = vector.shape_cast %swap3A_115 : vector<1x16xf32> to vector<16xf32>
      %swap3A_117 = vector.shape_cast %add3A_112 : vector<16xf32> to vector<1x16xf32>
      tpu.vector_store %arg6[%swap3A_113, %swap3A_114], %swap3A_117 {strides = array<i32>} : memref<64x768xf32, #tpu.memory_space<vmem>>, vector<1x16xf32>,
      %get3A_118 = arith.index_cast %scan3A_62 : i32 to index
      %get3A_119 = arith.constant 64 : index
      %get3A_120 = tpu.vector_load %arg6[%get3A_118, %get3A_119] {strides = array<i32>} : memref<64x768xf32, #tpu.memory_space<vmem>>, vector<1x16xf32>,
      %get3A_121 = vector.shape_cast %get3A_120 : vector<1x16xf32> to vector<16xf32>
      %get3A_122 = arith.index_cast %scan3A_62 : i32 to index
      %get3A_123 = arith.constant 64 : index
      %get3A_124 = tpu.vector_load %arg7[%get3A_122, %get3A_123] {strides = array<i32>} : memref<64x768xf32, #tpu.memory_space<vmem>>, vector<1x16xf32>,
      %get3A_125 = vector.shape_cast %get3A_124 : vector<1x16xf32> to vector<16xf32>
      %add3A_126 = arith.addf %get3A_121, %get3A_125 : vector<16xf32>
      %swap3A_127 = arith.index_cast %scan3A_62 : i32 to index
      %swap3A_128 = arith.constant 64 : index
      %swap3A_129 = tpu.vector_load %arg6[%swap3A_127, %swap3A_128] {strides = array<i32>} : memref<64x768xf32, #tpu.memory_space<vmem>>, vector<1x16xf32>,
      %swap3A_130 = vector.shape_cast %swap3A_129 : vector<1x16xf32> to vector<16xf32>
      %swap3A_131 = vector.shape_cast %add3A_126 : vector<16xf32> to vector<1x16xf32>
      tpu.vector_store %arg6[%swap3A_127, %swap3A_128], %swap3A_131 {strides = array<i32>} : memref<64x768xf32, #tpu.memory_space<vmem>>, vector<1x16xf32>,
      %get3A_132 = arith.index_cast %scan3A_62 : i32 to index
      %get3A_133 = arith.constant 80 : index
      %get3A_134 = tpu.vector_load %arg6[%get3A_132, %get3A_133] {strides = array<i32>} : memref<64x768xf32, #tpu.memory_space<vmem>>, vector<1x16xf32>,
      %get3A_135 = vector.shape_cast %get3A_134 : vector<1x16xf32> to vector<16xf32>
      %get3A_136 = arith.index_cast %scan3A_62 : i32 to index
      %get3A_137 = arith.constant 80 : index
      %get3A_138 = tpu.vector_load %arg7[%get3A_136, %get3A_137] {strides = array<i32>} : memref<64x768xf32, #tpu.memory_space<vmem>>, vector<1x16xf32>,
      %get3A_139 = vector.shape_cast %get3A_138 : vector<1x16xf32> to vector<16xf32>
      %add3A_140 = arith.addf %get3A_135, %get3A_139 : vector<16xf32>
      %swap3A_141 = arith.index_cast %scan3A_62 : i32 to index
      %swap3A_142 = arith.constant 80 : index
      %swap3A_143 = tpu.vector_load %arg6[%swap3A_141, %swap3A_142] {strides = array<i32>} : memref<64x768xf32, #tpu.memory_space<vmem>>, vector<1x16xf32>,
      %swap3A_144 = vector.shape_cast %swap3A_143 : vector<1x16xf32> to vector<16xf32>
      %swap3A_145 = vector.shape_cast %add3A_140 : vector<16xf32> to vector<1x16xf32>
      tpu.vector_store %arg6[%swap3A_141, %swap3A_142], %swap3A_145 {strides = array<i32>} : memref<64x768xf32, #tpu.memory_space<vmem>>, vector<1x16xf32>,
      %get3A_146 = arith.index_cast %scan3A_62 : i32 to index
      %get3A_147 = arith.constant 96 : index
      %get3A_148 = tpu.vector_load %arg6[%get3A_146, %get3A_147] {strides = array<i32>} : memref<64x768xf32, #tpu.memory_space<vmem>>, vector<1x16xf32>,
      %get3A_149 = vector.shape_cast %get3A_148 : vector<1x16xf32> to vector<16xf32>
      %get3A_150 = arith.index_cast %scan3A_62 : i32 to index
      %get3A_151 = arith.constant 96 : index
      %get3A_152 = tpu.vector_load %arg7[%get3A_150, %get3A_151] {strides = array<i32>} : memref<64x768xf32, #tpu.memory_space<vmem>>, vector<1x16xf32>,
      %get3A_153 = vector.shape_cast %get3A_152 : vector<1x16xf32> to vector<16xf32>
      %add3A_154 = arith.addf %get3A_149, %get3A_153 : vector<16xf32>
      %swap3A_155 = arith.index_cast %scan3A_62 : i32 to index
      %swap3A_156 = arith.constant 96 : index
      %swap3A_157 = tpu.vector_load %arg6[%swap3A_155, %swap3A_156] {strides = array<i32>} : memref<64x768xf32, #tpu.memory_space<vmem>>, vector<1x16xf32>,
      %swap3A_158 = vector.shape_cast %swap3A_157 : vector<1x16xf32> to vector<16xf32>
      %swap3A_159 = vector.shape_cast %add3A_154 : vector<16xf32> to vector<1x16xf32>
      tpu.vector_store %arg6[%swap3A_155, %swap3A_156], %swap3A_159 {strides = array<i32>} : memref<64x768xf32, #tpu.memory_space<vmem>>, vector<1x16xf32>,
      %get3A_160 = arith.index_cast %scan3A_62 : i32 to index
      %get3A_161 = arith.constant 112 : index
      %get3A_162 = tpu.vector_load %arg6[%get3A_160, %get3A_161] {strides = array<i32>} : memref<64x768xf32, #tpu.memory_space<vmem>>, vector<1x16xf32>,
      %get3A_163 = vector.shape_cast %get3A_162 : vector<1x16xf32> to vector<16xf32>
      %get3A_164 = arith.index_cast %scan3A_62 : i32 to index
      %get3A_165 = arith.constant 112 : index
      %get3A_166 = tpu.vector_load %arg7[%get3A_164, %get3A_165] {strides = array<i32>} : memref<64x768xf32, #tpu.memory_space<vmem>>, vector<1x16xf32>,
      %get3A_167 = vector.shape_cast %get3A_166 : vector<1x16xf32> to vector<16xf32>
      %add3A_168 = arith.addf %get3A_163, %get3A_167 : vector<16xf32>
      %swap3A_169 = arith.index_cast %scan3A_62 : i32 to index
      %swap3A_170 = arith.constant 112 : index
      %swap3A_171 = tpu.vector_load %arg6[%swap3A_169, %swap3A_170] {strides = array<i32>} : memref<64x768xf32, #tpu.memory_space<vmem>>, vector<1x16xf32>,
      %swap3A_172 = vector.shape_cast %swap3A_171 : vector<1x16xf32> to vector<16xf32>
      %swap3A_173 = vector.shape_cast %add3A_168 : vector<16xf32> to vector<1x16xf32>
      tpu.vector_store %arg6[%swap3A_169, %swap3A_170], %swap3A_173 {strides = array<i32>} : memref<64x768xf32, #tpu.memory_space<vmem>>, vector<1x16xf32>,
      %get3A_174 = arith.index_cast %scan3A_62 : i32 to index
      %get3A_175 = arith.constant 128 : index
      %get3A_176 = tpu.vector_load %arg6[%get3A_174, %get3A_175] {strides = array<i32>} : memref<64x768xf32, #tpu.memory_space<vmem>>, vector<1x16xf32>,
      %get3A_177 = vector.shape_cast %get3A_176 : vector<1x16xf32> to vector<16xf32>
      %get3A_178 = arith.index_cast %scan3A_62 : i32 to index
      %get3A_179 = arith.constant 128 : index
      %get3A_180 = tpu.vector_load %arg7[%get3A_178, %get3A_179] {strides = array<i32>} : memref<64x768xf32, #tpu.memory_space<vmem>>, vector<1x16xf32>,
      %get3A_181 = vector.shape_cast %get3A_180 : vector<1x16xf32> to vector<16xf32>
      %add3A_182 = arith.addf %get3A_177, %get3A_181 : vector<16xf32>
      %swap3A_183 = arith.index_cast %scan3A_62 : i32 to index
      %swap3A_184 = arith.constant 128 : index
      %swap3A_185 = tpu.vector_load %arg6[%swap3A_183, %swap3A_184] {strides = array<i32>} : memref<64x768xf32, #tpu.memory_space<vmem>>, vector<1x16xf32>,
      %swap3A_186 = vector.shape_cast %swap3A_185 : vector<1x16xf32> to vector<16xf32>
      %swap3A_187 = vector.shape_cast %add3A_182 : vector<16xf32> to vector<1x16xf32>
      tpu.vector_store %arg6[%swap3A_183, %swap3A_184], %swap3A_187 {strides = array<i32>} : memref<64x768xf32, #tpu.memory_space<vmem>>, vector<1x16xf32>,
      %get3A_188 = arith.index_cast %scan3A_62 : i32 to index
      %get3A_189 = arith.constant 144 : index
      %get3A_190 = tpu.vector_load %arg6[%get3A_188, %get3A_189] {strides = array<i32>} : memref<64x768xf32, #tpu.memory_space<vmem>>, vector<1x16xf32>,
      %get3A_191 = vector.shape_cast %get3A_190 : vector<1x16xf32> to vector<16xf32>
      %get3A_192 = arith.index_cast %scan3A_62 : i32 to index
      %get3A_193 = arith.constant 144 : index
      %get3A_194 = tpu.vector_load %arg7[%get3A_192, %get3A_193] {strides = array<i32>} : memref<64x768xf32, #tpu.memory_space<vmem>>, vector<1x16xf32>,
      %get3A_195 = vector.shape_cast %get3A_194 : vector<1x16xf32> to vector<16xf32>
      %add3A_196 = arith.addf %get3A_191, %get3A_195 : vector<16xf32>
      %swap3A_197 = arith.index_cast %scan3A_62 : i32 to index
      %swap3A_198 = arith.constant 144 : index
      %swap3A_199 = tpu.vector_load %arg6[%swap3A_197, %swap3A_198] {strides = array<i32>} : memref<64x768xf32, #tpu.memory_space<vmem>>, vector<1x16xf32>,
      %swap3A_200 = vector.shape_cast %swap3A_199 : vector<1x16xf32> to vector<16xf32>
      %swap3A_201 = vector.shape_cast %add3A_196 : vector<16xf32> to vector<1x16xf32>
      tpu.vector_store %arg6[%swap3A_197, %swap3A_198], %swap3A_201 {strides = array<i32>} : memref<64x768xf32, #tpu.memory_space<vmem>>, vector<1x16xf32>,
      %get3A_202 = arith.index_cast %scan3A_62 : i32 to index
      %get3A_203 = arith.constant 160 : index
      %get3A_204 = tpu.vector_load %arg6[%get3A_202, %get3A_203] {strides = array<i32>} : memref<64x768xf32, #tpu.memory_space<vmem>>, vector<1x16xf32>,
      %get3A_205 = vector.shape_cast %get3A_204 : vector<1x16xf32> to vector<16xf32>
      %get3A_206 = arith.index_cast %scan3A_62 : i32 to index
      %get3A_207 = arith.constant 160 : index
      %get3A_208 = tpu.vector_load %arg7[%get3A_206, %get3A_207] {strides = array<i32>} : memref<64x768xf32, #tpu.memory_space<vmem>>, vector<1x16xf32>,
      %get3A_209 = vector.shape_cast %get3A_208 : vector<1x16xf32> to vector<16xf32>
      %add3A_210 = arith.addf %get3A_205, %get3A_209 : vector<16xf32>
      %swap3A_211 = arith.index_cast %scan3A_62 : i32 to index
      %swap3A_212 = arith.constant 160 : index
      %swap3A_213 = tpu.vector_load %arg6[%swap3A_211, %swap3A_212] {strides = array<i32>} : memref<64x768xf32, #tpu.memory_space<vmem>>, vector<1x16xf32>,
      %swap3A_214 = vector.shape_cast %swap3A_213 : vector<1x16xf32> to vector<16xf32>
      %swap3A_215 = vector.shape_cast %add3A_210 : vector<16xf32> to vector<1x16xf32>
      tpu.vector_store %arg6[%swap3A_211, %swap3A_212], %swap3A_215 {strides = array<i32>} : memref<64x768xf32, #tpu.memory_space<vmem>>, vector<1x16xf32>,
      %get3A_216 = arith.index_cast %scan3A_62 : i32 to index
      %get3A_217 = arith.constant 176 : index
      %get3A_218 = tpu.vector_load %arg6[%get3A_216, %get3A_217] {strides = array<i32>} : memref<64x768xf32, #tpu.memory_space<vmem>>, vector<1x16xf32>,
      %get3A_219 = vector.shape_cast %get3A_218 : vector<1x16xf32> to vector<16xf32>
      %get3A_220 = arith.index_cast %scan3A_62 : i32 to index
      %get3A_221 = arith.constant 176 : index
      %get3A_222 = tpu.vector_load %arg7[%get3A_220, %get3A_221] {strides = array<i32>} : memref<64x768xf32, #tpu.memory_space<vmem>>, vector<1x16xf32>,
      %get3A_223 = vector.shape_cast %get3A_222 : vector<1x16xf32> to vector<16xf32>
      %add3A_224 = arith.addf %get3A_219, %get3A_223 : vector<16xf32>
      %swap3A_225 = arith.index_cast %scan3A_62 : i32 to index
      %swap3A_226 = arith.constant 176 : index
      %swap3A_227 = tpu.vector_load %arg6[%swap3A_225, %swap3A_226] {strides = array<i32>} : memref<64x768xf32, #tpu.memory_space<vmem>>, vector<1x16xf32>,
      %swap3A_228 = vector.shape_cast %swap3A_227 : vector<1x16xf32> to vector<16xf32>
      %swap3A_229 = vector.shape_cast %add3A_224 : vector<16xf32> to vector<1x16xf32>
      tpu.vector_store %arg6[%swap3A_225, %swap3A_226], %swap3A_229 {strides = array<i32>} : memref<64x768xf32, #tpu.memory_space<vmem>>, vector<1x16xf32>,
      %get3A_230 = arith.index_cast %scan3A_62 : i32 to index
      %get3A_231 = arith.constant 192 : index
      %get3A_232 = tpu.vector_load %arg6[%get3A_230, %get3A_231] {strides = array<i32>} : memref<64x768xf32, #tpu.memory_space<vmem>>, vector<1x16xf32>,
      %get3A_233 = vector.shape_cast %get3A_232 : vector<1x16xf32> to vector<16xf32>
      %get3A_234 = arith.index_cast %scan3A_62 : i32 to index
      %get3A_235 = arith.constant 192 : index
      %get3A_236 = tpu.vector_load %arg7[%get3A_234, %get3A_235] {strides = array<i32>} : memref<64x768xf32, #tpu.memory_space<vmem>>, vector<1x16xf32>,
      %get3A_237 = vector.shape_cast %get3A_236 : vector<1x16xf32> to vector<16xf32>
      %add3A_238 = arith.addf %get3A_233, %get3A_237 : vector<16xf32>
      %swap3A_239 = arith.index_cast %scan3A_62 : i32 to index
      %swap3A_240 = arith.constant 192 : index
      %swap3A_241 = tpu.vector_load %arg6[%swap3A_239, %swap3A_240] {strides = array<i32>} : memref<64x768xf32, #tpu.memory_space<vmem>>, vector<1x16xf32>,
      %swap3A_242 = vector.shape_cast %swap3A_241 : vector<1x16xf32> to vector<16xf32>
      %swap3A_243 = vector.shape_cast %add3A_238 : vector<16xf32> to vector<1x16xf32>
      tpu.vector_store %arg6[%swap3A_239, %swap3A_240], %swap3A_243 {strides = array<i32>} : memref<64x768xf32, #tpu.memory_space<vmem>>, vector<1x16xf32>,
      %get3A_244 = arith.index_cast %scan3A_62 : i32 to index
      %get3A_245 = arith.constant 208 : index
      %get3A_246 = tpu.vector_load %arg6[%get3A_244, %get3A_245] {strides = array<i32>} : memref<64x768xf32, #tpu.memory_space<vmem>>, vector<1x16xf32>,
      %get3A_247 = vector.shape_cast %get3A_246 : vector<1x16xf32> to vector<16xf32>
      %get3A_248 = arith.index_cast %scan3A_62 : i32 to index
      %get3A_249 = arith.constant 208 : index
      %get3A_250 = tpu.vector_load %arg7[%get3A_248, %get3A_249] {strides = array<i32>} : memref<64x768xf32, #tpu.memory_space<vmem>>, vector<1x16xf32>,
      %get3A_251 = vector.shape_cast %get3A_250 : vector<1x16xf32> to vector<16xf32>
      %add3A_252 = arith.addf %get3A_247, %get3A_251 : vector<16xf32>
      %swap3A_253 = arith.index_cast %scan3A_62 : i32 to index
      %swap3A_254 = arith.constant 208 : index
      %swap3A_255 = tpu.vector_load %arg6[%swap3A_253, %swap3A_254] {strides = array<i32>} : memref<64x768xf32, #tpu.memory_space<vmem>>, vector<1x16xf32>,
      %swap3A_256 = vector.shape_cast %swap3A_255 : vector<1x16xf32> to vector<16xf32>
      %swap3A_257 = vector.shape_cast %add3A_252 : vector<16xf32> to vector<1x16xf32>
      tpu.vector_store %arg6[%swap3A_253, %swap3A_254], %swap3A_257 {strides = array<i32>} : memref<64x768xf32, #tpu.memory_space<vmem>>, vector<1x16xf32>,
      %get3A_258 = arith.index_cast %scan3A_62 : i32 to index
      %get3A_259 = arith.constant 224 : index
      %get3A_260 = tpu.vector_load %arg6[%get3A_258, %get3A_259] {strides = array<i32>} : memref<64x768xf32, #tpu.memory_space<vmem>>, vector<1x16xf32>,
      %get3A_261 = vector.shape_cast %get3A_260 : vector<1x16xf32> to vector<16xf32>
      %get3A_262 = arith.index_cast %scan3A_62 : i32 to index
      %get3A_263 = arith.constant 224 : index
      %get3A_264 = tpu.vector_load %arg7[%get3A_262, %get3A_263] {strides = array<i32>} : memref<64x768xf32, #tpu.memory_space<vmem>>, vector<1x16xf32>,
      %get3A_265 = vector.shape_cast %get3A_264 : vector<1x16xf32> to vector<16xf32>
      %add3A_266 = arith.addf %get3A_261, %get3A_265 : vector<16xf32>
      %swap3A_267 = arith.index_cast %scan3A_62 : i32 to index
      %swap3A_268 = arith.constant 224 : index
      %swap3A_269 = tpu.vector_load %arg6[%swap3A_267, %swap3A_268] {strides = array<i32>} : memref<64x768xf32, #tpu.memory_space<vmem>>, vector<1x16xf32>,
      %swap3A_270 = vector.shape_cast %swap3A_269 : vector<1x16xf32> to vector<16xf32>
      %swap3A_271 = vector.shape_cast %add3A_266 : vector<16xf32> to vector<1x16xf32>
      tpu.vector_store %arg6[%swap3A_267, %swap3A_268], %swap3A_271 {strides = array<i32>} : memref<64x768xf32, #tpu.memory_space<vmem>>, vector<1x16xf32>,
      %get3A_272 = arith.index_cast %scan3A_62 : i32 to index
      %get3A_273 = arith.constant 240 : index
      %get3A_274 = tpu.vector_load %arg6[%get3A_272, %get3A_273] {strides = array<i32>} : memref<64x768xf32, #tpu.memory_space<vmem>>, vector<1x16xf32>,
      %get3A_275 = vector.shape_cast %get3A_274 : vector<1x16xf32> to vector<16xf32>
      %get3A_276 = arith.index_cast %scan3A_62 : i32 to index
      %get3A_277 = arith.constant 240 : index
      %get3A_278 = tpu.vector_load %arg7[%get3A_276, %get3A_277] {strides = array<i32>} : memref<64x768xf32, #tpu.memory_space<vmem>>, vector<1x16xf32>,
      %get3A_279 = vector.shape_cast %get3A_278 : vector<1x16xf32> to vector<16xf32>
      %add3A_280 = arith.addf %get3A_275, %get3A_279 : vector<16xf32>
      %swap3A_281 = arith.index_cast %scan3A_62 : i32 to index
      %swap3A_282 = arith.constant 240 : index
      %swap3A_283 = tpu.vector_load %arg6[%swap3A_281, %swap3A_282] {strides = array<i32>} : memref<64x768xf32, #tpu.memory_space<vmem>>, vector<1x16xf32>,
      %swap3A_284 = vector.shape_cast %swap3A_283 : vector<1x16xf32> to vector<16xf32>
      %swap3A_285 = vector.shape_cast %add3A_280 : vector<16xf32> to vector<1x16xf32>
      tpu.vector_store %arg6[%swap3A_281, %swap3A_282], %swap3A_285 {strides = array<i32>} : memref<64x768xf32, #tpu.memory_space<vmem>>, vector<1x16xf32>,
      %get3A_286 = arith.index_cast %scan3A_62 : i32 to index
      %get3A_287 = arith.constant 256 : index
      %get3A_288 = tpu.vector_load %arg6[%get3A_286, %get3A_287] {strides = array<i32>} : memref<64x768xf32, #tpu.memory_space<vmem>>, vector<1x16xf32>,
      %get3A_289 = vector.shape_cast %get3A_288 : vector<1x16xf32> to vector<16xf32>
      %get3A_290 = arith.index_cast %scan3A_62 : i32 to index
      %get3A_291 = arith.constant 256 : index
      %get3A_292 = tpu.vector_load %arg7[%get3A_290, %get3A_291] {strides = array<i32>} : memref<64x768xf32, #tpu.memory_space<vmem>>, vector<1x16xf32>,
      %get3A_293 = vector.shape_cast %get3A_292 : vector<1x16xf32> to vector<16xf32>
      %add3A_294 = arith.addf %get3A_289, %get3A_293 : vector<16xf32>
      %swap3A_295 = arith.index_cast %scan3A_62 : i32 to index
      %swap3A_296 = arith.constant 256 : index
      %swap3A_297 = tpu.vector_load %arg6[%swap3A_295, %swap3A_296] {strides = array<i32>} : memref<64x768xf32, #tpu.memory_space<vmem>>, vector<1x16xf32>,
      %swap3A_298 = vector.shape_cast %swap3A_297 : vector<1x16xf32> to vector<16xf32>
      %swap3A_299 = vector.shape_cast %add3A_294 : vector<16xf32> to vector<1x16xf32>
      tpu.vector_store %arg6[%swap3A_295, %swap3A_296], %swap3A_299 {strides = array<i32>} : memref<64x768xf32, #tpu.memory_space<vmem>>, vector<1x16xf32>,
      %get3A_300 = arith.index_cast %scan3A_62 : i32 to index
      %get3A_301 = arith.constant 272 : index
      %get3A_302 = tpu.vector_load %arg6[%get3A_300, %get3A_301] {strides = array<i32>} : memref<64x768xf32, #tpu.memory_space<vmem>>, vector<1x16xf32>,
      %get3A_303 = vector.shape_cast %get3A_302 : vector<1x16xf32> to vector<16xf32>
      %get3A_304 = arith.index_cast %scan3A_62 : i32 to index
      %get3A_305 = arith.constant 272 : index
      %get3A_306 = tpu.vector_load %arg7[%get3A_304, %get3A_305] {strides = array<i32>} : memref<64x768xf32, #tpu.memory_space<vmem>>, vector<1x16xf32>,
      %get3A_307 = vector.shape_cast %get3A_306 : vector<1x16xf32> to vector<16xf32>
      %add3A_308 = arith.addf %get3A_303, %get3A_307 : vector<16xf32>
      %swap3A_309 = arith.index_cast %scan3A_62 : i32 to index
      %swap3A_310 = arith.constant 272 : index
      %swap3A_311 = tpu.vector_load %arg6[%swap3A_309, %swap3A_310] {strides = array<i32>} : memref<64x768xf32, #tpu.memory_space<vmem>>, vector<1x16xf32>,
      %swap3A_312 = vector.shape_cast %swap3A_311 : vector<1x16xf32> to vector<16xf32>
      %swap3A_313 = vector.shape_cast %add3A_308 : vector<16xf32> to vector<1x16xf32>
      tpu.vector_store %arg6[%swap3A_309, %swap3A_310], %swap3A_313 {strides = array<i32>} : memref<64x768xf32, #tpu.memory_space<vmem>>, vector<1x16xf32>,
      %get3A_314 = arith.index_cast %scan3A_62 : i32 to index
      %get3A_315 = arith.constant 288 : index
      %get3A_316 = tpu.vector_load %arg6[%get3A_314, %get3A_315] {strides = array<i32>} : memref<64x768xf32, #tpu.memory_space<vmem>>, vector<1x16xf32>,
      %get3A_317 = vector.shape_cast %get3A_316 : vector<1x16xf32> to vector<16xf32>
      %get3A_318 = arith.index_cast %scan3A_62 : i32 to index
      %get3A_319 = arith.constant 288 : index
      %get3A_320 = tpu.vector_load %arg7[%get3A_318, %get3A_319] {strides = array<i32>} : memref<64x768xf32, #tpu.memory_space<vmem>>, vector<1x16xf32>,
      %get3A_321 = vector.shape_cast %get3A_320 : vector<1x16xf32> to vector<16xf32>
      %add3A_322 = arith.addf %get3A_317, %get3A_321 : vector<16xf32>
      %swap3A_323 = arith.index_cast %scan3A_62 : i32 to index
      %swap3A_324 = arith.constant 288 : index
      %swap3A_325 = tpu.vector_load %arg6[%swap3A_323, %swap3A_324] {strides = array<i32>} : memref<64x768xf32, #tpu.memory_space<vmem>>, vector<1x16xf32>,
      %swap3A_326 = vector.shape_cast %swap3A_325 : vector<1x16xf32> to vector<16xf32>
      %swap3A_327 = vector.shape_cast %add3A_322 : vector<16xf32> to vector<1x16xf32>
      tpu.vector_store %arg6[%swap3A_323, %swap3A_324], %swap3A_327 {strides = array<i32>} : memref<64x768xf32, #tpu.memory_space<vmem>>, vector<1x16xf32>,
      %get3A_328 = arith.index_cast %scan3A_62 : i32 to index
      %get3A_329 = arith.constant 304 : index
      %get3A_330 = tpu.vector_load %arg6[%get3A_328, %get3A_329] {strides = array<i32>} : memref<64x768xf32, #tpu.memory_space<vmem>>, vector<1x16xf32>,
      %get3A_331 = vector.shape_cast %get3A_330 : vector<1x16xf32> to vector<16xf32>
      %get3A_332 = arith.index_cast %scan3A_62 : i32 to index
      %get3A_333 = arith.constant 304 : index
      %get3A_334 = tpu.vector_load %arg7[%get3A_332, %get3A_333] {strides = array<i32>} : memref<64x768xf32, #tpu.memory_space<vmem>>, vector<1x16xf32>,
      %get3A_335 = vector.shape_cast %get3A_334 : vector<1x16xf32> to vector<16xf32>
      %add3A_336 = arith.addf %get3A_331, %get3A_335 : vector<16xf32>
      %swap3A_337 = arith.index_cast %scan3A_62 : i32 to index
      %swap3A_338 = arith.constant 304 : index
      %swap3A_339 = tpu.vector_load %arg6[%swap3A_337, %swap3A_338] {strides = array<i32>} : memref<64x768xf32, #tpu.memory_space<vmem>>, vector<1x16xf32>,
      %swap3A_340 = vector.shape_cast %swap3A_339 : vector<1x16xf32> to vector<16xf32>
      %swap3A_341 = vector.shape_cast %add3A_336 : vector<16xf32> to vector<1x16xf32>
      tpu.vector_store %arg6[%swap3A_337, %swap3A_338], %swap3A_341 {strides = array<i32>} : memref<64x768xf32, #tpu.memory_space<vmem>>, vector<1x16xf32>,
      %get3A_342 = arith.index_cast %scan3A_62 : i32 to index
      %get3A_343 = arith.constant 320 : index
      %get3A_344 = tpu.vector_load %arg6[%get3A_342, %get3A_343] {strides = array<i32>} : memref<64x768xf32, #tpu.memory_space<vmem>>, vector<1x16xf32>,
      %get3A_345 = vector.shape_cast %get3A_344 : vector<1x16xf32> to vector<16xf32>
      %get3A_346 = arith.index_cast %scan3A_62 : i32 to index
      %get3A_347 = arith.constant 320 : index
      %get3A_348 = tpu.vector_load %arg7[%get3A_346, %get3A_347] {strides = array<i32>} : memref<64x768xf32, #tpu.memory_space<vmem>>, vector<1x16xf32>,
      %get3A_349 = vector.shape_cast %get3A_348 : vector<1x16xf32> to vector<16xf32>
      %add3A_350 = arith.addf %get3A_345, %get3A_349 : vector<16xf32>
      %swap3A_351 = arith.index_cast %scan3A_62 : i32 to index
      %swap3A_352 = arith.constant 320 : index
      %swap3A_353 = tpu.vector_load %arg6[%swap3A_351, %swap3A_352] {strides = array<i32>} : memref<64x768xf32, #tpu.memory_space<vmem>>, vector<1x16xf32>,
      %swap3A_354 = vector.shape_cast %swap3A_353 : vector<1x16xf32> to vector<16xf32>
      %swap3A_355 = vector.shape_cast %add3A_350 : vector<16xf32> to vector<1x16xf32>
      tpu.vector_store %arg6[%swap3A_351, %swap3A_352], %swap3A_355 {strides = array<i32>} : memref<64x768xf32, #tpu.memory_space<vmem>>, vector<1x16xf32>,
      %get3A_356 = arith.index_cast %scan3A_62 : i32 to index
      %get3A_357 = arith.constant 336 : index
      %get3A_358 = tpu.vector_load %arg6[%get3A_356, %get3A_357] {strides = array<i32>} : memref<64x768xf32, #tpu.memory_space<vmem>>, vector<1x16xf32>,
      %get3A_359 = vector.shape_cast %get3A_358 : vector<1x16xf32> to vector<16xf32>
      %get3A_360 = arith.index_cast %scan3A_62 : i32 to index
      %get3A_361 = arith.constant 336 : index
      %get3A_362 = tpu.vector_load %arg7[%get3A_360, %get3A_361] {strides = array<i32>} : memref<64x768xf32, #tpu.memory_space<vmem>>, vector<1x16xf32>,
      %get3A_363 = vector.shape_cast %get3A_362 : vector<1x16xf32> to vector<16xf32>
      %add3A_364 = arith.addf %get3A_359, %get3A_363 : vector<16xf32>
      %swap3A_365 = arith.index_cast %scan3A_62 : i32 to index
      %swap3A_366 = arith.constant 336 : index
      %swap3A_367 = tpu.vector_load %arg6[%swap3A_365, %swap3A_366] {strides = array<i32>} : memref<64x768xf32, #tpu.memory_space<vmem>>, vector<1x16xf32>,
      %swap3A_368 = vector.shape_cast %swap3A_367 : vector<1x16xf32> to vector<16xf32>
      %swap3A_369 = vector.shape_cast %add3A_364 : vector<16xf32> to vector<1x16xf32>
      tpu.vector_store %arg6[%swap3A_365, %swap3A_366], %swap3A_369 {strides = array<i32>} : memref<64x768xf32, #tpu.memory_space<vmem>>, vector<1x16xf32>,
      %get3A_370 = arith.index_cast %scan3A_62 : i32 to index
      %get3A_371 = arith.constant 352 : index
      %get3A_372 = tpu.vector_load %arg6[%get3A_370, %get3A_371] {strides = array<i32>} : memref<64x768xf32, #tpu.memory_space<vmem>>, vector<1x16xf32>,
      %get3A_373 = vector.shape_cast %get3A_372 : vector<1x16xf32> to vector<16xf32>
      %get3A_374 = arith.index_cast %scan3A_62 : i32 to index
      %get3A_375 = arith.constant 352 : index
      %get3A_376 = tpu.vector_load %arg7[%get3A_374, %get3A_375] {strides = array<i32>} : memref<64x768xf32, #tpu.memory_space<vmem>>, vector<1x16xf32>,
      %get3A_377 = vector.shape_cast %get3A_376 : vector<1x16xf32> to vector<16xf32>
      %add3A_378 = arith.addf %get3A_373, %get3A_377 : vector<16xf32>
      %swap3A_379 = arith.index_cast %scan3A_62 : i32 to index
      %swap3A_380 = arith.constant 352 : index
      %swap3A_381 = tpu.vector_load %arg6[%swap3A_379, %swap3A_380] {strides = array<i32>} : memref<64x768xf32, #tpu.memory_space<vmem>>, vector<1x16xf32>,
      %swap3A_382 = vector.shape_cast %swap3A_381 : vector<1x16xf32> to vector<16xf32>
      %swap3A_383 = vector.shape_cast %add3A_378 : vector<16xf32> to vector<1x16xf32>
      tpu.vector_store %arg6[%swap3A_379, %swap3A_380], %swap3A_383 {strides = array<i32>} : memref<64x768xf32, #tpu.memory_space<vmem>>, vector<1x16xf32>,
      %get3A_384 = arith.index_cast %scan3A_62 : i32 to index
      %get3A_385 = arith.constant 368 : index
      %get3A_386 = tpu.vector_load %arg6[%get3A_384, %get3A_385] {strides = array<i32>} : memref<64x768xf32, #tpu.memory_space<vmem>>, vector<1x16xf32>,
      %get3A_387 = vector.shape_cast %get3A_386 : vector<1x16xf32> to vector<16xf32>
      %get3A_388 = arith.index_cast %scan3A_62 : i32 to index
      %get3A_389 = arith.constant 368 : index
      %get3A_390 = tpu.vector_load %arg7[%get3A_388, %get3A_389] {strides = array<i32>} : memref<64x768xf32, #tpu.memory_space<vmem>>, vector<1x16xf32>,
      %get3A_391 = vector.shape_cast %get3A_390 : vector<1x16xf32> to vector<16xf32>
      %add3A_392 = arith.addf %get3A_387, %get3A_391 : vector<16xf32>
      %swap3A_393 = arith.index_cast %scan3A_62 : i32 to index
      %swap3A_394 = arith.constant 368 : index
      %swap3A_395 = tpu.vector_load %arg6[%swap3A_393, %swap3A_394] {strides = array<i32>} : memref<64x768xf32, #tpu.memory_space<vmem>>, vector<1x16xf32>,
      %swap3A_396 = vector.shape_cast %swap3A_395 : vector<1x16xf32> to vector<16xf32>
      %swap3A_397 = vector.shape_cast %add3A_392 : vector<16xf32> to vector<1x16xf32>
      tpu.vector_store %arg6[%swap3A_393, %swap3A_394], %swap3A_397 {strides = array<i32>} : memref<64x768xf32, #tpu.memory_space<vmem>>, vector<1x16xf32>,
      %get3A_398 = arith.index_cast %scan3A_62 : i32 to index
      %get3A_399 = arith.constant 384 : index
      %get3A_400 = tpu.vector_load %arg6[%get3A_398, %get3A_399] {strides = array<i32>} : memref<64x768xf32, #tpu.memory_space<vmem>>, vector<1x16xf32>,
      %get3A_401 = vector.shape_cast %get3A_400 : vector<1x16xf32> to vector<16xf32>
      %get3A_402 = arith.index_cast %scan3A_62 : i32 to index
      %get3A_403 = arith.constant 384 : index
      %get3A_404 = tpu.vector_load %arg7[%get3A_402, %get3A_403] {strides = array<i32>} : memref<64x768xf32, #tpu.memory_space<vmem>>, vector<1x16xf32>,
      %get3A_405 = vector.shape_cast %get3A_404 : vector<1x16xf32> to vector<16xf32>
      %add3A_406 = arith.addf %get3A_401, %get3A_405 : vector<16xf32>
      %swap3A_407 = arith.index_cast %scan3A_62 : i32 to index
      %swap3A_408 = arith.constant 384 : index
      %swap3A_409 = tpu.vector_load %arg6[%swap3A_407, %swap3A_408] {strides = array<i32>} : memref<64x768xf32, #tpu.memory_space<vmem>>, vector<1x16xf32>,
      %swap3A_410 = vector.shape_cast %swap3A_409 : vector<1x16xf32> to vector<16xf32>
      %swap3A_411 = vector.shape_cast %add3A_406 : vector<16xf32> to vector<1x16xf32>
      tpu.vector_store %arg6[%swap3A_407, %swap3A_408], %swap3A_411 {strides = array<i32>} : memref<64x768xf32, #tpu.memory_space<vmem>>, vector<1x16xf32>,
      %get3A_412 = arith.index_cast %scan3A_62 : i32 to index
      %get3A_413 = arith.constant 400 : index
      %get3A_414 = tpu.vector_load %arg6[%get3A_412, %get3A_413] {strides = array<i32>} : memref<64x768xf32, #tpu.memory_space<vmem>>, vector<1x16xf32>,
      %get3A_415 = vector.shape_cast %get3A_414 : vector<1x16xf32> to vector<16xf32>
      %get3A_416 = arith.index_cast %scan3A_62 : i32 to index
      %get3A_417 = arith.constant 400 : index
      %get3A_418 = tpu.vector_load %arg7[%get3A_416, %get3A_417] {strides = array<i32>} : memref<64x768xf32, #tpu.memory_space<vmem>>, vector<1x16xf32>,
      %get3A_419 = vector.shape_cast %get3A_418 : vector<1x16xf32> to vector<16xf32>
      %add3A_420 = arith.addf %get3A_415, %get3A_419 : vector<16xf32>
      %swap3A_421 = arith.index_cast %scan3A_62 : i32 to index
      %swap3A_422 = arith.constant 400 : index
      %swap3A_423 = tpu.vector_load %arg6[%swap3A_421, %swap3A_422] {strides = array<i32>} : memref<64x768xf32, #tpu.memory_space<vmem>>, vector<1x16xf32>,
      %swap3A_424 = vector.shape_cast %swap3A_423 : vector<1x16xf32> to vector<16xf32>
      %swap3A_425 = vector.shape_cast %add3A_420 : vector<16xf32> to vector<1x16xf32>
      tpu.vector_store %arg6[%swap3A_421, %swap3A_422], %swap3A_425 {strides = array<i32>} : memref<64x768xf32, #tpu.memory_space<vmem>>, vector<1x16xf32>,
      %get3A_426 = arith.index_cast %scan3A_62 : i32 to index
      %get3A_427 = arith.constant 416 : index
      %get3A_428 = tpu.vector_load %arg6[%get3A_426, %get3A_427] {strides = array<i32>} : memref<64x768xf32, #tpu.memory_space<vmem>>, vector<1x16xf32>,
      %get3A_429 = vector.shape_cast %get3A_428 : vector<1x16xf32> to vector<16xf32>
      %get3A_430 = arith.index_cast %scan3A_62 : i32 to index
      %get3A_431 = arith.constant 416 : index
      %get3A_432 = tpu.vector_load %arg7[%get3A_430, %get3A_431] {strides = array<i32>} : memref<64x768xf32, #tpu.memory_space<vmem>>, vector<1x16xf32>,
      %get3A_433 = vector.shape_cast %get3A_432 : vector<1x16xf32> to vector<16xf32>
      %add3A_434 = arith.addf %get3A_429, %get3A_433 : vector<16xf32>
      %swap3A_435 = arith.index_cast %scan3A_62 : i32 to index
      %swap3A_436 = arith.constant 416 : index
      %swap3A_437 = tpu.vector_load %arg6[%swap3A_435, %swap3A_436] {strides = array<i32>} : memref<64x768xf32, #tpu.memory_space<vmem>>, vector<1x16xf32>,
      %swap3A_438 = vector.shape_cast %swap3A_437 : vector<1x16xf32> to vector<16xf32>
      %swap3A_439 = vector.shape_cast %add3A_434 : vector<16xf32> to vector<1x16xf32>
      tpu.vector_store %arg6[%swap3A_435, %swap3A_436], %swap3A_439 {strides = array<i32>} : memref<64x768xf32, #tpu.memory_space<vmem>>, vector<1x16xf32>,
      %get3A_440 = arith.index_cast %scan3A_62 : i32 to index
      %get3A_441 = arith.constant 432 : index
      %get3A_442 = tpu.vector_load %arg6[%get3A_440, %get3A_441] {strides = array<i32>} : memref<64x768xf32, #tpu.memory_space<vmem>>, vector<1x16xf32>,
      %get3A_443 = vector.shape_cast %get3A_442 : vector<1x16xf32> to vector<16xf32>
      %get3A_444 = arith.index_cast %scan3A_62 : i32 to index
      %get3A_445 = arith.constant 432 : index
      %get3A_446 = tpu.vector_load %arg7[%get3A_444, %get3A_445] {strides = array<i32>} : memref<64x768xf32, #tpu.memory_space<vmem>>, vector<1x16xf32>,
      %get3A_447 = vector.shape_cast %get3A_446 : vector<1x16xf32> to vector<16xf32>
      %add3A_448 = arith.addf %get3A_443, %get3A_447 : vector<16xf32>
      %swap3A_449 = arith.index_cast %scan3A_62 : i32 to index
      %swap3A_450 = arith.constant 432 : index
      %swap3A_451 = tpu.vector_load %arg6[%swap3A_449, %swap3A_450] {strides = array<i32>} : memref<64x768xf32, #tpu.memory_space<vmem>>, vector<1x16xf32>,
      %swap3A_452 = vector.shape_cast %swap3A_451 : vector<1x16xf32> to vector<16xf32>
      %swap3A_453 = vector.shape_cast %add3A_448 : vector<16xf32> to vector<1x16xf32>
      tpu.vector_store %arg6[%swap3A_449, %swap3A_450], %swap3A_453 {strides = array<i32>} : memref<64x768xf32, #tpu.memory_space<vmem>>, vector<1x16xf32>,
      %get3A_454 = arith.index_cast %scan3A_62 : i32 to index
      %get3A_455 = arith.constant 448 : index
      %get3A_456 = tpu.vector_load %arg6[%get3A_454, %get3A_455] {strides = array<i32>} : memref<64x768xf32, #tpu.memory_space<vmem>>, vector<1x16xf32>,
      %get3A_457 = vector.shape_cast %get3A_456 : vector<1x16xf32> to vector<16xf32>
      %get3A_458 = arith.index_cast %scan3A_62 : i32 to index
      %get3A_459 = arith.constant 448 : index
      %get3A_460 = tpu.vector_load %arg7[%get3A_458, %get3A_459] {strides = array<i32>} : memref<64x768xf32, #tpu.memory_space<vmem>>, vector<1x16xf32>,
      %get3A_461 = vector.shape_cast %get3A_460 : vector<1x16xf32> to vector<16xf32>
      %add3A_462 = arith.addf %get3A_457, %get3A_461 : vector<16xf32>
      %swap3A_463 = arith.index_cast %scan3A_62 : i32 to index
      %swap3A_464 = arith.constant 448 : index
      %swap3A_465 = tpu.vector_load %arg6[%swap3A_463, %swap3A_464] {strides = array<i32>} : memref<64x768xf32, #tpu.memory_space<vmem>>, vector<1x16xf32>,
      %swap3A_466 = vector.shape_cast %swap3A_465 : vector<1x16xf32> to vector<16xf32>
      %swap3A_467 = vector.shape_cast %add3A_462 : vector<16xf32> to vector<1x16xf32>
      tpu.vector_store %arg6[%swap3A_463, %swap3A_464], %swap3A_467 {strides = array<i32>} : memref<64x768xf32, #tpu.memory_space<vmem>>, vector<1x16xf32>,
      %get3A_468 = arith.index_cast %scan3A_62 : i32 to index
      %get3A_469 = arith.constant 464 : index
      %get3A_470 = tpu.vector_load %arg6[%get3A_468, %get3A_469] {strides = array<i32>} : memref<64x768xf32, #tpu.memory_space<vmem>>, vector<1x16xf32>,
      %get3A_471 = vector.shape_cast %get3A_470 : vector<1x16xf32> to vector<16xf32>
      %get3A_472 = arith.index_cast %scan3A_62 : i32 to index
      %get3A_473 = arith.constant 464 : index
      %get3A_474 = tpu.vector_load %arg7[%get3A_472, %get3A_473] {strides = array<i32>} : memref<64x768xf32, #tpu.memory_space<vmem>>, vector<1x16xf32>,
      %get3A_475 = vector.shape_cast %get3A_474 : vector<1x16xf32> to vector<16xf32>
      %add3A_476 = arith.addf %get3A_471, %get3A_475 : vector<16xf32>
      %swap3A_477 = arith.index_cast %scan3A_62 : i32 to index
      %swap3A_478 = arith.constant 464 : index
      %swap3A_479 = tpu.vector_load %arg6[%swap3A_477, %swap3A_478] {strides = array<i32>} : memref<64x768xf32, #tpu.memory_space<vmem>>, vector<1x16xf32>,
      %swap3A_480 = vector.shape_cast %swap3A_479 : vector<1x16xf32> to vector<16xf32>
      %swap3A_481 = vector.shape_cast %add3A_476 : vector<16xf32> to vector<1x16xf32>
      tpu.vector_store %arg6[%swap3A_477, %swap3A_478], %swap3A_481 {strides = array<i32>} : memref<64x768xf32, #tpu.memory_space<vmem>>, vector<1x16xf32>,
      %get3A_482 = arith.index_cast %scan3A_62 : i32 to index
      %get3A_483 = arith.constant 480 : index
      %get3A_484 = tpu.vector_load %arg6[%get3A_482, %get3A_483] {strides = array<i32>} : memref<64x768xf32, #tpu.memory_space<vmem>>, vector<1x16xf32>,
      %get3A_485 = vector.shape_cast %get3A_484 : vector<1x16xf32> to vector<16xf32>
      %get3A_486 = arith.index_cast %scan3A_62 : i32 to index
      %get3A_487 = arith.constant 480 : index
      %get3A_488 = tpu.vector_load %arg7[%get3A_486, %get3A_487] {strides = array<i32>} : memref<64x768xf32, #tpu.memory_space<vmem>>, vector<1x16xf32>,
      %get3A_489 = vector.shape_cast %get3A_488 : vector<1x16xf32> to vector<16xf32>
      %add3A_490 = arith.addf %get3A_485, %get3A_489 : vector<16xf32>
      %swap3A_491 = arith.index_cast %scan3A_62 : i32 to index
      %swap3A_492 = arith.constant 480 : index
      %swap3A_493 = tpu.vector_load %arg6[%swap3A_491, %swap3A_492] {strides = array<i32>} : memref<64x768xf32, #tpu.memory_space<vmem>>, vector<1x16xf32>,
      %swap3A_494 = vector.shape_cast %swap3A_493 : vector<1x16xf32> to vector<16xf32>
      %swap3A_495 = vector.shape_cast %add3A_490 : vector<16xf32> to vector<1x16xf32>
      tpu.vector_store %arg6[%swap3A_491, %swap3A_492], %swap3A_495 {strides = array<i32>} : memref<64x768xf32, #tpu.memory_space<vmem>>, vector<1x16xf32>,
      %get3A_496 = arith.index_cast %scan3A_62 : i32 to index
      %get3A_497 = arith.constant 496 : index
      %get3A_498 = tpu.vector_load %arg6[%get3A_496, %get3A_497] {strides = array<i32>} : memref<64x768xf32, #tpu.memory_space<vmem>>, vector<1x16xf32>,
      %get3A_499 = vector.shape_cast %get3A_498 : vector<1x16xf32> to vector<16xf32>
      %get3A_500 = arith.index_cast %scan3A_62 : i32 to index
      %get3A_501 = arith.constant 496 : index
      %get3A_502 = tpu.vector_load %arg7[%get3A_500, %get3A_501] {strides = array<i32>} : memref<64x768xf32, #tpu.memory_space<vmem>>, vector<1x16xf32>,
      %get3A_503 = vector.shape_cast %get3A_502 : vector<1x16xf32> to vector<16xf32>
      %add3A_504 = arith.addf %get3A_499, %get3A_503 : vector<16xf32>
      %swap3A_505 = arith.index_cast %scan3A_62 : i32 to index
      %swap3A_506 = arith.constant 496 : index
      %swap3A_507 = tpu.vector_load %arg6[%swap3A_505, %swap3A_506] {strides = array<i32>} : memref<64x768xf32, #tpu.memory_space<vmem>>, vector<1x16xf32>,
      %swap3A_508 = vector.shape_cast %swap3A_507 : vector<1x16xf32> to vector<16xf32>
      %swap3A_509 = vector.shape_cast %add3A_504 : vector<16xf32> to vector<1x16xf32>
      tpu.vector_store %arg6[%swap3A_505, %swap3A_506], %swap3A_509 {strides = array<i32>} : memref<64x768xf32, #tpu.memory_space<vmem>>, vector<1x16xf32>,
      %get3A_510 = arith.index_cast %scan3A_62 : i32 to index
      %get3A_511 = arith.constant 512 : index
      %get3A_512 = tpu.vector_load %arg6[%get3A_510, %get3A_511] {strides = array<i32>} : memref<64x768xf32, #tpu.memory_space<vmem>>, vector<1x16xf32>,
      %get3A_513 = vector.shape_cast %get3A_512 : vector<1x16xf32> to vector<16xf32>
      %get3A_514 = arith.index_cast %scan3A_62 : i32 to index
      %get3A_515 = arith.constant 512 : index
      %get3A_516 = tpu.vector_load %arg7[%get3A_514, %get3A_515] {strides = array<i32>} : memref<64x768xf32, #tpu.memory_space<vmem>>, vector<1x16xf32>,
      %get3A_517 = vector.shape_cast %get3A_516 : vector<1x16xf32> to vector<16xf32>
      %add3A_518 = arith.addf %get3A_513, %get3A_517 : vector<16xf32>
      %swap3A_519 = arith.index_cast %scan3A_62 : i32 to index
      %swap3A_520 = arith.constant 512 : index
      %swap3A_521 = tpu.vector_load %arg6[%swap3A_519, %swap3A_520] {strides = array<i32>} : memref<64x768xf32, #tpu.memory_space<vmem>>, vector<1x16xf32>,
      %swap3A_522 = vector.shape_cast %swap3A_521 : vector<1x16xf32> to vector<16xf32>
      %swap3A_523 = vector.shape_cast %add3A_518 : vector<16xf32> to vector<1x16xf32>
      tpu.vector_store %arg6[%swap3A_519, %swap3A_520], %swap3A_523 {strides = array<i32>} : memref<64x768xf32, #tpu.memory_space<vmem>>, vector<1x16xf32>,
      %get3A_524 = arith.index_cast %scan3A_62 : i32 to index
      %get3A_525 = arith.constant 528 : index
      %get3A_526 = tpu.vector_load %arg6[%get3A_524, %get3A_525] {strides = array<i32>} : memref<64x768xf32, #tpu.memory_space<vmem>>, vector<1x16xf32>,
      %get3A_527 = vector.shape_cast %get3A_526 : vector<1x16xf32> to vector<16xf32>
      %get3A_528 = arith.index_cast %scan3A_62 : i32 to index
      %get3A_529 = arith.constant 528 : index
      %get3A_530 = tpu.vector_load %arg7[%get3A_528, %get3A_529] {strides = array<i32>} : memref<64x768xf32, #tpu.memory_space<vmem>>, vector<1x16xf32>,
      %get3A_531 = vector.shape_cast %get3A_530 : vector<1x16xf32> to vector<16xf32>
      %add3A_532 = arith.addf %get3A_527, %get3A_531 : vector<16xf32>
      %swap3A_533 = arith.index_cast %scan3A_62 : i32 to index
      %swap3A_534 = arith.constant 528 : index
      %swap3A_535 = tpu.vector_load %arg6[%swap3A_533, %swap3A_534] {strides = array<i32>} : memref<64x768xf32, #tpu.memory_space<vmem>>, vector<1x16xf32>,
      %swap3A_536 = vector.shape_cast %swap3A_535 : vector<1x16xf32> to vector<16xf32>
      %swap3A_537 = vector.shape_cast %add3A_532 : vector<16xf32> to vector<1x16xf32>
      tpu.vector_store %arg6[%swap3A_533, %swap3A_534], %swap3A_537 {strides = array<i32>} : memref<64x768xf32, #tpu.memory_space<vmem>>, vector<1x16xf32>,
      %get3A_538 = arith.index_cast %scan3A_62 : i32 to index
      %get3A_539 = arith.constant 544 : index
      %get3A_540 = tpu.vector_load %arg6[%get3A_538, %get3A_539] {strides = array<i32>} : memref<64x768xf32, #tpu.memory_space<vmem>>, vector<1x16xf32>,
      %get3A_541 = vector.shape_cast %get3A_540 : vector<1x16xf32> to vector<16xf32>
      %get3A_542 = arith.index_cast %scan3A_62 : i32 to index
      %get3A_543 = arith.constant 544 : index
      %get3A_544 = tpu.vector_load %arg7[%get3A_542, %get3A_543] {strides = array<i32>} : memref<64x768xf32, #tpu.memory_space<vmem>>, vector<1x16xf32>,
      %get3A_545 = vector.shape_cast %get3A_544 : vector<1x16xf32> to vector<16xf32>
      %add3A_546 = arith.addf %get3A_541, %get3A_545 : vector<16xf32>
      %swap3A_547 = arith.index_cast %scan3A_62 : i32 to index
      %swap3A_548 = arith.constant 544 : index
      %swap3A_549 = tpu.vector_load %arg6[%swap3A_547, %swap3A_548] {strides = array<i32>} : memref<64x768xf32, #tpu.memory_space<vmem>>, vector<1x16xf32>,
      %swap3A_550 = vector.shape_cast %swap3A_549 : vector<1x16xf32> to vector<16xf32>
      %swap3A_551 = vector.shape_cast %add3A_546 : vector<16xf32> to vector<1x16xf32>
      tpu.vector_store %arg6[%swap3A_547, %swap3A_548], %swap3A_551 {strides = array<i32>} : memref<64x768xf32, #tpu.memory_space<vmem>>, vector<1x16xf32>,
      %get3A_552 = arith.index_cast %scan3A_62 : i32 to index
      %get3A_553 = arith.constant 560 : index
      %get3A_554 = tpu.vector_load %arg6[%get3A_552, %get3A_553] {strides = array<i32>} : memref<64x768xf32, #tpu.memory_space<vmem>>, vector<1x16xf32>,
      %get3A_555 = vector.shape_cast %get3A_554 : vector<1x16xf32> to vector<16xf32>
      %get3A_556 = arith.index_cast %scan3A_62 : i32 to index
      %get3A_557 = arith.constant 560 : index
      %get3A_558 = tpu.vector_load %arg7[%get3A_556, %get3A_557] {strides = array<i32>} : memref<64x768xf32, #tpu.memory_space<vmem>>, vector<1x16xf32>,
      %get3A_559 = vector.shape_cast %get3A_558 : vector<1x16xf32> to vector<16xf32>
      %add3A_560 = arith.addf %get3A_555, %get3A_559 : vector<16xf32>
      %swap3A_561 = arith.index_cast %scan3A_62 : i32 to index
      %swap3A_562 = arith.constant 560 : index
      %swap3A_563 = tpu.vector_load %arg6[%swap3A_561, %swap3A_562] {strides = array<i32>} : memref<64x768xf32, #tpu.memory_space<vmem>>, vector<1x16xf32>,
      %swap3A_564 = vector.shape_cast %swap3A_563 : vector<1x16xf32> to vector<16xf32>
      %swap3A_565 = vector.shape_cast %add3A_560 : vector<16xf32> to vector<1x16xf32>
      tpu.vector_store %arg6[%swap3A_561, %swap3A_562], %swap3A_565 {strides = array<i32>} : memref<64x768xf32, #tpu.memory_space<vmem>>, vector<1x16xf32>,
      %get3A_566 = arith.index_cast %scan3A_62 : i32 to index
      %get3A_567 = arith.constant 576 : index
      %get3A_568 = tpu.vector_load %arg6[%get3A_566, %get3A_567] {strides = array<i32>} : memref<64x768xf32, #tpu.memory_space<vmem>>, vector<1x16xf32>,
      %get3A_569 = vector.shape_cast %get3A_568 : vector<1x16xf32> to vector<16xf32>
      %get3A_570 = arith.index_cast %scan3A_62 : i32 to index
      %get3A_571 = arith.constant 576 : index
      %get3A_572 = tpu.vector_load %arg7[%get3A_570, %get3A_571] {strides = array<i32>} : memref<64x768xf32, #tpu.memory_space<vmem>>, vector<1x16xf32>,
      %get3A_573 = vector.shape_cast %get3A_572 : vector<1x16xf32> to vector<16xf32>
      %add3A_574 = arith.addf %get3A_569, %get3A_573 : vector<16xf32>
      %swap3A_575 = arith.index_cast %scan3A_62 : i32 to index
      %swap3A_576 = arith.constant 576 : index
      %swap3A_577 = tpu.vector_load %arg6[%swap3A_575, %swap3A_576] {strides = array<i32>} : memref<64x768xf32, #tpu.memory_space<vmem>>, vector<1x16xf32>,
      %swap3A_578 = vector.shape_cast %swap3A_577 : vector<1x16xf32> to vector<16xf32>
      %swap3A_579 = vector.shape_cast %add3A_574 : vector<16xf32> to vector<1x16xf32>
      tpu.vector_store %arg6[%swap3A_575, %swap3A_576], %swap3A_579 {strides = array<i32>} : memref<64x768xf32, #tpu.memory_space<vmem>>, vector<1x16xf32>,
      %get3A_580 = arith.index_cast %scan3A_62 : i32 to index
      %get3A_581 = arith.constant 592 : index
      %get3A_582 = tpu.vector_load %arg6[%get3A_580, %get3A_581] {strides = array<i32>} : memref<64x768xf32, #tpu.memory_space<vmem>>, vector<1x16xf32>,
      %get3A_583 = vector.shape_cast %get3A_582 : vector<1x16xf32> to vector<16xf32>
      %get3A_584 = arith.index_cast %scan3A_62 : i32 to index
      %get3A_585 = arith.constant 592 : index
      %get3A_586 = tpu.vector_load %arg7[%get3A_584, %get3A_585] {strides = array<i32>} : memref<64x768xf32, #tpu.memory_space<vmem>>, vector<1x16xf32>,
      %get3A_587 = vector.shape_cast %get3A_586 : vector<1x16xf32> to vector<16xf32>
      %add3A_588 = arith.addf %get3A_583, %get3A_587 : vector<16xf32>
      %swap3A_589 = arith.index_cast %scan3A_62 : i32 to index
      %swap3A_590 = arith.constant 592 : index
      %swap3A_591 = tpu.vector_load %arg6[%swap3A_589, %swap3A_590] {strides = array<i32>} : memref<64x768xf32, #tpu.memory_space<vmem>>, vector<1x16xf32>,
      %swap3A_592 = vector.shape_cast %swap3A_591 : vector<1x16xf32> to vector<16xf32>
      %swap3A_593 = vector.shape_cast %add3A_588 : vector<16xf32> to vector<1x16xf32>
      tpu.vector_store %arg6[%swap3A_589, %swap3A_590], %swap3A_593 {strides = array<i32>} : memref<64x768xf32, #tpu.memory_space<vmem>>, vector<1x16xf32>,
      %get3A_594 = arith.index_cast %scan3A_62 : i32 to index
      %get3A_595 = arith.constant 608 : index
      %get3A_596 = tpu.vector_load %arg6[%get3A_594, %get3A_595] {strides = array<i32>} : memref<64x768xf32, #tpu.memory_space<vmem>>, vector<1x16xf32>,
      %get3A_597 = vector.shape_cast %get3A_596 : vector<1x16xf32> to vector<16xf32>
      %get3A_598 = arith.index_cast %scan3A_62 : i32 to index
      %get3A_599 = arith.constant 608 : index
      %get3A_600 = tpu.vector_load %arg7[%get3A_598, %get3A_599] {strides = array<i32>} : memref<64x768xf32, #tpu.memory_space<vmem>>, vector<1x16xf32>,
      %get3A_601 = vector.shape_cast %get3A_600 : vector<1x16xf32> to vector<16xf32>
      %add3A_602 = arith.addf %get3A_597, %get3A_601 : vector<16xf32>
      %swap3A_603 = arith.index_cast %scan3A_62 : i32 to index
      %swap3A_604 = arith.constant 608 : index
      %swap3A_605 = tpu.vector_load %arg6[%swap3A_603, %swap3A_604] {strides = array<i32>} : memref<64x768xf32, #tpu.memory_space<vmem>>, vector<1x16xf32>,
      %swap3A_606 = vector.shape_cast %swap3A_605 : vector<1x16xf32> to vector<16xf32>
      %swap3A_607 = vector.shape_cast %add3A_602 : vector<16xf32> to vector<1x16xf32>
      tpu.vector_store %arg6[%swap3A_603, %swap3A_604], %swap3A_607 {strides = array<i32>} : memref<64x768xf32, #tpu.memory_space<vmem>>, vector<1x16xf32>,
      %get3A_608 = arith.index_cast %scan3A_62 : i32 to index
      %get3A_609 = arith.constant 624 : index
      %get3A_610 = tpu.vector_load %arg6[%get3A_608, %get3A_609] {strides = array<i32>} : memref<64x768xf32, #tpu.memory_space<vmem>>, vector<1x16xf32>,
      %get3A_611 = vector.shape_cast %get3A_610 : vector<1x16xf32> to vector<16xf32>
      %get3A_612 = arith.index_cast %scan3A_62 : i32 to index
      %get3A_613 = arith.constant 624 : index
      %get3A_614 = tpu.vector_load %arg7[%get3A_612, %get3A_613] {strides = array<i32>} : memref<64x768xf32, #tpu.memory_space<vmem>>, vector<1x16xf32>,
      %get3A_615 = vector.shape_cast %get3A_614 : vector<1x16xf32> to vector<16xf32>
      %add3A_616 = arith.addf %get3A_611, %get3A_615 : vector<16xf32>
      %swap3A_617 = arith.index_cast %scan3A_62 : i32 to index
      %swap3A_618 = arith.constant 624 : index
      %swap3A_619 = tpu.vector_load %arg6[%swap3A_617, %swap3A_618] {strides = array<i32>} : memref<64x768xf32, #tpu.memory_space<vmem>>, vector<1x16xf32>,
      %swap3A_620 = vector.shape_cast %swap3A_619 : vector<1x16xf32> to vector<16xf32>
      %swap3A_621 = vector.shape_cast %add3A_616 : vector<16xf32> to vector<1x16xf32>
      tpu.vector_store %arg6[%swap3A_617, %swap3A_618], %swap3A_621 {strides = array<i32>} : memref<64x768xf32, #tpu.memory_space<vmem>>, vector<1x16xf32>,
      %get3A_622 = arith.index_cast %scan3A_62 : i32 to index
      %get3A_623 = arith.constant 640 : index
      %get3A_624 = tpu.vector_load %arg6[%get3A_622, %get3A_623] {strides = array<i32>} : memref<64x768xf32, #tpu.memory_space<vmem>>, vector<1x16xf32>,
      %get3A_625 = vector.shape_cast %get3A_624 : vector<1x16xf32> to vector<16xf32>
      %get3A_626 = arith.index_cast %scan3A_62 : i32 to index
      %get3A_627 = arith.constant 640 : index
      %get3A_628 = tpu.vector_load %arg7[%get3A_626, %get3A_627] {strides = array<i32>} : memref<64x768xf32, #tpu.memory_space<vmem>>, vector<1x16xf32>,
      %get3A_629 = vector.shape_cast %get3A_628 : vector<1x16xf32> to vector<16xf32>
      %add3A_630 = arith.addf %get3A_625, %get3A_629 : vector<16xf32>
      %swap3A_631 = arith.index_cast %scan3A_62 : i32 to index
      %swap3A_632 = arith.constant 640 : index
      %swap3A_633 = tpu.vector_load %arg6[%swap3A_631, %swap3A_632] {strides = array<i32>} : memref<64x768xf32, #tpu.memory_space<vmem>>, vector<1x16xf32>,
      %swap3A_634 = vector.shape_cast %swap3A_633 : vector<1x16xf32> to vector<16xf32>
      %swap3A_635 = vector.shape_cast %add3A_630 : vector<16xf32> to vector<1x16xf32>
      tpu.vector_store %arg6[%swap3A_631, %swap3A_632], %swap3A_635 {strides = array<i32>} : memref<64x768xf32, #tpu.memory_space<vmem>>, vector<1x16xf32>,
      %get3A_636 = arith.index_cast %scan3A_62 : i32 to index
      %get3A_637 = arith.constant 656 : index
      %get3A_638 = tpu.vector_load %arg6[%get3A_636, %get3A_637] {strides = array<i32>} : memref<64x768xf32, #tpu.memory_space<vmem>>, vector<1x16xf32>,
      %get3A_639 = vector.shape_cast %get3A_638 : vector<1x16xf32> to vector<16xf32>
      %get3A_640 = arith.index_cast %scan3A_62 : i32 to index
      %get3A_641 = arith.constant 656 : index
      %get3A_642 = tpu.vector_load %arg7[%get3A_640, %get3A_641] {strides = array<i32>} : memref<64x768xf32, #tpu.memory_space<vmem>>, vector<1x16xf32>,
      %get3A_643 = vector.shape_cast %get3A_642 : vector<1x16xf32> to vector<16xf32>
      %add3A_644 = arith.addf %get3A_639, %get3A_643 : vector<16xf32>
      %swap3A_645 = arith.index_cast %scan3A_62 : i32 to index
      %swap3A_646 = arith.constant 656 : index
      %swap3A_647 = tpu.vector_load %arg6[%swap3A_645, %swap3A_646] {strides = array<i32>} : memref<64x768xf32, #tpu.memory_space<vmem>>, vector<1x16xf32>,
      %swap3A_648 = vector.shape_cast %swap3A_647 : vector<1x16xf32> to vector<16xf32>
      %swap3A_649 = vector.shape_cast %add3A_644 : vector<16xf32> to vector<1x16xf32>
      tpu.vector_store %arg6[%swap3A_645, %swap3A_646], %swap3A_649 {strides = array<i32>} : memref<64x768xf32, #tpu.memory_space<vmem>>, vector<1x16xf32>,
      %get3A_650 = arith.index_cast %scan3A_62 : i32 to index
      %get3A_651 = arith.constant 672 : index
      %get3A_652 = tpu.vector_load %arg6[%get3A_650, %get3A_651] {strides = array<i32>} : memref<64x768xf32, #tpu.memory_space<vmem>>, vector<1x16xf32>,
      %get3A_653 = vector.shape_cast %get3A_652 : vector<1x16xf32> to vector<16xf32>
      %get3A_654 = arith.index_cast %scan3A_62 : i32 to index
      %get3A_655 = arith.constant 672 : index
      %get3A_656 = tpu.vector_load %arg7[%get3A_654, %get3A_655] {strides = array<i32>} : memref<64x768xf32, #tpu.memory_space<vmem>>, vector<1x16xf32>,
      %get3A_657 = vector.shape_cast %get3A_656 : vector<1x16xf32> to vector<16xf32>
      %add3A_658 = arith.addf %get3A_653, %get3A_657 : vector<16xf32>
      %swap3A_659 = arith.index_cast %scan3A_62 : i32 to index
      %swap3A_660 = arith.constant 672 : index
      %swap3A_661 = tpu.vector_load %arg6[%swap3A_659, %swap3A_660] {strides = array<i32>} : memref<64x768xf32, #tpu.memory_space<vmem>>, vector<1x16xf32>,
      %swap3A_662 = vector.shape_cast %swap3A_661 : vector<1x16xf32> to vector<16xf32>
      %swap3A_663 = vector.shape_cast %add3A_658 : vector<16xf32> to vector<1x16xf32>
      tpu.vector_store %arg6[%swap3A_659, %swap3A_660], %swap3A_663 {strides = array<i32>} : memref<64x768xf32, #tpu.memory_space<vmem>>, vector<1x16xf32>,
      %get3A_664 = arith.index_cast %scan3A_62 : i32 to index
      %get3A_665 = arith.constant 688 : index
      %get3A_666 = tpu.vector_load %arg6[%get3A_664, %get3A_665] {strides = array<i32>} : memref<64x768xf32, #tpu.memory_space<vmem>>, vector<1x16xf32>,
      %get3A_667 = vector.shape_cast %get3A_666 : vector<1x16xf32> to vector<16xf32>
      %get3A_668 = arith.index_cast %scan3A_62 : i32 to index
      %get3A_669 = arith.constant 688 : index
      %get3A_670 = tpu.vector_load %arg7[%get3A_668, %get3A_669] {strides = array<i32>} : memref<64x768xf32, #tpu.memory_space<vmem>>, vector<1x16xf32>,
      %get3A_671 = vector.shape_cast %get3A_670 : vector<1x16xf32> to vector<16xf32>
      %add3A_672 = arith.addf %get3A_667, %get3A_671 : vector<16xf32>
      %swap3A_673 = arith.index_cast %scan3A_62 : i32 to index
      %swap3A_674 = arith.constant 688 : index
      %swap3A_675 = tpu.vector_load %arg6[%swap3A_673, %swap3A_674] {strides = array<i32>} : memref<64x768xf32, #tpu.memory_space<vmem>>, vector<1x16xf32>,
      %swap3A_676 = vector.shape_cast %swap3A_675 : vector<1x16xf32> to vector<16xf32>
      %swap3A_677 = vector.shape_cast %add3A_672 : vector<16xf32> to vector<1x16xf32>
      tpu.vector_store %arg6[%swap3A_673, %swap3A_674], %swap3A_677 {strides = array<i32>} : memref<64x768xf32, #tpu.memory_space<vmem>>, vector<1x16xf32>,
      %get3A_678 = arith.index_cast %scan3A_62 : i32 to index
      %get3A_679 = arith.constant 704 : index
      %get3A_680 = tpu.vector_load %arg6[%get3A_678, %get3A_679] {strides = array<i32>} : memref<64x768xf32, #tpu.memory_space<vmem>>, vector<1x16xf32>,
      %get3A_681 = vector.shape_cast %get3A_680 : vector<1x16xf32> to vector<16xf32>
      %get3A_682 = arith.index_cast %scan3A_62 : i32 to index
      %get3A_683 = arith.constant 704 : index
      %get3A_684 = tpu.vector_load %arg7[%get3A_682, %get3A_683] {strides = array<i32>} : memref<64x768xf32, #tpu.memory_space<vmem>>, vector<1x16xf32>,
      %get3A_685 = vector.shape_cast %get3A_684 : vector<1x16xf32> to vector<16xf32>
      %add3A_686 = arith.addf %get3A_681, %get3A_685 : vector<16xf32>
      %swap3A_687 = arith.index_cast %scan3A_62 : i32 to index
      %swap3A_688 = arith.constant 704 : index
      %swap3A_689 = tpu.vector_load %arg6[%swap3A_687, %swap3A_688] {strides = array<i32>} : memref<64x768xf32, #tpu.memory_space<vmem>>, vector<1x16xf32>,
      %swap3A_690 = vector.shape_cast %swap3A_689 : vector<1x16xf32> to vector<16xf32>
      %swap3A_691 = vector.shape_cast %add3A_686 : vector<16xf32> to vector<1x16xf32>
      tpu.vector_store %arg6[%swap3A_687, %swap3A_688], %swap3A_691 {strides = array<i32>} : memref<64x768xf32, #tpu.memory_space<vmem>>, vector<1x16xf32>,
      %get3A_692 = arith.index_cast %scan3A_62 : i32 to index
      %get3A_693 = arith.constant 720 : index
      %get3A_694 = tpu.vector_load %arg6[%get3A_692, %get3A_693] {strides = array<i32>} : memref<64x768xf32, #tpu.memory_space<vmem>>, vector<1x16xf32>,
      %get3A_695 = vector.shape_cast %get3A_694 : vector<1x16xf32> to vector<16xf32>
      %get3A_696 = arith.index_cast %scan3A_62 : i32 to index
      %get3A_697 = arith.constant 720 : index
      %get3A_698 = tpu.vector_load %arg7[%get3A_696, %get3A_697] {strides = array<i32>} : memref<64x768xf32, #tpu.memory_space<vmem>>, vector<1x16xf32>,
      %get3A_699 = vector.shape_cast %get3A_698 : vector<1x16xf32> to vector<16xf32>
      %add3A_700 = arith.addf %get3A_695, %get3A_699 : vector<16xf32>
      %swap3A_701 = arith.index_cast %scan3A_62 : i32 to index
      %swap3A_702 = arith.constant 720 : index
      %swap3A_703 = tpu.vector_load %arg6[%swap3A_701, %swap3A_702] {strides = array<i32>} : memref<64x768xf32, #tpu.memory_space<vmem>>, vector<1x16xf32>,
      %swap3A_704 = vector.shape_cast %swap3A_703 : vector<1x16xf32> to vector<16xf32>
      %swap3A_705 = vector.shape_cast %add3A_700 : vector<16xf32> to vector<1x16xf32>
      tpu.vector_store %arg6[%swap3A_701, %swap3A_702], %swap3A_705 {strides = array<i32>} : memref<64x768xf32, #tpu.memory_space<vmem>>, vector<1x16xf32>,
      %get3A_706 = arith.index_cast %scan3A_62 : i32 to index
      %get3A_707 = arith.constant 736 : index
      %get3A_708 = tpu.vector_load %arg6[%get3A_706, %get3A_707] {strides = array<i32>} : memref<64x768xf32, #tpu.memory_space<vmem>>, vector<1x16xf32>,
      %get3A_709 = vector.shape_cast %get3A_708 : vector<1x16xf32> to vector<16xf32>
      %get3A_710 = arith.index_cast %scan3A_62 : i32 to index
      %get3A_711 = arith.constant 736 : index
      %get3A_712 = tpu.vector_load %arg7[%get3A_710, %get3A_711] {strides = array<i32>} : memref<64x768xf32, #tpu.memory_space<vmem>>, vector<1x16xf32>,
      %get3A_713 = vector.shape_cast %get3A_712 : vector<1x16xf32> to vector<16xf32>
      %add3A_714 = arith.addf %get3A_709, %get3A_713 : vector<16xf32>
      %swap3A_715 = arith.index_cast %scan3A_62 : i32 to index
      %swap3A_716 = arith.constant 736 : index
      %swap3A_717 = tpu.vector_load %arg6[%swap3A_715, %swap3A_716] {strides = array<i32>} : memref<64x768xf32, #tpu.memory_space<vmem>>, vector<1x16xf32>,
      %swap3A_718 = vector.shape_cast %swap3A_717 : vector<1x16xf32> to vector<16xf32>
      %swap3A_719 = vector.shape_cast %add3A_714 : vector<16xf32> to vector<1x16xf32>
      tpu.vector_store %arg6[%swap3A_715, %swap3A_716], %swap3A_719 {strides = array<i32>} : memref<64x768xf32, #tpu.memory_space<vmem>>, vector<1x16xf32>,
      %get3A_720 = arith.index_cast %scan3A_62 : i32 to index
      %get3A_721 = arith.constant 752 : index
      %get3A_722 = tpu.vector_load %arg6[%get3A_720, %get3A_721] {strides = array<i32>} : memref<64x768xf32, #tpu.memory_space<vmem>>, vector<1x16xf32>,
      %get3A_723 = vector.shape_cast %get3A_722 : vector<1x16xf32> to vector<16xf32>
      %get3A_724 = arith.index_cast %scan3A_62 : i32 to index
      %get3A_725 = arith.constant 752 : index
      %get3A_726 = tpu.vector_load %arg7[%get3A_724, %get3A_725] {strides = array<i32>} : memref<64x768xf32, #tpu.memory_space<vmem>>, vector<1x16xf32>,
      %get3A_727 = vector.shape_cast %get3A_726 : vector<1x16xf32> to vector<16xf32>
      %add3A_728 = arith.addf %get3A_723, %get3A_727 : vector<16xf32>
      %swap3A_729 = arith.index_cast %scan3A_62 : i32 to index
      %swap3A_730 = arith.constant 752 : index
      %swap3A_731 = tpu.vector_load %arg6[%swap3A_729, %swap3A_730] {strides = array<i32>} : memref<64x768xf32, #tpu.memory_space<vmem>>, vector<1x16xf32>,
      %swap3A_732 = vector.shape_cast %swap3A_731 : vector<1x16xf32> to vector<16xf32>
      %swap3A_733 = vector.shape_cast %add3A_728 : vector<16xf32> to vector<1x16xf32>
      tpu.vector_store %arg6[%swap3A_729, %swap3A_730], %swap3A_733 {strides = array<i32>} : memref<64x768xf32, #tpu.memory_space<vmem>>, vector<1x16xf32>,
      %scan3A_734 = arith.constant 0 : i32
      scf.yield %scan3A_734 : i32
    }
    %scan3A_61 = arith.constant 64 : i32
    "tpu.region"() ({
      %run_scoped3A = tpu.sem_alloc : memref<!tpu.dma_semaphore, #tpu.memory_space<semaphore_mem>>
      %dma_start3A_62 = arith.constant 0 : i32
      %dma_start3A_63 = tpu.memref_slice %arg5[%add3A_33, %dma_start3A_62] : memref<4096x768xf32, #tpu.memory_space<hbm>> -> memref<64x768xf32, #tpu.memory_space<hbm>>
      %dma_start3A_64 = arith.constant 0 : i32
      %dma_start3A_65 = tpu.memref_slice %arg5[%add3A_33, %dma_start3A_64] : memref<4096x768xf32, #tpu.memory_space<hbm>> -> memref<64x768xf32, #tpu.memory_space<hbm>>
      tpu.enqueue_dma source(%arg6 : memref<64x768xf32, #tpu.memory_space<vmem>>) target(%dma_start3A_65 : memref<64x768xf32, #tpu.memory_space<hbm>>) target_semaphore(%run_scoped3A : memref<!tpu.dma_semaphore, #tpu.memory_space<semaphore_mem>>)
      %dma_wait3A_66 = arith.constant 0 : i32
      %dma_wait3A_67 = tpu.memref_slice %arg5[%add3A_33, %dma_wait3A_66] : memref<4096x768xf32, #tpu.memory_space<hbm>> -> memref<64x768xf32, #tpu.memory_space<hbm>>
      %dma_wait3A_68 = arith.constant 0 : i32
      %dma_wait3A_69 = tpu.memref_slice %arg5[%add3A_33, %dma_wait3A_68] : memref<4096x768xf32, #tpu.memory_space<hbm>> -> memref<64x768xf32, #tpu.memory_space<hbm>>
      tpu.wait_dma2 semaphore(%run_scoped3A : memref<!tpu.dma_semaphore, #tpu.memory_space<semaphore_mem>>) src(%arg6 : memref<64x768xf32, #tpu.memory_space<vmem>>) dst(%dma_wait3A_69 : memref<64x768xf32, #tpu.memory_space<hbm>>)
      tpu.yield
    }) : () -> ()
    return
  }
}

#map = affine_map<(d0, d1) -> (0, 0)>
#map1 = affine_map<(d0, d1) -> (0)>
module attributes {stable_mosaic.version = 14 : i64} {
  func.func @_dispatch_body(%arg0: i32, %arg1: i32, %arg2: memref<4096x384xf32, #tpu.memory_space<hbm>>, %arg3: memref<4096x384xf32, #tpu.memory_space<hbm>>, %arg4: memref<8192xi32, #tpu.memory_space<hbm>>, %arg5: memref<16384x384xf32, #tpu.memory_space<hbm>>, %arg6: memref<128x384xf32, #tpu.memory_space<vmem>>, %arg7: memref<128x384xf32, #tpu.memory_space<vmem>>, %arg8: memref<128xi32, #tpu.memory_space<vmem>>, %arg9: memref<128xi32, #tpu.memory_space<vmem>>, %arg10: memref<!tpu.dma_semaphore, #tpu.memory_space<semaphore_mem>>, %arg11: memref<!tpu.dma_semaphore, #tpu.memory_space<semaphore_mem>>) attributes {dimension_semantics = [#tpu.dimension_semantics<core_parallel>, #tpu.dimension_semantics<subcore_parallel>], iteration_bounds = array<i64: 2, 16>, scalar_prefetch = 0 : i64, scratch_operands = 6 : i64, tpu.core_type = #tpu.core_type<sc_vector_subcore>, window_params = [{transform_indices = #map}, {transform_indices = #map}, {transform_indices = #map1}, {transform_indices = #map}]} {
    %mul3A = arith.constant 2 : i32
    %mul3A_0 = arith.muli %arg1, %mul3A : i32
    %add3A = arith.addi %mul3A_0, %arg0 : i32
    %mul3A_1 = arith.constant 256 : i32
    %mul3A_2 = arith.muli %add3A, %mul3A_1 : i32
    %lt3A = arith.constant 16 : i32
    %lt3A_3 = arith.cmpi slt, %add3A, %lt3A : i32
    %convert_element_type3A = arith.extui %lt3A_3 : i1 to i32
    %cond3A = arith.constant 0 : i32
    %cond3A_4 = arith.cmpi ne, %convert_element_type3A, %cond3A : i32
    scf.if %cond3A_4 {
      "tpu.region"() ({
        %run_scoped3A = tpu.sem_alloc : memref<!tpu.dma_semaphore, #tpu.memory_space<semaphore_mem>>
        %dma_start3A_23 = arith.constant 0 : i32
        %dma_start3A_24 = tpu.memref_slice %arg2[%mul3A_2, %dma_start3A_23] : memref<4096x384xf32, #tpu.memory_space<hbm>> -> memref<128x384xf32, #tpu.memory_space<hbm>>
        %dma_start3A_25 = arith.constant 0 : i32
        %dma_start3A_26 = tpu.memref_slice %arg2[%mul3A_2, %dma_start3A_25] : memref<4096x384xf32, #tpu.memory_space<hbm>> -> memref<128x384xf32, #tpu.memory_space<hbm>>
        tpu.enqueue_dma source(%dma_start3A_26 : memref<128x384xf32, #tpu.memory_space<hbm>>) target(%arg6 : memref<128x384xf32, #tpu.memory_space<vmem>>) target_semaphore(%run_scoped3A : memref<!tpu.dma_semaphore, #tpu.memory_space<semaphore_mem>>)
        %dma_wait3A_27 = arith.constant 0 : i32
        %dma_wait3A_28 = tpu.memref_slice %arg2[%mul3A_2, %dma_wait3A_27] : memref<4096x384xf32, #tpu.memory_space<hbm>> -> memref<128x384xf32, #tpu.memory_space<hbm>>
        %dma_wait3A_29 = arith.constant 0 : i32
        %dma_wait3A_30 = tpu.memref_slice %arg2[%mul3A_2, %dma_wait3A_29] : memref<4096x384xf32, #tpu.memory_space<hbm>> -> memref<128x384xf32, #tpu.memory_space<hbm>>
        tpu.wait_dma2 semaphore(%run_scoped3A : memref<!tpu.dma_semaphore, #tpu.memory_space<semaphore_mem>>) src(%dma_wait3A_30 : memref<128x384xf32, #tpu.memory_space<hbm>>) dst(%arg6 : memref<128x384xf32, #tpu.memory_space<vmem>>)
        tpu.yield
      }) : () -> ()
      "tpu.region"() ({
        %run_scoped3A = tpu.sem_alloc : memref<!tpu.dma_semaphore, #tpu.memory_space<semaphore_mem>>
        %dma_start3A_23 = tpu.memref_slice %arg4[%mul3A_2] : memref<8192xi32, #tpu.memory_space<hbm>> -> memref<128xi32, #tpu.memory_space<hbm>>
        %dma_start3A_24 = tpu.memref_slice %arg4[%mul3A_2] : memref<8192xi32, #tpu.memory_space<hbm>> -> memref<128xi32, #tpu.memory_space<hbm>>
        tpu.enqueue_dma source(%dma_start3A_24 : memref<128xi32, #tpu.memory_space<hbm>>) target(%arg8 : memref<128xi32, #tpu.memory_space<vmem>>) target_semaphore(%run_scoped3A : memref<!tpu.dma_semaphore, #tpu.memory_space<semaphore_mem>>)
        %dma_wait3A_25 = tpu.memref_slice %arg4[%mul3A_2] : memref<8192xi32, #tpu.memory_space<hbm>> -> memref<128xi32, #tpu.memory_space<hbm>>
        %dma_wait3A_26 = tpu.memref_slice %arg4[%mul3A_2] : memref<8192xi32, #tpu.memory_space<hbm>> -> memref<128xi32, #tpu.memory_space<hbm>>
        tpu.wait_dma2 semaphore(%run_scoped3A : memref<!tpu.dma_semaphore, #tpu.memory_space<semaphore_mem>>) src(%dma_wait3A_26 : memref<128xi32, #tpu.memory_space<hbm>>) dst(%arg8 : memref<128xi32, #tpu.memory_space<vmem>>)
        tpu.yield
      }) : () -> ()
      %dma_start3A = arith.constant 0 : i32
      %dma_start3A_9 = arith.constant 0 : i32
      %dma_start3A_10 = tpu.memref_slice %arg5[%dma_start3A, %dma_start3A_9] : memref<16384x384xf32, #tpu.memory_space<hbm>> -> memref<16384x384xf32, #tpu.memory_space<hbm>>
      tpu.enqueue_indirect_dma source(%arg6 : memref<128x384xf32, #tpu.memory_space<vmem>>) target(%dma_start3A_10 : memref<16384x384xf32, #tpu.memory_space<hbm>>) offsets(%arg8 : memref<128xi32, #tpu.memory_space<vmem>>) semaphore(%arg10 : memref<!tpu.dma_semaphore, #tpu.memory_space<semaphore_mem>>)
      %add3A_11 = arith.constant 128 : i32
      %add3A_12 = arith.addi %mul3A_2, %add3A_11 : i32
      "tpu.region"() ({
        %run_scoped3A = tpu.sem_alloc : memref<!tpu.dma_semaphore, #tpu.memory_space<semaphore_mem>>
        %dma_start3A_23 = arith.constant 0 : i32
        %dma_start3A_24 = tpu.memref_slice %arg2[%add3A_12, %dma_start3A_23] : memref<4096x384xf32, #tpu.memory_space<hbm>> -> memref<128x384xf32, #tpu.memory_space<hbm>>
        %dma_start3A_25 = arith.constant 0 : i32
        %dma_start3A_26 = tpu.memref_slice %arg2[%add3A_12, %dma_start3A_25] : memref<4096x384xf32, #tpu.memory_space<hbm>> -> memref<128x384xf32, #tpu.memory_space<hbm>>
        tpu.enqueue_dma source(%dma_start3A_26 : memref<128x384xf32, #tpu.memory_space<hbm>>) target(%arg7 : memref<128x384xf32, #tpu.memory_space<vmem>>) target_semaphore(%run_scoped3A : memref<!tpu.dma_semaphore, #tpu.memory_space<semaphore_mem>>)
        %dma_wait3A_27 = arith.constant 0 : i32
        %dma_wait3A_28 = tpu.memref_slice %arg2[%add3A_12, %dma_wait3A_27] : memref<4096x384xf32, #tpu.memory_space<hbm>> -> memref<128x384xf32, #tpu.memory_space<hbm>>
        %dma_wait3A_29 = arith.constant 0 : i32
        %dma_wait3A_30 = tpu.memref_slice %arg2[%add3A_12, %dma_wait3A_29] : memref<4096x384xf32, #tpu.memory_space<hbm>> -> memref<128x384xf32, #tpu.memory_space<hbm>>
        tpu.wait_dma2 semaphore(%run_scoped3A : memref<!tpu.dma_semaphore, #tpu.memory_space<semaphore_mem>>) src(%dma_wait3A_30 : memref<128x384xf32, #tpu.memory_space<hbm>>) dst(%arg7 : memref<128x384xf32, #tpu.memory_space<vmem>>)
        tpu.yield
      }) : () -> ()
      %add3A_13 = arith.constant 128 : i32
      %add3A_14 = arith.addi %mul3A_2, %add3A_13 : i32
      "tpu.region"() ({
        %run_scoped3A = tpu.sem_alloc : memref<!tpu.dma_semaphore, #tpu.memory_space<semaphore_mem>>
        %dma_start3A_23 = tpu.memref_slice %arg4[%add3A_14] : memref<8192xi32, #tpu.memory_space<hbm>> -> memref<128xi32, #tpu.memory_space<hbm>>
        %dma_start3A_24 = tpu.memref_slice %arg4[%add3A_14] : memref<8192xi32, #tpu.memory_space<hbm>> -> memref<128xi32, #tpu.memory_space<hbm>>
        tpu.enqueue_dma source(%dma_start3A_24 : memref<128xi32, #tpu.memory_space<hbm>>) target(%arg9 : memref<128xi32, #tpu.memory_space<vmem>>) target_semaphore(%run_scoped3A : memref<!tpu.dma_semaphore, #tpu.memory_space<semaphore_mem>>)
        %dma_wait3A_25 = tpu.memref_slice %arg4[%add3A_14] : memref<8192xi32, #tpu.memory_space<hbm>> -> memref<128xi32, #tpu.memory_space<hbm>>
        %dma_wait3A_26 = tpu.memref_slice %arg4[%add3A_14] : memref<8192xi32, #tpu.memory_space<hbm>> -> memref<128xi32, #tpu.memory_space<hbm>>
        tpu.wait_dma2 semaphore(%run_scoped3A : memref<!tpu.dma_semaphore, #tpu.memory_space<semaphore_mem>>) src(%dma_wait3A_26 : memref<128xi32, #tpu.memory_space<hbm>>) dst(%arg9 : memref<128xi32, #tpu.memory_space<vmem>>)
        tpu.yield
      }) : () -> ()
      %dma_start3A_15 = arith.constant 0 : i32
      %dma_start3A_16 = arith.constant 0 : i32
      %dma_start3A_17 = tpu.memref_slice %arg5[%dma_start3A_15, %dma_start3A_16] : memref<16384x384xf32, #tpu.memory_space<hbm>> -> memref<16384x384xf32, #tpu.memory_space<hbm>>
      tpu.enqueue_indirect_dma source(%arg7 : memref<128x384xf32, #tpu.memory_space<vmem>>) target(%dma_start3A_17 : memref<16384x384xf32, #tpu.memory_space<hbm>>) offsets(%arg9 : memref<128xi32, #tpu.memory_space<vmem>>) semaphore(%arg11 : memref<!tpu.dma_semaphore, #tpu.memory_space<semaphore_mem>>)
      %dma_wait3A = arith.constant 0 : i32
      %dma_wait3A_18 = arith.constant 0 : i32
      %dma_wait3A_19 = tpu.memref_slice %arg5[%dma_wait3A, %dma_wait3A_18] : memref<16384x384xf32, #tpu.memory_space<hbm>> -> memref<16384x384xf32, #tpu.memory_space<hbm>>
      tpu.wait_indirect_dma semaphore(%arg10 : memref<!tpu.dma_semaphore, #tpu.memory_space<semaphore_mem>>) src(%arg6 : memref<128x384xf32, #tpu.memory_space<vmem>>) dst(%dma_wait3A_19 : memref<16384x384xf32, #tpu.memory_space<hbm>>)
      %dma_wait3A_20 = arith.constant 0 : i32
      %dma_wait3A_21 = arith.constant 0 : i32
      %dma_wait3A_22 = tpu.memref_slice %arg5[%dma_wait3A_20, %dma_wait3A_21] : memref<16384x384xf32, #tpu.memory_space<hbm>> -> memref<16384x384xf32, #tpu.memory_space<hbm>>
      tpu.wait_indirect_dma semaphore(%arg11 : memref<!tpu.dma_semaphore, #tpu.memory_space<semaphore_mem>>) src(%arg7 : memref<128x384xf32, #tpu.memory_space<vmem>>) dst(%dma_wait3A_22 : memref<16384x384xf32, #tpu.memory_space<hbm>>)
    } else {
    }
    %ge3A = arith.constant 16 : i32
    %ge3A_5 = arith.cmpi sge, %add3A, %ge3A : i32
    %convert_element_type3A_6 = arith.extui %ge3A_5 : i1 to i32
    %cond3A_7 = arith.constant 0 : i32
    %cond3A_8 = arith.cmpi ne, %convert_element_type3A_6, %cond3A_7 : i32
    scf.if %cond3A_8 {
      %sub3A = arith.constant 4096 : i32
      %sub3A_9 = arith.subi %mul3A_2, %sub3A : i32
      "tpu.region"() ({
        %run_scoped3A = tpu.sem_alloc : memref<!tpu.dma_semaphore, #tpu.memory_space<semaphore_mem>>
        %dma_start3A_24 = arith.constant 0 : i32
        %dma_start3A_25 = tpu.memref_slice %arg3[%sub3A_9, %dma_start3A_24] : memref<4096x384xf32, #tpu.memory_space<hbm>> -> memref<128x384xf32, #tpu.memory_space<hbm>>
        %dma_start3A_26 = arith.constant 0 : i32
        %dma_start3A_27 = tpu.memref_slice %arg3[%sub3A_9, %dma_start3A_26] : memref<4096x384xf32, #tpu.memory_space<hbm>> -> memref<128x384xf32, #tpu.memory_space<hbm>>
        tpu.enqueue_dma source(%dma_start3A_27 : memref<128x384xf32, #tpu.memory_space<hbm>>) target(%arg6 : memref<128x384xf32, #tpu.memory_space<vmem>>) target_semaphore(%run_scoped3A : memref<!tpu.dma_semaphore, #tpu.memory_space<semaphore_mem>>)
        %dma_wait3A_28 = arith.constant 0 : i32
        %dma_wait3A_29 = tpu.memref_slice %arg3[%sub3A_9, %dma_wait3A_28] : memref<4096x384xf32, #tpu.memory_space<hbm>> -> memref<128x384xf32, #tpu.memory_space<hbm>>
        %dma_wait3A_30 = arith.constant 0 : i32
        %dma_wait3A_31 = tpu.memref_slice %arg3[%sub3A_9, %dma_wait3A_30] : memref<4096x384xf32, #tpu.memory_space<hbm>> -> memref<128x384xf32, #tpu.memory_space<hbm>>
        tpu.wait_dma2 semaphore(%run_scoped3A : memref<!tpu.dma_semaphore, #tpu.memory_space<semaphore_mem>>) src(%dma_wait3A_31 : memref<128x384xf32, #tpu.memory_space<hbm>>) dst(%arg6 : memref<128x384xf32, #tpu.memory_space<vmem>>)
        tpu.yield
      }) : () -> ()
      "tpu.region"() ({
        %run_scoped3A = tpu.sem_alloc : memref<!tpu.dma_semaphore, #tpu.memory_space<semaphore_mem>>
        %dma_start3A_24 = tpu.memref_slice %arg4[%mul3A_2] : memref<8192xi32, #tpu.memory_space<hbm>> -> memref<128xi32, #tpu.memory_space<hbm>>
        %dma_start3A_25 = tpu.memref_slice %arg4[%mul3A_2] : memref<8192xi32, #tpu.memory_space<hbm>> -> memref<128xi32, #tpu.memory_space<hbm>>
        tpu.enqueue_dma source(%dma_start3A_25 : memref<128xi32, #tpu.memory_space<hbm>>) target(%arg8 : memref<128xi32, #tpu.memory_space<vmem>>) target_semaphore(%run_scoped3A : memref<!tpu.dma_semaphore, #tpu.memory_space<semaphore_mem>>)
        %dma_wait3A_26 = tpu.memref_slice %arg4[%mul3A_2] : memref<8192xi32, #tpu.memory_space<hbm>> -> memref<128xi32, #tpu.memory_space<hbm>>
        %dma_wait3A_27 = tpu.memref_slice %arg4[%mul3A_2] : memref<8192xi32, #tpu.memory_space<hbm>> -> memref<128xi32, #tpu.memory_space<hbm>>
        tpu.wait_dma2 semaphore(%run_scoped3A : memref<!tpu.dma_semaphore, #tpu.memory_space<semaphore_mem>>) src(%dma_wait3A_27 : memref<128xi32, #tpu.memory_space<hbm>>) dst(%arg8 : memref<128xi32, #tpu.memory_space<vmem>>)
        tpu.yield
      }) : () -> ()
      %dma_start3A = arith.constant 0 : i32
      %dma_start3A_10 = arith.constant 0 : i32
      %dma_start3A_11 = tpu.memref_slice %arg5[%dma_start3A, %dma_start3A_10] : memref<16384x384xf32, #tpu.memory_space<hbm>> -> memref<16384x384xf32, #tpu.memory_space<hbm>>
      tpu.enqueue_indirect_dma source(%arg6 : memref<128x384xf32, #tpu.memory_space<vmem>>) target(%dma_start3A_11 : memref<16384x384xf32, #tpu.memory_space<hbm>>) offsets(%arg8 : memref<128xi32, #tpu.memory_space<vmem>>) semaphore(%arg10 : memref<!tpu.dma_semaphore, #tpu.memory_space<semaphore_mem>>)
      %add3A_12 = arith.constant 128 : i32
      %add3A_13 = arith.addi %sub3A_9, %add3A_12 : i32
      "tpu.region"() ({
        %run_scoped3A = tpu.sem_alloc : memref<!tpu.dma_semaphore, #tpu.memory_space<semaphore_mem>>
        %dma_start3A_24 = arith.constant 0 : i32
        %dma_start3A_25 = tpu.memref_slice %arg3[%add3A_13, %dma_start3A_24] : memref<4096x384xf32, #tpu.memory_space<hbm>> -> memref<128x384xf32, #tpu.memory_space<hbm>>
        %dma_start3A_26 = arith.constant 0 : i32
        %dma_start3A_27 = tpu.memref_slice %arg3[%add3A_13, %dma_start3A_26] : memref<4096x384xf32, #tpu.memory_space<hbm>> -> memref<128x384xf32, #tpu.memory_space<hbm>>
        tpu.enqueue_dma source(%dma_start3A_27 : memref<128x384xf32, #tpu.memory_space<hbm>>) target(%arg7 : memref<128x384xf32, #tpu.memory_space<vmem>>) target_semaphore(%run_scoped3A : memref<!tpu.dma_semaphore, #tpu.memory_space<semaphore_mem>>)
        %dma_wait3A_28 = arith.constant 0 : i32
        %dma_wait3A_29 = tpu.memref_slice %arg3[%add3A_13, %dma_wait3A_28] : memref<4096x384xf32, #tpu.memory_space<hbm>> -> memref<128x384xf32, #tpu.memory_space<hbm>>
        %dma_wait3A_30 = arith.constant 0 : i32
        %dma_wait3A_31 = tpu.memref_slice %arg3[%add3A_13, %dma_wait3A_30] : memref<4096x384xf32, #tpu.memory_space<hbm>> -> memref<128x384xf32, #tpu.memory_space<hbm>>
        tpu.wait_dma2 semaphore(%run_scoped3A : memref<!tpu.dma_semaphore, #tpu.memory_space<semaphore_mem>>) src(%dma_wait3A_31 : memref<128x384xf32, #tpu.memory_space<hbm>>) dst(%arg7 : memref<128x384xf32, #tpu.memory_space<vmem>>)
        tpu.yield
      }) : () -> ()
      %add3A_14 = arith.constant 128 : i32
      %add3A_15 = arith.addi %mul3A_2, %add3A_14 : i32
      "tpu.region"() ({
        %run_scoped3A = tpu.sem_alloc : memref<!tpu.dma_semaphore, #tpu.memory_space<semaphore_mem>>
        %dma_start3A_24 = tpu.memref_slice %arg4[%add3A_15] : memref<8192xi32, #tpu.memory_space<hbm>> -> memref<128xi32, #tpu.memory_space<hbm>>
        %dma_start3A_25 = tpu.memref_slice %arg4[%add3A_15] : memref<8192xi32, #tpu.memory_space<hbm>> -> memref<128xi32, #tpu.memory_space<hbm>>
        tpu.enqueue_dma source(%dma_start3A_25 : memref<128xi32, #tpu.memory_space<hbm>>) target(%arg9 : memref<128xi32, #tpu.memory_space<vmem>>) target_semaphore(%run_scoped3A : memref<!tpu.dma_semaphore, #tpu.memory_space<semaphore_mem>>)
        %dma_wait3A_26 = tpu.memref_slice %arg4[%add3A_15] : memref<8192xi32, #tpu.memory_space<hbm>> -> memref<128xi32, #tpu.memory_space<hbm>>
        %dma_wait3A_27 = tpu.memref_slice %arg4[%add3A_15] : memref<8192xi32, #tpu.memory_space<hbm>> -> memref<128xi32, #tpu.memory_space<hbm>>
        tpu.wait_dma2 semaphore(%run_scoped3A : memref<!tpu.dma_semaphore, #tpu.memory_space<semaphore_mem>>) src(%dma_wait3A_27 : memref<128xi32, #tpu.memory_space<hbm>>) dst(%arg9 : memref<128xi32, #tpu.memory_space<vmem>>)
        tpu.yield
      }) : () -> ()
      %dma_start3A_16 = arith.constant 0 : i32
      %dma_start3A_17 = arith.constant 0 : i32
      %dma_start3A_18 = tpu.memref_slice %arg5[%dma_start3A_16, %dma_start3A_17] : memref<16384x384xf32, #tpu.memory_space<hbm>> -> memref<16384x384xf32, #tpu.memory_space<hbm>>
      tpu.enqueue_indirect_dma source(%arg7 : memref<128x384xf32, #tpu.memory_space<vmem>>) target(%dma_start3A_18 : memref<16384x384xf32, #tpu.memory_space<hbm>>) offsets(%arg9 : memref<128xi32, #tpu.memory_space<vmem>>) semaphore(%arg11 : memref<!tpu.dma_semaphore, #tpu.memory_space<semaphore_mem>>)
      %dma_wait3A = arith.constant 0 : i32
      %dma_wait3A_19 = arith.constant 0 : i32
      %dma_wait3A_20 = tpu.memref_slice %arg5[%dma_wait3A, %dma_wait3A_19] : memref<16384x384xf32, #tpu.memory_space<hbm>> -> memref<16384x384xf32, #tpu.memory_space<hbm>>
      tpu.wait_indirect_dma semaphore(%arg10 : memref<!tpu.dma_semaphore, #tpu.memory_space<semaphore_mem>>) src(%arg6 : memref<128x384xf32, #tpu.memory_space<vmem>>) dst(%dma_wait3A_20 : memref<16384x384xf32, #tpu.memory_space<hbm>>)
      %dma_wait3A_21 = arith.constant 0 : i32
      %dma_wait3A_22 = arith.constant 0 : i32
      %dma_wait3A_23 = tpu.memref_slice %arg5[%dma_wait3A_21, %dma_wait3A_22] : memref<16384x384xf32, #tpu.memory_space<hbm>> -> memref<16384x384xf32, #tpu.memory_space<hbm>>
      tpu.wait_indirect_dma semaphore(%arg11 : memref<!tpu.dma_semaphore, #tpu.memory_space<semaphore_mem>>) src(%arg7 : memref<128x384xf32, #tpu.memory_space<vmem>>) dst(%dma_wait3A_23 : memref<16384x384xf32, #tpu.memory_space<hbm>>)
    } else {
    }
    return
  }
}

module attributes {stable_mosaic.version = 14 : i64} {
  func.func @_mm_body(%arg0: memref<2x64xi32, #tpu.memory_space<smem>>, %arg1: memref<16384x384xf32, #tpu.memory_space<vmem>>, %arg2: memref<64x768x768xf32, #tpu.memory_space<any>>, %arg3: memref<16384x768xf32, #tpu.memory_space<any>>, %arg4: memref<2x768x768xf32, #tpu.memory_space<vmem>>, %arg5: memref<2x128x768xf32, #tpu.memory_space<vmem>>, %arg6: memref<2x!tpu.dma_semaphore, #tpu.memory_space<semaphore_mem>>, %arg7: memref<2x!tpu.dma_semaphore, #tpu.memory_space<semaphore_mem>>) attributes {dimension_semantics = [], scalar_prefetch = 0 : i64, scratch_operands = 4 : i64, tpu.core_type = #tpu.core_type<tc>} {
    %dma_start3A = arith.constant 0 : i32
    %dma_start3A_0 = arith.constant 0 : i32
    %dma_start3A_1 = arith.constant 0 : i32
    %dma_start3A_2 = tpu.memref_slice %arg6[%dma_start3A_1] : memref<2x!tpu.dma_semaphore, #tpu.memory_space<semaphore_mem>> -> memref<1x!tpu.dma_semaphore, #tpu.memory_space<semaphore_mem>>
    %dma_start3A_3 = tpu.memref_squeeze %dma_start3A_2 : memref<1x!tpu.dma_semaphore, #tpu.memory_space<semaphore_mem>> -> memref<!tpu.dma_semaphore, #tpu.memory_space<semaphore_mem>>
    %dma_start3A_4 = arith.constant 0 : i32
    %dma_start3A_5 = arith.constant 0 : i32
    %dma_start3A_6 = tpu.memref_slice %arg4[%dma_start3A_0, %dma_start3A_4, %dma_start3A_5] : memref<2x768x768xf32, #tpu.memory_space<vmem>> -> memref<1x768x768xf32, #tpu.memory_space<vmem>>
    %dma_start3A_7 = tpu.memref_squeeze %dma_start3A_6 : memref<1x768x768xf32, #tpu.memory_space<vmem>> -> memref<768x768xf32, #tpu.memory_space<vmem>>
    %dma_start3A_8 = arith.constant 0 : i32
    %dma_start3A_9 = arith.constant 0 : i32
    %dma_start3A_10 = tpu.memref_slice %arg2[%dma_start3A, %dma_start3A_8, %dma_start3A_9] : memref<64x768x768xf32, #tpu.memory_space<any>> -> memref<1x768x768xf32, #tpu.memory_space<any>>
    %dma_start3A_11 = tpu.memref_squeeze %dma_start3A_10 : memref<1x768x768xf32, #tpu.memory_space<any>> -> memref<768x768xf32, #tpu.memory_space<any>>
    tpu.enqueue_dma source(%dma_start3A_11 : memref<768x768xf32, #tpu.memory_space<any>>) target(%dma_start3A_7 : memref<768x768xf32, #tpu.memory_space<vmem>>) target_semaphore(%dma_start3A_3 : memref<!tpu.dma_semaphore, #tpu.memory_space<semaphore_mem>>)
    %scan3A = arith.constant 0 : i32
    %scan3A_12 = arith.constant 0 : i32
    %scan3A_13 = arith.constant 64 : i32
    %scan3A_14 = arith.addi %scan3A_12, %scan3A_13 : i32
    %scan3A_15 = arith.constant 1 : i32
    %scan3A_16 = scf.for %scan3A_39 = %scan3A_12 to %scan3A_14 step %scan3A_15 iter_args(%scan3A_40 = %scan3A) -> (i32)  : i32 {
      %rem3A = arith.constant 2 : i32
      %rem3A_41 = arith.remsi %scan3A_39, %rem3A : i32
      %add3A = arith.constant 1 : i32
      %add3A_42 = arith.addi %scan3A_39, %add3A : i32
      %lt3A = arith.constant 64 : i32
      %lt3A_43 = arith.cmpi slt, %add3A_42, %lt3A : i32
      %convert_element_type3A = arith.extui %lt3A_43 : i1 to i32
      %cond3A = arith.constant 0 : i32
      %cond3A_44 = arith.cmpi ne, %convert_element_type3A, %cond3A : i32
      scf.if %cond3A_44 {
        %add3A_71 = arith.constant 1 : i32
        %add3A_72 = arith.addi %scan3A_39, %add3A_71 : i32
        %add3A_73 = arith.constant 1 : i32
        %add3A_74 = arith.addi %scan3A_39, %add3A_73 : i32
        %rem3A_75 = arith.constant 2 : i32
        %rem3A_76 = arith.remsi %add3A_74, %rem3A_75 : i32
        %dma_start3A_77 = tpu.memref_slice %arg6[%rem3A_76] : memref<2x!tpu.dma_semaphore, #tpu.memory_space<semaphore_mem>> -> memref<1x!tpu.dma_semaphore, #tpu.memory_space<semaphore_mem>>
        %dma_start3A_78 = tpu.memref_squeeze %dma_start3A_77 : memref<1x!tpu.dma_semaphore, #tpu.memory_space<semaphore_mem>> -> memref<!tpu.dma_semaphore, #tpu.memory_space<semaphore_mem>>
        %dma_start3A_79 = arith.constant 0 : i32
        %dma_start3A_80 = arith.constant 0 : i32
        %dma_start3A_81 = tpu.memref_slice %arg4[%rem3A_76, %dma_start3A_79, %dma_start3A_80] : memref<2x768x768xf32, #tpu.memory_space<vmem>> -> memref<1x768x768xf32, #tpu.memory_space<vmem>>
        %dma_start3A_82 = tpu.memref_squeeze %dma_start3A_81 : memref<1x768x768xf32, #tpu.memory_space<vmem>> -> memref<768x768xf32, #tpu.memory_space<vmem>>
        %dma_start3A_83 = arith.constant 0 : i32
        %dma_start3A_84 = arith.constant 0 : i32
        %dma_start3A_85 = tpu.memref_slice %arg2[%add3A_72, %dma_start3A_83, %dma_start3A_84] : memref<64x768x768xf32, #tpu.memory_space<any>> -> memref<1x768x768xf32, #tpu.memory_space<any>>
        %dma_start3A_86 = tpu.memref_squeeze %dma_start3A_85 : memref<1x768x768xf32, #tpu.memory_space<any>> -> memref<768x768xf32, #tpu.memory_space<any>>
        tpu.enqueue_dma source(%dma_start3A_86 : memref<768x768xf32, #tpu.memory_space<any>>) target(%dma_start3A_82 : memref<768x768xf32, #tpu.memory_space<vmem>>) target_semaphore(%dma_start3A_78 : memref<!tpu.dma_semaphore, #tpu.memory_space<semaphore_mem>>)
      } else {
      }
      %dma_wait3A_45 = tpu.memref_slice %arg6[%rem3A_41] : memref<2x!tpu.dma_semaphore, #tpu.memory_space<semaphore_mem>> -> memref<1x!tpu.dma_semaphore, #tpu.memory_space<semaphore_mem>>
      %dma_wait3A_46 = tpu.memref_squeeze %dma_wait3A_45 : memref<1x!tpu.dma_semaphore, #tpu.memory_space<semaphore_mem>> -> memref<!tpu.dma_semaphore, #tpu.memory_space<semaphore_mem>>
      %dma_wait3A_47 = arith.constant 0 : i32
      %dma_wait3A_48 = arith.constant 0 : i32
      %dma_wait3A_49 = tpu.memref_slice %arg4[%rem3A_41, %dma_wait3A_47, %dma_wait3A_48] : memref<2x768x768xf32, #tpu.memory_space<vmem>> -> memref<1x768x768xf32, #tpu.memory_space<vmem>>
      %dma_wait3A_50 = tpu.memref_squeeze %dma_wait3A_49 : memref<1x768x768xf32, #tpu.memory_space<vmem>> -> memref<768x768xf32, #tpu.memory_space<vmem>>
      %dma_wait3A_51 = arith.constant 0 : i32
      %dma_wait3A_52 = arith.constant 0 : i32
      %dma_wait3A_53 = tpu.memref_slice %arg2[%scan3A_39, %dma_wait3A_51, %dma_wait3A_52] : memref<64x768x768xf32, #tpu.memory_space<any>> -> memref<1x768x768xf32, #tpu.memory_space<any>>
      %dma_wait3A_54 = tpu.memref_squeeze %dma_wait3A_53 : memref<1x768x768xf32, #tpu.memory_space<any>> -> memref<768x768xf32, #tpu.memory_space<any>>
      tpu.wait_dma2 semaphore(%dma_wait3A_46 : memref<!tpu.dma_semaphore, #tpu.memory_space<semaphore_mem>>) src(%dma_wait3A_54 : memref<768x768xf32, #tpu.memory_space<any>>) dst(%dma_wait3A_50 : memref<768x768xf32, #tpu.memory_space<vmem>>)
      %get3A = arith.constant 0 : index
      %get3A_55 = arith.index_cast %scan3A_39 : i32 to index
      %get3A_56 = memref.load %arg0[%get3A, %get3A_55] : memref<2x64xi32, #tpu.memory_space<smem>>
      %mul3A = arith.constant 128 : i32
      %mul3A_57 = arith.muli %get3A_56, %mul3A : i32
      %get3A_58 = arith.constant 1 : index
      %get3A_59 = arith.index_cast %scan3A_39 : i32 to index
      %get3A_60 = memref.load %arg0[%get3A_58, %get3A_59] : memref<2x64xi32, #tpu.memory_space<smem>>
      %while3A = arith.constant 0 : i32
      %while3A_61 = arith.subi %get3A_60, %while3A : i32
      %while3A_62 = arith.addi %while3A, %while3A_61 : i32
      %while3A_63 = arith.constant 1 : i32
      %while3A_64 = arith.divsi %while3A_61, %while3A_63 : i32
      %while3A_65 = arith.muli %while3A_64, %while3A_63 : i32
      %while3A_66 = arith.addi %while3A, %while3A_65 : i32
      %while3A_67 = arith.constant 1 : i32
      %while3A_68 = scf.for %while3A_71 = %while3A to %while3A_66 step %while3A_67 iter_args(%while3A_72 = %scan3A_40) -> (i32)  : i32 {
        %rem3A_73 = arith.constant 2 : i32
        %rem3A_74 = arith.remsi %while3A_72, %rem3A_73 : i32
        %mul3A_75 = arith.constant 128 : i32
        %mul3A_76 = arith.muli %while3A_71, %mul3A_75 : i32
        %add3A_77 = arith.addi %mul3A_57, %mul3A_76 : i32
        %ge3A = arith.constant 2 : i32
        %ge3A_78 = arith.cmpi sge, %while3A_72, %ge3A : i32
        %convert_element_type3A_79 = arith.extui %ge3A_78 : i1 to i32
        %cond3A_80 = arith.constant 0 : i32
        %cond3A_81 = arith.cmpi ne, %convert_element_type3A_79, %cond3A_80 : i32
        scf.if %cond3A_81 {
          %dma_wait3A_112 = tpu.memref_slice %arg7[%rem3A_74] : memref<2x!tpu.dma_semaphore, #tpu.memory_space<semaphore_mem>> -> memref<1x!tpu.dma_semaphore, #tpu.memory_space<semaphore_mem>>
          %dma_wait3A_113 = tpu.memref_squeeze %dma_wait3A_112 : memref<1x!tpu.dma_semaphore, #tpu.memory_space<semaphore_mem>> -> memref<!tpu.dma_semaphore, #tpu.memory_space<semaphore_mem>>
          %dma_wait3A_114 = arith.constant 0 : i32
          %dma_wait3A_115 = tpu.memref_slice %arg3[%add3A_77, %dma_wait3A_114] : memref<16384x768xf32, #tpu.memory_space<any>> -> memref<128x768xf32, #tpu.memory_space<any>>
          %dma_wait3A_116 = arith.constant 0 : i32
          %dma_wait3A_117 = arith.constant 0 : i32
          %dma_wait3A_118 = tpu.memref_slice %arg5[%rem3A_74, %dma_wait3A_116, %dma_wait3A_117] : memref<2x128x768xf32, #tpu.memory_space<vmem>> -> memref<1x128x768xf32, #tpu.memory_space<vmem>>
          %dma_wait3A_119 = tpu.memref_squeeze %dma_wait3A_118 : memref<1x128x768xf32, #tpu.memory_space<vmem>> -> memref<128x768xf32, #tpu.memory_space<vmem>>
          tpu.wait_dma2 semaphore(%dma_wait3A_113 : memref<!tpu.dma_semaphore, #tpu.memory_space<semaphore_mem>>) src(%dma_wait3A_119 : memref<128x768xf32, #tpu.memory_space<vmem>>) dst(%dma_wait3A_115 : memref<128x768xf32, #tpu.memory_space<any>>)
        } else {
        }
        %get3A_82 = arith.index_cast %add3A_77 : i32 to index
        %get3A_83 = arith.constant 0 : index
        %get3A_84 = vector.load %arg1[%get3A_82, %get3A_83] : memref<16384x384xf32, #tpu.memory_space<vmem>>, vector<128x384xf32>
        %bitcast_convert_type3A = tpu.bitcast %get3A_84 : vector<128x384xf32> -> vector<128x384xi32>
        %shift_left3A = arith.constant 16 : i32
        %shift_left3A_85 = vector.broadcast %shift_left3A : i32 to vector<128x384xi32>
        %shift_left3A_86 = arith.shli %bitcast_convert_type3A, %shift_left3A_85 : vector<128x384xi32>
        %bitcast_convert_type3A_87 = tpu.bitcast %shift_left3A_86 : vector<128x384xi32> -> vector<128x384xf32>
        %and3A = arith.constant -65536 : i32
        %and3A_88 = vector.broadcast %and3A : i32 to vector<128x384xi32>
        %and3A_89 = arith.andi %bitcast_convert_type3A, %and3A_88 : vector<128x384xi32>
        %bitcast_convert_type3A_90 = tpu.bitcast %and3A_89 : vector<128x384xi32> -> vector<128x384xf32>
        %concatenate3A = tpu.concatenate %bitcast_convert_type3A_87, %bitcast_convert_type3A_90 in 1 : vector<128x384xf32>, vector<128x384xf32> -> vector<128x768xf32>
        %get3A_91 = arith.index_cast %rem3A_41 : i32 to index
        %get3A_92 = arith.constant 0 : index
        %get3A_93 = arith.constant 0 : index
        %get3A_94 = vector.load %arg4[%get3A_91, %get3A_92, %get3A_93] : memref<2x768x768xf32, #tpu.memory_space<vmem>>, vector<1x768x768xf32>
        %get3A_95 = vector.shape_cast %get3A_94 : vector<1x768x768xf32> to vector<768x768xf32>
        %dot_general3A = arith.constant dense<0.000000e+00> : vector<128x768xf32>
        %dot_general3A_96 = tpu.matmul %concatenate3A, %get3A_95, %dot_general3A {dimension_numbers = #tpu.dot_dimension_numbers<[1], [1], [0], [0], [0, 0, 1, 0], [], []>, transpose_lhs_hint = false} : vector<128x768xf32>, vector<768x768xf32>, vector<128x768xf32> -> vector<128x768xf32>
        %swap3A = arith.index_cast %rem3A_74 : i32 to index
        %swap3A_97 = arith.constant 0 : index
        %swap3A_98 = arith.constant 0 : index
        %swap3A_99 = vector.load %arg5[%swap3A, %swap3A_97, %swap3A_98] : memref<2x128x768xf32, #tpu.memory_space<vmem>>, vector<1x128x768xf32>
        %swap3A_100 = vector.shape_cast %swap3A_99 : vector<1x128x768xf32> to vector<128x768xf32>
        %swap3A_101 = vector.shape_cast %dot_general3A_96 : vector<128x768xf32> to vector<1x128x768xf32>
        tpu.vector_store %arg5[%swap3A, %swap3A_97, %swap3A_98], %swap3A_101 {strides = array<i32>} : memref<2x128x768xf32, #tpu.memory_space<vmem>>, vector<1x128x768xf32>,
        %dma_start3A_102 = tpu.memref_slice %arg7[%rem3A_74] : memref<2x!tpu.dma_semaphore, #tpu.memory_space<semaphore_mem>> -> memref<1x!tpu.dma_semaphore, #tpu.memory_space<semaphore_mem>>
        %dma_start3A_103 = tpu.memref_squeeze %dma_start3A_102 : memref<1x!tpu.dma_semaphore, #tpu.memory_space<semaphore_mem>> -> memref<!tpu.dma_semaphore, #tpu.memory_space<semaphore_mem>>
        %dma_start3A_104 = arith.constant 0 : i32
        %dma_start3A_105 = tpu.memref_slice %arg3[%add3A_77, %dma_start3A_104] : memref<16384x768xf32, #tpu.memory_space<any>> -> memref<128x768xf32, #tpu.memory_space<any>>
        %dma_start3A_106 = arith.constant 0 : i32
        %dma_start3A_107 = arith.constant 0 : i32
        %dma_start3A_108 = tpu.memref_slice %arg5[%rem3A_74, %dma_start3A_106, %dma_start3A_107] : memref<2x128x768xf32, #tpu.memory_space<vmem>> -> memref<1x128x768xf32, #tpu.memory_space<vmem>>
        %dma_start3A_109 = tpu.memref_squeeze %dma_start3A_108 : memref<1x128x768xf32, #tpu.memory_space<vmem>> -> memref<128x768xf32, #tpu.memory_space<vmem>>
        tpu.enqueue_dma source(%dma_start3A_109 : memref<128x768xf32, #tpu.memory_space<vmem>>) target(%dma_start3A_105 : memref<128x768xf32, #tpu.memory_space<any>>) target_semaphore(%dma_start3A_103 : memref<!tpu.dma_semaphore, #tpu.memory_space<semaphore_mem>>)
        %add3A_110 = arith.constant 1 : i32
        %add3A_111 = arith.addi %while3A_72, %add3A_110 : i32
        scf.yield %add3A_111 : i32
      }
      %while3A_69 = arith.constant 1 : i32
      %while3A_70 = scf.for %while3A_71 = %while3A_66 to %while3A_62 step %while3A_69 iter_args(%while3A_72 = %while3A_68) -> (i32)  : i32 {
        %rem3A_73 = arith.constant 2 : i32
        %rem3A_74 = arith.remsi %while3A_72, %rem3A_73 : i32
        %mul3A_75 = arith.constant 128 : i32
        %mul3A_76 = arith.muli %while3A_71, %mul3A_75 : i32
        %add3A_77 = arith.addi %mul3A_57, %mul3A_76 : i32
        %ge3A = arith.constant 2 : i32
        %ge3A_78 = arith.cmpi sge, %while3A_72, %ge3A : i32
        %convert_element_type3A_79 = arith.extui %ge3A_78 : i1 to i32
        %cond3A_80 = arith.constant 0 : i32
        %cond3A_81 = arith.cmpi ne, %convert_element_type3A_79, %cond3A_80 : i32
        scf.if %cond3A_81 {
          %dma_wait3A_112 = tpu.memref_slice %arg7[%rem3A_74] : memref<2x!tpu.dma_semaphore, #tpu.memory_space<semaphore_mem>> -> memref<1x!tpu.dma_semaphore, #tpu.memory_space<semaphore_mem>>
          %dma_wait3A_113 = tpu.memref_squeeze %dma_wait3A_112 : memref<1x!tpu.dma_semaphore, #tpu.memory_space<semaphore_mem>> -> memref<!tpu.dma_semaphore, #tpu.memory_space<semaphore_mem>>
          %dma_wait3A_114 = arith.constant 0 : i32
          %dma_wait3A_115 = tpu.memref_slice %arg3[%add3A_77, %dma_wait3A_114] : memref<16384x768xf32, #tpu.memory_space<any>> -> memref<128x768xf32, #tpu.memory_space<any>>
          %dma_wait3A_116 = arith.constant 0 : i32
          %dma_wait3A_117 = arith.constant 0 : i32
          %dma_wait3A_118 = tpu.memref_slice %arg5[%rem3A_74, %dma_wait3A_116, %dma_wait3A_117] : memref<2x128x768xf32, #tpu.memory_space<vmem>> -> memref<1x128x768xf32, #tpu.memory_space<vmem>>
          %dma_wait3A_119 = tpu.memref_squeeze %dma_wait3A_118 : memref<1x128x768xf32, #tpu.memory_space<vmem>> -> memref<128x768xf32, #tpu.memory_space<vmem>>
          tpu.wait_dma2 semaphore(%dma_wait3A_113 : memref<!tpu.dma_semaphore, #tpu.memory_space<semaphore_mem>>) src(%dma_wait3A_119 : memref<128x768xf32, #tpu.memory_space<vmem>>) dst(%dma_wait3A_115 : memref<128x768xf32, #tpu.memory_space<any>>)
        } else {
        }
        %get3A_82 = arith.index_cast %add3A_77 : i32 to index
        %get3A_83 = arith.constant 0 : index
        %get3A_84 = vector.load %arg1[%get3A_82, %get3A_83] : memref<16384x384xf32, #tpu.memory_space<vmem>>, vector<128x384xf32>
        %bitcast_convert_type3A = tpu.bitcast %get3A_84 : vector<128x384xf32> -> vector<128x384xi32>
        %shift_left3A = arith.constant 16 : i32
        %shift_left3A_85 = vector.broadcast %shift_left3A : i32 to vector<128x384xi32>
        %shift_left3A_86 = arith.shli %bitcast_convert_type3A, %shift_left3A_85 : vector<128x384xi32>
        %bitcast_convert_type3A_87 = tpu.bitcast %shift_left3A_86 : vector<128x384xi32> -> vector<128x384xf32>
        %and3A = arith.constant -65536 : i32
        %and3A_88 = vector.broadcast %and3A : i32 to vector<128x384xi32>
        %and3A_89 = arith.andi %bitcast_convert_type3A, %and3A_88 : vector<128x384xi32>
        %bitcast_convert_type3A_90 = tpu.bitcast %and3A_89 : vector<128x384xi32> -> vector<128x384xf32>
        %concatenate3A = tpu.concatenate %bitcast_convert_type3A_87, %bitcast_convert_type3A_90 in 1 : vector<128x384xf32>, vector<128x384xf32> -> vector<128x768xf32>
        %get3A_91 = arith.index_cast %rem3A_41 : i32 to index
        %get3A_92 = arith.constant 0 : index
        %get3A_93 = arith.constant 0 : index
        %get3A_94 = vector.load %arg4[%get3A_91, %get3A_92, %get3A_93] : memref<2x768x768xf32, #tpu.memory_space<vmem>>, vector<1x768x768xf32>
        %get3A_95 = vector.shape_cast %get3A_94 : vector<1x768x768xf32> to vector<768x768xf32>
        %dot_general3A = arith.constant dense<0.000000e+00> : vector<128x768xf32>
        %dot_general3A_96 = tpu.matmul %concatenate3A, %get3A_95, %dot_general3A {dimension_numbers = #tpu.dot_dimension_numbers<[1], [1], [0], [0], [0, 0, 1, 0], [], []>, transpose_lhs_hint = false} : vector<128x768xf32>, vector<768x768xf32>, vector<128x768xf32> -> vector<128x768xf32>
        %swap3A = arith.index_cast %rem3A_74 : i32 to index
        %swap3A_97 = arith.constant 0 : index
        %swap3A_98 = arith.constant 0 : index
        %swap3A_99 = vector.load %arg5[%swap3A, %swap3A_97, %swap3A_98] : memref<2x128x768xf32, #tpu.memory_space<vmem>>, vector<1x128x768xf32>
        %swap3A_100 = vector.shape_cast %swap3A_99 : vector<1x128x768xf32> to vector<128x768xf32>
        %swap3A_101 = vector.shape_cast %dot_general3A_96 : vector<128x768xf32> to vector<1x128x768xf32>
        tpu.vector_store %arg5[%swap3A, %swap3A_97, %swap3A_98], %swap3A_101 {strides = array<i32>} : memref<2x128x768xf32, #tpu.memory_space<vmem>>, vector<1x128x768xf32>,
        %dma_start3A_102 = tpu.memref_slice %arg7[%rem3A_74] : memref<2x!tpu.dma_semaphore, #tpu.memory_space<semaphore_mem>> -> memref<1x!tpu.dma_semaphore, #tpu.memory_space<semaphore_mem>>
        %dma_start3A_103 = tpu.memref_squeeze %dma_start3A_102 : memref<1x!tpu.dma_semaphore, #tpu.memory_space<semaphore_mem>> -> memref<!tpu.dma_semaphore, #tpu.memory_space<semaphore_mem>>
        %dma_start3A_104 = arith.constant 0 : i32
        %dma_start3A_105 = tpu.memref_slice %arg3[%add3A_77, %dma_start3A_104] : memref<16384x768xf32, #tpu.memory_space<any>> -> memref<128x768xf32, #tpu.memory_space<any>>
        %dma_start3A_106 = arith.constant 0 : i32
        %dma_start3A_107 = arith.constant 0 : i32
        %dma_start3A_108 = tpu.memref_slice %arg5[%rem3A_74, %dma_start3A_106, %dma_start3A_107] : memref<2x128x768xf32, #tpu.memory_space<vmem>> -> memref<1x128x768xf32, #tpu.memory_space<vmem>>
        %dma_start3A_109 = tpu.memref_squeeze %dma_start3A_108 : memref<1x128x768xf32, #tpu.memory_space<vmem>> -> memref<128x768xf32, #tpu.memory_space<vmem>>
        tpu.enqueue_dma source(%dma_start3A_109 : memref<128x768xf32, #tpu.memory_space<vmem>>) target(%dma_start3A_105 : memref<128x768xf32, #tpu.memory_space<any>>) target_semaphore(%dma_start3A_103 : memref<!tpu.dma_semaphore, #tpu.memory_space<semaphore_mem>>)
        %add3A_110 = arith.constant 1 : i32
        %add3A_111 = arith.addi %while3A_72, %add3A_110 : i32
        scf.yield %add3A_111 : i32
      }
      scf.yield %while3A_70 : i32
    }
    %scan3A_17 = arith.constant 64 : i32
    %dma_wait3A = arith.constant 0 : i32
    %dma_wait3A_18 = arith.constant 0 : i32
    %dma_wait3A_19 = tpu.memref_slice %arg7[%dma_wait3A_18] : memref<2x!tpu.dma_semaphore, #tpu.memory_space<semaphore_mem>> -> memref<1x!tpu.dma_semaphore, #tpu.memory_space<semaphore_mem>>
    %dma_wait3A_20 = tpu.memref_squeeze %dma_wait3A_19 : memref<1x!tpu.dma_semaphore, #tpu.memory_space<semaphore_mem>> -> memref<!tpu.dma_semaphore, #tpu.memory_space<semaphore_mem>>
    %dma_wait3A_21 = arith.constant 0 : i32
    %dma_wait3A_22 = arith.constant 0 : i32
    %dma_wait3A_23 = tpu.memref_slice %arg3[%dma_wait3A_21, %dma_wait3A_22] : memref<16384x768xf32, #tpu.memory_space<any>> -> memref<128x768xf32, #tpu.memory_space<any>>
    %dma_wait3A_24 = arith.constant 0 : i32
    %dma_wait3A_25 = arith.constant 0 : i32
    %dma_wait3A_26 = tpu.memref_slice %arg5[%dma_wait3A, %dma_wait3A_24, %dma_wait3A_25] : memref<2x128x768xf32, #tpu.memory_space<vmem>> -> memref<1x128x768xf32, #tpu.memory_space<vmem>>
    %dma_wait3A_27 = tpu.memref_squeeze %dma_wait3A_26 : memref<1x128x768xf32, #tpu.memory_space<vmem>> -> memref<128x768xf32, #tpu.memory_space<vmem>>
    tpu.wait_dma2 semaphore(%dma_wait3A_20 : memref<!tpu.dma_semaphore, #tpu.memory_space<semaphore_mem>>) src(%dma_wait3A_27 : memref<128x768xf32, #tpu.memory_space<vmem>>) dst(%dma_wait3A_23 : memref<128x768xf32, #tpu.memory_space<any>>)
    %dma_wait3A_28 = arith.constant 1 : i32
    %dma_wait3A_29 = arith.constant 1 : i32
    %dma_wait3A_30 = tpu.memref_slice %arg7[%dma_wait3A_29] : memref<2x!tpu.dma_semaphore, #tpu.memory_space<semaphore_mem>> -> memref<1x!tpu.dma_semaphore, #tpu.memory_space<semaphore_mem>>
    %dma_wait3A_31 = tpu.memref_squeeze %dma_wait3A_30 : memref<1x!tpu.dma_semaphore, #tpu.memory_space<semaphore_mem>> -> memref<!tpu.dma_semaphore, #tpu.memory_space<semaphore_mem>>
    %dma_wait3A_32 = arith.constant 0 : i32
    %dma_wait3A_33 = arith.constant 0 : i32
    %dma_wait3A_34 = tpu.memref_slice %arg3[%dma_wait3A_32, %dma_wait3A_33] : memref<16384x768xf32, #tpu.memory_space<any>> -> memref<128x768xf32, #tpu.memory_space<any>>
    %dma_wait3A_35 = arith.constant 0 : i32
    %dma_wait3A_36 = arith.constant 0 : i32
    %dma_wait3A_37 = tpu.memref_slice %arg5[%dma_wait3A_28, %dma_wait3A_35, %dma_wait3A_36] : memref<2x128x768xf32, #tpu.memory_space<vmem>> -> memref<1x128x768xf32, #tpu.memory_space<vmem>>
    %dma_wait3A_38 = tpu.memref_squeeze %dma_wait3A_37 : memref<1x128x768xf32, #tpu.memory_space<vmem>> -> memref<128x768xf32, #tpu.memory_space<vmem>>
    tpu.wait_dma2 semaphore(%dma_wait3A_31 : memref<!tpu.dma_semaphore, #tpu.memory_space<semaphore_mem>>) src(%dma_wait3A_38 : memref<128x768xf32, #tpu.memory_space<vmem>>) dst(%dma_wait3A_34 : memref<128x768xf32, #tpu.memory_space<any>>)
    return
  }
}

module attributes {stable_mosaic.version = 14 : i64} {
  func.func @_route_body(%arg0: memref<4096x2xi32, #tpu.memory_space<vmem>>, %arg1: memref<8192x1xi32, #tpu.memory_space<vmem>>, %arg2: memref<2x64xi32, #tpu.memory_space<vmem>>, %arg3: memref<4096x64xf32, #tpu.memory_space<vmem>>, %arg4: memref<4096x64xf32, #tpu.memory_space<vmem>>) attributes {dimension_semantics = [], scalar_prefetch = 0 : i64, scratch_operands = 2 : i64, tpu.core_type = #tpu.core_type<tc>} {
    %iota3A = tpu.iota {dimensions = array<i32: 0>} : vector<512x512xi32>
    %iota3A_0 = tpu.iota {dimensions = array<i32: 1>} : vector<512x512xi32>
    %gt3A = arith.cmpi sgt, %iota3A, %iota3A_0 : vector<512x512xi32>
    %convert_element_type3A = arith.extui %gt3A : vector<512x512xi1> to vector<512x512xi32>
    %convert_element_type3A_1 = arith.sitofp %convert_element_type3A : vector<512x512xi32> to vector<512x512xf32>
    %iota3A_2 = tpu.iota {dimensions = array<i32: 1>} : vector<512x64xi32>
    %broadcast_in_dim3A = arith.constant 0.000000e+00 : f32
    %broadcast_in_dim3A_3 = vector.broadcast %broadcast_in_dim3A : f32 to vector<1x64xf32>
    %broadcast_in_dim3A_4 = arith.constant 0.000000e+00 : f32
    %broadcast_in_dim3A_5 = vector.broadcast %broadcast_in_dim3A_4 : f32 to vector<1x64xf32>
    %scan3A = arith.constant 0 : i32
    %scan3A_6 = arith.constant 8 : i32
    %scan3A_7 = arith.addi %scan3A, %scan3A_6 : i32
    %scan3A_8 = arith.constant 1 : i32
    %scan3A_9:2 = scf.for %scan3A_71 = %scan3A to %scan3A_7 step %scan3A_8 iter_args(%scan3A_72 = %broadcast_in_dim3A_3, %scan3A_73 = %broadcast_in_dim3A_5) -> (vector<1x64xf32>, vector<1x64xf32>)  : i32 {
      %mul3A_74 = arith.constant 512 : i32
      %mul3A_75 = arith.muli %scan3A_71, %mul3A_74 : i32
      %get3A_76 = arith.index_cast %mul3A_75 : i32 to index
      %get3A_77 = arith.constant 0 : index
      %get3A_78 = vector.load %arg0[%get3A_76, %get3A_77] : memref<4096x2xi32, #tpu.memory_space<vmem>>, vector<512x1xi32>
      %mul3A_79 = arith.constant 512 : i32
      %mul3A_80 = arith.muli %scan3A_71, %mul3A_79 : i32
      %get3A_81 = arith.index_cast %mul3A_80 : i32 to index
      %get3A_82 = arith.constant 1 : index
      %get3A_83 = vector.load %arg0[%get3A_81, %get3A_82] : memref<4096x2xi32, #tpu.memory_space<vmem>>, vector<512x1xi32>
      %eq3A_84 = vector.broadcast %get3A_78 : vector<512x1xi32> to vector<512x64xi32>
      %eq3A_85 = arith.cmpi eq, %iota3A_2, %eq3A_84 : vector<512x64xi32>
      %convert_element_type3A_86 = arith.extui %eq3A_85 : vector<512x64xi1> to vector<512x64xi32>
      %convert_element_type3A_87 = arith.sitofp %convert_element_type3A_86 : vector<512x64xi32> to vector<512x64xf32>
      %eq3A_88 = vector.broadcast %get3A_83 : vector<512x1xi32> to vector<512x64xi32>
      %eq3A_89 = arith.cmpi eq, %iota3A_2, %eq3A_88 : vector<512x64xi32>
      %convert_element_type3A_90 = arith.extui %eq3A_89 : vector<512x64xi1> to vector<512x64xi32>
      %convert_element_type3A_91 = arith.sitofp %convert_element_type3A_90 : vector<512x64xi32> to vector<512x64xf32>
      %dot_general3A_92 = arith.constant dense<0.000000e+00> : vector<512x64xf32>
      %dot_general3A_93 = tpu.matmul %convert_element_type3A_1, %convert_element_type3A_87, %dot_general3A_92 {dimension_numbers = #tpu.dot_dimension_numbers<[1], [0], [0], [1], [0, 0, 1, 1], [], []>, transpose_lhs_hint = false} : vector<512x512xf32>, vector<512x64xf32>, vector<512x64xf32> -> vector<512x64xf32>
      %add3A_94 = vector.broadcast %scan3A_72 : vector<1x64xf32> to vector<512x64xf32>
      %add3A_95 = arith.addf %dot_general3A_93, %add3A_94 : vector<512x64xf32>
      %mul3A_96 = arith.constant 512 : i32
      %mul3A_97 = arith.muli %scan3A_71, %mul3A_96 : i32
      %swap3A_98 = arith.index_cast %mul3A_97 : i32 to index
      %swap3A_99 = arith.constant 0 : index
      %swap3A_100 = vector.load %arg3[%swap3A_98, %swap3A_99] : memref<4096x64xf32, #tpu.memory_space<vmem>>, vector<512x64xf32>
      tpu.vector_store %arg3[%swap3A_98, %swap3A_99], %add3A_95 {strides = array<i32>} : memref<4096x64xf32, #tpu.memory_space<vmem>>, vector<512x64xf32>,
      %dot_general3A_101 = arith.constant dense<0.000000e+00> : vector<512x64xf32>
      %dot_general3A_102 = tpu.matmul %convert_element_type3A_1, %convert_element_type3A_91, %dot_general3A_101 {dimension_numbers = #tpu.dot_dimension_numbers<[1], [0], [0], [1], [0, 0, 1, 1], [], []>, transpose_lhs_hint = false} : vector<512x512xf32>, vector<512x64xf32>, vector<512x64xf32> -> vector<512x64xf32>
      %add3A_103 = vector.broadcast %scan3A_73 : vector<1x64xf32> to vector<512x64xf32>
      %add3A_104 = arith.addf %dot_general3A_102, %add3A_103 : vector<512x64xf32>
      %mul3A_105 = arith.constant 512 : i32
      %mul3A_106 = arith.muli %scan3A_71, %mul3A_105 : i32
      %swap3A_107 = arith.index_cast %mul3A_106 : i32 to index
      %swap3A_108 = arith.constant 0 : index
      %swap3A_109 = vector.load %arg4[%swap3A_107, %swap3A_108] : memref<4096x64xf32, #tpu.memory_space<vmem>>, vector<512x64xf32>
      tpu.vector_store %arg4[%swap3A_107, %swap3A_108], %add3A_104 {strides = array<i32>} : memref<4096x64xf32, #tpu.memory_space<vmem>>, vector<512x64xf32>,
      %reduce_sum3A_110 = arith.constant dense<0.000000e+00> : vector<64xf32>
      %reduce_sum3A_111 = vector.multi_reduction <add>, %convert_element_type3A_87, %reduce_sum3A_110 [0] : vector<512x64xf32> to vector<64xf32>
      %broadcast_in_dim3A_112 = vector.shape_cast %reduce_sum3A_111 : vector<64xf32> to vector<1x64xf32>
      %add3A_113 = arith.addf %scan3A_72, %broadcast_in_dim3A_112 : vector<1x64xf32>
      %reduce_sum3A_114 = arith.constant dense<0.000000e+00> : vector<64xf32>
      %reduce_sum3A_115 = vector.multi_reduction <add>, %convert_element_type3A_91, %reduce_sum3A_114 [0] : vector<512x64xf32> to vector<64xf32>
      %broadcast_in_dim3A_116 = vector.shape_cast %reduce_sum3A_115 : vector<64xf32> to vector<1x64xf32>
      %add3A_117 = arith.addf %scan3A_73, %broadcast_in_dim3A_116 : vector<1x64xf32>
      scf.yield %add3A_113, %add3A_117 : vector<1x64xf32>, vector<1x64xf32>
    }
    %scan3A_10 = arith.constant 8 : i32
    %add3A = arith.addf %scan3A_9#0, %scan3A_9#1 : vector<1x64xf32>
    %add3A_11 = arith.constant 1.270000e+02 : f32
    %add3A_12 = vector.broadcast %add3A_11 : f32 to vector<1x64xf32>
    %add3A_13 = arith.addf %add3A, %add3A_12 : vector<1x64xf32>
    %mul3A = arith.constant 7.812500e-03 : f32
    %mul3A_14 = vector.broadcast %mul3A : f32 to vector<1x64xf32>
    %mul3A_15 = arith.mulf %add3A_13, %mul3A_14 : vector<1x64xf32>
    %floor3A = math.floor %mul3A_15 : vector<1x64xf32>
    %iota3A_16 = tpu.iota {dimensions = array<i32: 0>} : vector<64x64xi32>
    %iota3A_17 = tpu.iota {dimensions = array<i32: 1>} : vector<64x64xi32>
    %lt3A = arith.cmpi slt, %iota3A_16, %iota3A_17 : vector<64x64xi32>
    %convert_element_type3A_18 = arith.extui %lt3A : vector<64x64xi1> to vector<64x64xi32>
    %convert_element_type3A_19 = arith.sitofp %convert_element_type3A_18 : vector<64x64xi32> to vector<64x64xf32>
    %dot_general3A = arith.constant dense<0.000000e+00> : vector<1x64xf32>
    %dot_general3A_20 = tpu.matmul %floor3A, %convert_element_type3A_19, %dot_general3A {dimension_numbers = #tpu.dot_dimension_numbers<[1], [0], [0], [1], [0, 0, 1, 1], [], []>, transpose_lhs_hint = false} : vector<1x64xf32>, vector<64x64xf32>, vector<1x64xf32> -> vector<1x64xf32>
    %mul3A_21 = arith.constant 1.280000e+02 : f32
    %mul3A_22 = vector.broadcast %mul3A_21 : f32 to vector<1x64xf32>
    %mul3A_23 = arith.mulf %dot_general3A_20, %mul3A_22 : vector<1x64xf32>
    %iota3A_24 = tpu.iota {dimensions = array<i32: 1>} : vector<4096x64xi32>
    %get3A = arith.constant 0 : index
    %get3A_25 = arith.constant 0 : index
    %get3A_26 = vector.load %arg0[%get3A, %get3A_25] : memref<4096x2xi32, #tpu.memory_space<vmem>>, vector<4096x1xi32>
    %eq3A = vector.broadcast %get3A_26 : vector<4096x1xi32> to vector<4096x64xi32>
    %eq3A_27 = arith.cmpi eq, %iota3A_24, %eq3A : vector<4096x64xi32>
    %convert_element_type3A_28 = arith.extui %eq3A_27 : vector<4096x64xi1> to vector<4096x64xi32>
    %convert_element_type3A_29 = arith.sitofp %convert_element_type3A_28 : vector<4096x64xi32> to vector<4096x64xf32>
    %get3A_30 = arith.constant 0 : index
    %get3A_31 = arith.constant 1 : index
    %get3A_32 = vector.load %arg0[%get3A_30, %get3A_31] : memref<4096x2xi32, #tpu.memory_space<vmem>>, vector<4096x1xi32>
    %eq3A_33 = vector.broadcast %get3A_32 : vector<4096x1xi32> to vector<4096x64xi32>
    %eq3A_34 = arith.cmpi eq, %iota3A_24, %eq3A_33 : vector<4096x64xi32>
    %convert_element_type3A_35 = arith.extui %eq3A_34 : vector<4096x64xi1> to vector<4096x64xi32>
    %convert_element_type3A_36 = arith.sitofp %convert_element_type3A_35 : vector<4096x64xi32> to vector<4096x64xf32>
    %get3A_37 = arith.constant 0 : index
    %get3A_38 = arith.constant 0 : index
    %get3A_39 = vector.load %arg3[%get3A_37, %get3A_38] : memref<4096x64xf32, #tpu.memory_space<vmem>>, vector<4096x64xf32>
    %add3A_40 = vector.broadcast %mul3A_23 : vector<1x64xf32> to vector<4096x64xf32>
    %add3A_41 = arith.addf %get3A_39, %add3A_40 : vector<4096x64xf32>
    %mul3A_42 = arith.mulf %convert_element_type3A_29, %add3A_41 : vector<4096x64xf32>
    %reduce_sum3A = arith.constant dense<0.000000e+00> : vector<4096xf32>
    %reduce_sum3A_43 = vector.multi_reduction <add>, %mul3A_42, %reduce_sum3A [1] : vector<4096x64xf32> to vector<4096xf32>
    %broadcast_in_dim3A_44 = vector.shape_cast %reduce_sum3A_43 : vector<4096xf32> to vector<4096x1xf32>
    %get3A_45 = arith.constant 0 : index
    %get3A_46 = arith.constant 0 : index
    %get3A_47 = vector.load %arg4[%get3A_45, %get3A_46] : memref<4096x64xf32, #tpu.memory_space<vmem>>, vector<4096x64xf32>
    %add3A_48 = vector.broadcast %mul3A_23 : vector<1x64xf32> to vector<4096x64xf32>
    %add3A_49 = arith.addf %get3A_47, %add3A_48 : vector<4096x64xf32>
    %add3A_50 = vector.broadcast %scan3A_9#0 : vector<1x64xf32> to vector<4096x64xf32>
    %add3A_51 = arith.addf %add3A_49, %add3A_50 : vector<4096x64xf32>
    %mul3A_52 = arith.mulf %convert_element_type3A_36, %add3A_51 : vector<4096x64xf32>
    %reduce_sum3A_53 = arith.constant dense<0.000000e+00> : vector<4096xf32>
    %reduce_sum3A_54 = vector.multi_reduction <add>, %mul3A_52, %reduce_sum3A_53 [1] : vector<4096x64xf32> to vector<4096xf32>
    %broadcast_in_dim3A_55 = vector.shape_cast %reduce_sum3A_54 : vector<4096xf32> to vector<4096x1xf32>
    %convert_element_type3A_56 = arith.fptosi %broadcast_in_dim3A_44 : vector<4096x1xf32> to vector<4096x1xi32>
    %swap3A = arith.constant 0 : index
    %swap3A_57 = arith.constant 0 : index
    %swap3A_58 = vector.load %arg1[%swap3A, %swap3A_57] : memref<8192x1xi32, #tpu.memory_space<vmem>>, vector<4096x1xi32>
    tpu.vector_store %arg1[%swap3A, %swap3A_57], %convert_element_type3A_56 {strides = array<i32>} : memref<8192x1xi32, #tpu.memory_space<vmem>>, vector<4096x1xi32>,
    %convert_element_type3A_59 = arith.fptosi %broadcast_in_dim3A_55 : vector<4096x1xf32> to vector<4096x1xi32>
    %swap3A_60 = arith.constant 4096 : index
    %swap3A_61 = arith.constant 0 : index
    %swap3A_62 = vector.load %arg1[%swap3A_60, %swap3A_61] : memref<8192x1xi32, #tpu.memory_space<vmem>>, vector<4096x1xi32>
    tpu.vector_store %arg1[%swap3A_60, %swap3A_61], %convert_element_type3A_59 {strides = array<i32>} : memref<8192x1xi32, #tpu.memory_space<vmem>>, vector<4096x1xi32>,
    %convert_element_type3A_63 = arith.fptosi %dot_general3A_20 : vector<1x64xf32> to vector<1x64xi32>
    %swap3A_64 = arith.constant 0 : index
    %swap3A_65 = arith.constant 0 : index
    %swap3A_66 = vector.load %arg2[%swap3A_64, %swap3A_65] : memref<2x64xi32, #tpu.memory_space<vmem>>, vector<1x64xi32>
    tpu.vector_store %arg2[%swap3A_64, %swap3A_65], %convert_element_type3A_63 {strides = array<i32>} : memref<2x64xi32, #tpu.memory_space<vmem>>, vector<1x64xi32>,
    %convert_element_type3A_67 = arith.fptosi %floor3A : vector<1x64xf32> to vector<1x64xi32>
    %swap3A_68 = arith.constant 1 : index
    %swap3A_69 = arith.constant 0 : index
    %swap3A_70 = vector.load %arg2[%swap3A_68, %swap3A_69] : memref<2x64xi32, #tpu.memory_space<vmem>>, vector<1x64xi32>
    tpu.vector_store %arg2[%swap3A_68, %swap3A_69], %convert_element_type3A_67 {strides = array<i32>} : memref<2x64xi32, #tpu.memory_space<vmem>>, vector<1x64xi32>,
    return
  }
}

module attributes {stable_mosaic.version = 14 : i64} {
  func.func @_gate_body(%arg0: i32, %arg1: memref<512x768xf32, #tpu.memory_space<vmem>>, %arg2: memref<64x768xf32, #tpu.memory_space<vmem>>, %arg3: memref<1x64xf32, #tpu.memory_space<vmem>>, %arg4: memref<64x768xf32, #tpu.memory_space<vmem>>, %arg5: memref<512x2xi32, #tpu.memory_space<vmem>>, %arg6: memref<512x384xf32, #tpu.memory_space<vmem>>, %arg7: memref<512x384xf32, #tpu.memory_space<vmem>>, %arg8: memref<512x768xf32, #tpu.memory_space<vmem>>) attributes {dimension_semantics = [#tpu.dimension_semantics<arbitrary>], iteration_bounds = array<i64: 8>, scalar_prefetch = 0 : i64, scratch_operands = 0 : i64, tpu.core_type = #tpu.core_type<tc>, window_params = [{transform_indices = @transform_0, window_bounds = array<i64: 512, 768>}, {pipeline_mode = #tpu.pipeline_mode<synchronous>, transform_indices = @transform_1, window_bounds = array<i64: 64, 768>}, {pipeline_mode = #tpu.pipeline_mode<synchronous>, transform_indices = @transform_2, window_bounds = array<i64: 1, 64>}, {pipeline_mode = #tpu.pipeline_mode<synchronous>, transform_indices = @transform_3, window_bounds = array<i64: 64, 768>}, {transform_indices = @transform_4, window_bounds = array<i64: 512, 2>}, {transform_indices = @transform_5, window_bounds = array<i64: 512, 384>}, {transform_indices = @transform_6, window_bounds = array<i64: 512, 384>}, {transform_indices = @transform_7, window_bounds = array<i64: 512, 768>}]} {
    %get3A = arith.constant 0 : index
    %get3A_0 = arith.constant 0 : index
    %get3A_1 = vector.load %arg1[%get3A, %get3A_0] : memref<512x768xf32, #tpu.memory_space<vmem>>, vector<512x768xf32>
    %get3A_2 = arith.constant 0 : index
    %get3A_3 = arith.constant 0 : index
    %get3A_4 = vector.load %arg2[%get3A_2, %get3A_3] : memref<64x768xf32, #tpu.memory_space<vmem>>, vector<64x768xf32>
    %dot_general3A = arith.constant dense<0.000000e+00> : vector<512x64xf32>
    %dot_general3A_5 = tpu.matmul %get3A_1, %get3A_4, %dot_general3A {dimension_numbers = #tpu.dot_dimension_numbers<[1], [1], [0], [0], [0, 0, 1, 0], [], []>, transpose_lhs_hint = false} : vector<512x768xf32>, vector<64x768xf32>, vector<512x64xf32> -> vector<512x64xf32>
    %get3A_6 = arith.constant 0 : index
    %get3A_7 = arith.constant 0 : index
    %get3A_8 = vector.load %arg3[%get3A_6, %get3A_7] : memref<1x64xf32, #tpu.memory_space<vmem>>, vector<1x64xf32>
    %add3A = vector.broadcast %get3A_8 : vector<1x64xf32> to vector<512x64xf32>
    %add3A_9 = arith.addf %dot_general3A_5, %add3A : vector<512x64xf32>
    %reduce_max3A = arith.constant dense<0xFF800000> : vector<512xf32>
    %reduce_max3A_10 = vector.multi_reduction <maximumf>, %add3A_9, %reduce_max3A [1] : vector<512x64xf32> to vector<512xf32>
    %broadcast_in_dim3A = vector.shape_cast %reduce_max3A_10 : vector<512xf32> to vector<512x1xf32>
    %sub3A = vector.broadcast %broadcast_in_dim3A : vector<512x1xf32> to vector<512x64xf32>
    %sub3A_11 = arith.subf %add3A_9, %sub3A : vector<512x64xf32>
    %exp3A = math.exp %sub3A_11 : vector<512x64xf32>
    %reduce_sum3A = arith.constant dense<0.000000e+00> : vector<512xf32>
    %reduce_sum3A_12 = vector.multi_reduction <add>, %exp3A, %reduce_sum3A [1] : vector<512x64xf32> to vector<512xf32>
    %broadcast_in_dim3A_13 = vector.shape_cast %reduce_sum3A_12 : vector<512xf32> to vector<512x1xf32>
    %div3A = vector.broadcast %broadcast_in_dim3A_13 : vector<512x1xf32> to vector<512x64xf32>
    %div3A_14 = arith.divf %exp3A, %div3A : vector<512x64xf32>
    %iota3A = tpu.iota {dimensions = array<i32: 1>} : vector<512x64xi32>
    %reduce_max3A_15 = arith.constant dense<0xFF800000> : vector<512xf32>
    %reduce_max3A_16 = vector.multi_reduction <maximumf>, %div3A_14, %reduce_max3A_15 [1] : vector<512x64xf32> to vector<512xf32>
    %broadcast_in_dim3A_17 = vector.shape_cast %reduce_max3A_16 : vector<512xf32> to vector<512x1xf32>
    %eq3A = vector.broadcast %broadcast_in_dim3A_17 : vector<512x1xf32> to vector<512x64xf32>
    %eq3A_18 = arith.cmpf oeq, %div3A_14, %eq3A : vector<512x64xf32>
    %jit3A = arith.constant 64 : i32
    %broadcast_in_dim3A_19 = vector.broadcast %jit3A : i32 to vector<512x64xi32>
    %select_n3A = arith.select %eq3A_18, %iota3A, %broadcast_in_dim3A_19 : vector<512x64xi1>, vector<512x64xi32>
    %reduce_min3A = arith.constant dense<2147483647> : vector<512xi32>
    %reduce_min3A_20 = vector.multi_reduction <minsi>, %select_n3A, %reduce_min3A [1] : vector<512x64xi32> to vector<512xi32>
    %broadcast_in_dim3A_21 = vector.shape_cast %reduce_min3A_20 : vector<512xi32> to vector<512x1xi32>
    %eq3A_22 = vector.broadcast %broadcast_in_dim3A_21 : vector<512x1xi32> to vector<512x64xi32>
    %eq3A_23 = arith.cmpi eq, %iota3A, %eq3A_22 : vector<512x64xi32>
    %jit3A_24 = arith.constant -1.000000e+00 : f32
    %broadcast_in_dim3A_25 = vector.broadcast %jit3A_24 : f32 to vector<512x64xf32>
    %select_n3A_26 = arith.select %eq3A_23, %broadcast_in_dim3A_25, %div3A_14 : vector<512x64xi1>, vector<512x64xf32>
    %reduce_max3A_27 = arith.constant dense<0xFF800000> : vector<512xf32>
    %reduce_max3A_28 = vector.multi_reduction <maximumf>, %select_n3A_26, %reduce_max3A_27 [1] : vector<512x64xf32> to vector<512xf32>
    %broadcast_in_dim3A_29 = vector.shape_cast %reduce_max3A_28 : vector<512xf32> to vector<512x1xf32>
    %eq3A_30 = vector.broadcast %broadcast_in_dim3A_29 : vector<512x1xf32> to vector<512x64xf32>
    %eq3A_31 = arith.cmpf oeq, %select_n3A_26, %eq3A_30 : vector<512x64xf32>
    %jit3A_32 = arith.constant 64 : i32
    %broadcast_in_dim3A_33 = vector.broadcast %jit3A_32 : i32 to vector<512x64xi32>
    %select_n3A_34 = arith.select %eq3A_31, %iota3A, %broadcast_in_dim3A_33 : vector<512x64xi1>, vector<512x64xi32>
    %reduce_min3A_35 = arith.constant dense<2147483647> : vector<512xi32>
    %reduce_min3A_36 = vector.multi_reduction <minsi>, %select_n3A_34, %reduce_min3A_35 [1] : vector<512x64xi32> to vector<512xi32>
    %broadcast_in_dim3A_37 = vector.shape_cast %reduce_min3A_36 : vector<512xi32> to vector<512x1xi32>
    %eq3A_38 = vector.broadcast %broadcast_in_dim3A_37 : vector<512x1xi32> to vector<512x64xi32>
    %eq3A_39 = arith.cmpi eq, %iota3A, %eq3A_38 : vector<512x64xi32>
    %concatenate3A = tpu.concatenate %broadcast_in_dim3A_21, %broadcast_in_dim3A_37 in 1 : vector<512x1xi32>, vector<512x1xi32> -> vector<512x2xi32>
    %swap3A = arith.constant 0 : index
    %swap3A_40 = arith.constant 0 : index
    %swap3A_41 = vector.load %arg5[%swap3A, %swap3A_40] : memref<512x2xi32, #tpu.memory_space<vmem>>, vector<512x2xi32>
    tpu.vector_store %arg5[%swap3A, %swap3A_40], %concatenate3A {strides = array<i32>} : memref<512x2xi32, #tpu.memory_space<vmem>>, vector<512x2xi32>,
    %mul3A = vector.broadcast %broadcast_in_dim3A_17 : vector<512x1xf32> to vector<512x768xf32>
    %mul3A_42 = arith.mulf %mul3A, %get3A_1 : vector<512x768xf32>
    %convert_element_type3A = arith.truncf %mul3A_42 : vector<512x768xf32> to vector<512x768xbf16>
    %bitcast_convert_type3A = tpu.bitcast %convert_element_type3A : vector<512x768xbf16> -> vector<512x768xi16>
    %slice3A = vector.extract_strided_slice %bitcast_convert_type3A {offsets = [0, 0], sizes = [512, 384], strides = [1, 1]} : vector<512x768xi16> to vector<512x384xi16>
    %convert_element_type3A_43 = arith.extui %slice3A : vector<512x384xi16> to vector<512x384xi32>
    %slice3A_44 = vector.extract_strided_slice %bitcast_convert_type3A {offsets = [0, 384], sizes = [512, 384], strides = [1, 1]} : vector<512x768xi16> to vector<512x384xi16>
    %convert_element_type3A_45 = arith.extui %slice3A_44 : vector<512x384xi16> to vector<512x384xi32>
    %shift_left3A = arith.constant 16 : i32
    %shift_left3A_46 = vector.broadcast %shift_left3A : i32 to vector<512x384xi32>
    %shift_left3A_47 = arith.shli %convert_element_type3A_45, %shift_left3A_46 : vector<512x384xi32>
    %or3A = arith.ori %convert_element_type3A_43, %shift_left3A_47 : vector<512x384xi32>
    %bitcast_convert_type3A_48 = tpu.bitcast %or3A : vector<512x384xi32> -> vector<512x384xf32>
    %swap3A_49 = arith.constant 0 : index
    %swap3A_50 = arith.constant 0 : index
    %swap3A_51 = vector.load %arg6[%swap3A_49, %swap3A_50] : memref<512x384xf32, #tpu.memory_space<vmem>>, vector<512x384xf32>
    tpu.vector_store %arg6[%swap3A_49, %swap3A_50], %bitcast_convert_type3A_48 {strides = array<i32>} : memref<512x384xf32, #tpu.memory_space<vmem>>, vector<512x384xf32>,
    %mul3A_52 = vector.broadcast %broadcast_in_dim3A_29 : vector<512x1xf32> to vector<512x768xf32>
    %mul3A_53 = arith.mulf %mul3A_52, %get3A_1 : vector<512x768xf32>
    %convert_element_type3A_54 = arith.truncf %mul3A_53 : vector<512x768xf32> to vector<512x768xbf16>
    %bitcast_convert_type3A_55 = tpu.bitcast %convert_element_type3A_54 : vector<512x768xbf16> -> vector<512x768xi16>
    %slice3A_56 = vector.extract_strided_slice %bitcast_convert_type3A_55 {offsets = [0, 0], sizes = [512, 384], strides = [1, 1]} : vector<512x768xi16> to vector<512x384xi16>
    %convert_element_type3A_57 = arith.extui %slice3A_56 : vector<512x384xi16> to vector<512x384xi32>
    %slice3A_58 = vector.extract_strided_slice %bitcast_convert_type3A_55 {offsets = [0, 384], sizes = [512, 384], strides = [1, 1]} : vector<512x768xi16> to vector<512x384xi16>
    %convert_element_type3A_59 = arith.extui %slice3A_58 : vector<512x384xi16> to vector<512x384xi32>
    %shift_left3A_60 = arith.constant 16 : i32
    %shift_left3A_61 = vector.broadcast %shift_left3A_60 : i32 to vector<512x384xi32>
    %shift_left3A_62 = arith.shli %convert_element_type3A_59, %shift_left3A_61 : vector<512x384xi32>
    %or3A_63 = arith.ori %convert_element_type3A_57, %shift_left3A_62 : vector<512x384xi32>
    %bitcast_convert_type3A_64 = tpu.bitcast %or3A_63 : vector<512x384xi32> -> vector<512x384xf32>
    %swap3A_65 = arith.constant 0 : index
    %swap3A_66 = arith.constant 0 : index
    %swap3A_67 = vector.load %arg7[%swap3A_65, %swap3A_66] : memref<512x384xf32, #tpu.memory_space<vmem>>, vector<512x384xf32>
    tpu.vector_store %arg7[%swap3A_65, %swap3A_66], %bitcast_convert_type3A_64 {strides = array<i32>} : memref<512x384xf32, #tpu.memory_space<vmem>>, vector<512x384xf32>,
    %jit3A_68 = arith.constant 0.000000e+00 : f32
    %broadcast_in_dim3A_69 = vector.shape_cast %broadcast_in_dim3A_17 : vector<512x1xf32> to vector<512x1xf32>
    %broadcast_in_dim3A_70 = vector.broadcast %broadcast_in_dim3A_69 : vector<512x1xf32> to vector<512x64xf32>
    %broadcast_in_dim3A_71 = vector.broadcast %jit3A_68 : f32 to vector<512x64xf32>
    %select_n3A_72 = arith.select %eq3A_23, %broadcast_in_dim3A_70, %broadcast_in_dim3A_71 : vector<512x64xi1>, vector<512x64xf32>
    %jit3A_73 = arith.constant 0.000000e+00 : f32
    %broadcast_in_dim3A_74 = vector.shape_cast %broadcast_in_dim3A_29 : vector<512x1xf32> to vector<512x1xf32>
    %broadcast_in_dim3A_75 = vector.broadcast %broadcast_in_dim3A_74 : vector<512x1xf32> to vector<512x64xf32>
    %broadcast_in_dim3A_76 = vector.broadcast %jit3A_73 : f32 to vector<512x64xf32>
    %select_n3A_77 = arith.select %eq3A_39, %broadcast_in_dim3A_75, %broadcast_in_dim3A_76 : vector<512x64xi1>, vector<512x64xf32>
    %add3A_78 = arith.addf %select_n3A_72, %select_n3A_77 : vector<512x64xf32>
    %get3A_79 = arith.constant 0 : index
    %get3A_80 = arith.constant 0 : index
    %get3A_81 = vector.load %arg4[%get3A_79, %get3A_80] : memref<64x768xf32, #tpu.memory_space<vmem>>, vector<64x768xf32>
    %dot_general3A_82 = arith.constant dense<0.000000e+00> : vector<512x768xf32>
    %dot_general3A_83 = tpu.matmul %add3A_78, %get3A_81, %dot_general3A_82 {dimension_numbers = #tpu.dot_dimension_numbers<[1], [0], [0], [1], [0, 0, 1, 1], [], []>, transpose_lhs_hint = false} : vector<512x64xf32>, vector<64x768xf32>, vector<512x768xf32> -> vector<512x768xf32>
    %swap3A_84 = arith.constant 0 : index
    %swap3A_85 = arith.constant 0 : index
    %swap3A_86 = vector.load %arg8[%swap3A_84, %swap3A_85] : memref<512x768xf32, #tpu.memory_space<vmem>>, vector<512x768xf32>
    tpu.vector_store %arg8[%swap3A_84, %swap3A_85], %dot_general3A_83 {strides = array<i32>} : memref<512x768xf32, #tpu.memory_space<vmem>>, vector<512x768xf32>,
    return
  }
  func.func @transform_0(%arg0: i32) -> (i32, i32) {
    %c0_i32 = arith.constant 0 : i32
    %c0_i32_0 = arith.constant 0 : i32
    return %arg0, %c0_i32 : i32, i32
  }
  func.func @transform_1(%arg0: i32) -> (i32, i32) {
    %c0_i32 = arith.constant 0 : i32
    %c0_i32_0 = arith.constant 0 : i32
    %c0_i32_1 = arith.constant 0 : i32
    return %c0_i32, %c0_i32_0 : i32, i32
  }
  func.func @transform_2(%arg0: i32) -> (i32, i32) {
    %c0_i32 = arith.constant 0 : i32
    %c0_i32_0 = arith.constant 0 : i32
    %c0_i32_1 = arith.constant 0 : i32
    return %c0_i32, %c0_i32_0 : i32, i32
  }
  func.func @transform_3(%arg0: i32) -> (i32, i32) {
    %c0_i32 = arith.constant 0 : i32
    %c0_i32_0 = arith.constant 0 : i32
    %c0_i32_1 = arith.constant 0 : i32
    return %c0_i32, %c0_i32_0 : i32, i32
  }
  func.func @transform_4(%arg0: i32) -> (i32, i32) {
    %c0_i32 = arith.constant 0 : i32
    %c0_i32_0 = arith.constant 0 : i32
    return %arg0, %c0_i32 : i32, i32
  }
  func.func @transform_5(%arg0: i32) -> (i32, i32) {
    %c0_i32 = arith.constant 0 : i32
    %c0_i32_0 = arith.constant 0 : i32
    return %arg0, %c0_i32 : i32, i32
  }
  func.func @transform_6(%arg0: i32) -> (i32, i32) {
    %c0_i32 = arith.constant 0 : i32
    %c0_i32_0 = arith.constant 0 : i32
    return %arg0, %c0_i32 : i32, i32
  }
  func.func @transform_7(%arg0: i32) -> (i32, i32) {
    %c0_i32 = arith.constant 0 : i32
    %c0_i32_0 = arith.constant 0 : i32
    return %arg0, %c0_i32 : i32, i32
  }
}

</mosaic_0001>

<sc_bundles>
// kernel: kernel.10.cloned.1.call-start
scs
__scs_entry_jumppad:
0x0: {  	(pc) =	sbr.rel $0x88, $3  }
0x1: {  	(tag) =	ssettag $0x0;
	lr =	simm.s32 $0x1  }
0x2: {  	[smem:$0x3F9C] =	sst lr;
	_ =	strace $0xD0000000  }
0x3: {  	_ = 	snop  }
0x4: {  	_ = 	snop  }
0x5: {  	_ = 	snop  }
0x6: {  	_ = 	snop  }
0x7: {  	_ = 	snop  }
__scs_overlays_trampoline_lowered:
0x8: {  	[smem:$0x3FAB] =	sst s0  }
0x9: {  	[smem:$0x3FAC] =	sst s1  }
0xa: {  	[smem:$0x3FAD] =	sst s2  }
0xb: {  	[smem:$0x3FAE] =	sst s3  }
0xc: {  	[smem:$0x3FAF] =	sst s4  }
0xd: {  	[smem:$0x3FB0] =	sst s5  }
0xe: {  	[smem:$0x3FB1] =	sst s6  }
0xf: {  	[smem:$0x3FB2] =	sst s7  }
0x10: {  	[smem:$0x3FB3] =	sst s8  }
0x11: {  	[smem:$0x3FB4] =	sst s9;
	s0 =	simm.s32 @!p0 $0x0  }
0x12: {  	s1 =	sld [smem:$0x3F9A];
	s0 =	simm.s32 @p0 $0x1  }
0x13: {  	[smem:$0x3FB5] =	sst s0;
	s0 =	simm.s32 @!p1 $0x0  }
0x14: {  	s2 =	sld [smem:$0x3F99];
	s0 =	simm.s32 @p1 $0x1  }
0x15: {  	[smem:$0x3FB6] =	sst s0;
	s0 =	simm.s32 @!p2 $0x0  }
0x16: {  	s3 =	sld [smem:$0x3FDB];
	s0 =	simm.s32 @p2 $0x1  }
0x17: {  	s4 =	simm.s32 $0x1BF5;
	[smem:$0x3FB8] =	sst s0  }
0x18: {  	s0 =	sld [smem:$0x3F9B];
	_ =	swait.ge [sflag:s4], $0x0  }
0x19: {  	s7 =	sld [smem:$0x3F9C]  }
0x1a: {  	s8 =	sadd.s32 $0xFFFFE003, lr  }
0x1b: {  	s9 =	sadd.s32 $0xFFFFFEF7, lr;
	s5 =	simm.s32 $0xFFFFFFFF;
	p2 =	slt.u32 s8, $0xFFFFF086  }
0x1c: {  	p1 =	slt.u32 s9, $0xF7A;
	s5 =	simm.s32 @!p2 $0x0  }
0x1d: {  	s5 =	simm.s32 @p1 $0x1;
	p0 =	seq.s32 s7, s2  }
0x1e: {  	s7 =	smul.u32 @!p0 $0xF7A, s2;
	p2 =	seq.s32 @!p0 s5, $0x0  }
0x1f: {  	s9 =	smul.u32 $0xF7A, s1;
	s8 =	simm.s32 @!p0 $0x1BF5;
	p2 =	por !p2, p0  }
0x20: {  	[sflag:s8] =	ssyncset.s32 @!p0 $0xFFFFF086;
	s6 =	sadd.s32 @!p0 s3, s7;
	s7 =	simm.s32 @!p0 $0x108  }
0x21: {  	s3 =	sadd.s32 s3, s9;
	s6 =	sadd.s32 @!p0 $0x88, s6;
	s7 =	simm.s32 @p2 $0x1082  }
0x22: {  	[simem:s7], [sflag:s8] =	dma.local @!p0 [hbm:s6], $0xF7A  }
0x23: {  	s9 =	sor.u32 $0xD0000000, s2;
	s6 =	simm.s32 $0x108;
	_ =	swait.ge @!p0 [sflag:s8], $0x0  }
0x24: {  	s3 =	sadd.s32 $0x88, s3;
	s6 =	simm.s32 @!p1 $0x1082;
	[sflag:s4] =	ssyncset.s32 $0xFFFFF086  }
0x25: {  	[simem:s6], [sflag:s4] =	dma.local [hbm:s3], $0xF7A  }
0x26: {  	[smem:$0x3F9C] =	sst s1;
	(tag) =	ssettag s2;
	_ =	strace s9  }
0x27: {  	s1 =	sld [smem:$0x3FAC]  }
0x28: {  	s2 =	sld [smem:$0x3FAD]  }
0x29: {  	s4 =	sld [smem:$0x3FAF]  }
0x2a: {  	p0 =	seq.s32 s5, $0x0;
	s5 =	sld [smem:$0x3FB0]  }
0x2b: {  	s6 =	sld [smem:$0x3FB1]  }
0x2c: {  	s7 =	sld [smem:$0x3FB2]  }
0x2d: {  	s3 =	simm.s32 $0x108;
	s8 =	sld [smem:$0x3FB3]  }
0x2e: {  	s3 =	simm.s32 @!p0 $0x1082;
	s9 =	sld [smem:$0x3FB4]  }
0x2f: {  	lr =	sadd.s32 s0, s3;
	s0 =	sld [smem:$0x3FAB]  }
0x30: {  	s3 =	sld [smem:$0x3FAE]  }
0x31: {  	[smem:$0x3FB7] =	sst s10  }
0x32: {  	s10 =	sld [smem:$0x3FB5];
	_ =	sdelay $0x3  }
0x33: {  	p0 =	seq.s32 s10, $0x1;
	s10 =	sld [smem:$0x3FB7];
	_ =	sdelay $0x3  }
0x34: {  	[smem:$0x3FB7] =	sst s10  }
0x35: {  	s10 =	sld [smem:$0x3FB6];
	_ =	sdelay $0x3  }
0x36: {  	p1 =	seq.s32 s10, $0x1;
	s10 =	sld [smem:$0x3FB7];
	_ =	sdelay $0x3  }
0x37: {  	[smem:$0x3FB7] =	sst s10  }
0x38: {  	s10 =	sld [smem:$0x3FB8]  }
0x39: {  	_ = 	snop;
	(pc) =	sbr.ind lr, $3  }
0x3a: {  	_ = 	snop  }
0x3b: {  	_ = 	snop  }
0x3c: {  	p2 =	seq.s32 s10, $0x1;
	s10 =	sld [smem:$0x3FB7]  }
0x3d: {  	_ =	shalt  }
0x3e: {  	_ =	shalt  }
0x3f: {  	_ =	shalt  }
0x40: {  	_ =	shalt  }
0x41: {  	_ =	shalt  }
0x42: {  	_ =	shalt  }
0x43: {  	_ =	shalt  }
0x44: {  	_ =	shalt  }
0x45: {  	_ =	shalt  }
0x46: {  	_ =	shalt  }
0x47: {  	_ =	shalt  }
0x48: {  	_ =	shalt  }
0x49: {  	_ =	shalt  }
0x4a: {  	_ =	shalt  }
0x4b: {  	_ =	shalt  }
0x4c: {  	_ =	shalt  }
0x4d: {  	_ =	shalt  }
0x4e: {  	_ =	shalt  }
0x4f: {  	_ =	shalt  }
0x50: {  	_ =	shalt  }
0x51: {  	_ =	shalt  }
0x52: {  	_ =	shalt  }
0x53: {  	_ =	shalt  }
0x54: {  	_ =	shalt  }
0x55: {  	_ =	shalt  }
0x56: {  	_ =	shalt  }
0x57: {  	_ =	shalt  }
0x58: {  	_ =	shalt  }
0x59: {  	_ =	shalt  }
0x5a: {  	_ =	shalt  }
0x5b: {  	_ =	shalt  }
0x5c: {  	_ =	shalt  }
0x5d: {  	_ =	shalt  }
0x5e: {  	_ =	shalt  }
0x5f: {  	_ =	shalt  }
0x60: {  	_ =	shalt  }
0x61: {  	_ =	shalt  }
0x62: {  	_ =	shalt  }
0x63: {  	_ =	shalt  }
0x64: {  	_ =	shalt  }
0x65: {  	_ =	shalt  }
0x66: {  	_ =	shalt  }
0x67: {  	_ =	shalt  }
0x68: {  	_ =	shalt  }
0x69: {  	_ =	shalt  }
0x6a: {  	_ =	shalt  }
0x6b: {  	_ =	shalt  }
0x6c: {  	_ =	shalt  }
0x6d: {  	_ =	shalt  }
0x6e: {  	_ =	shalt  }
0x6f: {  	_ =	shalt  }
0x70: {  	_ =	shalt  }
0x71: {  	_ =	shalt  }
0x72: {  	_ =	shalt  }
0x73: {  	_ =	shalt  }
0x74: {  	_ =	shalt  }
0x75: {  	_ =	shalt  }
0x76: {  	_ =	shalt  }
0x77: {  	_ =	shalt  }
0x78: {  	_ =	shalt  }
0x79: {  	_ =	shalt  }
0x7a: {  	_ =	shalt  }
0x7b: {  	_ =	shalt  }
0x7c: {  	_ =	shalt  }
0x7d: {  	_ =	shalt  }
0x7e: {  	_ =	shalt  }
0x7f: {  	_ =	shalt  }
0x80: {  	_ =	shalt  }
0x81: {  	_ =	shalt  }
0x82: {  	_ =	shalt  }
0x83: {  	_ =	shalt  }
0x84: {  	_ =	shalt  }
0x85: {  	_ =	shalt  }
0x86: {  	_ =	shalt  }
0x87: {  	_ =	shalt  }
.Lfunc_end0:
.L_simem_size_0:
called_computation.1_lowered:
.L_overlay_start_0:
0x88: {  	s2 =	sld [smem:$0x3FD9]  }
0x89: {  	s3 =	sld [smem:$0x3FFE];
	_ =	sdelay $0x1  }
0x8a: {  	s1 =	srdreg.scid  }
0x8b: {  	s0 =	sand.u32 $0x1, s1  }
0x8c: {  	s17 =	sshll.u32 s0, $0xA;
	s2 =	sadd.s32 s3, s2  }
0x8d: {  	s2 =	sadd.s32 s2, s17  }
0x8e: {  	[smem:$0x3FC3] =	sst s2  }
0x8f: {  	_ = 	snop  }
0x90: {  	s2 =	sld [smem:$0x3FD0];
	(tm) =	ssettm $0x1  }
0x91: {  	s18 =	sld [smem:$0x3FFB];
	_ =	sdelay $0x3  }
0x92: {  	_ =	strace s18  }
0x93: {  	s3 =	sld [smem:$0x3FFC];
	_ =	sdelay $0x3  }
0x94: {  	_ =	strace s3  }
0x95: {  	s3 =	sld [smem:$0x3FFD];
	_ =	sdelay $0x3  }
0x96: {  	_ =	strace s3  }
0x97: {  	_ =	strace $0x8FFFFFFF  }
0x98: {  	s19 =	sld [smem:$0x3FDB];
	_ =	sdelay $0x1  }
0x99: {  	s4 =	simm.s32 $_scs_section_size  }
0x9a: {  	s5 =	simm.s32 $_size__tile_overlayer_lowered;
	s6 =	simm.s32 $_tile_overlayer_lowered  }
0x9b: {  	s22 =	simm.s32 $0x1BFF;
	s21 =	sshll.u32 s6, $0x1;
	s3 =	sadd.s32 s4, s19  }
0x9c: {  	s7 =	simm.s32 $0x0;
	s20 =	sshll.u32 s5, $0x1;
	s5 =	sadd.s32 s21, s3  }
0x9d: {  	[timem:s7], [sflag:s22] =	dma.local [hbm:s5], s20  }
0x9e: {  	_ =	swait.ge [sflag:s22], s20  }
0x9f: {  	s4 =	ssub.s32 $0x0, s20;
	[sflag:s22] =	ssyncset.done $0x0  }
0xa0: {  	[sflag:s22] =	ssyncadd.s32 s4;
	_ =	sdelay $0x1  }
0xa1: {  	s23 =	simm.s32 $0x1B8B  }
0xa2: {  	_ =	swait.ge [sflag:s23], $0x1  }
0xa3: {  	[sflag:s23] =	ssyncset.done $0x0  }
0xa4: {  	s25 =	simm.s32 $0x1B8E;
	s24 =	sld [smem:$0x3FFE];
	[sflag:s23] =	ssyncadd.s32 $0xFFFFFFFF  }
0xa5: {  	s26 =	simm.s32 $execute0_lowered;
	[smem:$0x3FD2] =	sst s25  }
0xa6: {  	s5 =	sshll.u32 s26, $0x1;
	_ =	strace $0x80000049;
	[dreg:$0x1] =	wrdreg $0xFFFFFFFF  }
0xa7: {  	s28 =	simm.s32 $_size_execute0_lowered;
	s3 =	sadd.s32 s3, s5;
	[dreg:$0x0] =	wrdreg $0x0  }
0xa8: {  	s5 =	sshll.u32 s28, $0x1;
	[dreg:$0x2] =	wrdreg s3  }
0xa9: {  	[dreg:$0x3] =	wrdreg s5  }
0xaa: {  	[dreg:$0x4] =	wrdreg $0xC0  }
0xab: {  	_ =	task [dreg:s7], $0x5FFFF  }
0xac: {  	[dreg:$0x1] =	wrdreg $0xFFFFFFFF  }
0xad: {  	[dreg:$0x0] =	wrdreg $0x60  }
0xae: {  	[dreg:$0x2] =	wrdreg s24  }
0xaf: {  	[dreg:$0x3] =	wrdreg s2  }
0xb0: {  	[dreg:$0x4] =	wrdreg $0x9  }
0xb1: {  	_ =	task.clear_ibuf [dreg:s7], $0x5FFFF;
	_ =	strace $0x90000049  }
0xb2: {  	s29 =	simm.s32 $0x9;
	_ =	strace $0x8000004B  }
0xb3: {  	_ =	swait.ge [sflag:s29], $0x1  }
0xb4: {  	[sflag:s29] =	ssyncadd.s32 $0xFFFFFFFF  }
0xb5: {  	_ =	strace $0x9000004B  }
0xb6: {  	_ =	sfence  }
0xb7: {  	s30 =	sld [smem:$0x0];
	_ =	sdelay $0x2  }
0xb8: {  	s31 =	sshll.u32 s1, $0xD;
	s1 =	sshrl.u32 s1, $0x2  }
0xb9: {  	s3 =	sand.u32 $0x4000, s31;
	s1 =	sadd.s32 s1, s30  }
0xba: {  	s0 =	sor.u32 s3, s0;
	s1 =	sshll.u32 s1, $0x11  }
0xbb: {  	s0 =	sor.u32 s1, s0  }
0xbc: {  	s0 =	sadd.s32 $0x8F2B, s0  }
0xbd: {  	[sflag:s0] =	ssyncadd.remote.s32 $0x1  }
0xbe: {  	_ =	sfence.sel $0xFFFF  }
0xbf: {  	[dreg:$0x0] =	wrdreg $0xFFFFFFFF;
	(pc) =	sbr.abs _section_cstart, $3  }
0xc0: {  	[dreg:$0x1] =	wrdreg $0xFFFFFFFF  }
0xc1: {  	_ =	task.clear_ibuf [dreg:s7], $0x2FFFF;
	_ =	strace $0x9FFFFFFF  }
0xc2: {  	(tm) =	ssettm $0x7FFFFFFF  }
0xc3: {  	_ =	shalt  }
tec
execute0_lowered:
.L_overlay_start_1:
0x0: {  	(tag) =	ssettag $0x1  }
0x1: {  	s0 =	rddreg [dreg:$0x0]  }
0x2: {  	s2 =	rddreg [dreg:$0x1]  }
0x3: {  	s1 =	simm.s32 $0x0;
	s5 =	srdreg.scid;
	s7 =	stileid.u32  }
0x4: {  	s16 =	simm.s32 $0x3;
	s28 =	simm.s32 $0x10800;
	s29 =	simm.s32 $0x11000  }
0x5: {  	s30 =	simm.s32 $0x11800;
	s31 =	simm.s32 $0x12000;
	s15 =	simm.s32 $0x13800  }
0x6: {  	s17 =	simm.s32 $0x14000;
	s12 =	simm.s32 $0x17000;
	s13 =	simm.s32 $0x17800  }
0x7: {  	s14 =	simm.s32 $0x1;
	s18 =	simm.s32 $0x0;
	[smem:$0x7FF] =	sst s1  }
0x8: {  	s4 =	sadd.s32 $0x1200, s0;
	s3 =	sadd.s32 $0x151600, s0;
	s5 =	sand.u32 $0x1, s5  }
0x9: {  	s7 =	sshll.u32 s7, $0x5;
	s8 =	sadd.s32 $0x91200, s0;
	s6 =	ssub.s32 $0x2, s5  }
0xa: {  	_ =	strace $0x8000004A;
	s5 =	sshll.u32 s5, $0x4;
	s9 =	sshrl.u32 s6, $0x1  }
0xb: {  	s5 =	sor.u32 s5, s7;
	s7 =	sadd.s32 $0x151800, s0;
	s9 =	ssub.s32 s6, s9  }
0xc: {  	s11 =	sadd.s32 s8, s5;
	s10 =	smul.u32 $0x300, s5;
	s6 =	sadd.s32 $0x151700, s0  }
0xd: {  	s5 =	sor.u32 $0x8, s5;
	s22 =	sadd.s32 $0x200, s11;
	[dreg:$0x3] =	wrdreg s11  }
0xe: {  	s24 =	smul.u32 $0x300, s5;
	s5 =	sadd.s32 s8, s5;
	[dreg:$0x4] =	wrdreg s22  }
0xf: {  	s25 =	sadd.s32 $0x208, s11;
	s26 =	smax.u32 s9, $0x1;
	[dreg:$0x7] =	wrdreg s5  }
0x10: {  	s8 =	simm.s32 $0x15000;
	s9 =	simm.s32 $0x15800;
	[dreg:$0x8] =	wrdreg s25  }
0x11: {  	s11 =	simm.s32 $0x16800;
	s23 =	sadd.s32 s4, s10;
	[dreg:$0xb] =	wrdreg s26  }
0x12: {  	s10 =	sadd.s32 s2, s10;
	s25 =	simm.s32 $0xF800;
	[dreg:$0x5] =	wrdreg s23  }
0x13: {  	s26 =	simm.s32 $0x10000;
	s5 =	simm.s32 $0x14800;
	[dreg:$0x6] =	wrdreg s10  }
0x14: {  	v2 =	vlaneseq.u32;
	s4 =	sadd.s32 s4, s24;
	s0 =	sadd.s32 s2, s24;
	s24 =	simm.s32 $0xF000  }
0x15: {  	vm0 =	vmmov $0xffff;
	v1 =	vshrl.u32 v2, $0x3;
	s2 =	simm.s32 $0x13000;
	s10 =	simm.s32 $0x16000;
	[dreg:$0x9] =	wrdreg s4  }
0x16: {  	v0 =	vand.u32 $0x7, v2;
	v2 =	vor.u32 $0x8, v2;
	v1 =	vmul.u32 $0x8, v1;
	[dreg:$0xa] =	wrdreg s0;
	s0 =	simm.s32 $0x12800;
	s4 =	simm.s32 $0x2  }
.LBB2_1:
0x17: {  	s19 =	rddreg [dreg:$0x3];
	s20 =	simm.s32 $0x18000  }
0x18: {  	[tilespmem:s20], [sflag:$0x3] =	stream.linear.gather [hbm4b:s19+s1], $0x40, $0x38;
	[tilespmem:$0x18100] =	vst v63  }
0x19: {  	_ =	swait.ge [sflag:s16], $0x40  }
0x1a: {  	[sflag:s16] =	ssyncset.done $0x0  }
0x1b: {  	s22 =	simm.s32 $0x18080;
	s21 =	rddreg [dreg:$0x4];
	[sflag:s16] =	ssyncadd.s32 $0xFFFFFFC0  }
0x1c: {  	[tilespmem:s22], [sflag:$0x3] =	stream.linear.gather [hbm4b:s21+s1], $0x40, $0x38;
	[tilespmem:$0x18100] =	vst v63  }
0x1d: {  	_ =	swait.ge [sflag:s16], $0x40  }
0x1e: {  	[sflag:s16] =	ssyncset.done $0x0  }
0x1f: {  	[sflag:s16] =	ssyncadd.s32 $0xFFFFFFC0  }
0x20: {  	v3 =	vld [tilespmem:$0x18000];
	_ =	sdelay $0x4  }
0x21: {  	v4 =	vshrl.u32 v3, $0x3  }
0x22: {  	v4 =	vmul.u32 $0x30, v4  }
0x23: {  	v3 =	vand.u32 $0x7, v3  }
0x24: {  	v3 =	vor.u32 v3, v4  }
0x25: {  	v4 =	vperm.xlane v3, v0;
	_ =	sdelay $0x1  }
0x26: {  	v4 =	vadd.s32 v1, v4;
	_ =	sdelay $0x3  }
0x27: {  	s23 =	simm.s32 $0xC000;
	v3 =	vperm.xlane v3, v2  }
0x28: {  	[tilespmem:s23], [sflag:$0x1] =	stream.indirect_vreg.gather [hbm4b:s3+s1], $0x80, v4, vm0, $0xb8;
	[tilespmem:$0x18100] =	vst v63  }
0x29: {  	s20 =	simm.s32 $0xC800;
	v3 =	vadd.s32 v1, v3  }
0x2a: {  	[tilespmem:s20], [sflag:$0x1] =	stream.indirect_vreg.gather [hbm4b:s6+s1], $0x80, v4, vm0, $0xb8;
	[tilespmem:$0x18100] =	vst v63  }
0x2b: {  	s21 =	simm.s32 $0xD000  }
0x2c: {  	[tilespmem:s21], [sflag:$0x1] =	stream.indirect_vreg.gather [hbm4b:s7+s1], $0x80, v4, vm0, $0xb8;
	[tilespmem:$0x18100] =	vst v63  }
0x2d: {  	s22 =	simm.s32 $0xD800  }
0x2e: {  	[tilespmem:s22], [sflag:$0x1] =	stream.indirect_vreg.gather [hbm4b:s3+s1], $0x80, v3, vm0, $0xb8;
	[tilespmem:$0x18100] =	vst v63  }
0x2f: {  	s23 =	simm.s32 $0xE000  }
0x30: {  	[tilespmem:s23], [sflag:$0x1] =	stream.indirect_vreg.gather [hbm4b:s6+s1], $0x80, v3, vm0, $0xb8;
	[tilespmem:$0x18100] =	vst v63  }
0x31: {  	s20 =	simm.s32 $0xE800  }
0x32: {  	[tilespmem:s20], [sflag:$0x1] =	stream.indirect_vreg.gather [hbm4b:s7+s1], $0x80, v3, vm0, $0xb8;
	[tilespmem:$0x18100] =	vst v63  }
0x33: {  	v3 =	vld [tilespmem:$0x18010];
	_ =	sdelay $0x4  }
0x34: {  	v4 =	vshrl.u32 v3, $0x3  }
0x35: {  	v4 =	vmul.u32 $0x30, v4  }
0x36: {  	v3 =	vand.u32 $0x7, v3  }
0x37: {  	v3 =	vor.u32 v3, v4  }
0x38: {  	v4 =	vperm.xlane v3, v0;
	_ =	sdelay $0x1  }
0x39: {  	v4 =	vadd.s32 v1, v4;
	_ =	sdelay $0x3  }
0x3a: {  	v3 =	vperm.xlane v3, v2  }
0x3b: {  	[tilespmem:s24], [sflag:$0x1] =	stream.indirect_vreg.gather [hbm4b:s3+s1], $0x80, v4, vm0, $0xb8;
	[tilespmem:$0x18100] =	vst v63  }
0x3c: {  	v3 =	vadd.s32 v1, v3  }
0x3d: {  	[tilespmem:s25], [sflag:$0x1] =	stream.indirect_vreg.gather [hbm4b:s6+s1], $0x80, v4, vm0, $0xb8;
	[tilespmem:$0x18100] =	vst v63  }
0x3e: {  	_ = 	snop  }
0x3f: {  	[tilespmem:s26], [sflag:$0x1] =	stream.indirect_vreg.gather [hbm4b:s7+s1], $0x80, v4, vm0, $0xb8;
	[tilespmem:$0x18100] =	vst v63  }
0x40: {  	_ = 	snop  }
0x41: {  	[tilespmem:s28], [sflag:$0x1] =	stream.indirect_vreg.gather [hbm4b:s3+s1], $0x80, v3, vm0, $0xb8;
	[tilespmem:$0x18100] =	vst v63  }
0x42: {  	_ = 	snop  }
0x43: {  	[tilespmem:s29], [sflag:$0x1] =	stream.indirect_vreg.gather [hbm4b:s6+s1], $0x80, v3, vm0, $0xb8;
	[tilespmem:$0x18100] =	vst v63  }
0x44: {  	_ = 	snop  }
0x45: {  	[tilespmem:s30], [sflag:$0x1] =	stream.indirect_vreg.gather [hbm4b:s7+s1], $0x80, v3, vm0, $0xb8;
	[tilespmem:$0x18100] =	vst v63  }
0x46: {  	v3 =	vld [tilespmem:$0x18020];
	_ =	sdelay $0x4  }
0x47: {  	v4 =	vshrl.u32 v3, $0x3  }
0x48: {  	v4 =	vmul.u32 $0x30, v4  }
0x49: {  	v3 =	vand.u32 $0x7, v3  }
0x4a: {  	v3 =	vor.u32 v3, v4  }
0x4b: {  	v4 =	vperm.xlane v3, v0;
	_ =	sdelay $0x1  }
0x4c: {  	v4 =	vadd.s32 v1, v4;
	_ =	sdelay $0x3  }
0x4d: {  	v3 =	vperm.xlane v3, v2  }
0x4e: {  	[tilespmem:s31], [sflag:$0x1] =	stream.indirect_vreg.gather [hbm4b:s3+s1], $0x80, v4, vm0, $0xb8;
	[tilespmem:$0x18100] =	vst v63  }
0x4f: {  	v3 =	vadd.s32 v1, v3  }
0x50: {  	[tilespmem:s0], [sflag:$0x1] =	stream.indirect_vreg.gather [hbm4b:s6+s1], $0x80, v4, vm0, $0xb8;
	[tilespmem:$0x18100] =	vst v63  }
0x51: {  	_ = 	snop  }
0x52: {  	[tilespmem:s2], [sflag:$0x1] =	stream.indirect_vreg.gather [hbm4b:s7+s1], $0x80, v4, vm0, $0xb8;
	[tilespmem:$0x18100] =	vst v63  }
0x53: {  	_ = 	snop  }
0x54: {  	[tilespmem:s15], [sflag:$0x1] =	stream.indirect_vreg.gather [hbm4b:s3+s1], $0x80, v3, vm0, $0xb8;
	[tilespmem:$0x18100] =	vst v63  }
0x55: {  	_ = 	snop  }
0x56: {  	[tilespmem:s17], [sflag:$0x1] =	stream.indirect_vreg.gather [hbm4b:s6+s1], $0x80, v3, vm0, $0xb8;
	[tilespmem:$0x18100] =	vst v63  }
0x57: {  	_ = 	snop  }
0x58: {  	[tilespmem:s5], [sflag:$0x1] =	stream.indirect_vreg.gather [hbm4b:s7+s1], $0x80, v3, vm0, $0xb8;
	[tilespmem:$0x18100] =	vst v63  }
0x59: {  	v3 =	vld [tilespmem:$0x18030];
	_ =	sdelay $0x4  }
0x5a: {  	v4 =	vshrl.u32 v3, $0x3  }
0x5b: {  	v4 =	vmul.u32 $0x30, v4  }
0x5c: {  	v3 =	vand.u32 $0x7, v3  }
0x5d: {  	v3 =	vor.u32 v3, v4  }
0x5e: {  	v4 =	vperm.xlane v3, v0;
	_ =	sdelay $0x1  }
0x5f: {  	v4 =	vadd.s32 v1, v4;
	_ =	sdelay $0x3  }
0x60: {  	v3 =	vperm.xlane v3, v2  }
0x61: {  	[tilespmem:s8], [sflag:$0x1] =	stream.indirect_vreg.gather [hbm4b:s3+s1], $0x80, v4, vm0, $0xb8;
	[tilespmem:$0x18100] =	vst v63  }
0x62: {  	v3 =	vadd.s32 v1, v3  }
0x63: {  	[tilespmem:s9], [sflag:$0x1] =	stream.indirect_vreg.gather [hbm4b:s6+s1], $0x80, v4, vm0, $0xb8;
	[tilespmem:$0x18100] =	vst v63  }
0x64: {  	_ = 	snop  }
0x65: {  	[tilespmem:s10], [sflag:$0x1] =	stream.indirect_vreg.gather [hbm4b:s7+s1], $0x80, v4, vm0, $0xb8;
	[tilespmem:$0x18100] =	vst v63  }
0x66: {  	_ = 	snop  }
0x67: {  	[tilespmem:s11], [sflag:$0x1] =	stream.indirect_vreg.gather [hbm4b:s3+s1], $0x80, v3, vm0, $0xb8;
	[tilespmem:$0x18100] =	vst v63  }
0x68: {  	_ = 	snop  }
0x69: {  	[tilespmem:s12], [sflag:$0x1] =	stream.indirect_vreg.gather [hbm4b:s6+s1], $0x80, v3, vm0, $0xb8;
	[tilespmem:$0x18100] =	vst v63  }
0x6a: {  	_ = 	snop  }
0x6b: {  	[tilespmem:s13], [sflag:$0x1] =	stream.indirect_vreg.gather [hbm4b:s7+s1], $0x80, v3, vm0, $0xb8;
	[tilespmem:$0x18100] =	vst v63  }
0x6c: {  	s21 =	rddreg [dreg:$0x5]  }
0x6d: {  	[tilespmem:s1], [sflag:$0x3] =	stream.linear.gather [hbm4b:s21+s1], $0xC000, $0x38;
	[tilespmem:$0x18100] =	vst v63  }
0x6e: {  	_ =	swait.ge [sflag:s16], $0xC000  }
0x6f: {  	[sflag:s16] =	ssyncset.done $0x0  }
0x70: {  	s22 =	simm.s32 $0x0;
	[sflag:s16] =	ssyncadd.s32 $0xFFFF4000  }
0x71: {  	s19 =	smul.u32 $0x1800, s22;
	_ =	swait.ge [sflag:s14], $0xC000  }
0x72: {  	s23 =	sand.u32 $0x380, s1;
	[sflag:s14] =	ssyncset.done $0x0  }
0x73: {  	s19 =	sor.u32 s23, s19;
	[sflag:s14] =	ssyncadd.s32 $0xFFFF4000  }
0x74: {  	v12 =	vld [tilespmem:s19+$0xC000]  }
0x75: {  	v13 =	vld [tilespmem:s19+$0xC010]  }
0x76: {  	v14 =	vld [tilespmem:s19+$0xC020]  }
0x77: {  	v15 =	vld [tilespmem:s19+$0xC030]  }
0x78: {  	v16 =	vld [tilespmem:s19+$0xC040]  }
0x79: {  	v17 =	vld [tilespmem:s19+$0xC050]  }
0x7a: {  	v18 =	vld [tilespmem:s19+$0xC060]  }
0x7b: {  	v19 =	vld [tilespmem:s19+$0xC070]  }
0x7c: {  	v20 =	vld [tilespmem:s19+$0xC400]  }
0x7d: {  	v21 =	vld [tilespmem:s19+$0xC410]  }
0x7e: {  	v22 =	vld [tilespmem:s19+$0xC420]  }
0x7f: {  	v23 =	vld [tilespmem:s19+$0xC430]  }
0x80: {  	v24 =	vld [tilespmem:s19+$0xC440]  }
0x81: {  	v25 =	vld [tilespmem:s19+$0xC450]  }
0x82: {  	v26 =	vld [tilespmem:s19+$0xC460]  }
0x83: {  	v27 =	vld [tilespmem:s19+$0xC470]  }
0x84: {  	v28 =	vld [tilespmem:s19+$0xC800]  }
0x85: {  	v29 =	vld [tilespmem:s19+$0xC810]  }
0x86: {  	v30 =	vld [tilespmem:s19+$0xC820]  }
0x87: {  	v31 =	vld [tilespmem:s19+$0xC830]  }
0x88: {  	v32 =	vld [tilespmem:s19+$0xC840]  }
0x89: {  	v33 =	vld [tilespmem:s19+$0xC850]  }
0x8a: {  	v34 =	vld [tilespmem:s19+$0xC860]  }
0x8b: {  	v35 =	vld [tilespmem:s19+$0xC870]  }
0x8c: {  	v36 =	vld [tilespmem:s19+$0xCC00]  }
0x8d: {  	v37 =	vld [tilespmem:s19+$0xCC10]  }
0x8e: {  	v38 =	vld [tilespmem:s19+$0xCC20]  }
0x8f: {  	v39 =	vld [tilespmem:s19+$0xCC30]  }
0x90: {  	v40 =	vld [tilespmem:s19+$0xCC40]  }
0x91: {  	v41 =	vld [tilespmem:s19+$0xCC50]  }
0x92: {  	v42 =	vld [tilespmem:s19+$0xCC60]  }
0x93: {  	v43 =	vld [tilespmem:s19+$0xCC70]  }
0x94: {  	v44 =	vld [tilespmem:s19+$0xD000]  }
0x95: {  	v45 =	vld [tilespmem:s19+$0xD010]  }
0x96: {  	v46 =	vld [tilespmem:s19+$0xD020]  }
0x97: {  	v47 =	vld [tilespmem:s19+$0xD030]  }
0x98: {  	v48 =	vld [tilespmem:s19+$0xD040]  }
0x99: {  	v49 =	vld [tilespmem:s19+$0xD050]  }
0x9a: {  	v50 =	vld [tilespmem:s19+$0xD060]  }
0x9b: {  	v11 =	vld [tilespmem:s19+$0xD070]  }
0x9c: {  	v10 =	vld [tilespmem:s19+$0xD400]  }
0x9d: {  	v9 =	vld [tilespmem:s19+$0xD410]  }
0x9e: {  	v8 =	vld [tilespmem:s19+$0xD420]  }
0x9f: {  	v7 =	vld [tilespmem:s19+$0xD430]  }
0xa0: {  	v6 =	vld [tilespmem:s19+$0xD440]  }
0xa1: {  	v51 =	vld [tilespmem:s19+$0x0]  }
0xa2: {  	v52 =	vld [tilespmem:s19+$0x10]  }
0xa3: {  	v53 =	vld [tilespmem:s19+$0x20]  }
0xa4: {  	v54 =	vld [tilespmem:s19+$0x30]  }
0xa5: {  	v55 =	vld [tilespmem:s19+$0x40]  }
0xa6: {  	v62 =	vld [tilespmem:s19+$0x50];
	v12 =	vadd.f32 v12, v51  }
0xa7: {  	v63 =	vld [tilespmem:s19+$0x60];
	v13 =	vadd.f32 v13, v52  }
0xa8: {  	[tilespmem:s19+$0x0] =	vst v12;
	v12 =	vadd.f32 v14, v53;
	v14 =	vld [tilespmem:s19+$0x70]  }
0xa9: {  	[tilespmem:s19+$0x10] =	vst v13;
	v13 =	vadd.f32 v15, v54;
	v15 =	vld [tilespmem:s19+$0x400]  }
0xaa: {  	[tilespmem:s19+$0x20] =	vst v12;
	v12 =	vadd.f32 v16, v55;
	v16 =	vld [tilespmem:s19+$0x410]  }
0xab: {  	[tilespmem:s19+$0x30] =	vst v13;
	v13 =	vadd.f32 v17, v62;
	v17 =	vld [tilespmem:s19+$0x420]  }
0xac: {  	v5 =	vld [tilespmem:s19+$0xD450]  }
0xad: {  	[tilespmem:s19+$0x40] =	vst v12;
	v12 =	vadd.f32 v18, v63;
	v18 =	vld [tilespmem:s19+$0x470]  }
0xae: {  	[tilespmem:s19+$0x50] =	vst v13;
	v13 =	vadd.f32 v19, v14;
	v14 =	vld [tilespmem:s19+$0x430]  }
0xaf: {  	[tilespmem:s19+$0x60] =	vst v12;
	v12 =	vadd.f32 v20, v15;
	v15 =	vld [tilespmem:s19+$0x440]  }
0xb0: {  	[tilespmem:s19+$0x70] =	vst v13;
	v13 =	vadd.f32 v21, v16;
	v16 =	vadd.f32 v22, v17;
	v17 =	vld [tilespmem:s19+$0x460]  }
0xb1: {  	[tilespmem:s19+$0x400] =	vst v12;
	v12 =	vld [tilespmem:s19+$0x450]  }
0xb2: {  	[tilespmem:s19+$0x410] =	vst v13;
	v13 =	vld [tilespmem:s19+$0x800];
	v18 =	vadd.f32 v27, v18  }
0xb3: {  	[tilespmem:s19+$0x420] =	vst v16;
	v16 =	vld [tilespmem:s19+$0x810];
	v14 =	vadd.f32 v23, v14  }
0xb4: {  	v4 =	vld [tilespmem:s19+$0xD460];
	v15 =	vadd.f32 v24, v15;
	[tilespmem:s19+$0x470] =	vst v18  }
0xb5: {  	[tilespmem:s19+$0x430] =	vst v14;
	v14 =	vld [tilespmem:s19+$0x820];
	v17 =	vadd.f32 v26, v17  }
0xb6: {  	v12 =	vadd.f32 v25, v12;
	[tilespmem:s19+$0x440] =	vst v15;
	v15 =	vld [tilespmem:s19+$0x830]  }
0xb7: {  	v18 =	vld [tilespmem:s19+$0x870];
	[tilespmem:s19+$0x460] =	vst v17;
	v13 =	vadd.f32 v28, v13  }
0xb8: {  	v16 =	vadd.f32 v29, v16;
	[tilespmem:s19+$0x450] =	vst v12;
	v12 =	vld [tilespmem:s19+$0x840]  }
0xb9: {  	v17 =	vld [tilespmem:s19+$0x850];
	[tilespmem:s19+$0x800] =	vst v13  }
0xba: {  	[tilespmem:s19+$0x810] =	vst v16;
	v16 =	vld [tilespmem:s19+$0x860];
	v13 =	vadd.f32 v30, v14  }
0xbb: {  	v14 =	vld [tilespmem:s19+$0xC00];
	v15 =	vadd.f32 v31, v15  }
0xbc: {  	[tilespmem:s19+$0x820] =	vst v13;
	v13 =	vld [tilespmem:s19+$0xC10]  }
0xbd: {  	v12 =	vadd.f32 v32, v12;
	[tilespmem:s19+$0x830] =	vst v15;
	v15 =	vld [tilespmem:s19+$0xC20]  }
0xbe: {  	v3 =	vld [tilespmem:s19+$0xD470];
	v17 =	vadd.f32 v33, v17  }
0xbf: {  	v16 =	vadd.f32 v34, v16;
	[tilespmem:s19+$0x840] =	vst v12;
	v12 =	vld [tilespmem:s19+$0xC30]  }
0xc0: {  	[tilespmem:s19+$0x850] =	vst v17;
	v17 =	vld [tilespmem:s19+$0xC40];
	v14 =	vadd.f32 v36, v14  }
0xc1: {  	v18 =	vadd.f32 v35, v18;
	[tilespmem:s19+$0x860] =	vst v16;
	v16 =	vld [tilespmem:s19+$0xC50]  }
0xc2: {  	v13 =	vadd.f32 v37, v13;
	[tilespmem:s19+$0xC00] =	vst v14;
	v14 =	vadd.f32 v38, v15;
	v15 =	vld [tilespmem:s19+$0xC60]  }
0xc3: {  	[tilespmem:s19+$0x870] =	vst v18;
	v18 =	vld [tilespmem:s19+$0xC70]  }
0xc4: {  	[tilespmem:s19+$0xC10] =	vst v13;
	v13 =	vld [tilespmem:s19+$0x1000];
	v12 =	vadd.f32 v39, v12  }
0xc5: {  	v17 =	vadd.f32 v40, v17;
	[tilespmem:s19+$0xC20] =	vst v14;
	v14 =	vld [tilespmem:s19+$0x1010]  }
0xc6: {  	v16 =	vadd.f32 v41, v16;
	[tilespmem:s19+$0xC30] =	vst v12;
	v12 =	vld [tilespmem:s19+$0x1020]  }
0xc7: {  	[tilespmem:s19+$0xC40] =	vst v17;
	v17 =	vld [tilespmem:s19+$0x1030];
	v15 =	vadd.f32 v42, v15  }
0xc8: {  	v19 =	vld [tilespmem:s19+$0x1040];
	[tilespmem:s19+$0xC50] =	vst v16;
	v16 =	vadd.f32 v43, v18  }
0xc9: {  	v18 =	vld [tilespmem:s19+$0x1050];
	v13 =	vadd.f32 v44, v13;
	[tilespmem:s19+$0xC60] =	vst v15  }
0xca: {  	v20 =	vld [tilespmem:s19+$0x1060];
	[tilespmem:s19+$0xC70] =	vst v16;
	v14 =	vadd.f32 v45, v14  }
0xcb: {  	v16 =	vld [tilespmem:s19+$0x1070];
	[tilespmem:s19+$0x1000] =	vst v13;
	v12 =	vadd.f32 v46, v12  }
0xcc: {  	v15 =	vld [tilespmem:s19+$0x1400];
	v13 =	vadd.f32 v47, v17;
	[tilespmem:s19+$0x1010] =	vst v14  }
0xcd: {  	v14 =	vld [tilespmem:s19+$0x1410];
	[tilespmem:s19+$0x1020] =	vst v12;
	v12 =	vadd.f32 v48, v19  }
0xce: {  	[tilespmem:s19+$0x1030] =	vst v13;
	v13 =	vld [tilespmem:s19+$0x1420];
	v18 =	vadd.f32 v49, v18  }
0xcf: {  	s20 =	simm.s32 $0x1;
	s21 =	simm.s32 $0x0;
	v17 =	vadd.f32 v50, v20;
	[tilespmem:s19+$0x1040] =	vst v12;
	v12 =	vld [tilespmem:s19+$0x1430]  }
.LBB2_2:
0xd0: {  	s22 =	sshrl.u32 s20, $0x3;
	p0 =	sne.s32 s20, $0x3F;
	[tilespmem:s19+$0x1050] =	vst v18;
	v11 =	vadd.f32 v11, v16;
	v16 =	vld [tilespmem:s19+$0x1440]  }
0xd1: {  	s21 =	sadd.s32 $0x80, s21;
	s22 =	smul.u32 $0x1800, s22;
	[tilespmem:s19+$0x1060] =	vst v17;
	v10 =	vadd.f32 v10, v15;
	v15 =	vld [tilespmem:s19+$0x1450]  }
0xd2: {  	s23 =	sand.u32 $0x380, s21;
	[tilespmem:s19+$0x1070] =	vst v11;
	v9 =	vadd.f32 v9, v14;
	v11 =	vld [tilespmem:s19+$0x1460]  }
0xd3: {  	s22 =	sor.u32 s23, s22;
	[tilespmem:s19+$0x1400] =	vst v10;
	v8 =	vadd.f32 v8, v13;
	v10 =	vld [tilespmem:s19+$0x1470]  }
0xd4: {  	v39 =	vld [tilespmem:s22+$0xC000];
	[tilespmem:s19+$0x1410] =	vst v9;
	v7 =	vadd.f32 v7, v12  }
0xd5: {  	v40 =	vld [tilespmem:s22+$0xC010];
	[tilespmem:s19+$0x1420] =	vst v8;
	v6 =	vadd.f32 v6, v16  }
0xd6: {  	v41 =	vld [tilespmem:s22+$0xC020];
	[tilespmem:s19+$0x1430] =	vst v7;
	v5 =	vadd.f32 v5, v15  }
0xd7: {  	v42 =	vld [tilespmem:s22+$0xC030];
	[tilespmem:s19+$0x1440] =	vst v6;
	v4 =	vadd.f32 v4, v11  }
0xd8: {  	v43 =	vld [tilespmem:s22+$0xC040];
	[tilespmem:s19+$0x1450] =	vst v5;
	v3 =	vadd.f32 v3, v10  }
0xd9: {  	v44 =	vld [tilespmem:s22+$0xC050];
	[tilespmem:s19+$0x1460] =	vst v4  }
0xda: {  	v45 =	vld [tilespmem:s22+$0xC060];
	[tilespmem:s19+$0x1470] =	vst v3;
	s19 =	smov.u32 s22  }
0xdb: {  	v46 =	vld [tilespmem:s19+$0xC070]  }
0xdc: {  	v47 =	vld [tilespmem:s19+$0xC400]  }
0xdd: {  	v48 =	vld [tilespmem:s19+$0xC410]  }
0xde: {  	v49 =	vld [tilespmem:s19+$0xC420]  }
0xdf: {  	v50 =	vld [tilespmem:s19+$0xC430]  }
0xe0: {  	v38 =	vld [tilespmem:s19+$0xC440]  }
0xe1: {  	v37 =	vld [tilespmem:s19+$0xC450]  }
0xe2: {  	v36 =	vld [tilespmem:s19+$0xC460]  }
0xe3: {  	v35 =	vld [tilespmem:s19+$0xC470]  }
0xe4: {  	v34 =	vld [tilespmem:s19+$0xC800]  }
0xe5: {  	v33 =	vld [tilespmem:s19+$0xC810]  }
0xe6: {  	v32 =	vld [tilespmem:s19+$0xC820]  }
0xe7: {  	v31 =	vld [tilespmem:s19+$0xC830]  }
0xe8: {  	v30 =	vld [tilespmem:s19+$0xC840]  }
0xe9: {  	v29 =	vld [tilespmem:s19+$0xC850]  }
0xea: {  	v28 =	vld [tilespmem:s19+$0xC860]  }
0xeb: {  	v27 =	vld [tilespmem:s19+$0xC870]  }
0xec: {  	v26 =	vld [tilespmem:s19+$0xCC00]  }
0xed: {  	v25 =	vld [tilespmem:s19+$0xCC10]  }
0xee: {  	v24 =	vld [tilespmem:s19+$0xCC20]  }
0xef: {  	v23 =	vld [tilespmem:s19+$0xCC30]  }
0xf0: {  	v22 =	vld [tilespmem:s19+$0xCC40]  }
0xf1: {  	v21 =	vld [tilespmem:s19+$0xCC50]  }
0xf2: {  	v20 =	vld [tilespmem:s19+$0xCC60]  }
0xf3: {  	v19 =	vld [tilespmem:s19+$0xCC70]  }
0xf4: {  	v18 =	vld [tilespmem:s19+$0xD000]  }
0xf5: {  	v17 =	vld [tilespmem:s19+$0xD010]  }
0xf6: {  	v16 =	vld [tilespmem:s19+$0xD020]  }
0xf7: {  	v15 =	vld [tilespmem:s19+$0xD030]  }
0xf8: {  	v14 =	vld [tilespmem:s19+$0xD040]  }
0xf9: {  	v13 =	vld [tilespmem:s19+$0xD050]  }
0xfa: {  	v12 =	vld [tilespmem:s19+$0xD060]  }
0xfb: {  	v11 =	vld [tilespmem:s19+$0xD070]  }
0xfc: {  	v10 =	vld [tilespmem:s19+$0xD400]  }
0xfd: {  	v9 =	vld [tilespmem:s19+$0xD410]  }
0xfe: {  	v8 =	vld [tilespmem:s19+$0xD420]  }
0xff: {  	v7 =	vld [tilespmem:s19+$0xD430]  }
0x100: {  	v6 =	vld [tilespmem:s19+$0xD440]  }
0x101: {  	v5 =	vld [tilespmem:s19+$0xD450]  }
0x102: {  	v4 =	vld [tilespmem:s19+$0xD460]  }
0x103: {  	v3 =	vld [tilespmem:s19+$0xD470]  }
0x104: {  	v51 =	vld [tilespmem:s19+$0x0]  }
0x105: {  	v52 =	vld [tilespmem:s19+$0x10]  }
0x106: {  	v53 =	vld [tilespmem:s19+$0x20]  }
0x107: {  	v54 =	vld [tilespmem:s19+$0x30]  }
0x108: {  	v55 =	vld [tilespmem:s19+$0x40]  }
0x109: {  	v39 =	vadd.f32 v39, v51;
	v51 =	vld [tilespmem:s19+$0x50]  }
0x10a: {  	v40 =	vadd.f32 v40, v52;
	v52 =	vld [tilespmem:s19+$0x60]  }
0x10b: {  	[tilespmem:s19+$0x0] =	vst v39;
	v39 =	vadd.f32 v41, v53;
	v41 =	vld [tilespmem:s19+$0x70]  }
0x10c: {  	[tilespmem:s19+$0x10] =	vst v40;
	v40 =	vadd.f32 v42, v54;
	v42 =	vld [tilespmem:s19+$0x400]  }
0x10d: {  	[tilespmem:s19+$0x20] =	vst v39;
	v39 =	vadd.f32 v43, v55;
	v43 =	vld [tilespmem:s19+$0x410]  }
0x10e: {  	[tilespmem:s19+$0x30] =	vst v40;
	v40 =	vadd.f32 v44, v51;
	v44 =	vld [tilespmem:s19+$0x420]  }
0x10f: {  	[tilespmem:s19+$0x40] =	vst v39;
	v39 =	vadd.f32 v45, v52;
	v45 =	vld [tilespmem:s19+$0x430]  }
0x110: {  	[tilespmem:s19+$0x50] =	vst v40;
	v40 =	vadd.f32 v46, v41;
	v41 =	vld [tilespmem:s19+$0x440]  }
0x111: {  	[tilespmem:s19+$0x60] =	vst v39;
	v39 =	vadd.f32 v47, v42;
	v42 =	vld [tilespmem:s19+$0x450]  }
0x112: {  	[tilespmem:s19+$0x70] =	vst v40;
	v40 =	vadd.f32 v48, v43;
	v43 =	vld [tilespmem:s19+$0x460]  }
0x113: {  	[tilespmem:s19+$0x400] =	vst v39;
	v39 =	vadd.f32 v49, v44;
	v44 =	vld [tilespmem:s19+$0x470]  }
0x114: {  	[tilespmem:s19+$0x410] =	vst v40;
	v40 =	vadd.f32 v50, v45;
	v45 =	vld [tilespmem:s19+$0x800]  }
0x115: {  	[tilespmem:s19+$0x420] =	vst v39;
	v38 =	vadd.f32 v38, v41;
	v39 =	vld [tilespmem:s19+$0x810]  }
0x116: {  	[tilespmem:s19+$0x430] =	vst v40;
	v37 =	vadd.f32 v37, v42;
	v40 =	vld [tilespmem:s19+$0x820]  }
0x117: {  	[tilespmem:s19+$0x440] =	vst v38;
	v36 =	vadd.f32 v36, v43;
	v38 =	vld [tilespmem:s19+$0x830]  }
0x118: {  	[tilespmem:s19+$0x450] =	vst v37;
	v35 =	vadd.f32 v35, v44;
	v37 =	vld [tilespmem:s19+$0x840]  }
0x119: {  	[tilespmem:s19+$0x460] =	vst v36;
	v34 =	vadd.f32 v34, v45;
	v36 =	vld [tilespmem:s19+$0x850]  }
0x11a: {  	[tilespmem:s19+$0x470] =	vst v35;
	v33 =	vadd.f32 v33, v39;
	v35 =	vld [tilespmem:s19+$0x860]  }
0x11b: {  	[tilespmem:s19+$0x800] =	vst v34;
	v32 =	vadd.f32 v32, v40;
	v34 =	vld [tilespmem:s19+$0x870]  }
0x11c: {  	[tilespmem:s19+$0x810] =	vst v33;
	v31 =	vadd.f32 v31, v38;
	v33 =	vld [tilespmem:s19+$0xC00]  }
0x11d: {  	[tilespmem:s19+$0x820] =	vst v32;
	v30 =	vadd.f32 v30, v37;
	v32 =	vld [tilespmem:s19+$0xC10]  }
0x11e: {  	[tilespmem:s19+$0x830] =	vst v31;
	v29 =	vadd.f32 v29, v36;
	v31 =	vld [tilespmem:s19+$0xC20]  }
0x11f: {  	[tilespmem:s19+$0x840] =	vst v30;
	v28 =	vadd.f32 v28, v35;
	v30 =	vld [tilespmem:s19+$0xC30]  }
0x120: {  	[tilespmem:s19+$0x850] =	vst v29;
	v27 =	vadd.f32 v27, v34;
	v29 =	vld [tilespmem:s19+$0xC40]  }
0x121: {  	[tilespmem:s19+$0x860] =	vst v28;
	v26 =	vadd.f32 v26, v33;
	v28 =	vld [tilespmem:s19+$0xC50]  }
0x122: {  	[tilespmem:s19+$0x870] =	vst v27;
	v25 =	vadd.f32 v25, v32;
	v27 =	vld [tilespmem:s19+$0xC60]  }
0x123: {  	[tilespmem:s19+$0xC00] =	vst v26;
	v24 =	vadd.f32 v24, v31;
	v26 =	vld [tilespmem:s19+$0xC70]  }
0x124: {  	[tilespmem:s19+$0xC10] =	vst v25;
	v23 =	vadd.f32 v23, v30;
	v25 =	vld [tilespmem:s19+$0x1000]  }
0x125: {  	[tilespmem:s19+$0xC20] =	vst v24;
	v22 =	vadd.f32 v22, v29;
	v24 =	vld [tilespmem:s19+$0x1010]  }
0x126: {  	[tilespmem:s19+$0xC30] =	vst v23;
	v21 =	vadd.f32 v21, v28;
	v23 =	vld [tilespmem:s19+$0x1020]  }
0x127: {  	[tilespmem:s19+$0xC40] =	vst v22;
	v20 =	vadd.f32 v20, v27;
	v22 =	vld [tilespmem:s19+$0x1030]  }
0x128: {  	[tilespmem:s19+$0xC50] =	vst v21;
	v19 =	vadd.f32 v19, v26;
	v21 =	vld [tilespmem:s19+$0x1040]  }
0x129: {  	[tilespmem:s19+$0xC60] =	vst v20;
	v18 =	vadd.f32 v18, v25;
	v20 =	vld [tilespmem:s19+$0x1050]  }
0x12a: {  	[tilespmem:s19+$0xC70] =	vst v19;
	v17 =	vadd.f32 v17, v24;
	v19 =	vld [tilespmem:s19+$0x1060]  }
.Ltmp0:
0x12b: {  	[tilespmem:s19+$0x1000] =	vst v18;
	v18 =	vadd.f32 v16, v23;
	v16 =	vld [tilespmem:s19+$0x1070];
	(pc) =	sbr.rel @p0 .LBB2_2-.Ltmp0, $4  }
0x12c: {  	[tilespmem:s19+$0x1010] =	vst v17;
	v17 =	vadd.f32 v15, v22;
	v15 =	vld [tilespmem:s19+$0x1400]  }
0x12d: {  	[tilespmem:s19+$0x1020] =	vst v18;
	v21 =	vadd.f32 v14, v21;
	v14 =	vld [tilespmem:s19+$0x1410]  }
0x12e: {  	[tilespmem:s19+$0x1030] =	vst v17;
	v18 =	vadd.f32 v13, v20;
	v13 =	vld [tilespmem:s19+$0x1420]  }
0x12f: {  	s20 =	sadd.s32 $0x1, s20;
	[tilespmem:s19+$0x1040] =	vst v21;
	v17 =	vadd.f32 v12, v19;
	v12 =	vld [tilespmem:s19+$0x1430]  }
0x130: {  	[tilespmem:s19+$0x1050] =	vst v18;
	v18 =	vld [tilespmem:s19+$0x1440];
	v11 =	vadd.f32 v11, v16  }
0x131: {  	v16 =	vld [tilespmem:s19+$0x1450];
	[tilespmem:s19+$0x1060] =	vst v17;
	v10 =	vadd.f32 v10, v15  }
0x132: {  	[tilespmem:s19+$0x1070] =	vst v11;
	v9 =	vadd.f32 v9, v14;
	v11 =	vld [tilespmem:s19+$0x1460]  }
0x133: {  	[tilespmem:s19+$0x1400] =	vst v10;
	v8 =	vadd.f32 v8, v13;
	v10 =	vld [tilespmem:s19+$0x1470]  }
0x134: {  	[tilespmem:s19+$0x1410] =	vst v9;
	v7 =	vadd.f32 v7, v12  }
0x135: {  	[tilespmem:s19+$0x1420] =	vst v8;
	v6 =	vadd.f32 v6, v18  }
0x136: {  	v5 =	vadd.f32 v5, v16;
	[tilespmem:s19+$0x1430] =	vst v7  }
0x137: {  	[tilespmem:s19+$0x1440] =	vst v6;
	v4 =	vadd.f32 v4, v11  }
0x138: {  	[tilespmem:s19+$0x1450] =	vst v5;
	v3 =	vadd.f32 v3, v10  }
0x139: {  	[tilespmem:s19+$0x1460] =	vst v4  }
0x13a: {  	[tilespmem:s19+$0x1470] =	vst v3  }
0x13b: {  	v3 =	vld [tilespmem:$0x18080];
	_ =	sdelay $0x4  }
0x13c: {  	v4 =	vshrl.u32 v3, $0x3  }
0x13d: {  	v4 =	vmul.u32 $0x30, v4  }
0x13e: {  	v3 =	vand.u32 $0x7, v3  }
0x13f: {  	v3 =	vor.u32 v3, v4  }
0x140: {  	v4 =	vperm.xlane v3, v0;
	_ =	sdelay $0x1  }
0x141: {  	v4 =	vadd.s32 v1, v4;
	_ =	sdelay $0x3  }
0x142: {  	s20 =	simm.s32 $0xC000;
	s19 =	simm.s32 $0x0;
	v3 =	vperm.xlane v3, v2  }
0x143: {  	[tilespmem:s20], [sflag:$0x2] =	stream.indirect_vreg.gather [hbm4b:s3+s19], $0x80, v4, vm0, $0xb8;
	[tilespmem:$0x18100] =	vst v63  }
0x144: {  	s21 =	simm.s32 $0xC800;
	v3 =	vadd.s32 v1, v3  }
0x145: {  	[tilespmem:s21], [sflag:$0x2] =	stream.indirect_vreg.gather [hbm4b:s6+s19], $0x80, v4, vm0, $0xb8;
	[tilespmem:$0x18100] =	vst v63  }
0x146: {  	s22 =	simm.s32 $0xD000  }
0x147: {  	[tilespmem:s22], [sflag:$0x2] =	stream.indirect_vreg.gather [hbm4b:s7+s19], $0x80, v4, vm0, $0xb8;
	[tilespmem:$0x18100] =	vst v63  }
0x148: {  	s23 =	simm.s32 $0xD800  }
0x149: {  	[tilespmem:s23], [sflag:$0x2] =	stream.indirect_vreg.gather [hbm4b:s3+s19], $0x80, v3, vm0, $0xb8;
	[tilespmem:$0x18100] =	vst v63  }
0x14a: {  	s21 =	simm.s32 $0xE000  }
0x14b: {  	[tilespmem:s21], [sflag:$0x2] =	stream.indirect_vreg.gather [hbm4b:s6+s19], $0x80, v3, vm0, $0xb8;
	[tilespmem:$0x18100] =	vst v63  }
0x14c: {  	s22 =	simm.s32 $0xE800  }
0x14d: {  	[tilespmem:s22], [sflag:$0x2] =	stream.indirect_vreg.gather [hbm4b:s7+s19], $0x80, v3, vm0, $0xb8;
	[tilespmem:$0x18100] =	vst v63  }
0x14e: {  	v3 =	vld [tilespmem:$0x18090];
	_ =	sdelay $0x4  }
0x14f: {  	v4 =	vshrl.u32 v3, $0x3  }
0x150: {  	v4 =	vmul.u32 $0x30, v4  }
0x151: {  	v3 =	vand.u32 $0x7, v3  }
0x152: {  	v3 =	vor.u32 v3, v4  }
0x153: {  	v4 =	vperm.xlane v3, v0;
	_ =	sdelay $0x1  }
0x154: {  	v4 =	vadd.s32 v1, v4;
	_ =	sdelay $0x3  }
0x155: {  	v3 =	vperm.xlane v3, v2  }
0x156: {  	[tilespmem:s24], [sflag:$0x2] =	stream.indirect_vreg.gather [hbm4b:s3+s19], $0x80, v4, vm0, $0xb8;
	[tilespmem:$0x18100] =	vst v63  }
0x157: {  	v3 =	vadd.s32 v1, v3  }
0x158: {  	[tilespmem:s25], [sflag:$0x2] =	stream.indirect_vreg.gather [hbm4b:s6+s19], $0x80, v4, vm0, $0xb8;
	[tilespmem:$0x18100] =	vst v63  }
0x159: {  	_ = 	snop  }
0x15a: {  	[tilespmem:s26], [sflag:$0x2] =	stream.indirect_vreg.gather [hbm4b:s7+s19], $0x80, v4, vm0, $0xb8;
	[tilespmem:$0x18100] =	vst v63  }
0x15b: {  	_ = 	snop  }
0x15c: {  	[tilespmem:s28], [sflag:$0x2] =	stream.indirect_vreg.gather [hbm4b:s3+s19], $0x80, v3, vm0, $0xb8;
	[tilespmem:$0x18100] =	vst v63  }
0x15d: {  	_ = 	snop  }
0x15e: {  	[tilespmem:s29], [sflag:$0x2] =	stream.indirect_vreg.gather [hbm4b:s6+s19], $0x80, v3, vm0, $0xb8;
	[tilespmem:$0x18100] =	vst v63  }
0x15f: {  	_ = 	snop  }
0x160: {  	[tilespmem:s30], [sflag:$0x2] =	stream.indirect_vreg.gather [hbm4b:s7+s19], $0x80, v3, vm0, $0xb8;
	[tilespmem:$0x18100] =	vst v63  }
0x161: {  	v3 =	vld [tilespmem:$0x180A0];
	_ =	sdelay $0x4  }
0x162: {  	v4 =	vshrl.u32 v3, $0x3  }
0x163: {  	v4 =	vmul.u32 $0x30, v4  }
0x164: {  	v3 =	vand.u32 $0x7, v3  }
0x165: {  	v3 =	vor.u32 v3, v4  }
0x166: {  	v4 =	vperm.xlane v3, v0;
	_ =	sdelay $0x1  }
0x167: {  	v4 =	vadd.s32 v1, v4;
	_ =	sdelay $0x3  }
0x168: {  	v3 =	vperm.xlane v3, v2  }
0x169: {  	[tilespmem:s31], [sflag:$0x2] =	stream.indirect_vreg.gather [hbm4b:s3+s19], $0x80, v4, vm0, $0xb8;
	[tilespmem:$0x18100] =	vst v63  }
0x16a: {  	v3 =	vadd.s32 v1, v3  }
0x16b: {  	[tilespmem:s0], [sflag:$0x2] =	stream.indirect_vreg.gather [hbm4b:s6+s19], $0x80, v4, vm0, $0xb8;
	[tilespmem:$0x18100] =	vst v63  }
0x16c: {  	_ = 	snop  }
0x16d: {  	[tilespmem:s2], [sflag:$0x2] =	stream.indirect_vreg.gather [hbm4b:s7+s19], $0x80, v4, vm0, $0xb8;
	[tilespmem:$0x18100] =	vst v63  }
0x16e: {  	_ = 	snop  }
0x16f: {  	[tilespmem:s15], [sflag:$0x2] =	stream.indirect_vreg.gather [hbm4b:s3+s19], $0x80, v3, vm0, $0xb8;
	[tilespmem:$0x18100] =	vst v63  }
0x170: {  	_ = 	snop  }
0x171: {  	[tilespmem:s17], [sflag:$0x2] =	stream.indirect_vreg.gather [hbm4b:s6+s19], $0x80, v3, vm0, $0xb8;
	[tilespmem:$0x18100] =	vst v63  }
0x172: {  	_ = 	snop  }
0x173: {  	[tilespmem:s5], [sflag:$0x2] =	stream.indirect_vreg.gather [hbm4b:s7+s19], $0x80, v3, vm0, $0xb8;
	[tilespmem:$0x18100] =	vst v63  }
0x174: {  	v3 =	vld [tilespmem:$0x180B0];
	_ =	sdelay $0x4  }
0x175: {  	v4 =	vshrl.u32 v3, $0x3  }
0x176: {  	v4 =	vmul.u32 $0x30, v4  }
0x177: {  	v3 =	vand.u32 $0x7, v3  }
0x178: {  	v3 =	vor.u32 v3, v4  }
0x179: {  	v4 =	vperm.xlane v3, v0;
	_ =	sdelay $0x1  }
0x17a: {  	v4 =	vadd.s32 v1, v4;
	_ =	sdelay $0x3  }
0x17b: {  	v3 =	vperm.xlane v3, v2  }
0x17c: {  	[tilespmem:s8], [sflag:$0x2] =	stream.indirect_vreg.gather [hbm4b:s3+s19], $0x80, v4, vm0, $0xb8;
	[tilespmem:$0x18100] =	vst v63  }
0x17d: {  	v3 =	vadd.s32 v1, v3  }
0x17e: {  	[tilespmem:s9], [sflag:$0x2] =	stream.indirect_vreg.gather [hbm4b:s6+s19], $0x80, v4, vm0, $0xb8;
	[tilespmem:$0x18100] =	vst v63  }
0x17f: {  	_ = 	snop  }
0x180: {  	[tilespmem:s10], [sflag:$0x2] =	stream.indirect_vreg.gather [hbm4b:s7+s19], $0x80, v4, vm0, $0xb8;
	[tilespmem:$0x18100] =	vst v63  }
0x181: {  	_ = 	snop  }
0x182: {  	[tilespmem:s11], [sflag:$0x2] =	stream.indirect_vreg.gather [hbm4b:s3+s19], $0x80, v3, vm0, $0xb8;
	[tilespmem:$0x18100] =	vst v63  }
0x183: {  	_ = 	snop  }
0x184: {  	[tilespmem:s12], [sflag:$0x2] =	stream.indirect_vreg.gather [hbm4b:s6+s19], $0x80, v3, vm0, $0xb8;
	[tilespmem:$0x18100] =	vst v63  }
0x185: {  	s23 =	simm.s32 $0x0  }
0x186: {  	[tilespmem:s13], [sflag:$0x2] =	stream.indirect_vreg.gather [hbm4b:s7+s19], $0x80, v3, vm0, $0xb8;
	[tilespmem:$0x18100] =	vst v63  }
0x187: {  	s20 =	smul.u32 $0x1800, s23;
	_ =	swait.ge [sflag:s4], $0xC000  }
0x188: {  	s21 =	sand.u32 $0x380, s19;
	[sflag:s4] =	ssyncset.done $0x0  }
0x189: {  	s20 =	sor.u32 s21, s20;
	[sflag:s4] =	ssyncadd.s32 $0xFFFF4000  }
0x18a: {  	v12 =	vld [tilespmem:s20+$0xC000]  }
0x18b: {  	v13 =	vld [tilespmem:s20+$0xC010]  }
0x18c: {  	v14 =	vld [tilespmem:s20+$0xC020]  }
0x18d: {  	v15 =	vld [tilespmem:s20+$0xC030]  }
0x18e: {  	v16 =	vld [tilespmem:s20+$0xC040]  }
0x18f: {  	v17 =	vld [tilespmem:s20+$0xC050]  }
0x190: {  	v18 =	vld [tilespmem:s20+$0xC060]  }
0x191: {  	v19 =	vld [tilespmem:s20+$0xC070]  }
0x192: {  	v20 =	vld [tilespmem:s20+$0xC400]  }
0x193: {  	v21 =	vld [tilespmem:s20+$0xC410]  }
0x194: {  	v22 =	vld [tilespmem:s20+$0xC420]  }
0x195: {  	v23 =	vld [tilespmem:s20+$0xC430]  }
0x196: {  	v24 =	vld [tilespmem:s20+$0xC440]  }
0x197: {  	v25 =	vld [tilespmem:s20+$0xC450]  }
0x198: {  	v26 =	vld [tilespmem:s20+$0xC460]  }
0x199: {  	v27 =	vld [tilespmem:s20+$0xC470]  }
0x19a: {  	v28 =	vld [tilespmem:s20+$0xC800]  }
0x19b: {  	v29 =	vld [tilespmem:s20+$0xC810]  }
0x19c: {  	v30 =	vld [tilespmem:s20+$0xC820]  }
0x19d: {  	v31 =	vld [tilespmem:s20+$0xC830]  }
0x19e: {  	v32 =	vld [tilespmem:s20+$0xC840]  }
0x19f: {  	v33 =	vld [tilespmem:s20+$0xC850]  }
0x1a0: {  	v34 =	vld [tilespmem:s20+$0xC860]  }
0x1a1: {  	v35 =	vld [tilespmem:s20+$0xC870]  }
0x1a2: {  	v36 =	vld [tilespmem:s20+$0xCC00]  }
0x1a3: {  	v37 =	vld [tilespmem:s20+$0xCC10]  }
0x1a4: {  	v38 =	vld [tilespmem:s20+$0xCC20]  }
0x1a5: {  	v39 =	vld [tilespmem:s20+$0xCC30]  }
0x1a6: {  	v40 =	vld [tilespmem:s20+$0xCC40]  }
0x1a7: {  	v41 =	vld [tilespmem:s20+$0xCC50]  }
0x1a8: {  	v42 =	vld [tilespmem:s20+$0xCC60]  }
0x1a9: {  	v43 =	vld [tilespmem:s20+$0xCC70]  }
0x1aa: {  	v44 =	vld [tilespmem:s20+$0xD000]  }
0x1ab: {  	v45 =	vld [tilespmem:s20+$0xD010]  }
0x1ac: {  	v46 =	vld [tilespmem:s20+$0xD020]  }
0x1ad: {  	v47 =	vld [tilespmem:s20+$0xD030]  }
0x1ae: {  	v48 =	vld [tilespmem:s20+$0xD040]  }
0x1af: {  	v49 =	vld [tilespmem:s20+$0xD050]  }
0x1b0: {  	v50 =	vld [tilespmem:s20+$0xD060]  }
0x1b1: {  	v11 =	vld [tilespmem:s20+$0xD070]  }
0x1b2: {  	v10 =	vld [tilespmem:s20+$0xD400]  }
0x1b3: {  	v9 =	vld [tilespmem:s20+$0xD410]  }
0x1b4: {  	v8 =	vld [tilespmem:s20+$0xD420]  }
0x1b5: {  	v7 =	vld [tilespmem:s20+$0xD430]  }
0x1b6: {  	v6 =	vld [tilespmem:s20+$0xD440]  }
0x1b7: {  	v51 =	vld [tilespmem:s20+$0x0]  }
0x1b8: {  	v52 =	vld [tilespmem:s20+$0x10]  }
0x1b9: {  	v53 =	vld [tilespmem:s20+$0x20]  }
0x1ba: {  	v54 =	vld [tilespmem:s20+$0x30]  }
0x1bb: {  	v55 =	vld [tilespmem:s20+$0x40]  }
0x1bc: {  	v62 =	vld [tilespmem:s20+$0x50];
	v12 =	vadd.f32 v12, v51  }
0x1bd: {  	v63 =	vld [tilespmem:s20+$0x60];
	v13 =	vadd.f32 v13, v52  }
0x1be: {  	[tilespmem:s20+$0x0] =	vst v12;
	v12 =	vadd.f32 v14, v53;
	v14 =	vld [tilespmem:s20+$0x70]  }
0x1bf: {  	[tilespmem:s20+$0x10] =	vst v13;
	v13 =	vadd.f32 v15, v54;
	v15 =	vld [tilespmem:s20+$0x400]  }
0x1c0: {  	[tilespmem:s20+$0x20] =	vst v12;
	v12 =	vadd.f32 v16, v55;
	v16 =	vld [tilespmem:s20+$0x410]  }
0x1c1: {  	[tilespmem:s20+$0x30] =	vst v13;
	v13 =	vadd.f32 v17, v62;
	v17 =	vld [tilespmem:s20+$0x420]  }
0x1c2: {  	v5 =	vld [tilespmem:s20+$0xD450]  }
0x1c3: {  	[tilespmem:s20+$0x40] =	vst v12;
	v12 =	vadd.f32 v18, v63;
	v18 =	vld [tilespmem:s20+$0x470]  }
0x1c4: {  	[tilespmem:s20+$0x50] =	vst v13;
	v13 =	vadd.f32 v19, v14;
	v14 =	vld [tilespmem:s20+$0x430]  }
0x1c5: {  	[tilespmem:s20+$0x60] =	vst v12;
	v12 =	vadd.f32 v20, v15;
	v15 =	vld [tilespmem:s20+$0x440]  }
0x1c6: {  	[tilespmem:s20+$0x70] =	vst v13;
	v13 =	vadd.f32 v21, v16;
	v16 =	vadd.f32 v22, v17;
	v17 =	vld [tilespmem:s20+$0x460]  }
0x1c7: {  	[tilespmem:s20+$0x400] =	vst v12;
	v12 =	vld [tilespmem:s20+$0x450]  }
0x1c8: {  	[tilespmem:s20+$0x410] =	vst v13;
	v13 =	vld [tilespmem:s20+$0x800];
	v18 =	vadd.f32 v27, v18  }
0x1c9: {  	[tilespmem:s20+$0x420] =	vst v16;
	v16 =	vld [tilespmem:s20+$0x810];
	v14 =	vadd.f32 v23, v14  }
0x1ca: {  	v4 =	vld [tilespmem:s20+$0xD460];
	v15 =	vadd.f32 v24, v15;
	[tilespmem:s20+$0x470] =	vst v18  }
0x1cb: {  	[tilespmem:s20+$0x430] =	vst v14;
	v14 =	vld [tilespmem:s20+$0x820];
	v17 =	vadd.f32 v26, v17  }
0x1cc: {  	v12 =	vadd.f32 v25, v12;
	[tilespmem:s20+$0x440] =	vst v15;
	v15 =	vld [tilespmem:s20+$0x830]  }
0x1cd: {  	v18 =	vld [tilespmem:s20+$0x870];
	[tilespmem:s20+$0x460] =	vst v17;
	v13 =	vadd.f32 v28, v13  }
0x1ce: {  	v16 =	vadd.f32 v29, v16;
	[tilespmem:s20+$0x450] =	vst v12;
	v12 =	vld [tilespmem:s20+$0x840]  }
0x1cf: {  	v17 =	vld [tilespmem:s20+$0x850];
	[tilespmem:s20+$0x800] =	vst v13  }
0x1d0: {  	[tilespmem:s20+$0x810] =	vst v16;
	v16 =	vld [tilespmem:s20+$0x860];
	v13 =	vadd.f32 v30, v14  }
0x1d1: {  	v14 =	vld [tilespmem:s20+$0xC00];
	v15 =	vadd.f32 v31, v15  }
0x1d2: {  	[tilespmem:s20+$0x820] =	vst v13;
	v13 =	vld [tilespmem:s20+$0xC10]  }
0x1d3: {  	v12 =	vadd.f32 v32, v12;
	[tilespmem:s20+$0x830] =	vst v15;
	v15 =	vld [tilespmem:s20+$0xC20]  }
0x1d4: {  	v3 =	vld [tilespmem:s20+$0xD470];
	v17 =	vadd.f32 v33, v17  }
0x1d5: {  	v16 =	vadd.f32 v34, v16;
	[tilespmem:s20+$0x840] =	vst v12;
	v12 =	vld [tilespmem:s20+$0xC30]  }
0x1d6: {  	[tilespmem:s20+$0x850] =	vst v17;
	v17 =	vld [tilespmem:s20+$0xC40];
	v14 =	vadd.f32 v36, v14  }
0x1d7: {  	v18 =	vadd.f32 v35, v18;
	[tilespmem:s20+$0x860] =	vst v16;
	v16 =	vld [tilespmem:s20+$0xC50]  }
0x1d8: {  	v13 =	vadd.f32 v37, v13;
	[tilespmem:s20+$0xC00] =	vst v14;
	v14 =	vadd.f32 v38, v15;
	v15 =	vld [tilespmem:s20+$0xC60]  }
0x1d9: {  	[tilespmem:s20+$0x870] =	vst v18;
	v18 =	vld [tilespmem:s20+$0xC70]  }
0x1da: {  	[tilespmem:s20+$0xC10] =	vst v13;
	v13 =	vld [tilespmem:s20+$0x1000];
	v12 =	vadd.f32 v39, v12  }
0x1db: {  	v17 =	vadd.f32 v40, v17;
	[tilespmem:s20+$0xC20] =	vst v14;
	v14 =	vld [tilespmem:s20+$0x1010]  }
0x1dc: {  	v16 =	vadd.f32 v41, v16;
	[tilespmem:s20+$0xC30] =	vst v12;
	v12 =	vld [tilespmem:s20+$0x1020]  }
0x1dd: {  	[tilespmem:s20+$0xC40] =	vst v17;
	v17 =	vld [tilespmem:s20+$0x1030];
	v15 =	vadd.f32 v42, v15  }
0x1de: {  	v19 =	vld [tilespmem:s20+$0x1040];
	[tilespmem:s20+$0xC50] =	vst v16;
	v16 =	vadd.f32 v43, v18  }
0x1df: {  	v18 =	vld [tilespmem:s20+$0x1050];
	v13 =	vadd.f32 v44, v13;
	[tilespmem:s20+$0xC60] =	vst v15  }
0x1e0: {  	v20 =	vld [tilespmem:s20+$0x1060];
	[tilespmem:s20+$0xC70] =	vst v16;
	v14 =	vadd.f32 v45, v14  }
0x1e1: {  	v16 =	vld [tilespmem:s20+$0x1070];
	[tilespmem:s20+$0x1000] =	vst v13;
	v12 =	vadd.f32 v46, v12  }
0x1e2: {  	v15 =	vld [tilespmem:s20+$0x1400];
	v13 =	vadd.f32 v47, v17;
	[tilespmem:s20+$0x1010] =	vst v14  }
0x1e3: {  	v14 =	vld [tilespmem:s20+$0x1410];
	[tilespmem:s20+$0x1020] =	vst v12;
	v12 =	vadd.f32 v48, v19  }
0x1e4: {  	[tilespmem:s20+$0x1030] =	vst v13;
	v13 =	vld [tilespmem:s20+$0x1420];
	v18 =	vadd.f32 v49, v18  }
0x1e5: {  	s21 =	simm.s32 $0x1;
	v17 =	vadd.f32 v50, v20;
	[tilespmem:s20+$0x1040] =	vst v12;
	v12 =	vld [tilespmem:s20+$0x1430]  }
.LBB2_4:
0x1e6: {  	s22 =	sshrl.u32 s21, $0x3;
	p0 =	sne.s32 s21, $0x3F;
	[tilespmem:s20+$0x1050] =	vst v18;
	v11 =	vadd.f32 v11, v16;
	v16 =	vld [tilespmem:s20+$0x1440]  }
0x1e7: {  	s19 =	sadd.s32 $0x80, s19;
	s22 =	smul.u32 $0x1800, s22;
	[tilespmem:s20+$0x1060] =	vst v17;
	v10 =	vadd.f32 v10, v15;
	v15 =	vld [tilespmem:s20+$0x1450]  }
0x1e8: {  	s23 =	sand.u32 $0x380, s19;
	[tilespmem:s20+$0x1070] =	vst v11;
	v9 =	vadd.f32 v9, v14;
	v11 =	vld [tilespmem:s20+$0x1460]  }
0x1e9: {  	s22 =	sor.u32 s23, s22;
	[tilespmem:s20+$0x1400] =	vst v10;
	v8 =	vadd.f32 v8, v13;
	v10 =	vld [tilespmem:s20+$0x1470]  }
0x1ea: {  	v39 =	vld [tilespmem:s22+$0xC000];
	[tilespmem:s20+$0x1410] =	vst v9;
	v7 =	vadd.f32 v7, v12  }
0x1eb: {  	v40 =	vld [tilespmem:s22+$0xC010];
	[tilespmem:s20+$0x1420] =	vst v8;
	v6 =	vadd.f32 v6, v16  }
0x1ec: {  	v41 =	vld [tilespmem:s22+$0xC020];
	[tilespmem:s20+$0x1430] =	vst v7;
	v5 =	vadd.f32 v5, v15  }
0x1ed: {  	v42 =	vld [tilespmem:s22+$0xC030];
	[tilespmem:s20+$0x1440] =	vst v6;
	v4 =	vadd.f32 v4, v11  }
0x1ee: {  	v43 =	vld [tilespmem:s22+$0xC040];
	[tilespmem:s20+$0x1450] =	vst v5;
	v3 =	vadd.f32 v3, v10  }
0x1ef: {  	v44 =	vld [tilespmem:s22+$0xC050];
	[tilespmem:s20+$0x1460] =	vst v4  }
0x1f0: {  	v45 =	vld [tilespmem:s22+$0xC060];
	[tilespmem:s20+$0x1470] =	vst v3;
	s20 =	smov.u32 s22  }
0x1f1: {  	v46 =	vld [tilespmem:s20+$0xC070]  }
0x1f2: {  	v47 =	vld [tilespmem:s20+$0xC400]  }
0x1f3: {  	v48 =	vld [tilespmem:s20+$0xC410]  }
0x1f4: {  	v49 =	vld [tilespmem:s20+$0xC420]  }
0x1f5: {  	v50 =	vld [tilespmem:s20+$0xC430]  }
0x1f6: {  	v38 =	vld [tilespmem:s20+$0xC440]  }
0x1f7: {  	v37 =	vld [tilespmem:s20+$0xC450]  }
0x1f8: {  	v36 =	vld [tilespmem:s20+$0xC460]  }
0x1f9: {  	v35 =	vld [tilespmem:s20+$0xC470]  }
0x1fa: {  	v34 =	vld [tilespmem:s20+$0xC800]  }
0x1fb: {  	v33 =	vld [tilespmem:s20+$0xC810]  }
0x1fc: {  	v32 =	vld [tilespmem:s20+$0xC820]  }
0x1fd: {  	v31 =	vld [tilespmem:s20+$0xC830]  }
0x1fe: {  	v30 =	vld [tilespmem:s20+$0xC840]  }
0x1ff: {  	v29 =	vld [tilespmem:s20+$0xC850]  }
0x200: {  	v28 =	vld [tilespmem:s20+$0xC860]  }
0x201: {  	v27 =	vld [tilespmem:s20+$0xC870]  }
0x202: {  	v26 =	vld [tilespmem:s20+$0xCC00]  }
0x203: {  	v25 =	vld [tilespmem:s20+$0xCC10]  }
0x204: {  	v24 =	vld [tilespmem:s20+$0xCC20]  }
0x205: {  	v23 =	vld [tilespmem:s20+$0xCC30]  }
0x206: {  	v22 =	vld [tilespmem:s20+$0xCC40]  }
0x207: {  	v21 =	vld [tilespmem:s20+$0xCC50]  }
0x208: {  	v20 =	vld [tilespmem:s20+$0xCC60]  }
0x209: {  	v19 =	vld [tilespmem:s20+$0xCC70]  }
0x20a: {  	v18 =	vld [tilespmem:s20+$0xD000]  }
0x20b: {  	v17 =	vld [tilespmem:s20+$0xD010]  }
0x20c: {  	v16 =	vld [tilespmem:s20+$0xD020]  }
0x20d: {  	v15 =	vld [tilespmem:s20+$0xD030]  }
0x20e: {  	v14 =	vld [tilespmem:s20+$0xD040]  }
0x20f: {  	v13 =	vld [tilespmem:s20+$0xD050]  }
0x210: {  	v12 =	vld [tilespmem:s20+$0xD060]  }
0x211: {  	v11 =	vld [tilespmem:s20+$0xD070]  }
0x212: {  	v10 =	vld [tilespmem:s20+$0xD400]  }
0x213: {  	v9 =	vld [tilespmem:s20+$0xD410]  }
0x214: {  	v8 =	vld [tilespmem:s20+$0xD420]  }
0x215: {  	v7 =	vld [tilespmem:s20+$0xD430]  }
0x216: {  	v6 =	vld [tilespmem:s20+$0xD440]  }
0x217: {  	v5 =	vld [tilespmem:s20+$0xD450]  }
0x218: {  	v4 =	vld [tilespmem:s20+$0xD460]  }
0x219: {  	v3 =	vld [tilespmem:s20+$0xD470]  }
0x21a: {  	v51 =	vld [tilespmem:s20+$0x0]  }
0x21b: {  	v52 =	vld [tilespmem:s20+$0x10]  }
0x21c: {  	v53 =	vld [tilespmem:s20+$0x20]  }
0x21d: {  	v54 =	vld [tilespmem:s20+$0x30]  }
0x21e: {  	v55 =	vld [tilespmem:s20+$0x40]  }
0x21f: {  	v39 =	vadd.f32 v39, v51;
	v51 =	vld [tilespmem:s20+$0x50]  }
0x220: {  	v40 =	vadd.f32 v40, v52;
	v52 =	vld [tilespmem:s20+$0x60]  }
0x221: {  	[tilespmem:s20+$0x0] =	vst v39;
	v39 =	vadd.f32 v41, v53;
	v41 =	vld [tilespmem:s20+$0x70]  }
0x222: {  	[tilespmem:s20+$0x10] =	vst v40;
	v40 =	vadd.f32 v42, v54;
	v42 =	vld [tilespmem:s20+$0x400]  }
0x223: {  	[tilespmem:s20+$0x20] =	vst v39;
	v39 =	vadd.f32 v43, v55;
	v43 =	vld [tilespmem:s20+$0x410]  }
0x224: {  	[tilespmem:s20+$0x30] =	vst v40;
	v40 =	vadd.f32 v44, v51;
	v44 =	vld [tilespmem:s20+$0x420]  }
0x225: {  	[tilespmem:s20+$0x40] =	vst v39;
	v39 =	vadd.f32 v45, v52;
	v45 =	vld [tilespmem:s20+$0x430]  }
0x226: {  	[tilespmem:s20+$0x50] =	vst v40;
	v40 =	vadd.f32 v46, v41;
	v41 =	vld [tilespmem:s20+$0x440]  }
0x227: {  	[tilespmem:s20+$0x60] =	vst v39;
	v39 =	vadd.f32 v47, v42;
	v42 =	vld [tilespmem:s20+$0x450]  }
0x228: {  	[tilespmem:s20+$0x70] =	vst v40;
	v40 =	vadd.f32 v48, v43;
	v43 =	vld [tilespmem:s20+$0x460]  }
0x229: {  	[tilespmem:s20+$0x400] =	vst v39;
	v39 =	vadd.f32 v49, v44;
	v44 =	vld [tilespmem:s20+$0x470]  }
0x22a: {  	[tilespmem:s20+$0x410] =	vst v40;
	v40 =	vadd.f32 v50, v45;
	v45 =	vld [tilespmem:s20+$0x800]  }
0x22b: {  	[tilespmem:s20+$0x420] =	vst v39;
	v38 =	vadd.f32 v38, v41;
	v39 =	vld [tilespmem:s20+$0x810]  }
0x22c: {  	[tilespmem:s20+$0x430] =	vst v40;
	v37 =	vadd.f32 v37, v42;
	v40 =	vld [tilespmem:s20+$0x820]  }
0x22d: {  	[tilespmem:s20+$0x440] =	vst v38;
	v36 =	vadd.f32 v36, v43;
	v38 =	vld [tilespmem:s20+$0x830]  }
0x22e: {  	[tilespmem:s20+$0x450] =	vst v37;
	v35 =	vadd.f32 v35, v44;
	v37 =	vld [tilespmem:s20+$0x840]  }
0x22f: {  	[tilespmem:s20+$0x460] =	vst v36;
	v34 =	vadd.f32 v34, v45;
	v36 =	vld [tilespmem:s20+$0x850]  }
0x230: {  	[tilespmem:s20+$0x470] =	vst v35;
	v33 =	vadd.f32 v33, v39;
	v35 =	vld [tilespmem:s20+$0x860]  }
0x231: {  	[tilespmem:s20+$0x800] =	vst v34;
	v32 =	vadd.f32 v32, v40;
	v34 =	vld [tilespmem:s20+$0x870]  }
0x232: {  	[tilespmem:s20+$0x810] =	vst v33;
	v31 =	vadd.f32 v31, v38;
	v33 =	vld [tilespmem:s20+$0xC00]  }
0x233: {  	[tilespmem:s20+$0x820] =	vst v32;
	v30 =	vadd.f32 v30, v37;
	v32 =	vld [tilespmem:s20+$0xC10]  }
0x234: {  	[tilespmem:s20+$0x830] =	vst v31;
	v29 =	vadd.f32 v29, v36;
	v31 =	vld [tilespmem:s20+$0xC20]  }
0x235: {  	[tilespmem:s20+$0x840] =	vst v30;
	v28 =	vadd.f32 v28, v35;
	v30 =	vld [tilespmem:s20+$0xC30]  }
0x236: {  	[tilespmem:s20+$0x850] =	vst v29;
	v27 =	vadd.f32 v27, v34;
	v29 =	vld [tilespmem:s20+$0xC40]  }
0x237: {  	[tilespmem:s20+$0x860] =	vst v28;
	v26 =	vadd.f32 v26, v33;
	v28 =	vld [tilespmem:s20+$0xC50]  }
0x238: {  	[tilespmem:s20+$0x870] =	vst v27;
	v25 =	vadd.f32 v25, v32;
	v27 =	vld [tilespmem:s20+$0xC60]  }
0x239: {  	[tilespmem:s20+$0xC00] =	vst v26;
	v24 =	vadd.f32 v24, v31;
	v26 =	vld [tilespmem:s20+$0xC70]  }
0x23a: {  	[tilespmem:s20+$0xC10] =	vst v25;
	v23 =	vadd.f32 v23, v30;
	v25 =	vld [tilespmem:s20+$0x1000]  }
0x23b: {  	[tilespmem:s20+$0xC20] =	vst v24;
	v22 =	vadd.f32 v22, v29;
	v24 =	vld [tilespmem:s20+$0x1010]  }
0x23c: {  	[tilespmem:s20+$0xC30] =	vst v23;
	v21 =	vadd.f32 v21, v28;
	v23 =	vld [tilespmem:s20+$0x1020]  }
0x23d: {  	[tilespmem:s20+$0xC40] =	vst v22;
	v20 =	vadd.f32 v20, v27;
	v22 =	vld [tilespmem:s20+$0x1030]  }
0x23e: {  	[tilespmem:s20+$0xC50] =	vst v21;
	v19 =	vadd.f32 v19, v26;
	v21 =	vld [tilespmem:s20+$0x1040]  }
0x23f: {  	[tilespmem:s20+$0xC60] =	vst v20;
	v18 =	vadd.f32 v18, v25;
	v20 =	vld [tilespmem:s20+$0x1050]  }
0x240: {  	[tilespmem:s20+$0xC70] =	vst v19;
	v17 =	vadd.f32 v17, v24;
	v19 =	vld [tilespmem:s20+$0x1060]  }
.Ltmp1:
0x241: {  	[tilespmem:s20+$0x1000] =	vst v18;
	v18 =	vadd.f32 v16, v23;
	v16 =	vld [tilespmem:s20+$0x1070];
	(pc) =	sbr.rel @p0 .LBB2_4-.Ltmp1, $4  }
0x242: {  	[tilespmem:s20+$0x1010] =	vst v17;
	v17 =	vadd.f32 v15, v22;
	v15 =	vld [tilespmem:s20+$0x1400]  }
0x243: {  	[tilespmem:s20+$0x1020] =	vst v18;
	v21 =	vadd.f32 v14, v21;
	v14 =	vld [tilespmem:s20+$0x1410]  }
0x244: {  	[tilespmem:s20+$0x1030] =	vst v17;
	v18 =	vadd.f32 v13, v20;
	v13 =	vld [tilespmem:s20+$0x1420]  }
0x245: {  	s21 =	sadd.s32 $0x1, s21;
	[tilespmem:s20+$0x1040] =	vst v21;
	v17 =	vadd.f32 v12, v19;
	v12 =	vld [tilespmem:s20+$0x1430]  }
0x246: {  	[tilespmem:s20+$0x1050] =	vst v18;
	v18 =	vld [tilespmem:s20+$0x1440];
	v11 =	vadd.f32 v11, v16  }
0x247: {  	v16 =	vld [tilespmem:s20+$0x1450];
	[tilespmem:s20+$0x1060] =	vst v17;
	v10 =	vadd.f32 v10, v15  }
0x248: {  	[tilespmem:s20+$0x1070] =	vst v11;
	v9 =	vadd.f32 v9, v14;
	v11 =	vld [tilespmem:s20+$0x1460]  }
0x249: {  	[tilespmem:s20+$0x1400] =	vst v10;
	v8 =	vadd.f32 v8, v13;
	v10 =	vld [tilespmem:s20+$0x1470]  }
0x24a: {  	[tilespmem:s20+$0x1410] =	vst v9;
	v7 =	vadd.f32 v7, v12  }
0x24b: {  	[tilespmem:s20+$0x1420] =	vst v8;
	v6 =	vadd.f32 v6, v18  }
0x24c: {  	v5 =	vadd.f32 v5, v16;
	[tilespmem:s20+$0x1430] =	vst v7  }
0x24d: {  	[tilespmem:s20+$0x1440] =	vst v6;
	v4 =	vadd.f32 v4, v11  }
0x24e: {  	[tilespmem:s20+$0x1450] =	vst v5;
	v3 =	vadd.f32 v3, v10  }
0x24f: {  	[tilespmem:s20+$0x1460] =	vst v4  }
0x250: {  	s19 =	simm.s32 $0x0;
	s22 =	rddreg [dreg:$0x6];
	[tilespmem:s20+$0x1470] =	vst v3  }
0x251: {  	[hbm4b:s22+s19] =	stream.linear.scatter [tilespmem:s19], [sflag:$0x3], $0xC000, $0x38;
	[tilespmem:$0x18100] =	vst v63  }
0x252: {  	_ =	swait.ge [sflag:s16], $0xC000  }
0x253: {  	[sflag:s16] =	ssyncset.done $0x0  }
0x254: {  	s21 =	simm.s32 $0x18000;
	s23 =	rddreg [dreg:$0x7];
	[sflag:s16] =	ssyncadd.s32 $0xFFFF4000  }
0x255: {  	[tilespmem:s21], [sflag:$0x3] =	stream.linear.gather [hbm4b:s23+s19], $0x40, $0x38;
	[tilespmem:$0x18100] =	vst v63  }
0x256: {  	_ =	swait.ge [sflag:s16], $0x40  }
0x257: {  	[sflag:s16] =	ssyncset.done $0x0  }
0x258: {  	s23 =	simm.s32 $0x18080;
	s22 =	rddreg [dreg:$0x8];
	[sflag:s16] =	ssyncadd.s32 $0xFFFFFFC0  }
0x259: {  	[tilespmem:s23], [sflag:$0x3] =	stream.linear.gather [hbm4b:s22+s19], $0x40, $0x38;
	[tilespmem:$0x18100] =	vst v63  }
0x25a: {  	_ =	swait.ge [sflag:s16], $0x40  }
0x25b: {  	[sflag:s16] =	ssyncset.done $0x0  }
0x25c: {  	[sflag:s16] =	ssyncadd.s32 $0xFFFFFFC0  }
0x25d: {  	v3 =	vld [tilespmem:$0x18000];
	_ =	sdelay $0x4  }
0x25e: {  	v4 =	vshrl.u32 v3, $0x3  }
0x25f: {  	v4 =	vmul.u32 $0x30, v4  }
0x260: {  	v3 =	vand.u32 $0x7, v3  }
0x261: {  	v3 =	vor.u32 v3, v4  }
0x262: {  	v4 =	vperm.xlane v3, v0;
	_ =	sdelay $0x1  }
0x263: {  	v4 =	vadd.s32 v1, v4;
	_ =	sdelay $0x3  }
0x264: {  	s21 =	simm.s32 $0xC000;
	v3 =	vperm.xlane v3, v2  }
0x265: {  	[tilespmem:s21], [sflag:$0x1] =	stream.indirect_vreg.gather [hbm4b:s3+s19], $0x80, v4, vm0, $0xb8;
	[tilespmem:$0x18100] =	vst v63  }
0x266: {  	s22 =	simm.s32 $0xC800;
	v3 =	vadd.s32 v1, v3  }
0x267: {  	[tilespmem:s22], [sflag:$0x1] =	stream.indirect_vreg.gather [hbm4b:s6+s19], $0x80, v4, vm0, $0xb8;
	[tilespmem:$0x18100] =	vst v63  }
0x268: {  	s23 =	simm.s32 $0xD000  }
0x269: {  	[tilespmem:s23], [sflag:$0x1] =	stream.indirect_vreg.gather [hbm4b:s7+s19], $0x80, v4, vm0, $0xb8;
	[tilespmem:$0x18100] =	vst v63  }
0x26a: {  	s21 =	simm.s32 $0xD800  }
0x26b: {  	[tilespmem:s21], [sflag:$0x1] =	stream.indirect_vreg.gather [hbm4b:s3+s19], $0x80, v3, vm0, $0xb8;
	[tilespmem:$0x18100] =	vst v63  }
0x26c: {  	s22 =	simm.s32 $0xE000  }
0x26d: {  	[tilespmem:s22], [sflag:$0x1] =	stream.indirect_vreg.gather [hbm4b:s6+s19], $0x80, v3, vm0, $0xb8;
	[tilespmem:$0x18100] =	vst v63  }
0x26e: {  	s23 =	simm.s32 $0xE800  }
0x26f: {  	[tilespmem:s23], [sflag:$0x1] =	stream.indirect_vreg.gather [hbm4b:s7+s19], $0x80, v3, vm0, $0xb8;
	[tilespmem:$0x18100] =	vst v63  }
0x270: {  	v3 =	vld [tilespmem:$0x18010];
	_ =	sdelay $0x4  }
0x271: {  	v4 =	vshrl.u32 v3, $0x3  }
0x272: {  	v4 =	vmul.u32 $0x30, v4  }
0x273: {  	v3 =	vand.u32 $0x7, v3  }
0x274: {  	v3 =	vor.u32 v3, v4  }
0x275: {  	v4 =	vperm.xlane v3, v0;
	_ =	sdelay $0x1  }
0x276: {  	v4 =	vadd.s32 v1, v4;
	_ =	sdelay $0x3  }
0x277: {  	v3 =	vperm.xlane v3, v2  }
0x278: {  	[tilespmem:s24], [sflag:$0x1] =	stream.indirect_vreg.gather [hbm4b:s3+s19], $0x80, v4, vm0, $0xb8;
	[tilespmem:$0x18100] =	vst v63  }
0x279: {  	v3 =	vadd.s32 v1, v3  }
0x27a: {  	[tilespmem:s25], [sflag:$0x1] =	stream.indirect_vreg.gather [hbm4b:s6+s19], $0x80, v4, vm0, $0xb8;
	[tilespmem:$0x18100] =	vst v63  }
0x27b: {  	_ = 	snop  }
0x27c: {  	[tilespmem:s26], [sflag:$0x1] =	stream.indirect_vreg.gather [hbm4b:s7+s19], $0x80, v4, vm0, $0xb8;
	[tilespmem:$0x18100] =	vst v63  }
0x27d: {  	_ = 	snop  }
0x27e: {  	[tilespmem:s28], [sflag:$0x1] =	stream.indirect_vreg.gather [hbm4b:s3+s19], $0x80, v3, vm0, $0xb8;
	[tilespmem:$0x18100] =	vst v63  }
0x27f: {  	_ = 	snop  }
0x280: {  	[tilespmem:s29], [sflag:$0x1] =	stream.indirect_vreg.gather [hbm4b:s6+s19], $0x80, v3, vm0, $0xb8;
	[tilespmem:$0x18100] =	vst v63  }
0x281: {  	_ = 	snop  }
0x282: {  	[tilespmem:s30], [sflag:$0x1] =	stream.indirect_vreg.gather [hbm4b:s7+s19], $0x80, v3, vm0, $0xb8;
	[tilespmem:$0x18100] =	vst v63  }
0x283: {  	v3 =	vld [tilespmem:$0x18020];
	_ =	sdelay $0x4  }
0x284: {  	v4 =	vshrl.u32 v3, $0x3  }
0x285: {  	v4 =	vmul.u32 $0x30, v4  }
0x286: {  	v3 =	vand.u32 $0x7, v3  }
0x287: {  	v3 =	vor.u32 v3, v4  }
0x288: {  	v4 =	vperm.xlane v3, v0;
	_ =	sdelay $0x1  }
0x289: {  	v4 =	vadd.s32 v1, v4;
	_ =	sdelay $0x3  }
0x28a: {  	v3 =	vperm.xlane v3, v2  }
0x28b: {  	[tilespmem:s31], [sflag:$0x1] =	stream.indirect_vreg.gather [hbm4b:s3+s19], $0x80, v4, vm0, $0xb8;
	[tilespmem:$0x18100] =	vst v63  }
0x28c: {  	v3 =	vadd.s32 v1, v3  }
0x28d: {  	[tilespmem:s0], [sflag:$0x1] =	stream.indirect_vreg.gather [hbm4b:s6+s19], $0x80, v4, vm0, $0xb8;
	[tilespmem:$0x18100] =	vst v63  }
0x28e: {  	_ = 	snop  }
0x28f: {  	[tilespmem:s2], [sflag:$0x1] =	stream.indirect_vreg.gather [hbm4b:s7+s19], $0x80, v4, vm0, $0xb8;
	[tilespmem:$0x18100] =	vst v63  }
0x290: {  	_ = 	snop  }
0x291: {  	[tilespmem:s15], [sflag:$0x1] =	stream.indirect_vreg.gather [hbm4b:s3+s19], $0x80, v3, vm0, $0xb8;
	[tilespmem:$0x18100] =	vst v63  }
0x292: {  	_ = 	snop  }
0x293: {  	[tilespmem:s17], [sflag:$0x1] =	stream.indirect_vreg.gather [hbm4b:s6+s19], $0x80, v3, vm0, $0xb8;
	[tilespmem:$0x18100] =	vst v63  }
0x294: {  	_ = 	snop  }
0x295: {  	[tilespmem:s5], [sflag:$0x1] =	stream.indirect_vreg.gather [hbm4b:s7+s19], $0x80, v3, vm0, $0xb8;
	[tilespmem:$0x18100] =	vst v63  }
0x296: {  	v3 =	vld [tilespmem:$0x18030];
	_ =	sdelay $0x4  }
0x297: {  	v4 =	vshrl.u32 v3, $0x3  }
0x298: {  	v4 =	vmul.u32 $0x30, v4  }
0x299: {  	v3 =	vand.u32 $0x7, v3  }
0x29a: {  	v3 =	vor.u32 v3, v4  }
0x29b: {  	v4 =	vperm.xlane v3, v0;
	_ =	sdelay $0x1  }
0x29c: {  	v4 =	vadd.s32 v1, v4;
	_ =	sdelay $0x3  }
0x29d: {  	v3 =	vperm.xlane v3, v2  }
0x29e: {  	[tilespmem:s8], [sflag:$0x1] =	stream.indirect_vreg.gather [hbm4b:s3+s19], $0x80, v4, vm0, $0xb8;
	[tilespmem:$0x18100] =	vst v63  }
0x29f: {  	v3 =	vadd.s32 v1, v3  }
0x2a0: {  	[tilespmem:s9], [sflag:$0x1] =	stream.indirect_vreg.gather [hbm4b:s6+s19], $0x80, v4, vm0, $0xb8;
	[tilespmem:$0x18100] =	vst v63  }
0x2a1: {  	_ = 	snop  }
0x2a2: {  	[tilespmem:s10], [sflag:$0x1] =	stream.indirect_vreg.gather [hbm4b:s7+s19], $0x80, v4, vm0, $0xb8;
	[tilespmem:$0x18100] =	vst v63  }
0x2a3: {  	_ = 	snop  }
0x2a4: {  	[tilespmem:s11], [sflag:$0x1] =	stream.indirect_vreg.gather [hbm4b:s3+s19], $0x80, v3, vm0, $0xb8;
	[tilespmem:$0x18100] =	vst v63  }
0x2a5: {  	_ = 	snop  }
0x2a6: {  	[tilespmem:s12], [sflag:$0x1] =	stream.indirect_vreg.gather [hbm4b:s6+s19], $0x80, v3, vm0, $0xb8;
	[tilespmem:$0x18100] =	vst v63  }
0x2a7: {  	_ = 	snop  }
0x2a8: {  	[tilespmem:s13], [sflag:$0x1] =	stream.indirect_vreg.gather [hbm4b:s7+s19], $0x80, v3, vm0, $0xb8;
	[tilespmem:$0x18100] =	vst v63  }
0x2a9: {  	s21 =	rddreg [dreg:$0x9]  }
0x2aa: {  	[tilespmem:s19], [sflag:$0x3] =	stream.linear.gather [hbm4b:s21+s19], $0xC000, $0x38;
	[tilespmem:$0x18100] =	vst v63  }
0x2ab: {  	_ =	swait.ge [sflag:s16], $0xC000  }
0x2ac: {  	[sflag:s16] =	ssyncset.done $0x0  }
0x2ad: {  	s22 =	simm.s32 $0x0;
	[sflag:s16] =	ssyncadd.s32 $0xFFFF4000  }
0x2ae: {  	s20 =	smul.u32 $0x1800, s22;
	_ =	swait.ge [sflag:s14], $0xC000  }
0x2af: {  	s23 =	sand.u32 $0x380, s19;
	[sflag:s14] =	ssyncset.done $0x0  }
0x2b0: {  	s20 =	sor.u32 s23, s20;
	[sflag:s14] =	ssyncadd.s32 $0xFFFF4000  }
0x2b1: {  	v12 =	vld [tilespmem:s20+$0xC000]  }
0x2b2: {  	v13 =	vld [tilespmem:s20+$0xC010]  }
0x2b3: {  	v14 =	vld [tilespmem:s20+$0xC020]  }
0x2b4: {  	v15 =	vld [tilespmem:s20+$0xC030]  }
0x2b5: {  	v16 =	vld [tilespmem:s20+$0xC040]  }
0x2b6: {  	v17 =	vld [tilespmem:s20+$0xC050]  }
0x2b7: {  	v18 =	vld [tilespmem:s20+$0xC060]  }
0x2b8: {  	v19 =	vld [tilespmem:s20+$0xC070]  }
0x2b9: {  	v20 =	vld [tilespmem:s20+$0xC400]  }
0x2ba: {  	v21 =	vld [tilespmem:s20+$0xC410]  }
0x2bb: {  	v22 =	vld [tilespmem:s20+$0xC420]  }
0x2bc: {  	v23 =	vld [tilespmem:s20+$0xC430]  }
0x2bd: {  	v24 =	vld [tilespmem:s20+$0xC440]  }
0x2be: {  	v25 =	vld [tilespmem:s20+$0xC450]  }
0x2bf: {  	v26 =	vld [tilespmem:s20+$0xC460]  }
0x2c0: {  	v27 =	vld [tilespmem:s20+$0xC470]  }
0x2c1: {  	v28 =	vld [tilespmem:s20+$0xC800]  }
0x2c2: {  	v29 =	vld [tilespmem:s20+$0xC810]  }
0x2c3: {  	v30 =	vld [tilespmem:s20+$0xC820]  }
0x2c4: {  	v31 =	vld [tilespmem:s20+$0xC830]  }
0x2c5: {  	v32 =	vld [tilespmem:s20+$0xC840]  }
0x2c6: {  	v33 =	vld [tilespmem:s20+$0xC850]  }
0x2c7: {  	v34 =	vld [tilespmem:s20+$0xC860]  }
0x2c8: {  	v35 =	vld [tilespmem:s20+$0xC870]  }
0x2c9: {  	v36 =	vld [tilespmem:s20+$0xCC00]  }
0x2ca: {  	v37 =	vld [tilespmem:s20+$0xCC10]  }
0x2cb: {  	v38 =	vld [tilespmem:s20+$0xCC20]  }
0x2cc: {  	v39 =	vld [tilespmem:s20+$0xCC30]  }
0x2cd: {  	v40 =	vld [tilespmem:s20+$0xCC40]  }
0x2ce: {  	v41 =	vld [tilespmem:s20+$0xCC50]  }
0x2cf: {  	v42 =	vld [tilespmem:s20+$0xCC60]  }
0x2d0: {  	v43 =	vld [tilespmem:s20+$0xCC70]  }
0x2d1: {  	v44 =	vld [tilespmem:s20+$0xD000]  }
0x2d2: {  	v45 =	vld [tilespmem:s20+$0xD010]  }
0x2d3: {  	v46 =	vld [tilespmem:s20+$0xD020]  }
0x2d4: {  	v47 =	vld [tilespmem:s20+$0xD030]  }
0x2d5: {  	v48 =	vld [tilespmem:s20+$0xD040]  }
0x2d6: {  	v49 =	vld [tilespmem:s20+$0xD050]  }
0x2d7: {  	v50 =	vld [tilespmem:s20+$0xD060]  }
0x2d8: {  	v11 =	vld [tilespmem:s20+$0xD070]  }
0x2d9: {  	v10 =	vld [tilespmem:s20+$0xD400]  }
0x2da: {  	v9 =	vld [tilespmem:s20+$0xD410]  }
0x2db: {  	v8 =	vld [tilespmem:s20+$0xD420]  }
0x2dc: {  	v7 =	vld [tilespmem:s20+$0xD430]  }
0x2dd: {  	v6 =	vld [tilespmem:s20+$0xD440]  }
0x2de: {  	v51 =	vld [tilespmem:s20+$0x0]  }
0x2df: {  	v52 =	vld [tilespmem:s20+$0x10]  }
0x2e0: {  	v53 =	vld [tilespmem:s20+$0x20]  }
0x2e1: {  	v54 =	vld [tilespmem:s20+$0x30]  }
0x2e2: {  	v55 =	vld [tilespmem:s20+$0x40]  }
0x2e3: {  	v62 =	vld [tilespmem:s20+$0x50];
	v12 =	vadd.f32 v12, v51  }
0x2e4: {  	v63 =	vld [tilespmem:s20+$0x60];
	v13 =	vadd.f32 v13, v52  }
0x2e5: {  	[tilespmem:s20+$0x0] =	vst v12;
	v12 =	vadd.f32 v14, v53;
	v14 =	vld [tilespmem:s20+$0x70]  }
0x2e6: {  	[tilespmem:s20+$0x10] =	vst v13;
	v13 =	vadd.f32 v15, v54;
	v15 =	vld [tilespmem:s20+$0x400]  }
0x2e7: {  	[tilespmem:s20+$0x20] =	vst v12;
	v12 =	vadd.f32 v16, v55;
	v16 =	vld [tilespmem:s20+$0x410]  }
0x2e8: {  	[tilespmem:s20+$0x30] =	vst v13;
	v13 =	vadd.f32 v17, v62;
	v17 =	vld [tilespmem:s20+$0x420]  }
0x2e9: {  	v5 =	vld [tilespmem:s20+$0xD450]  }
0x2ea: {  	[tilespmem:s20+$0x40] =	vst v12;
	v12 =	vadd.f32 v18, v63;
	v18 =	vld [tilespmem:s20+$0x470]  }
0x2eb: {  	[tilespmem:s20+$0x50] =	vst v13;
	v13 =	vadd.f32 v19, v14;
	v14 =	vld [tilespmem:s20+$0x430]  }
0x2ec: {  	[tilespmem:s20+$0x60] =	vst v12;
	v12 =	vadd.f32 v20, v15;
	v15 =	vld [tilespmem:s20+$0x440]  }
0x2ed: {  	[tilespmem:s20+$0x70] =	vst v13;
	v13 =	vadd.f32 v21, v16;
	v16 =	vadd.f32 v22, v17;
	v17 =	vld [tilespmem:s20+$0x460]  }
0x2ee: {  	[tilespmem:s20+$0x400] =	vst v12;
	v12 =	vld [tilespmem:s20+$0x450]  }
0x2ef: {  	[tilespmem:s20+$0x410] =	vst v13;
	v13 =	vld [tilespmem:s20+$0x800];
	v18 =	vadd.f32 v27, v18  }
0x2f0: {  	[tilespmem:s20+$0x420] =	vst v16;
	v16 =	vld [tilespmem:s20+$0x810];
	v14 =	vadd.f32 v23, v14  }
0x2f1: {  	v4 =	vld [tilespmem:s20+$0xD460];
	v15 =	vadd.f32 v24, v15;
	[tilespmem:s20+$0x470] =	vst v18  }
0x2f2: {  	[tilespmem:s20+$0x430] =	vst v14;
	v14 =	vld [tilespmem:s20+$0x820];
	v17 =	vadd.f32 v26, v17  }
0x2f3: {  	v12 =	vadd.f32 v25, v12;
	[tilespmem:s20+$0x440] =	vst v15;
	v15 =	vld [tilespmem:s20+$0x830]  }
0x2f4: {  	v18 =	vld [tilespmem:s20+$0x870];
	[tilespmem:s20+$0x460] =	vst v17;
	v13 =	vadd.f32 v28, v13  }
0x2f5: {  	v16 =	vadd.f32 v29, v16;
	[tilespmem:s20+$0x450] =	vst v12;
	v12 =	vld [tilespmem:s20+$0x840]  }
0x2f6: {  	v17 =	vld [tilespmem:s20+$0x850];
	[tilespmem:s20+$0x800] =	vst v13  }
0x2f7: {  	[tilespmem:s20+$0x810] =	vst v16;
	v16 =	vld [tilespmem:s20+$0x860];
	v13 =	vadd.f32 v30, v14  }
0x2f8: {  	v14 =	vld [tilespmem:s20+$0xC00];
	v15 =	vadd.f32 v31, v15  }
0x2f9: {  	[tilespmem:s20+$0x820] =	vst v13;
	v13 =	vld [tilespmem:s20+$0xC10]  }
0x2fa: {  	v12 =	vadd.f32 v32, v12;
	[tilespmem:s20+$0x830] =	vst v15;
	v15 =	vld [tilespmem:s20+$0xC20]  }
0x2fb: {  	v3 =	vld [tilespmem:s20+$0xD470];
	v17 =	vadd.f32 v33, v17  }
0x2fc: {  	v16 =	vadd.f32 v34, v16;
	[tilespmem:s20+$0x840] =	vst v12;
	v12 =	vld [tilespmem:s20+$0xC30]  }
0x2fd: {  	[tilespmem:s20+$0x850] =	vst v17;
	v17 =	vld [tilespmem:s20+$0xC40];
	v14 =	vadd.f32 v36, v14  }
0x2fe: {  	v18 =	vadd.f32 v35, v18;
	[tilespmem:s20+$0x860] =	vst v16;
	v16 =	vld [tilespmem:s20+$0xC50]  }
0x2ff: {  	v13 =	vadd.f32 v37, v13;
	[tilespmem:s20+$0xC00] =	vst v14;
	v14 =	vadd.f32 v38, v15;
	v15 =	vld [tilespmem:s20+$0xC60]  }
0x300: {  	[tilespmem:s20+$0x870] =	vst v18;
	v18 =	vld [tilespmem:s20+$0xC70]  }
0x301: {  	[tilespmem:s20+$0xC10] =	vst v13;
	v13 =	vld [tilespmem:s20+$0x1000];
	v12 =	vadd.f32 v39, v12  }
0x302: {  	v17 =	vadd.f32 v40, v17;
	[tilespmem:s20+$0xC20] =	vst v14;
	v14 =	vld [tilespmem:s20+$0x1010]  }
0x303: {  	v16 =	vadd.f32 v41, v16;
	[tilespmem:s20+$0xC30] =	vst v12;
	v12 =	vld [tilespmem:s20+$0x1020]  }
0x304: {  	[tilespmem:s20+$0xC40] =	vst v17;
	v17 =	vld [tilespmem:s20+$0x1030];
	v15 =	vadd.f32 v42, v15  }
0x305: {  	v19 =	vld [tilespmem:s20+$0x1040];
	[tilespmem:s20+$0xC50] =	vst v16;
	v16 =	vadd.f32 v43, v18  }
0x306: {  	v18 =	vld [tilespmem:s20+$0x1050];
	v13 =	vadd.f32 v44, v13;
	[tilespmem:s20+$0xC60] =	vst v15  }
0x307: {  	v20 =	vld [tilespmem:s20+$0x1060];
	[tilespmem:s20+$0xC70] =	vst v16;
	v14 =	vadd.f32 v45, v14  }
0x308: {  	v16 =	vld [tilespmem:s20+$0x1070];
	[tilespmem:s20+$0x1000] =	vst v13;
	v12 =	vadd.f32 v46, v12  }
0x309: {  	v15 =	vld [tilespmem:s20+$0x1400];
	v13 =	vadd.f32 v47, v17;
	[tilespmem:s20+$0x1010] =	vst v14  }
0x30a: {  	v14 =	vld [tilespmem:s20+$0x1410];
	[tilespmem:s20+$0x1020] =	vst v12;
	v12 =	vadd.f32 v48, v19  }
0x30b: {  	[tilespmem:s20+$0x1030] =	vst v13;
	v13 =	vld [tilespmem:s20+$0x1420];
	v18 =	vadd.f32 v49, v18  }
0x30c: {  	s21 =	simm.s32 $0x1;
	v17 =	vadd.f32 v50, v20;
	[tilespmem:s20+$0x1040] =	vst v12;
	v12 =	vld [tilespmem:s20+$0x1430]  }
.LBB2_6:
0x30d: {  	s22 =	sshrl.u32 s21, $0x3;
	p0 =	sne.s32 s21, $0x3F;
	[tilespmem:s20+$0x1050] =	vst v18;
	v11 =	vadd.f32 v11, v16;
	v16 =	vld [tilespmem:s20+$0x1440]  }
0x30e: {  	s19 =	sadd.s32 $0x80, s19;
	s22 =	smul.u32 $0x1800, s22;
	[tilespmem:s20+$0x1060] =	vst v17;
	v10 =	vadd.f32 v10, v15;
	v15 =	vld [tilespmem:s20+$0x1450]  }
0x30f: {  	s23 =	sand.u32 $0x380, s19;
	[tilespmem:s20+$0x1070] =	vst v11;
	v9 =	vadd.f32 v9, v14;
	v11 =	vld [tilespmem:s20+$0x1460]  }
0x310: {  	s22 =	sor.u32 s23, s22;
	[tilespmem:s20+$0x1400] =	vst v10;
	v8 =	vadd.f32 v8, v13;
	v10 =	vld [tilespmem:s20+$0x1470]  }
0x311: {  	v39 =	vld [tilespmem:s22+$0xC000];
	[tilespmem:s20+$0x1410] =	vst v9;
	v7 =	vadd.f32 v7, v12  }
0x312: {  	v40 =	vld [tilespmem:s22+$0xC010];
	[tilespmem:s20+$0x1420] =	vst v8;
	v6 =	vadd.f32 v6, v16  }
0x313: {  	v41 =	vld [tilespmem:s22+$0xC020];
	[tilespmem:s20+$0x1430] =	vst v7;
	v5 =	vadd.f32 v5, v15  }
0x314: {  	v42 =	vld [tilespmem:s22+$0xC030];
	[tilespmem:s20+$0x1440] =	vst v6;
	v4 =	vadd.f32 v4, v11  }
0x315: {  	v43 =	vld [tilespmem:s22+$0xC040];
	[tilespmem:s20+$0x1450] =	vst v5;
	v3 =	vadd.f32 v3, v10  }
0x316: {  	v44 =	vld [tilespmem:s22+$0xC050];
	[tilespmem:s20+$0x1460] =	vst v4  }
0x317: {  	v45 =	vld [tilespmem:s22+$0xC060];
	[tilespmem:s20+$0x1470] =	vst v3;
	s20 =	smov.u32 s22  }
0x318: {  	v46 =	vld [tilespmem:s20+$0xC070]  }
0x319: {  	v47 =	vld [tilespmem:s20+$0xC400]  }
0x31a: {  	v48 =	vld [tilespmem:s20+$0xC410]  }
0x31b: {  	v49 =	vld [tilespmem:s20+$0xC420]  }
0x31c: {  	v50 =	vld [tilespmem:s20+$0xC430]  }
0x31d: {  	v38 =	vld [tilespmem:s20+$0xC440]  }
0x31e: {  	v37 =	vld [tilespmem:s20+$0xC450]  }
0x31f: {  	v36 =	vld [tilespmem:s20+$0xC460]  }
0x320: {  	v35 =	vld [tilespmem:s20+$0xC470]  }
0x321: {  	v34 =	vld [tilespmem:s20+$0xC800]  }
0x322: {  	v33 =	vld [tilespmem:s20+$0xC810]  }
0x323: {  	v32 =	vld [tilespmem:s20+$0xC820]  }
0x324: {  	v31 =	vld [tilespmem:s20+$0xC830]  }
0x325: {  	v30 =	vld [tilespmem:s20+$0xC840]  }
0x326: {  	v29 =	vld [tilespmem:s20+$0xC850]  }
0x327: {  	v28 =	vld [tilespmem:s20+$0xC860]  }
0x328: {  	v27 =	vld [tilespmem:s20+$0xC870]  }
0x329: {  	v26 =	vld [tilespmem:s20+$0xCC00]  }
0x32a: {  	v25 =	vld [tilespmem:s20+$0xCC10]  }
0x32b: {  	v24 =	vld [tilespmem:s20+$0xCC20]  }
0x32c: {  	v23 =	vld [tilespmem:s20+$0xCC30]  }
0x32d: {  	v22 =	vld [tilespmem:s20+$0xCC40]  }
0x32e: {  	v21 =	vld [tilespmem:s20+$0xCC50]  }
0x32f: {  	v20 =	vld [tilespmem:s20+$0xCC60]  }
0x330: {  	v19 =	vld [tilespmem:s20+$0xCC70]  }
0x331: {  	v18 =	vld [tilespmem:s20+$0xD000]  }
0x332: {  	v17 =	vld [tilespmem:s20+$0xD010]  }
0x333: {  	v16 =	vld [tilespmem:s20+$0xD020]  }
0x334: {  	v15 =	vld [tilespmem:s20+$0xD030]  }
0x335: {  	v14 =	vld [tilespmem:s20+$0xD040]  }
0x336: {  	v13 =	vld [tilespmem:s20+$0xD050]  }
0x337: {  	v12 =	vld [tilespmem:s20+$0xD060]  }
0x338: {  	v11 =	vld [tilespmem:s20+$0xD070]  }
0x339: {  	v10 =	vld [tilespmem:s20+$0xD400]  }
0x33a: {  	v9 =	vld [tilespmem:s20+$0xD410]  }
0x33b: {  	v8 =	vld [tilespmem:s20+$0xD420]  }
0x33c: {  	v7 =	vld [tilespmem:s20+$0xD430]  }
0x33d: {  	v6 =	vld [tilespmem:s20+$0xD440]  }
0x33e: {  	v5 =	vld [tilespmem:s20+$0xD450]  }
0x33f: {  	v4 =	vld [tilespmem:s20+$0xD460]  }
0x340: {  	v3 =	vld [tilespmem:s20+$0xD470]  }
0x341: {  	v51 =	vld [tilespmem:s20+$0x0]  }
0x342: {  	v52 =	vld [tilespmem:s20+$0x10]  }
0x343: {  	v53 =	vld [tilespmem:s20+$0x20]  }
0x344: {  	v54 =	vld [tilespmem:s20+$0x30]  }
0x345: {  	v55 =	vld [tilespmem:s20+$0x40]  }
0x346: {  	v39 =	vadd.f32 v39, v51;
	v51 =	vld [tilespmem:s20+$0x50]  }
0x347: {  	v40 =	vadd.f32 v40, v52;
	v52 =	vld [tilespmem:s20+$0x60]  }
0x348: {  	[tilespmem:s20+$0x0] =	vst v39;
	v39 =	vadd.f32 v41, v53;
	v41 =	vld [tilespmem:s20+$0x70]  }
0x349: {  	[tilespmem:s20+$0x10] =	vst v40;
	v40 =	vadd.f32 v42, v54;
	v42 =	vld [tilespmem:s20+$0x400]  }
0x34a: {  	[tilespmem:s20+$0x20] =	vst v39;
	v39 =	vadd.f32 v43, v55;
	v43 =	vld [tilespmem:s20+$0x410]  }
0x34b: {  	[tilespmem:s20+$0x30] =	vst v40;
	v40 =	vadd.f32 v44, v51;
	v44 =	vld [tilespmem:s20+$0x420]  }
0x34c: {  	[tilespmem:s20+$0x40] =	vst v39;
	v39 =	vadd.f32 v45, v52;
	v45 =	vld [tilespmem:s20+$0x430]  }
0x34d: {  	[tilespmem:s20+$0x50] =	vst v40;
	v40 =	vadd.f32 v46, v41;
	v41 =	vld [tilespmem:s20+$0x440]  }
0x34e: {  	[tilespmem:s20+$0x60] =	vst v39;
	v39 =	vadd.f32 v47, v42;
	v42 =	vld [tilespmem:s20+$0x450]  }
0x34f: {  	[tilespmem:s20+$0x70] =	vst v40;
	v40 =	vadd.f32 v48, v43;
	v43 =	vld [tilespmem:s20+$0x460]  }
0x350: {  	[tilespmem:s20+$0x400] =	vst v39;
	v39 =	vadd.f32 v49, v44;
	v44 =	vld [tilespmem:s20+$0x470]  }
0x351: {  	[tilespmem:s20+$0x410] =	vst v40;
	v40 =	vadd.f32 v50, v45;
	v45 =	vld [tilespmem:s20+$0x800]  }
0x352: {  	[tilespmem:s20+$0x420] =	vst v39;
	v38 =	vadd.f32 v38, v41;
	v39 =	vld [tilespmem:s20+$0x810]  }
0x353: {  	[tilespmem:s20+$0x430] =	vst v40;
	v37 =	vadd.f32 v37, v42;
	v40 =	vld [tilespmem:s20+$0x820]  }
0x354: {  	[tilespmem:s20+$0x440] =	vst v38;
	v36 =	vadd.f32 v36, v43;
	v38 =	vld [tilespmem:s20+$0x830]  }
0x355: {  	[tilespmem:s20+$0x450] =	vst v37;
	v35 =	vadd.f32 v35, v44;
	v37 =	vld [tilespmem:s20+$0x840]  }
0x356: {  	[tilespmem:s20+$0x460] =	vst v36;
	v34 =	vadd.f32 v34, v45;
	v36 =	vld [tilespmem:s20+$0x850]  }
0x357: {  	[tilespmem:s20+$0x470] =	vst v35;
	v33 =	vadd.f32 v33, v39;
	v35 =	vld [tilespmem:s20+$0x860]  }
0x358: {  	[tilespmem:s20+$0x800] =	vst v34;
	v32 =	vadd.f32 v32, v40;
	v34 =	vld [tilespmem:s20+$0x870]  }
0x359: {  	[tilespmem:s20+$0x810] =	vst v33;
	v31 =	vadd.f32 v31, v38;
	v33 =	vld [tilespmem:s20+$0xC00]  }
0x35a: {  	[tilespmem:s20+$0x820] =	vst v32;
	v30 =	vadd.f32 v30, v37;
	v32 =	vld [tilespmem:s20+$0xC10]  }
0x35b: {  	[tilespmem:s20+$0x830] =	vst v31;
	v29 =	vadd.f32 v29, v36;
	v31 =	vld [tilespmem:s20+$0xC20]  }
0x35c: {  	[tilespmem:s20+$0x840] =	vst v30;
	v28 =	vadd.f32 v28, v35;
	v30 =	vld [tilespmem:s20+$0xC30]  }
0x35d: {  	[tilespmem:s20+$0x850] =	vst v29;
	v27 =	vadd.f32 v27, v34;
	v29 =	vld [tilespmem:s20+$0xC40]  }
0x35e: {  	[tilespmem:s20+$0x860] =	vst v28;
	v26 =	vadd.f32 v26, v33;
	v28 =	vld [tilespmem:s20+$0xC50]  }
0x35f: {  	[tilespmem:s20+$0x870] =	vst v27;
	v25 =	vadd.f32 v25, v32;
	v27 =	vld [tilespmem:s20+$0xC60]  }
0x360: {  	[tilespmem:s20+$0xC00] =	vst v26;
	v24 =	vadd.f32 v24, v31;
	v26 =	vld [tilespmem:s20+$0xC70]  }
0x361: {  	[tilespmem:s20+$0xC10] =	vst v25;
	v23 =	vadd.f32 v23, v30;
	v25 =	vld [tilespmem:s20+$0x1000]  }
0x362: {  	[tilespmem:s20+$0xC20] =	vst v24;
	v22 =	vadd.f32 v22, v29;
	v24 =	vld [tilespmem:s20+$0x1010]  }
0x363: {  	[tilespmem:s20+$0xC30] =	vst v23;
	v21 =	vadd.f32 v21, v28;
	v23 =	vld [tilespmem:s20+$0x1020]  }
0x364: {  	[tilespmem:s20+$0xC40] =	vst v22;
	v20 =	vadd.f32 v20, v27;
	v22 =	vld [tilespmem:s20+$0x1030]  }
0x365: {  	[tilespmem:s20+$0xC50] =	vst v21;
	v19 =	vadd.f32 v19, v26;
	v21 =	vld [tilespmem:s20+$0x1040]  }
0x366: {  	[tilespmem:s20+$0xC60] =	vst v20;
	v18 =	vadd.f32 v18, v25;
	v20 =	vld [tilespmem:s20+$0x1050]  }
0x367: {  	[tilespmem:s20+$0xC70] =	vst v19;
	v17 =	vadd.f32 v17, v24;
	v19 =	vld [tilespmem:s20+$0x1060]  }
.Ltmp2:
0x368: {  	[tilespmem:s20+$0x1000] =	vst v18;
	v18 =	vadd.f32 v16, v23;
	v16 =	vld [tilespmem:s20+$0x1070];
	(pc) =	sbr.rel @p0 .LBB2_6-.Ltmp2, $4  }
0x369: {  	[tilespmem:s20+$0x1010] =	vst v17;
	v17 =	vadd.f32 v15, v22;
	v15 =	vld [tilespmem:s20+$0x1400]  }
0x36a: {  	[tilespmem:s20+$0x1020] =	vst v18;
	v21 =	vadd.f32 v14, v21;
	v14 =	vld [tilespmem:s20+$0x1410]  }
0x36b: {  	[tilespmem:s20+$0x1030] =	vst v17;
	v18 =	vadd.f32 v13, v20;
	v13 =	vld [tilespmem:s20+$0x1420]  }
0x36c: {  	s21 =	sadd.s32 $0x1, s21;
	[tilespmem:s20+$0x1040] =	vst v21;
	v17 =	vadd.f32 v12, v19;
	v12 =	vld [tilespmem:s20+$0x1430]  }
0x36d: {  	[tilespmem:s20+$0x1050] =	vst v18;
	v18 =	vld [tilespmem:s20+$0x1440];
	v11 =	vadd.f32 v11, v16  }
0x36e: {  	v16 =	vld [tilespmem:s20+$0x1450];
	[tilespmem:s20+$0x1060] =	vst v17;
	v10 =	vadd.f32 v10, v15  }
0x36f: {  	[tilespmem:s20+$0x1070] =	vst v11;
	v9 =	vadd.f32 v9, v14;
	v11 =	vld [tilespmem:s20+$0x1460]  }
0x370: {  	[tilespmem:s20+$0x1400] =	vst v10;
	v8 =	vadd.f32 v8, v13;
	v10 =	vld [tilespmem:s20+$0x1470]  }
0x371: {  	[tilespmem:s20+$0x1410] =	vst v9;
	v7 =	vadd.f32 v7, v12  }
0x372: {  	[tilespmem:s20+$0x1420] =	vst v8;
	v6 =	vadd.f32 v6, v18  }
0x373: {  	v5 =	vadd.f32 v5, v16;
	[tilespmem:s20+$0x1430] =	vst v7  }
0x374: {  	[tilespmem:s20+$0x1440] =	vst v6;
	v4 =	vadd.f32 v4, v11  }
0x375: {  	[tilespmem:s20+$0x1450] =	vst v5;
	v3 =	vadd.f32 v3, v10  }
0x376: {  	[tilespmem:s20+$0x1460] =	vst v4  }
0x377: {  	[tilespmem:s20+$0x1470] =	vst v3  }
0x378: {  	v3 =	vld [tilespmem:$0x18080];
	_ =	sdelay $0x4  }
0x379: {  	v4 =	vshrl.u32 v3, $0x3  }
0x37a: {  	v4 =	vmul.u32 $0x30, v4  }
0x37b: {  	v3 =	vand.u32 $0x7, v3  }
0x37c: {  	v3 =	vor.u32 v3, v4  }
0x37d: {  	v4 =	vperm.xlane v3, v0;
	_ =	sdelay $0x1  }
0x37e: {  	v4 =	vadd.s32 v1, v4;
	_ =	sdelay $0x3  }
0x37f: {  	s19 =	simm.s32 $0x0;
	s23 =	simm.s32 $0xC000;
	v3 =	vperm.xlane v3, v2  }
0x380: {  	[tilespmem:s23], [sflag:$0x2] =	stream.indirect_vreg.gather [hbm4b:s3+s19], $0x80, v4, vm0, $0xb8;
	[tilespmem:$0x18100] =	vst v63  }
0x381: {  	s21 =	simm.s32 $0xC800;
	v3 =	vadd.s32 v1, v3  }
0x382: {  	[tilespmem:s21], [sflag:$0x2] =	stream.indirect_vreg.gather [hbm4b:s6+s19], $0x80, v4, vm0, $0xb8;
	[tilespmem:$0x18100] =	vst v63  }
0x383: {  	s22 =	simm.s32 $0xD000  }
0x384: {  	[tilespmem:s22], [sflag:$0x2] =	stream.indirect_vreg.gather [hbm4b:s7+s19], $0x80, v4, vm0, $0xb8;
	[tilespmem:$0x18100] =	vst v63  }
0x385: {  	s23 =	simm.s32 $0xD800  }
0x386: {  	[tilespmem:s23], [sflag:$0x2] =	stream.indirect_vreg.gather [hbm4b:s3+s19], $0x80, v3, vm0, $0xb8;
	[tilespmem:$0x18100] =	vst v63  }
0x387: {  	s21 =	simm.s32 $0xE000  }
0x388: {  	[tilespmem:s21], [sflag:$0x2] =	stream.indirect_vreg.gather [hbm4b:s6+s19], $0x80, v3, vm0, $0xb8;
	[tilespmem:$0x18100] =	vst v63  }
0x389: {  	s22 =	simm.s32 $0xE800  }
0x38a: {  	[tilespmem:s22], [sflag:$0x2] =	stream.indirect_vreg.gather [hbm4b:s7+s19], $0x80, v3, vm0, $0xb8;
	[tilespmem:$0x18100] =	vst v63  }
0x38b: {  	v3 =	vld [tilespmem:$0x18090];
	_ =	sdelay $0x4  }
0x38c: {  	v4 =	vshrl.u32 v3, $0x3  }
0x38d: {  	v4 =	vmul.u32 $0x30, v4  }
0x38e: {  	v3 =	vand.u32 $0x7, v3  }
0x38f: {  	v3 =	vor.u32 v3, v4  }
0x390: {  	v4 =	vperm.xlane v3, v0;
	_ =	sdelay $0x1  }
0x391: {  	v4 =	vadd.s32 v1, v4;
	_ =	sdelay $0x3  }
0x392: {  	v3 =	vperm.xlane v3, v2  }
0x393: {  	[tilespmem:s24], [sflag:$0x2] =	stream.indirect_vreg.gather [hbm4b:s3+s19], $0x80, v4, vm0, $0xb8;
	[tilespmem:$0x18100] =	vst v63  }
0x394: {  	v3 =	vadd.s32 v1, v3  }
0x395: {  	[tilespmem:s25], [sflag:$0x2] =	stream.indirect_vreg.gather [hbm4b:s6+s19], $0x80, v4, vm0, $0xb8;
	[tilespmem:$0x18100] =	vst v63  }
0x396: {  	_ = 	snop  }
0x397: {  	[tilespmem:s26], [sflag:$0x2] =	stream.indirect_vreg.gather [hbm4b:s7+s19], $0x80, v4, vm0, $0xb8;
	[tilespmem:$0x18100] =	vst v63  }
0x398: {  	_ = 	snop  }
0x399: {  	[tilespmem:s28], [sflag:$0x2] =	stream.indirect_vreg.gather [hbm4b:s3+s19], $0x80, v3, vm0, $0xb8;
	[tilespmem:$0x18100] =	vst v63  }
0x39a: {  	_ = 	snop  }
0x39b: {  	[tilespmem:s29], [sflag:$0x2] =	stream.indirect_vreg.gather [hbm4b:s6+s19], $0x80, v3, vm0, $0xb8;
	[tilespmem:$0x18100] =	vst v63  }
0x39c: {  	_ = 	snop  }
0x39d: {  	[tilespmem:s30], [sflag:$0x2] =	stream.indirect_vreg.gather [hbm4b:s7+s19], $0x80, v3, vm0, $0xb8;
	[tilespmem:$0x18100] =	vst v63  }
0x39e: {  	v3 =	vld [tilespmem:$0x180A0];
	_ =	sdelay $0x4  }
0x39f: {  	v4 =	vshrl.u32 v3, $0x3  }
0x3a0: {  	v4 =	vmul.u32 $0x30, v4  }
0x3a1: {  	v3 =	vand.u32 $0x7, v3  }
0x3a2: {  	v3 =	vor.u32 v3, v4  }
0x3a3: {  	v4 =	vperm.xlane v3, v0;
	_ =	sdelay $0x1  }
0x3a4: {  	v4 =	vadd.s32 v1, v4;
	_ =	sdelay $0x3  }
0x3a5: {  	v3 =	vperm.xlane v3, v2  }
0x3a6: {  	[tilespmem:s31], [sflag:$0x2] =	stream.indirect_vreg.gather [hbm4b:s3+s19], $0x80, v4, vm0, $0xb8;
	[tilespmem:$0x18100] =	vst v63  }
0x3a7: {  	v3 =	vadd.s32 v1, v3  }
0x3a8: {  	[tilespmem:s0], [sflag:$0x2] =	stream.indirect_vreg.gather [hbm4b:s6+s19], $0x80, v4, vm0, $0xb8;
	[tilespmem:$0x18100] =	vst v63  }
0x3a9: {  	_ = 	snop  }
0x3aa: {  	[tilespmem:s2], [sflag:$0x2] =	stream.indirect_vreg.gather [hbm4b:s7+s19], $0x80, v4, vm0, $0xb8;
	[tilespmem:$0x18100] =	vst v63  }
0x3ab: {  	_ = 	snop  }
0x3ac: {  	[tilespmem:s15], [sflag:$0x2] =	stream.indirect_vreg.gather [hbm4b:s3+s19], $0x80, v3, vm0, $0xb8;
	[tilespmem:$0x18100] =	vst v63  }
0x3ad: {  	_ = 	snop  }
0x3ae: {  	[tilespmem:s17], [sflag:$0x2] =	stream.indirect_vreg.gather [hbm4b:s6+s19], $0x80, v3, vm0, $0xb8;
	[tilespmem:$0x18100] =	vst v63  }
0x3af: {  	_ = 	snop  }
0x3b0: {  	[tilespmem:s5], [sflag:$0x2] =	stream.indirect_vreg.gather [hbm4b:s7+s19], $0x80, v3, vm0, $0xb8;
	[tilespmem:$0x18100] =	vst v63  }
0x3b1: {  	v3 =	vld [tilespmem:$0x180B0];
	_ =	sdelay $0x4  }
0x3b2: {  	v4 =	vshrl.u32 v3, $0x3  }
0x3b3: {  	v4 =	vmul.u32 $0x30, v4  }
0x3b4: {  	v3 =	vand.u32 $0x7, v3  }
0x3b5: {  	v3 =	vor.u32 v3, v4  }
0x3b6: {  	v4 =	vperm.xlane v3, v0;
	_ =	sdelay $0x1  }
0x3b7: {  	v4 =	vadd.s32 v1, v4;
	_ =	sdelay $0x3  }
0x3b8: {  	v3 =	vperm.xlane v3, v2  }
0x3b9: {  	[tilespmem:s8], [sflag:$0x2] =	stream.indirect_vreg.gather [hbm4b:s3+s19], $0x80, v4, vm0, $0xb8;
	[tilespmem:$0x18100] =	vst v63  }
0x3ba: {  	v3 =	vadd.s32 v1, v3  }
0x3bb: {  	[tilespmem:s9], [sflag:$0x2] =	stream.indirect_vreg.gather [hbm4b:s6+s19], $0x80, v4, vm0, $0xb8;
	[tilespmem:$0x18100] =	vst v63  }
0x3bc: {  	_ = 	snop  }
0x3bd: {  	[tilespmem:s10], [sflag:$0x2] =	stream.indirect_vreg.gather [hbm4b:s7+s19], $0x80, v4, vm0, $0xb8;
	[tilespmem:$0x18100] =	vst v63  }
0x3be: {  	_ = 	snop  }
0x3bf: {  	[tilespmem:s11], [sflag:$0x2] =	stream.indirect_vreg.gather [hbm4b:s3+s19], $0x80, v3, vm0, $0xb8;
	[tilespmem:$0x18100] =	vst v63  }
0x3c0: {  	_ = 	snop  }
0x3c1: {  	[tilespmem:s12], [sflag:$0x2] =	stream.indirect_vreg.gather [hbm4b:s6+s19], $0x80, v3, vm0, $0xb8;
	[tilespmem:$0x18100] =	vst v63  }
0x3c2: {  	s23 =	simm.s32 $0x0  }
0x3c3: {  	[tilespmem:s13], [sflag:$0x2] =	stream.indirect_vreg.gather [hbm4b:s7+s19], $0x80, v3, vm0, $0xb8;
	[tilespmem:$0x18100] =	vst v63  }
0x3c4: {  	s20 =	smul.u32 $0x1800, s23;
	_ =	swait.ge [sflag:s4], $0xC000  }
0x3c5: {  	s21 =	sand.u32 $0x380, s19;
	[sflag:s4] =	ssyncset.done $0x0  }
0x3c6: {  	s20 =	sor.u32 s21, s20;
	[sflag:s4] =	ssyncadd.s32 $0xFFFF4000  }
0x3c7: {  	v12 =	vld [tilespmem:s20+$0xC000]  }
0x3c8: {  	v13 =	vld [tilespmem:s20+$0xC010]  }
0x3c9: {  	v14 =	vld [tilespmem:s20+$0xC020]  }
0x3ca: {  	v15 =	vld [tilespmem:s20+$0xC030]  }
0x3cb: {  	v16 =	vld [tilespmem:s20+$0xC040]  }
0x3cc: {  	v17 =	vld [tilespmem:s20+$0xC050]  }
0x3cd: {  	v18 =	vld [tilespmem:s20+$0xC060]  }
0x3ce: {  	v19 =	vld [tilespmem:s20+$0xC070]  }
0x3cf: {  	v20 =	vld [tilespmem:s20+$0xC400]  }
0x3d0: {  	v21 =	vld [tilespmem:s20+$0xC410]  }
0x3d1: {  	v22 =	vld [tilespmem:s20+$0xC420]  }
0x3d2: {  	v23 =	vld [tilespmem:s20+$0xC430]  }
0x3d3: {  	v24 =	vld [tilespmem:s20+$0xC440]  }
0x3d4: {  	v25 =	vld [tilespmem:s20+$0xC450]  }
0x3d5: {  	v26 =	vld [tilespmem:s20+$0xC460]  }
0x3d6: {  	v27 =	vld [tilespmem:s20+$0xC470]  }
0x3d7: {  	v28 =	vld [tilespmem:s20+$0xC800]  }
0x3d8: {  	v29 =	vld [tilespmem:s20+$0xC810]  }
0x3d9: {  	v30 =	vld [tilespmem:s20+$0xC820]  }
0x3da: {  	v31 =	vld [tilespmem:s20+$0xC830]  }
0x3db: {  	v32 =	vld [tilespmem:s20+$0xC840]  }
0x3dc: {  	v33 =	vld [tilespmem:s20+$0xC850]  }
0x3dd: {  	v34 =	vld [tilespmem:s20+$0xC860]  }
0x3de: {  	v35 =	vld [tilespmem:s20+$0xC870]  }
0x3df: {  	v36 =	vld [tilespmem:s20+$0xCC00]  }
0x3e0: {  	v37 =	vld [tilespmem:s20+$0xCC10]  }
0x3e1: {  	v38 =	vld [tilespmem:s20+$0xCC20]  }
0x3e2: {  	v39 =	vld [tilespmem:s20+$0xCC30]  }
0x3e3: {  	v40 =	vld [tilespmem:s20+$0xCC40]  }
0x3e4: {  	v41 =	vld [tilespmem:s20+$0xCC50]  }
0x3e5: {  	v42 =	vld [tilespmem:s20+$0xCC60]  }
0x3e6: {  	v43 =	vld [tilespmem:s20+$0xCC70]  }
0x3e7: {  	v44 =	vld [tilespmem:s20+$0xD000]  }
0x3e8: {  	v45 =	vld [tilespmem:s20+$0xD010]  }
0x3e9: {  	v46 =	vld [tilespmem:s20+$0xD020]  }
0x3ea: {  	v47 =	vld [tilespmem:s20+$0xD030]  }
0x3eb: {  	v48 =	vld [tilespmem:s20+$0xD040]  }
0x3ec: {  	v49 =	vld [tilespmem:s20+$0xD050]  }
0x3ed: {  	v50 =	vld [tilespmem:s20+$0xD060]  }
0x3ee: {  	v11 =	vld [tilespmem:s20+$0xD070]  }
0x3ef: {  	v10 =	vld [tilespmem:s20+$0xD400]  }
0x3f0: {  	v9 =	vld [tilespmem:s20+$0xD410]  }
0x3f1: {  	v8 =	vld [tilespmem:s20+$0xD420]  }
0x3f2: {  	v7 =	vld [tilespmem:s20+$0xD430]  }
0x3f3: {  	v6 =	vld [tilespmem:s20+$0xD440]  }
0x3f4: {  	v51 =	vld [tilespmem:s20+$0x0]  }
0x3f5: {  	v52 =	vld [tilespmem:s20+$0x10]  }
0x3f6: {  	v53 =	vld [tilespmem:s20+$0x20]  }
0x3f7: {  	v54 =	vld [tilespmem:s20+$0x30]  }
0x3f8: {  	v55 =	vld [tilespmem:s20+$0x40]  }
0x3f9: {  	v62 =	vld [tilespmem:s20+$0x50];
	v12 =	vadd.f32 v12, v51  }
0x3fa: {  	v63 =	vld [tilespmem:s20+$0x60];
	v13 =	vadd.f32 v13, v52  }
0x3fb: {  	[tilespmem:s20+$0x0] =	vst v12;
	v12 =	vadd.f32 v14, v53;
	v14 =	vld [tilespmem:s20+$0x70]  }
0x3fc: {  	[tilespmem:s20+$0x10] =	vst v13;
	v13 =	vadd.f32 v15, v54;
	v15 =	vld [tilespmem:s20+$0x400]  }
0x3fd: {  	[tilespmem:s20+$0x20] =	vst v12;
	v12 =	vadd.f32 v16, v55;
	v16 =	vld [tilespmem:s20+$0x410]  }
0x3fe: {  	[tilespmem:s20+$0x30] =	vst v13;
	v13 =	vadd.f32 v17, v62;
	v17 =	vld [tilespmem:s20+$0x420]  }
0x3ff: {  	v5 =	vld [tilespmem:s20+$0xD450]  }
0x400: {  	[tilespmem:s20+$0x40] =	vst v12;
	v12 =	vadd.f32 v18, v63;
	v18 =	vld [tilespmem:s20+$0x470]  }
0x401: {  	[tilespmem:s20+$0x50] =	vst v13;
	v13 =	vadd.f32 v19, v14;
	v14 =	vld [tilespmem:s20+$0x430]  }
0x402: {  	[tilespmem:s20+$0x60] =	vst v12;
	v12 =	vadd.f32 v20, v15;
	v15 =	vld [tilespmem:s20+$0x440]  }
0x403: {  	[tilespmem:s20+$0x70] =	vst v13;
	v13 =	vadd.f32 v21, v16;
	v16 =	vadd.f32 v22, v17;
	v17 =	vld [tilespmem:s20+$0x460]  }
0x404: {  	[tilespmem:s20+$0x400] =	vst v12;
	v12 =	vld [tilespmem:s20+$0x450]  }
0x405: {  	[tilespmem:s20+$0x410] =	vst v13;
	v13 =	vld [tilespmem:s20+$0x800];
	v18 =	vadd.f32 v27, v18  }
0x406: {  	[tilespmem:s20+$0x420] =	vst v16;
	v16 =	vld [tilespmem:s20+$0x810];
	v14 =	vadd.f32 v23, v14  }
0x407: {  	v4 =	vld [tilespmem:s20+$0xD460];
	v15 =	vadd.f32 v24, v15;
	[tilespmem:s20+$0x470] =	vst v18  }
0x408: {  	[tilespmem:s20+$0x430] =	vst v14;
	v14 =	vld [tilespmem:s20+$0x820];
	v17 =	vadd.f32 v26, v17  }
0x409: {  	v12 =	vadd.f32 v25, v12;
	[tilespmem:s20+$0x440] =	vst v15;
	v15 =	vld [tilespmem:s20+$0x830]  }
0x40a: {  	v18 =	vld [tilespmem:s20+$0x870];
	[tilespmem:s20+$0x460] =	vst v17;
	v13 =	vadd.f32 v28, v13  }
0x40b: {  	v16 =	vadd.f32 v29, v16;
	[tilespmem:s20+$0x450] =	vst v12;
	v12 =	vld [tilespmem:s20+$0x840]  }
0x40c: {  	v17 =	vld [tilespmem:s20+$0x850];
	[tilespmem:s20+$0x800] =	vst v13  }
0x40d: {  	[tilespmem:s20+$0x810] =	vst v16;
	v16 =	vld [tilespmem:s20+$0x860];
	v13 =	vadd.f32 v30, v14  }
0x40e: {  	v14 =	vld [tilespmem:s20+$0xC00];
	v15 =	vadd.f32 v31, v15  }
0x40f: {  	[tilespmem:s20+$0x820] =	vst v13;
	v13 =	vld [tilespmem:s20+$0xC10]  }
0x410: {  	v12 =	vadd.f32 v32, v12;
	[tilespmem:s20+$0x830] =	vst v15;
	v15 =	vld [tilespmem:s20+$0xC20]  }
0x411: {  	v3 =	vld [tilespmem:s20+$0xD470];
	v17 =	vadd.f32 v33, v17  }
0x412: {  	v16 =	vadd.f32 v34, v16;
	[tilespmem:s20+$0x840] =	vst v12;
	v12 =	vld [tilespmem:s20+$0xC30]  }
0x413: {  	[tilespmem:s20+$0x850] =	vst v17;
	v17 =	vld [tilespmem:s20+$0xC40];
	v14 =	vadd.f32 v36, v14  }
0x414: {  	v18 =	vadd.f32 v35, v18;
	[tilespmem:s20+$0x860] =	vst v16;
	v16 =	vld [tilespmem:s20+$0xC50]  }
0x415: {  	v13 =	vadd.f32 v37, v13;
	[tilespmem:s20+$0xC00] =	vst v14;
	v14 =	vadd.f32 v38, v15;
	v15 =	vld [tilespmem:s20+$0xC60]  }
0x416: {  	[tilespmem:s20+$0x870] =	vst v18;
	v18 =	vld [tilespmem:s20+$0xC70]  }
0x417: {  	[tilespmem:s20+$0xC10] =	vst v13;
	v13 =	vld [tilespmem:s20+$0x1000];
	v12 =	vadd.f32 v39, v12  }
0x418: {  	v17 =	vadd.f32 v40, v17;
	[tilespmem:s20+$0xC20] =	vst v14;
	v14 =	vld [tilespmem:s20+$0x1010]  }
0x419: {  	v16 =	vadd.f32 v41, v16;
	[tilespmem:s20+$0xC30] =	vst v12;
	v12 =	vld [tilespmem:s20+$0x1020]  }
0x41a: {  	[tilespmem:s20+$0xC40] =	vst v17;
	v17 =	vld [tilespmem:s20+$0x1030];
	v15 =	vadd.f32 v42, v15  }
0x41b: {  	v19 =	vld [tilespmem:s20+$0x1040];
	[tilespmem:s20+$0xC50] =	vst v16;
	v16 =	vadd.f32 v43, v18  }
0x41c: {  	v18 =	vld [tilespmem:s20+$0x1050];
	v13 =	vadd.f32 v44, v13;
	[tilespmem:s20+$0xC60] =	vst v15  }
0x41d: {  	v20 =	vld [tilespmem:s20+$0x1060];
	[tilespmem:s20+$0xC70] =	vst v16;
	v14 =	vadd.f32 v45, v14  }
0x41e: {  	v16 =	vld [tilespmem:s20+$0x1070];
	[tilespmem:s20+$0x1000] =	vst v13;
	v12 =	vadd.f32 v46, v12  }
0x41f: {  	v15 =	vld [tilespmem:s20+$0x1400];
	v13 =	vadd.f32 v47, v17;
	[tilespmem:s20+$0x1010] =	vst v14  }
0x420: {  	v14 =	vld [tilespmem:s20+$0x1410];
	[tilespmem:s20+$0x1020] =	vst v12;
	v12 =	vadd.f32 v48, v19  }
0x421: {  	[tilespmem:s20+$0x1030] =	vst v13;
	v13 =	vld [tilespmem:s20+$0x1420];
	v18 =	vadd.f32 v49, v18  }
0x422: {  	s21 =	simm.s32 $0x1;
	v17 =	vadd.f32 v50, v20;
	[tilespmem:s20+$0x1040] =	vst v12;
	v12 =	vld [tilespmem:s20+$0x1430]  }
.LBB2_8:
0x423: {  	s22 =	sshrl.u32 s21, $0x3;
	p0 =	sne.s32 s21, $0x3F;
	[tilespmem:s20+$0x1050] =	vst v18;
	v11 =	vadd.f32 v11, v16;
	v16 =	vld [tilespmem:s20+$0x1440]  }
0x424: {  	s19 =	sadd.s32 $0x80, s19;
	s22 =	smul.u32 $0x1800, s22;
	[tilespmem:s20+$0x1060] =	vst v17;
	v10 =	vadd.f32 v10, v15;
	v15 =	vld [tilespmem:s20+$0x1450]  }
0x425: {  	s23 =	sand.u32 $0x380, s19;
	[tilespmem:s20+$0x1070] =	vst v11;
	v9 =	vadd.f32 v9, v14;
	v11 =	vld [tilespmem:s20+$0x1460]  }
0x426: {  	s22 =	sor.u32 s23, s22;
	[tilespmem:s20+$0x1400] =	vst v10;
	v8 =	vadd.f32 v8, v13;
	v10 =	vld [tilespmem:s20+$0x1470]  }
0x427: {  	v39 =	vld [tilespmem:s22+$0xC000];
	[tilespmem:s20+$0x1410] =	vst v9;
	v7 =	vadd.f32 v7, v12  }
0x428: {  	v40 =	vld [tilespmem:s22+$0xC010];
	[tilespmem:s20+$0x1420] =	vst v8;
	v6 =	vadd.f32 v6, v16  }
0x429: {  	v41 =	vld [tilespmem:s22+$0xC020];
	[tilespmem:s20+$0x1430] =	vst v7;
	v5 =	vadd.f32 v5, v15  }
0x42a: {  	v42 =	vld [tilespmem:s22+$0xC030];
	[tilespmem:s20+$0x1440] =	vst v6;
	v4 =	vadd.f32 v4, v11  }
0x42b: {  	v43 =	vld [tilespmem:s22+$0xC040];
	[tilespmem:s20+$0x1450] =	vst v5;
	v3 =	vadd.f32 v3, v10  }
0x42c: {  	v44 =	vld [tilespmem:s22+$0xC050];
	[tilespmem:s20+$0x1460] =	vst v4  }
0x42d: {  	v45 =	vld [tilespmem:s22+$0xC060];
	[tilespmem:s20+$0x1470] =	vst v3;
	s20 =	smov.u32 s22  }
0x42e: {  	v46 =	vld [tilespmem:s20+$0xC070]  }
0x42f: {  	v47 =	vld [tilespmem:s20+$0xC400]  }
0x430: {  	v48 =	vld [tilespmem:s20+$0xC410]  }
0x431: {  	v49 =	vld [tilespmem:s20+$0xC420]  }
0x432: {  	v50 =	vld [tilespmem:s20+$0xC430]  }
0x433: {  	v38 =	vld [tilespmem:s20+$0xC440]  }
0x434: {  	v37 =	vld [tilespmem:s20+$0xC450]  }
0x435: {  	v36 =	vld [tilespmem:s20+$0xC460]  }
0x436: {  	v35 =	vld [tilespmem:s20+$0xC470]  }
0x437: {  	v34 =	vld [tilespmem:s20+$0xC800]  }
0x438: {  	v33 =	vld [tilespmem:s20+$0xC810]  }
0x439: {  	v32 =	vld [tilespmem:s20+$0xC820]  }
0x43a: {  	v31 =	vld [tilespmem:s20+$0xC830]  }
0x43b: {  	v30 =	vld [tilespmem:s20+$0xC840]  }
0x43c: {  	v29 =	vld [tilespmem:s20+$0xC850]  }
0x43d: {  	v28 =	vld [tilespmem:s20+$0xC860]  }
0x43e: {  	v27 =	vld [tilespmem:s20+$0xC870]  }
0x43f: {  	v26 =	vld [tilespmem:s20+$0xCC00]  }
0x440: {  	v25 =	vld [tilespmem:s20+$0xCC10]  }
0x441: {  	v24 =	vld [tilespmem:s20+$0xCC20]  }
0x442: {  	v23 =	vld [tilespmem:s20+$0xCC30]  }
0x443: {  	v22 =	vld [tilespmem:s20+$0xCC40]  }
0x444: {  	v21 =	vld [tilespmem:s20+$0xCC50]  }
0x445: {  	v20 =	vld [tilespmem:s20+$0xCC60]  }
0x446: {  	v19 =	vld [tilespmem:s20+$0xCC70]  }
0x447: {  	v18 =	vld [tilespmem:s20+$0xD000]  }
0x448: {  	v17 =	vld [tilespmem:s20+$0xD010]  }
0x449: {  	v16 =	vld [tilespmem:s20+$0xD020]  }
0x44a: {  	v15 =	vld [tilespmem:s20+$0xD030]  }
0x44b: {  	v14 =	vld [tilespmem:s20+$0xD040]  }
0x44c: {  	v13 =	vld [tilespmem:s20+$0xD050]  }
0x44d: {  	v12 =	vld [tilespmem:s20+$0xD060]  }
0x44e: {  	v11 =	vld [tilespmem:s20+$0xD070]  }
0x44f: {  	v10 =	vld [tilespmem:s20+$0xD400]  }
0x450: {  	v9 =	vld [tilespmem:s20+$0xD410]  }
0x451: {  	v8 =	vld [tilespmem:s20+$0xD420]  }
0x452: {  	v7 =	vld [tilespmem:s20+$0xD430]  }
0x453: {  	v6 =	vld [tilespmem:s20+$0xD440]  }
0x454: {  	v5 =	vld [tilespmem:s20+$0xD450]  }
0x455: {  	v4 =	vld [tilespmem:s20+$0xD460]  }
0x456: {  	v3 =	vld [tilespmem:s20+$0xD470]  }
0x457: {  	v51 =	vld [tilespmem:s20+$0x0]  }
0x458: {  	v52 =	vld [tilespmem:s20+$0x10]  }
0x459: {  	v53 =	vld [tilespmem:s20+$0x20]  }
0x45a: {  	v54 =	vld [tilespmem:s20+$0x30]  }
0x45b: {  	v55 =	vld [tilespmem:s20+$0x40]  }
0x45c: {  	v39 =	vadd.f32 v39, v51;
	v51 =	vld [tilespmem:s20+$0x50]  }
0x45d: {  	v40 =	vadd.f32 v40, v52;
	v52 =	vld [tilespmem:s20+$0x60]  }
0x45e: {  	[tilespmem:s20+$0x0] =	vst v39;
	v39 =	vadd.f32 v41, v53;
	v41 =	vld [tilespmem:s20+$0x70]  }
0x45f: {  	[tilespmem:s20+$0x10] =	vst v40;
	v40 =	vadd.f32 v42, v54;
	v42 =	vld [tilespmem:s20+$0x400]  }
0x460: {  	[tilespmem:s20+$0x20] =	vst v39;
	v39 =	vadd.f32 v43, v55;
	v43 =	vld [tilespmem:s20+$0x410]  }
0x461: {  	[tilespmem:s20+$0x30] =	vst v40;
	v40 =	vadd.f32 v44, v51;
	v44 =	vld [tilespmem:s20+$0x420]  }
0x462: {  	[tilespmem:s20+$0x40] =	vst v39;
	v39 =	vadd.f32 v45, v52;
	v45 =	vld [tilespmem:s20+$0x430]  }
0x463: {  	[tilespmem:s20+$0x50] =	vst v40;
	v40 =	vadd.f32 v46, v41;
	v41 =	vld [tilespmem:s20+$0x440]  }
0x464: {  	[tilespmem:s20+$0x60] =	vst v39;
	v39 =	vadd.f32 v47, v42;
	v42 =	vld [tilespmem:s20+$0x450]  }
0x465: {  	[tilespmem:s20+$0x70] =	vst v40;
	v40 =	vadd.f32 v48, v43;
	v43 =	vld [tilespmem:s20+$0x460]  }
0x466: {  	[tilespmem:s20+$0x400] =	vst v39;
	v39 =	vadd.f32 v49, v44;
	v44 =	vld [tilespmem:s20+$0x470]  }
0x467: {  	[tilespmem:s20+$0x410] =	vst v40;
	v40 =	vadd.f32 v50, v45;
	v45 =	vld [tilespmem:s20+$0x800]  }
0x468: {  	[tilespmem:s20+$0x420] =	vst v39;
	v38 =	vadd.f32 v38, v41;
	v39 =	vld [tilespmem:s20+$0x810]  }
0x469: {  	[tilespmem:s20+$0x430] =	vst v40;
	v37 =	vadd.f32 v37, v42;
	v40 =	vld [tilespmem:s20+$0x820]  }
0x46a: {  	[tilespmem:s20+$0x440] =	vst v38;
	v36 =	vadd.f32 v36, v43;
	v38 =	vld [tilespmem:s20+$0x830]  }
0x46b: {  	[tilespmem:s20+$0x450] =	vst v37;
	v35 =	vadd.f32 v35, v44;
	v37 =	vld [tilespmem:s20+$0x840]  }
0x46c: {  	[tilespmem:s20+$0x460] =	vst v36;
	v34 =	vadd.f32 v34, v45;
	v36 =	vld [tilespmem:s20+$0x850]  }
0x46d: {  	[tilespmem:s20+$0x470] =	vst v35;
	v33 =	vadd.f32 v33, v39;
	v35 =	vld [tilespmem:s20+$0x860]  }
0x46e: {  	[tilespmem:s20+$0x800] =	vst v34;
	v32 =	vadd.f32 v32, v40;
	v34 =	vld [tilespmem:s20+$0x870]  }
0x46f: {  	[tilespmem:s20+$0x810] =	vst v33;
	v31 =	vadd.f32 v31, v38;
	v33 =	vld [tilespmem:s20+$0xC00]  }
0x470: {  	[tilespmem:s20+$0x820] =	vst v32;
	v30 =	vadd.f32 v30, v37;
	v32 =	vld [tilespmem:s20+$0xC10]  }
0x471: {  	[tilespmem:s20+$0x830] =	vst v31;
	v29 =	vadd.f32 v29, v36;
	v31 =	vld [tilespmem:s20+$0xC20]  }
0x472: {  	[tilespmem:s20+$0x840] =	vst v30;
	v28 =	vadd.f32 v28, v35;
	v30 =	vld [tilespmem:s20+$0xC30]  }
0x473: {  	[tilespmem:s20+$0x850] =	vst v29;
	v27 =	vadd.f32 v27, v34;
	v29 =	vld [tilespmem:s20+$0xC40]  }
0x474: {  	[tilespmem:s20+$0x860] =	vst v28;
	v26 =	vadd.f32 v26, v33;
	v28 =	vld [tilespmem:s20+$0xC50]  }
0x475: {  	[tilespmem:s20+$0x870] =	vst v27;
	v25 =	vadd.f32 v25, v32;
	v27 =	vld [tilespmem:s20+$0xC60]  }
0x476: {  	[tilespmem:s20+$0xC00] =	vst v26;
	v24 =	vadd.f32 v24, v31;
	v26 =	vld [tilespmem:s20+$0xC70]  }
0x477: {  	[tilespmem:s20+$0xC10] =	vst v25;
	v23 =	vadd.f32 v23, v30;
	v25 =	vld [tilespmem:s20+$0x1000]  }
0x478: {  	[tilespmem:s20+$0xC20] =	vst v24;
	v22 =	vadd.f32 v22, v29;
	v24 =	vld [tilespmem:s20+$0x1010]  }
0x479: {  	[tilespmem:s20+$0xC30] =	vst v23;
	v21 =	vadd.f32 v21, v28;
	v23 =	vld [tilespmem:s20+$0x1020]  }
0x47a: {  	[tilespmem:s20+$0xC40] =	vst v22;
	v20 =	vadd.f32 v20, v27;
	v22 =	vld [tilespmem:s20+$0x1030]  }
0x47b: {  	[tilespmem:s20+$0xC50] =	vst v21;
	v19 =	vadd.f32 v19, v26;
	v21 =	vld [tilespmem:s20+$0x1040]  }
0x47c: {  	[tilespmem:s20+$0xC60] =	vst v20;
	v18 =	vadd.f32 v18, v25;
	v20 =	vld [tilespmem:s20+$0x1050]  }
0x47d: {  	[tilespmem:s20+$0xC70] =	vst v19;
	v17 =	vadd.f32 v17, v24;
	v19 =	vld [tilespmem:s20+$0x1060]  }
.Ltmp3:
0x47e: {  	[tilespmem:s20+$0x1000] =	vst v18;
	v18 =	vadd.f32 v16, v23;
	v16 =	vld [tilespmem:s20+$0x1070];
	(pc) =	sbr.rel @p0 .LBB2_8-.Ltmp3, $4  }
0x47f: {  	[tilespmem:s20+$0x1010] =	vst v17;
	v17 =	vadd.f32 v15, v22;
	v15 =	vld [tilespmem:s20+$0x1400]  }
0x480: {  	[tilespmem:s20+$0x1020] =	vst v18;
	v21 =	vadd.f32 v14, v21;
	v14 =	vld [tilespmem:s20+$0x1410]  }
0x481: {  	[tilespmem:s20+$0x1030] =	vst v17;
	v18 =	vadd.f32 v13, v20;
	v13 =	vld [tilespmem:s20+$0x1420]  }
0x482: {  	s21 =	sadd.s32 $0x1, s21;
	[tilespmem:s20+$0x1040] =	vst v21;
	v17 =	vadd.f32 v12, v19;
	v12 =	vld [tilespmem:s20+$0x1430]  }
0x483: {  	[tilespmem:s20+$0x1050] =	vst v18;
	v60 =	vld [tilespmem:s20+$0x1440];
	v11 =	vadd.f32 v11, v16  }
0x484: {  	v61 =	vld [tilespmem:s20+$0x1450];
	[tilespmem:s20+$0x1060] =	vst v17;
	v10 =	vadd.f32 v10, v15  }
0x485: {  	v62 =	vld [tilespmem:s20+$0x1460];
	[tilespmem:s20+$0x1070] =	vst v11;
	v9 =	vadd.f32 v9, v14  }
0x486: {  	v63 =	vld [tilespmem:s20+$0x1470];
	[tilespmem:s20+$0x1400] =	vst v10;
	v8 =	vadd.f32 v8, v13  }
0x487: {  	[tilespmem:s20+$0x1410] =	vst v9;
	v7 =	vadd.f32 v7, v12  }
0x488: {  	[tilespmem:s20+$0x1420] =	vst v8;
	v6 =	vadd.f32 v6, v60  }
0x489: {  	v5 =	vadd.f32 v5, v61;
	[tilespmem:s20+$0x1430] =	vst v7  }
0x48a: {  	v4 =	vadd.f32 v4, v62;
	[tilespmem:s20+$0x1440] =	vst v6  }
0x48b: {  	v3 =	vadd.f32 v3, v63;
	[tilespmem:s20+$0x1450] =	vst v5  }
0x48c: {  	[tilespmem:s20+$0x1460] =	vst v4  }
0x48d: {  	s19 =	rddreg [dreg:$0xa];
	[tilespmem:s20+$0x1470] =	vst v3  }
0x48e: {  	[hbm4b:s19+s1] =	stream.linear.scatter [tilespmem:s1], [sflag:$0x3], $0xC000, $0x38;
	[tilespmem:$0x18100] =	vst v63  }
0x48f: {  	_ =	swait.ge [sflag:s16], $0xC000  }
0x490: {  	s18 =	sadd.s32 $0x1, s18;
	s23 =	rddreg [dreg:$0xb]  }
0x491: {  	p0 =	sne.s32 s18, s23  }
.Ltmp4:
0x492: {  	_ = 	snop;
	(pc) =	sbr.rel @p0 .LBB2_1-.Ltmp4, $3  }
0x493: {  	_ =	sdelay $0x1  }
0x494: {  	[sflag:s16] =	ssyncset.done $0x0  }
0x495: {  	[sflag:s16] =	ssyncadd.s32 $0xFFFF4000  }
0x496: {  	_ =	sfence.sel $0x180000  }
0x497: {  	[bflag:$0x0] =	sbarrier.arrive $0xFFFF  }
0x498: {  	_ =	strace $0x9000004A  }
0x499: {  	s0 =	stileid.u32;
	[bflag:$0x2] =	sbarrier.arrive $0xFFFF  }
0x49a: {  	p0 =	sne.s32 s0, $0x0;
	s0 =	rddreg [dreg:$0x2]  }
0x49b: {  	s0 =	sadd.s32 @!p0 $0x100000, s0  }
0x49c: {  	[sflag:s0] =	ssyncadd.tile.s32 @!p0 $0x1;
	_ =	shalt  }
.Lfunc_end2:
_tile_overlayer_lowered:
.L_overlay_start_2:
0x49d: {  	(tag) =	ssettag $0x2  }
0x49e: {  	s0 =	rddreg [dreg:$0x0];
	s2 =	stileid.u32  }
0x49f: {  	s1 =	rddreg [dreg:$0x1];
	p0 =	sne.s32 s2, $0x0  }
0x4a0: {  	s3 =	rddreg [dreg:$0x2];
	[bflag:$0x3] =	sbarrier.arrive $0xFFFF;
	s2 =	simm.s32 @!p0 $0x1C03  }
0x4a1: {  	[timem:s3], [sflag:s2] =	dma.local @!p0 [hbm:s0], s1  }
0x4a2: {  	s0 =	simm.s32 @!p0 $0x3  }
0x4a3: {  	_ =	swait.ge @!p0 [sflag:s0], s1  }
0x4a4: {  	s1 =	ssub.s32 @!p0 $0x0, s1;
	[sflag:s0] =	ssyncset.done @!p0 $0x0  }
0x4a5: {  	[sflag:s0] =	ssyncadd.s32 @!p0 s1  }
0x4a6: {  	[bflag:$0x3] =	sbarrier.arrive $0xFFFF  }
0x4a7: {  	_ =	shalt  }

// kernel: kernel.7.cloned.1.call-start
scs
__scs_entry_jumppad:
0x0: {  	(pc) =	sbr.rel $0x88, $3  }
0x1: {  	(tag) =	ssettag $0x0;
	lr =	simm.s32 $0x1  }
0x2: {  	[smem:$0x3F9C] =	sst lr;
	_ =	strace $0xD0000000  }
0x3: {  	_ = 	snop  }
0x4: {  	_ = 	snop  }
0x5: {  	_ = 	snop  }
0x6: {  	_ = 	snop  }
0x7: {  	_ = 	snop  }
__scs_overlays_trampoline_lowered:
0x8: {  	[smem:$0x3FAB] =	sst s0  }
0x9: {  	[smem:$0x3FAC] =	sst s1  }
0xa: {  	[smem:$0x3FAD] =	sst s2  }
0xb: {  	[smem:$0x3FAE] =	sst s3  }
0xc: {  	[smem:$0x3FAF] =	sst s4  }
0xd: {  	[smem:$0x3FB0] =	sst s5  }
0xe: {  	[smem:$0x3FB1] =	sst s6  }
0xf: {  	[smem:$0x3FB2] =	sst s7  }
0x10: {  	[smem:$0x3FB3] =	sst s8  }
0x11: {  	[smem:$0x3FB4] =	sst s9;
	s0 =	simm.s32 @!p0 $0x0  }
0x12: {  	s1 =	sld [smem:$0x3F9A];
	s0 =	simm.s32 @p0 $0x1  }
0x13: {  	[smem:$0x3FB5] =	sst s0;
	s0 =	simm.s32 @!p1 $0x0  }
0x14: {  	s2 =	sld [smem:$0x3F99];
	s0 =	simm.s32 @p1 $0x1  }
0x15: {  	[smem:$0x3FB6] =	sst s0;
	s0 =	simm.s32 @!p2 $0x0  }
0x16: {  	s3 =	sld [smem:$0x3FDB];
	s0 =	simm.s32 @p2 $0x1  }
0x17: {  	s4 =	simm.s32 $0x1BF5;
	[smem:$0x3FB8] =	sst s0  }
0x18: {  	s0 =	sld [smem:$0x3F9B];
	_ =	swait.ge [sflag:s4], $0x0  }
0x19: {  	s7 =	sld [smem:$0x3F9C]  }
0x1a: {  	s8 =	sadd.s32 $0xFFFFE003, lr  }
0x1b: {  	s9 =	sadd.s32 $0xFFFFFEF7, lr;
	s5 =	simm.s32 $0xFFFFFFFF;
	p2 =	slt.u32 s8, $0xFFFFF086  }
0x1c: {  	p1 =	slt.u32 s9, $0xF7A;
	s5 =	simm.s32 @!p2 $0x0  }
0x1d: {  	s5 =	simm.s32 @p1 $0x1;
	p0 =	seq.s32 s7, s2  }
0x1e: {  	s7 =	smul.u32 @!p0 $0xF7A, s2;
	p2 =	seq.s32 @!p0 s5, $0x0  }
0x1f: {  	s9 =	smul.u32 $0xF7A, s1;
	s8 =	simm.s32 @!p0 $0x1BF5;
	p2 =	por !p2, p0  }
0x20: {  	[sflag:s8] =	ssyncset.s32 @!p0 $0xFFFFF086;
	s6 =	sadd.s32 @!p0 s3, s7;
	s7 =	simm.s32 @!p0 $0x108  }
0x21: {  	s3 =	sadd.s32 s3, s9;
	s6 =	sadd.s32 @!p0 $0x88, s6;
	s7 =	simm.s32 @p2 $0x1082  }
0x22: {  	[simem:s7], [sflag:s8] =	dma.local @!p0 [hbm:s6], $0xF7A  }
0x23: {  	s9 =	sor.u32 $0xD0000000, s2;
	s6 =	simm.s32 $0x108;
	_ =	swait.ge @!p0 [sflag:s8], $0x0  }
0x24: {  	s3 =	sadd.s32 $0x88, s3;
	s6 =	simm.s32 @!p1 $0x1082;
	[sflag:s4] =	ssyncset.s32 $0xFFFFF086  }
0x25: {  	[simem:s6], [sflag:s4] =	dma.local [hbm:s3], $0xF7A  }
0x26: {  	[smem:$0x3F9C] =	sst s1;
	(tag) =	ssettag s2;
	_ =	strace s9  }
0x27: {  	s1 =	sld [smem:$0x3FAC]  }
0x28: {  	s2 =	sld [smem:$0x3FAD]  }
0x29: {  	s4 =	sld [smem:$0x3FAF]  }
0x2a: {  	p0 =	seq.s32 s5, $0x0;
	s5 =	sld [smem:$0x3FB0]  }
0x2b: {  	s6 =	sld [smem:$0x3FB1]  }
0x2c: {  	s7 =	sld [smem:$0x3FB2]  }
0x2d: {  	s3 =	simm.s32 $0x108;
	s8 =	sld [smem:$0x3FB3]  }
0x2e: {  	s3 =	simm.s32 @!p0 $0x1082;
	s9 =	sld [smem:$0x3FB4]  }
0x2f: {  	lr =	sadd.s32 s0, s3;
	s0 =	sld [smem:$0x3FAB]  }
0x30: {  	s3 =	sld [smem:$0x3FAE]  }
0x31: {  	[smem:$0x3FB7] =	sst s10  }
0x32: {  	s10 =	sld [smem:$0x3FB5];
	_ =	sdelay $0x3  }
0x33: {  	p0 =	seq.s32 s10, $0x1;
	s10 =	sld [smem:$0x3FB7];
	_ =	sdelay $0x3  }
0x34: {  	[smem:$0x3FB7] =	sst s10  }
0x35: {  	s10 =	sld [smem:$0x3FB6];
	_ =	sdelay $0x3  }
0x36: {  	p1 =	seq.s32 s10, $0x1;
	s10 =	sld [smem:$0x3FB7];
	_ =	sdelay $0x3  }
0x37: {  	[smem:$0x3FB7] =	sst s10  }
0x38: {  	s10 =	sld [smem:$0x3FB8]  }
0x39: {  	_ = 	snop;
	(pc) =	sbr.ind lr, $3  }
0x3a: {  	_ = 	snop  }
0x3b: {  	_ = 	snop  }
0x3c: {  	p2 =	seq.s32 s10, $0x1;
	s10 =	sld [smem:$0x3FB7]  }
0x3d: {  	_ =	shalt  }
0x3e: {  	_ =	shalt  }
0x3f: {  	_ =	shalt  }
0x40: {  	_ =	shalt  }
0x41: {  	_ =	shalt  }
0x42: {  	_ =	shalt  }
0x43: {  	_ =	shalt  }
0x44: {  	_ =	shalt  }
0x45: {  	_ =	shalt  }
0x46: {  	_ =	shalt  }
0x47: {  	_ =	shalt  }
0x48: {  	_ =	shalt  }
0x49: {  	_ =	shalt  }
0x4a: {  	_ =	shalt  }
0x4b: {  	_ =	shalt  }
0x4c: {  	_ =	shalt  }
0x4d: {  	_ =	shalt  }
0x4e: {  	_ =	shalt  }
0x4f: {  	_ =	shalt  }
0x50: {  	_ =	shalt  }
0x51: {  	_ =	shalt  }
0x52: {  	_ =	shalt  }
0x53: {  	_ =	shalt  }
0x54: {  	_ =	shalt  }
0x55: {  	_ =	shalt  }
0x56: {  	_ =	shalt  }
0x57: {  	_ =	shalt  }
0x58: {  	_ =	shalt  }
0x59: {  	_ =	shalt  }
0x5a: {  	_ =	shalt  }
0x5b: {  	_ =	shalt  }
0x5c: {  	_ =	shalt  }
0x5d: {  	_ =	shalt  }
0x5e: {  	_ =	shalt  }
0x5f: {  	_ =	shalt  }
0x60: {  	_ =	shalt  }
0x61: {  	_ =	shalt  }
0x62: {  	_ =	shalt  }
0x63: {  	_ =	shalt  }
0x64: {  	_ =	shalt  }
0x65: {  	_ =	shalt  }
0x66: {  	_ =	shalt  }
0x67: {  	_ =	shalt  }
0x68: {  	_ =	shalt  }
0x69: {  	_ =	shalt  }
0x6a: {  	_ =	shalt  }
0x6b: {  	_ =	shalt  }
0x6c: {  	_ =	shalt  }
0x6d: {  	_ =	shalt  }
0x6e: {  	_ =	shalt  }
0x6f: {  	_ =	shalt  }
0x70: {  	_ =	shalt  }
0x71: {  	_ =	shalt  }
0x72: {  	_ =	shalt  }
0x73: {  	_ =	shalt  }
0x74: {  	_ =	shalt  }
0x75: {  	_ =	shalt  }
0x76: {  	_ =	shalt  }
0x77: {  	_ =	shalt  }
0x78: {  	_ =	shalt  }
0x79: {  	_ =	shalt  }
0x7a: {  	_ =	shalt  }
0x7b: {  	_ =	shalt  }
0x7c: {  	_ =	shalt  }
0x7d: {  	_ =	shalt  }
0x7e: {  	_ =	shalt  }
0x7f: {  	_ =	shalt  }
0x80: {  	_ =	shalt  }
0x81: {  	_ =	shalt  }
0x82: {  	_ =	shalt  }
0x83: {  	_ =	shalt  }
0x84: {  	_ =	shalt  }
0x85: {  	_ =	shalt  }
0x86: {  	_ =	shalt  }
0x87: {  	_ =	shalt  }
.Lfunc_end0:
.L_simem_size_0:
called_computation_lowered:
.L_overlay_start_0:
0x88: {  	s2 =	sld [smem:$0x3FD9]  }
0x89: {  	s3 =	sld [smem:$0x3FFE];
	_ =	sdelay $0x1  }
0x8a: {  	s1 =	srdreg.scid  }
0x8b: {  	s0 =	sand.u32 $0x1, s1  }
0x8c: {  	s17 =	sshll.u32 s0, $0xA;
	s2 =	sadd.s32 s3, s2  }
0x8d: {  	s2 =	sadd.s32 s2, s17  }
0x8e: {  	[smem:$0x3FC3] =	sst s2  }
0x8f: {  	_ = 	snop  }
0x90: {  	s2 =	sld [smem:$0x3FD0];
	(tm) =	ssettm $0x1  }
0x91: {  	s18 =	sld [smem:$0x3FFB];
	_ =	sdelay $0x3  }
0x92: {  	_ =	strace s18  }
0x93: {  	s3 =	sld [smem:$0x3FFC];
	_ =	sdelay $0x3  }
0x94: {  	_ =	strace s3  }
0x95: {  	s3 =	sld [smem:$0x3FFD];
	_ =	sdelay $0x3  }
0x96: {  	_ =	strace s3  }
0x97: {  	_ =	strace $0x8FFFFFFF  }
0x98: {  	s19 =	sld [smem:$0x3FDB];
	_ =	sdelay $0x1  }
0x99: {  	s4 =	simm.s32 $_scs_section_size  }
0x9a: {  	s5 =	simm.s32 $_size__tile_overlayer_lowered;
	s6 =	simm.s32 $_tile_overlayer_lowered  }
0x9b: {  	s22 =	simm.s32 $0x1BFF;
	s21 =	sshll.u32 s6, $0x1;
	s3 =	sadd.s32 s4, s19  }
0x9c: {  	s7 =	simm.s32 $0x0;
	s20 =	sshll.u32 s5, $0x1;
	s5 =	sadd.s32 s21, s3  }
0x9d: {  	[timem:s7], [sflag:s22] =	dma.local [hbm:s5], s20  }
0x9e: {  	_ =	swait.ge [sflag:s22], s20  }
0x9f: {  	s4 =	ssub.s32 $0x0, s20;
	[sflag:s22] =	ssyncset.done $0x0  }
0xa0: {  	[sflag:s22] =	ssyncadd.s32 s4;
	_ =	sdelay $0x1  }
0xa1: {  	s23 =	simm.s32 $0x1B8B  }
0xa2: {  	_ =	swait.ge [sflag:s23], $0x1  }
0xa3: {  	[sflag:s23] =	ssyncset.done $0x0  }
0xa4: {  	s25 =	simm.s32 $0x1B8E;
	s24 =	sld [smem:$0x3FFE];
	[sflag:s23] =	ssyncadd.s32 $0xFFFFFFFF  }
0xa5: {  	s26 =	simm.s32 $execute0_lowered;
	[smem:$0x3FD2] =	sst s25  }
0xa6: {  	s5 =	sshll.u32 s26, $0x1;
	_ =	strace $0x80000046;
	[dreg:$0x1] =	wrdreg $0xFFFFFFFF  }
0xa7: {  	s28 =	simm.s32 $_size_execute0_lowered;
	s3 =	sadd.s32 s3, s5;
	[dreg:$0x0] =	wrdreg $0x0  }
0xa8: {  	s5 =	sshll.u32 s28, $0x1;
	[dreg:$0x2] =	wrdreg s3  }
0xa9: {  	[dreg:$0x3] =	wrdreg s5  }
0xaa: {  	[dreg:$0x4] =	wrdreg $0xC0  }
0xab: {  	_ =	task [dreg:s7], $0x5FFFF  }
0xac: {  	[dreg:$0x1] =	wrdreg $0xFFFFFFFF  }
0xad: {  	[dreg:$0x0] =	wrdreg $0x60  }
0xae: {  	[dreg:$0x2] =	wrdreg s2  }
0xaf: {  	[dreg:$0x3] =	wrdreg s24  }
0xb0: {  	[dreg:$0x4] =	wrdreg $0x9  }
0xb1: {  	_ =	task.clear_ibuf [dreg:s7], $0x5FFFF;
	_ =	strace $0x90000046  }
0xb2: {  	s29 =	simm.s32 $0x9;
	_ =	strace $0x80000048  }
0xb3: {  	_ =	swait.ge [sflag:s29], $0x1  }
0xb4: {  	[sflag:s29] =	ssyncadd.s32 $0xFFFFFFFF  }
0xb5: {  	_ =	strace $0x90000048  }
0xb6: {  	_ =	sfence  }
0xb7: {  	s30 =	sld [smem:$0x0];
	_ =	sdelay $0x2  }
0xb8: {  	s31 =	sshll.u32 s1, $0xD;
	s1 =	sshrl.u32 s1, $0x2  }
0xb9: {  	s3 =	sand.u32 $0x4000, s31;
	s1 =	sadd.s32 s1, s30  }
0xba: {  	s0 =	sor.u32 s3, s0;
	s1 =	sshll.u32 s1, $0x11  }
0xbb: {  	s0 =	sor.u32 s1, s0  }
0xbc: {  	s0 =	sadd.s32 $0x8F2B, s0  }
0xbd: {  	[sflag:s0] =	ssyncadd.remote.s32 $0x1  }
0xbe: {  	_ =	sfence.sel $0xFFFF  }
0xbf: {  	[dreg:$0x0] =	wrdreg $0xFFFFFFFF;
	(pc) =	sbr.abs _section_cstart, $3  }
0xc0: {  	[dreg:$0x1] =	wrdreg $0xFFFFFFFF  }
0xc1: {  	_ =	task.clear_ibuf [dreg:s7], $0x2FFFF;
	_ =	strace $0x9FFFFFFF  }
0xc2: {  	(tm) =	ssettm $0x7FFFFFFF  }
0xc3: {  	_ =	shalt  }
tec
execute0_lowered:
.L_overlay_start_1:
0x0: {  	(tag) =	ssettag $0x1  }
0x1: {  	s1 =	srdreg.scid  }
0x2: {  	s0 =	stileid.u32;
	s4 =	rddreg [dreg:$0x0];
	s2 =	simm.s32 $0x0  }
0x3: {  	s5 =	sand.u32 $0x1, s1;
	s26 =	sshll.u32 s0, $0x1;
	s1 =	rddreg [dreg:$0x1]  }
0x4: {  	[smem:$0x7FF] =	sst s2;
	p0 =	slt.u32 s0, $0x8;
	s0 =	simm.s32 $0x18000  }
0x5: {  	s14 =	simm.s32 $0x3800;
	_ =	strace $0x80000047;
	[dreg:$0x6] =	wrdreg s0  }
0x6: {  	s15 =	simm.s32 $0x3C00;
	[dreg:$0xf] =	wrdreg s14  }
0x7: {  	s16 =	simm.s32 $0x4400;
	[dreg:$0x10] =	wrdreg s15  }
0x8: {  	s17 =	simm.s32 $0x4800;
	[dreg:$0x11] =	wrdreg s16  }
0x9: {  	s18 =	simm.s32 $0x5000;
	[dreg:$0x12] =	wrdreg s17  }
0xa: {  	s19 =	simm.s32 $0x5400;
	[dreg:$0x13] =	wrdreg s18  }
0xb: {  	s20 =	simm.s32 $0x5C00;
	[dreg:$0x14] =	wrdreg s19  }
0xc: {  	s21 =	simm.s32 $0x6000;
	[dreg:$0x15] =	wrdreg s20  }
0xd: {  	s22 =	simm.s32 $0x6800;
	[dreg:$0x16] =	wrdreg s21  }
0xe: {  	s23 =	simm.s32 $0x6C00;
	[dreg:$0x17] =	wrdreg s22  }
0xf: {  	s24 =	simm.s32 $0x7400;
	[dreg:$0x18] =	wrdreg s23  }
0x10: {  	s25 =	simm.s32 $0x7800;
	[dreg:$0x19] =	wrdreg s24  }
0x11: {  	s3 =	sor.u32 s5, s26;
	[dreg:$0x1a] =	wrdreg s25;
	s26 =	simm.s32 $0x8000  }
0x12: {  	s0 =	simm.s32 $0x8400;
	[dreg:$0x1b] =	wrdreg s26  }
0x13: {  	s14 =	simm.s32 $0xBC00;
	[dreg:$0x1c] =	wrdreg s0  }
0x14: {  	s28 =	simm.s32 $0x17000;
	s15 =	simm.s32 $0x18080;
	[smem:$0x7F2] =	sst s14  }
0x15: {  	s29 =	simm.s32 $0x17400;
	s16 =	simm.s32 $0xC800;
	[smem:$0x7F3] =	sst s15  }
0x16: {  	s30 =	simm.s32 $0x17C00;
	s17 =	simm.s32 $0xCC00;
	[smem:$0x7F4] =	sst s16  }
0x17: {  	s31 =	simm.s32 $0x1;
	s18 =	simm.s32 $0xD400;
	[smem:$0x7F5] =	sst s17  }
0x18: {  	s8 =	sadd.s32 $0x61200, s1;
	s19 =	simm.s32 $0xD800;
	[smem:$0x7F6] =	sst s18  }
0x19: {  	s10 =	sadd.s32 $0x91200, s1;
	s21 =	simm.s32 $0xE000;
	[smem:$0x7F7] =	sst s19  }
0x1a: {  	s5 =	ssub.s32 $0x2, s5;
	s22 =	simm.s32 $0xE400;
	[smem:$0x7F8] =	sst s21  }
0x1b: {  	s23 =	simm.s32 $0xEC00;
	s24 =	simm.s32 $0xF000;
	[smem:$0x7F9] =	sst s22  }
0x1c: {  	s25 =	simm.s32 $0xF800;
	s6 =	sshll.u32 s3, $0x8;
	[smem:$0x7FA] =	sst s23  }
0x1d: {  	s9 =	sshll.u32 s3, $0x5;
	s11 =	smul.u32 $0x3000, s3;
	[smem:$0x7FB] =	sst s24  }
0x1e: {  	s20 =	sshrl.u32 s5, $0x1;
	[smem:$0x7FC] =	sst s25;
	s7 =	sadd.s32 $0xFFFFF000, s6  }
0x1f: {  	s26 =	simm.s32 $0xFC00;
	s6 =	sadd.s32 $0xFFFFF080, s6;
	s7 =	sshrl.u32 s7, $0x3  }
0x20: {  	s14 =	simm.s32 $0x12000;
	s6 =	sshrl.u32 s6, $0x3;
	s7 =	smul.u32 $0x180, s7  }
0x21: {  	s15 =	simm.s32 $0x12800;
	s12 =	sor.u32 $0x10, s9;
	s6 =	smul.u32 $0x180, s6  }
0x22: {  	[smem:$0x7FD] =	sst s26;
	s13 =	smul.u32 $0x180, s12;
	s7 =	sadd.s32 s8, s7  }
0x23: {  	s6 =	sadd.s32 s8, s6;
	s8 =	sadd.s32 s4, s11;
	s11 =	simm.s32 $0x2400  }
0x24: {  	s4 =	sadd.s32 s4, s13;
	s13 =	simm.s32 $0x3000;
	[dreg:$0xc] =	wrdreg s11  }
0x25: {  	s16 =	simm.s32 $0x12C00;
	s7 =	smov.u32 @p0 s8;
	[dreg:$0xe] =	wrdreg s13  }
0x26: {  	s3 =	sadd.s32 s10, s9;
	s6 =	smov.u32 @p0 s4;
	[dreg:$0x5] =	wrdreg s7  }
0x27: {  	s8 =	sadd.s32 s10, s12;
	s10 =	simm.s32 $0x2000;
	[dreg:$0x3] =	wrdreg s6  }
0x28: {  	s17 =	simm.s32 $0x13400;
	s12 =	simm.s32 $0x2C00;
	[dreg:$0xb] =	wrdreg s10  }
0x29: {  	s18 =	simm.s32 $0x13800;
	s11 =	simm.s32 $0xA800;
	[dreg:$0xd] =	wrdreg s12  }
0x2a: {  	s9 =	sadd.s32 $0x10, s3;
	s13 =	simm.s32 $0xB400;
	[smem:$0x7EF] =	sst s11  }
0x2b: {  	s19 =	simm.s32 $0x14000;
	s9 =	smov.u32 @p0 s8;
	[smem:$0x7F1] =	sst s13  }
0x2c: {  	s21 =	simm.s32 $0x14C00;
	s6 =	simm.s32 $0x800;
	[dreg:$0x4] =	wrdreg s9  }
0x2d: {  	s22 =	simm.s32 $0x15000;
	s7 =	simm.s32 $0xC00;
	[dreg:$0x7] =	wrdreg s6  }
0x2e: {  	s23 =	simm.s32 $0x15800;
	s8 =	simm.s32 $0x1400;
	[dreg:$0x8] =	wrdreg s7  }
0x2f: {  	s24 =	simm.s32 $0x15C00;
	s10 =	simm.s32 $0xA400;
	[dreg:$0x9] =	wrdreg s8  }
0x30: {  	s25 =	simm.s32 $0x16400;
	s12 =	simm.s32 $0xB000;
	[smem:$0x7EE] =	sst s10  }
0x31: {  	s26 =	simm.s32 $0x16800;
	s9 =	simm.s32 $0x1800;
	[smem:$0x7F0] =	sst s12  }
0x32: {  	s4 =	sadd.s32 $0x91600, s1;
	s6 =	simm.s32 $0x8C00;
	[dreg:$0xa] =	wrdreg s9  }
0x33: {  	s11 =	simm.s32 $0x11000;
	s7 =	simm.s32 $0x9000;
	[dreg:$0x1d] =	wrdreg s6  }
0x34: {  	s13 =	simm.s32 $0x11C00;
	s8 =	simm.s32 $0x9800;
	[dreg:$0x1e] =	wrdreg s7  }
0x35: {  	s10 =	simm.s32 $0x10800;
	s12 =	simm.s32 $0x11400;
	[dreg:$0x1f] =	wrdreg s8  }
0x36: {  	v2 =	vlaneseq.u32;
	s9 =	simm.s32 $0x9C00;
	s7 =	ssub.s32 s5, s20;
	s5 =	sadd.s32 $0x91700, s1  }
0x37: {  	vm0 =	vmmov $0xffff;
	vm1 =	vmmov $0xff;
	v1 =	vshrl.u32 v2, $0x3;
	s8 =	simm.s32 $0xC000;
	s20 =	simm.s32 $0x14400;
	s1 =	simm.s32 $0x2  }
0x38: {  	v0 =	vand.u32 $0x7, v2;
	v2 =	vor.u32 $0x8, v2;
	v1 =	vmul.u32 $0x8, v1;
	[smem:$0x7ED] =	sst s9;
	s6 =	smax.u32 s7, $0x1;
	s7 =	simm.s32 $0x3  }
.LBB2_1:
0x39: {  	s0 =	rddreg [dreg:$0x5]  }
0x3a: {  	[tilespmem:s2], [sflag:$0x3] =	stream.linear.gather [hbm4b:s0+s2], $0xC000, $0x38;
	[tilespmem:$0x18100] =	vst v63  }
0x3b: {  	_ =	swait.ge [sflag:s7], $0xC000  }
0x3c: {  	[sflag:s7] =	ssyncset.done $0x0  }
0x3d: {  	s9 =	rddreg [dreg:$0x6];
	[sflag:s7] =	ssyncadd.s32 $0xFFFF4000  }
0x3e: {  	[tilespmem:s9], [sflag:$0x3] =	stream.linear.gather [hbm4b:s3+s2], $0x80, $0x38;
	[tilespmem:$0x18100] =	vst v63  }
0x3f: {  	_ =	swait.ge [sflag:s7], $0x80  }
0x40: {  	[sflag:s7] =	ssyncset.done $0x0  }
0x41: {  	[sflag:s7] =	ssyncadd.s32 $0xFFFFFF80  }
0x42: {  	v3 =	vld [tilespmem:$0x18000];
	_ =	sdelay $0x4  }
0x43: {  	v4 =	vshrl.u32 v3, $0x3  }
0x44: {  	v4 =	vmul.u32 $0x18, v4  }
0x45: {  	v3 =	vand.u32 $0x7, v3  }
0x46: {  	v3 =	vor.u32 v3, v4  }
0x47: {  	v4 =	vperm.xlane v3, v0;
	_ =	sdelay $0x1  }
0x48: {  	v4 =	vadd.s32 v1, v4;
	_ =	sdelay $0x1  }
0x49: {  	v3 =	vperm.xlane v3, v2;
	_ =	sdelay $0x1  }
0x4a: {  	v3 =	vadd.s32 v1, v3  }
0x4b: {  	[hbm4b:s4+s2] =	stream.indirect_vreg.scatter [tilespmem:s2], [sflag:$0x1], $0x80, v4, vm0, $0xb8;
	[tilespmem:$0x18100] =	vst v63  }
0x4c: {  	s0 =	rddreg [dreg:$0x7]  }
0x4d: {  	[hbm4b:s5+s2] =	stream.indirect_vreg.scatter [tilespmem:s0], [sflag:$0x1], $0x80, v4, vm1, $0xb8;
	[tilespmem:$0x18100] =	vst v63  }
0x4e: {  	s9 =	rddreg [dreg:$0x8]  }
0x4f: {  	[hbm4b:s4+s2] =	stream.indirect_vreg.scatter [tilespmem:s9], [sflag:$0x1], $0x80, v3, vm0, $0xb8;
	[tilespmem:$0x18100] =	vst v63  }
0x50: {  	s0 =	rddreg [dreg:$0x9]  }
0x51: {  	[hbm4b:s5+s2] =	stream.indirect_vreg.scatter [tilespmem:s0], [sflag:$0x1], $0x80, v3, vm1, $0xb8;
	[tilespmem:$0x18100] =	vst v63  }
0x52: {  	v3 =	vld [tilespmem:$0x18010];
	_ =	sdelay $0x4  }
0x53: {  	v49 =	vshrl.u32 v3, $0x3  }
0x54: {  	v4 =	vmul.u32 $0x18, v49  }
0x55: {  	v3 =	vand.u32 $0x7, v3  }
0x56: {  	v3 =	vor.u32 v3, v4  }
0x57: {  	v4 =	vperm.xlane v3, v0;
	_ =	sdelay $0x1  }
0x58: {  	v4 =	vadd.s32 v1, v4;
	_ =	sdelay $0x1  }
0x59: {  	v3 =	vperm.xlane v3, v2;
	_ =	sdelay $0x1  }
0x5a: {  	s0 =	rddreg [dreg:$0xa];
	v3 =	vadd.s32 v1, v3  }
0x5b: {  	[hbm4b:s4+s2] =	stream.indirect_vreg.scatter [tilespmem:s0], [sflag:$0x1], $0x80, v4, vm0, $0xb8;
	[tilespmem:$0x18100] =	vst v63  }
0x5c: {  	s9 =	rddreg [dreg:$0xb]  }
0x5d: {  	[hbm4b:s5+s2] =	stream.indirect_vreg.scatter [tilespmem:s9], [sflag:$0x1], $0x80, v4, vm1, $0xb8;
	[tilespmem:$0x18100] =	vst v63  }
0x5e: {  	s0 =	rddreg [dreg:$0xc]  }
0x5f: {  	[hbm4b:s4+s2] =	stream.indirect_vreg.scatter [tilespmem:s0], [sflag:$0x1], $0x80, v3, vm0, $0xb8;
	[tilespmem:$0x18100] =	vst v63  }
0x60: {  	s9 =	rddreg [dreg:$0xd]  }
0x61: {  	[hbm4b:s5+s2] =	stream.indirect_vreg.scatter [tilespmem:s9], [sflag:$0x1], $0x80, v3, vm1, $0xb8;
	[tilespmem:$0x18100] =	vst v63  }
0x62: {  	v3 =	vld [tilespmem:$0x18020];
	_ =	sdelay $0x4  }
0x63: {  	v50 =	vshrl.u32 v3, $0x3  }
0x64: {  	v4 =	vmul.u32 $0x18, v50  }
0x65: {  	v3 =	vand.u32 $0x7, v3  }
0x66: {  	v3 =	vor.u32 v3, v4  }
0x67: {  	v4 =	vperm.xlane v3, v0;
	_ =	sdelay $0x1  }
0x68: {  	v4 =	vadd.s32 v1, v4;
	_ =	sdelay $0x1  }
0x69: {  	v3 =	vperm.xlane v3, v2;
	_ =	sdelay $0x1  }
0x6a: {  	s0 =	rddreg [dreg:$0xe];
	v3 =	vadd.s32 v1, v3  }
0x6b: {  	[hbm4b:s4+s2] =	stream.indirect_vreg.scatter [tilespmem:s0], [sflag:$0x1], $0x80, v4, vm0, $0xb8;
	[tilespmem:$0x18100] =	vst v63  }
0x6c: {  	s9 =	rddreg [dreg:$0xf]  }
0x6d: {  	[hbm4b:s5+s2] =	stream.indirect_vreg.scatter [tilespmem:s9], [sflag:$0x1], $0x80, v4, vm1, $0xb8;
	[tilespmem:$0x18100] =	vst v63  }
0x6e: {  	s0 =	rddreg [dreg:$0x10]  }
0x6f: {  	[hbm4b:s4+s2] =	stream.indirect_vreg.scatter [tilespmem:s0], [sflag:$0x1], $0x80, v3, vm0, $0xb8;
	[tilespmem:$0x18100] =	vst v63  }
0x70: {  	s9 =	rddreg [dreg:$0x11]  }
0x71: {  	[hbm4b:s5+s2] =	stream.indirect_vreg.scatter [tilespmem:s9], [sflag:$0x1], $0x80, v3, vm1, $0xb8;
	[tilespmem:$0x18100] =	vst v63  }
0x72: {  	v3 =	vld [tilespmem:$0x18030];
	_ =	sdelay $0x4  }
0x73: {  	v51 =	vshrl.u32 v3, $0x3  }
0x74: {  	v4 =	vmul.u32 $0x18, v51  }
0x75: {  	v3 =	vand.u32 $0x7, v3  }
0x76: {  	v3 =	vor.u32 v3, v4  }
0x77: {  	v4 =	vperm.xlane v3, v0;
	_ =	sdelay $0x1  }
0x78: {  	v4 =	vadd.s32 v1, v4;
	_ =	sdelay $0x1  }
0x79: {  	v3 =	vperm.xlane v3, v2;
	_ =	sdelay $0x1  }
0x7a: {  	s0 =	rddreg [dreg:$0x12];
	v3 =	vadd.s32 v1, v3  }
0x7b: {  	[hbm4b:s4+s2] =	stream.indirect_vreg.scatter [tilespmem:s0], [sflag:$0x1], $0x80, v4, vm0, $0xb8;
	[tilespmem:$0x18100] =	vst v63  }
0x7c: {  	s9 =	rddreg [dreg:$0x13]  }
0x7d: {  	[hbm4b:s5+s2] =	stream.indirect_vreg.scatter [tilespmem:s9], [sflag:$0x1], $0x80, v4, vm1, $0xb8;
	[tilespmem:$0x18100] =	vst v63  }
0x7e: {  	s0 =	rddreg [dreg:$0x14]  }
0x7f: {  	[hbm4b:s4+s2] =	stream.indirect_vreg.scatter [tilespmem:s0], [sflag:$0x1], $0x80, v3, vm0, $0xb8;
	[tilespmem:$0x18100] =	vst v63  }
0x80: {  	s9 =	rddreg [dreg:$0x15]  }
0x81: {  	[hbm4b:s5+s2] =	stream.indirect_vreg.scatter [tilespmem:s9], [sflag:$0x1], $0x80, v3, vm1, $0xb8;
	[tilespmem:$0x18100] =	vst v63  }
0x82: {  	v3 =	vld [tilespmem:$0x18040];
	_ =	sdelay $0x4  }
0x83: {  	v52 =	vshrl.u32 v3, $0x3  }
0x84: {  	v4 =	vmul.u32 $0x18, v52  }
0x85: {  	v3 =	vand.u32 $0x7, v3  }
0x86: {  	v3 =	vor.u32 v3, v4  }
0x87: {  	v4 =	vperm.xlane v3, v0;
	_ =	sdelay $0x1  }
0x88: {  	v4 =	vadd.s32 v1, v4;
	_ =	sdelay $0x1  }
0x89: {  	v3 =	vperm.xlane v3, v2;
	_ =	sdelay $0x1  }
0x8a: {  	s0 =	rddreg [dreg:$0x16];
	v3 =	vadd.s32 v1, v3  }
0x8b: {  	[hbm4b:s4+s2] =	stream.indirect_vreg.scatter [tilespmem:s0], [sflag:$0x1], $0x80, v4, vm0, $0xb8;
	[tilespmem:$0x18100] =	vst v63  }
0x8c: {  	s9 =	rddreg [dreg:$0x17]  }
0x8d: {  	[hbm4b:s5+s2] =	stream.indirect_vreg.scatter [tilespmem:s9], [sflag:$0x1], $0x80, v4, vm1, $0xb8;
	[tilespmem:$0x18100] =	vst v63  }
0x8e: {  	s0 =	rddreg [dreg:$0x18]  }
0x8f: {  	[hbm4b:s4+s2] =	stream.indirect_vreg.scatter [tilespmem:s0], [sflag:$0x1], $0x80, v3, vm0, $0xb8;
	[tilespmem:$0x18100] =	vst v63  }
0x90: {  	s9 =	rddreg [dreg:$0x19]  }
0x91: {  	[hbm4b:s5+s2] =	stream.indirect_vreg.scatter [tilespmem:s9], [sflag:$0x1], $0x80, v3, vm1, $0xb8;
	[tilespmem:$0x18100] =	vst v63  }
0x92: {  	v3 =	vld [tilespmem:$0x18050];
	_ =	sdelay $0x4  }
0x93: {  	v53 =	vshrl.u32 v3, $0x3  }
0x94: {  	v4 =	vmul.u32 $0x18, v53  }
0x95: {  	v3 =	vand.u32 $0x7, v3  }
0x96: {  	v3 =	vor.u32 v3, v4  }
0x97: {  	v4 =	vperm.xlane v3, v0;
	_ =	sdelay $0x1  }
0x98: {  	v4 =	vadd.s32 v1, v4;
	_ =	sdelay $0x1  }
0x99: {  	v3 =	vperm.xlane v3, v2;
	_ =	sdelay $0x1  }
0x9a: {  	s0 =	rddreg [dreg:$0x1a];
	v3 =	vadd.s32 v1, v3  }
0x9b: {  	[hbm4b:s4+s2] =	stream.indirect_vreg.scatter [tilespmem:s0], [sflag:$0x1], $0x80, v4, vm0, $0xb8;
	[tilespmem:$0x18100] =	vst v63  }
0x9c: {  	s9 =	rddreg [dreg:$0x1b]  }
0x9d: {  	[hbm4b:s5+s2] =	stream.indirect_vreg.scatter [tilespmem:s9], [sflag:$0x1], $0x80, v4, vm1, $0xb8;
	[tilespmem:$0x18100] =	vst v63  }
0x9e: {  	s0 =	rddreg [dreg:$0x1c]  }
0x9f: {  	[hbm4b:s4+s2] =	stream.indirect_vreg.scatter [tilespmem:s0], [sflag:$0x1], $0x80, v3, vm0, $0xb8;
	[tilespmem:$0x18100] =	vst v63  }
0xa0: {  	s9 =	rddreg [dreg:$0x1d]  }
0xa1: {  	[hbm4b:s5+s2] =	stream.indirect_vreg.scatter [tilespmem:s9], [sflag:$0x1], $0x80, v3, vm1, $0xb8;
	[tilespmem:$0x18100] =	vst v63  }
0xa2: {  	v3 =	vld [tilespmem:$0x18060];
	_ =	sdelay $0x4  }
0xa3: {  	v54 =	vshrl.u32 v3, $0x3  }
0xa4: {  	v4 =	vmul.u32 $0x18, v54  }
0xa5: {  	v3 =	vand.u32 $0x7, v3  }
0xa6: {  	v3 =	vor.u32 v3, v4  }
0xa7: {  	v4 =	vperm.xlane v3, v0;
	_ =	sdelay $0x1  }
0xa8: {  	v4 =	vadd.s32 v1, v4;
	_ =	sdelay $0x1  }
0xa9: {  	v3 =	vperm.xlane v3, v2  }
0xaa: {  	s0 =	rddreg [dreg:$0x1e]  }
0xab: {  	s9 =	rddreg [dreg:$0x1f];
	v3 =	vadd.s32 v1, v3  }
0xac: {  	[hbm4b:s4+s2] =	stream.indirect_vreg.scatter [tilespmem:s0], [sflag:$0x1], $0x80, v4, vm0, $0xb8;
	[tilespmem:$0x18100] =	vst v63  }
0xad: {  	s0 =	sld [smem:$0x7ED]  }
0xae: {  	[hbm4b:s5+s2] =	stream.indirect_vreg.scatter [tilespmem:s9], [sflag:$0x1], $0x80, v4, vm1, $0xb8;
	[tilespmem:$0x18100] =	vst v63  }
0xaf: {  	s9 =	sld [smem:$0x7EE]  }
0xb0: {  	[hbm4b:s4+s2] =	stream.indirect_vreg.scatter [tilespmem:s0], [sflag:$0x1], $0x80, v3, vm0, $0xb8;
	[tilespmem:$0x18100] =	vst v63  }
0xb1: {  	_ = 	snop  }
0xb2: {  	[hbm4b:s5+s2] =	stream.indirect_vreg.scatter [tilespmem:s9], [sflag:$0x1], $0x80, v3, vm1, $0xb8;
	[tilespmem:$0x18100] =	vst v63  }
0xb3: {  	v3 =	vld [tilespmem:$0x18070];
	_ =	sdelay $0x4  }
0xb4: {  	v55 =	vshrl.u32 v3, $0x3  }
0xb5: {  	v4 =	vmul.u32 $0x18, v55  }
0xb6: {  	v3 =	vand.u32 $0x7, v3  }
0xb7: {  	v3 =	vor.u32 v3, v4  }
0xb8: {  	v4 =	vperm.xlane v3, v0;
	_ =	sdelay $0x1  }
0xb9: {  	v4 =	vadd.s32 v1, v4;
	_ =	sdelay $0x1  }
0xba: {  	s0 =	sld [smem:$0x7EF];
	v3 =	vperm.xlane v3, v2;
	_ =	sdelay $0x1  }
0xbb: {  	s9 =	sld [smem:$0x7F0];
	v3 =	vadd.s32 v1, v3  }
0xbc: {  	[hbm4b:s4+s2] =	stream.indirect_vreg.scatter [tilespmem:s0], [sflag:$0x1], $0x80, v4, vm0, $0xb8;
	[tilespmem:$0x18100] =	vst v63  }
0xbd: {  	s0 =	sld [smem:$0x7F1]  }
0xbe: {  	[hbm4b:s5+s2] =	stream.indirect_vreg.scatter [tilespmem:s9], [sflag:$0x1], $0x80, v4, vm1, $0xb8;
	[tilespmem:$0x18100] =	vst v63  }
0xbf: {  	s9 =	sld [smem:$0x7F2]  }
0xc0: {  	[hbm4b:s4+s2] =	stream.indirect_vreg.scatter [tilespmem:s0], [sflag:$0x1], $0x80, v3, vm0, $0xb8;
	[tilespmem:$0x18100] =	vst v63  }
0xc1: {  	_ = 	snop  }
0xc2: {  	[hbm4b:s5+s2] =	stream.indirect_vreg.scatter [tilespmem:s9], [sflag:$0x1], $0x80, v3, vm1, $0xb8;
	[tilespmem:$0x18100] =	vst v63  }
0xc3: {  	s0 =	rddreg [dreg:$0x3]  }
0xc4: {  	[tilespmem:s8], [sflag:$0x3] =	stream.linear.gather [hbm4b:s0+s2], $0xC000, $0x38;
	[tilespmem:$0x18100] =	vst v63  }
0xc5: {  	_ =	swait.ge [sflag:s7], $0xC000  }
0xc6: {  	s9 =	sld [smem:$0x7F3]  }
0xc7: {  	[sflag:s7] =	ssyncset.done $0x0  }
0xc8: {  	s0 =	rddreg [dreg:$0x4];
	[sflag:s7] =	ssyncadd.s32 $0xFFFF4000  }
0xc9: {  	[tilespmem:s9], [sflag:$0x3] =	stream.linear.gather [hbm4b:s0+s2], $0x80, $0x38;
	[tilespmem:$0x18100] =	vst v63  }
0xca: {  	_ =	swait.ge [sflag:s7], $0x80  }
0xcb: {  	[sflag:s7] =	ssyncset.done $0x0  }
0xcc: {  	[sflag:s7] =	ssyncadd.s32 $0xFFFFFF80  }
0xcd: {  	v3 =	vld [tilespmem:$0x18080];
	_ =	sdelay $0x4  }
0xce: {  	v56 =	vshrl.u32 v3, $0x3  }
0xcf: {  	v4 =	vmul.u32 $0x18, v56  }
0xd0: {  	v3 =	vand.u32 $0x7, v3  }
0xd1: {  	v3 =	vor.u32 v3, v4  }
0xd2: {  	v4 =	vperm.xlane v3, v0;
	_ =	sdelay $0x1  }
0xd3: {  	v4 =	vadd.s32 v1, v4;
	_ =	sdelay $0x1  }
0xd4: {  	v3 =	vperm.xlane v3, v2;
	_ =	sdelay $0x1  }
0xd5: {  	s0 =	sld [smem:$0x7F4];
	v3 =	vadd.s32 v1, v3  }
0xd6: {  	[hbm4b:s4+s2] =	stream.indirect_vreg.scatter [tilespmem:s8], [sflag:$0x2], $0x80, v4, vm0, $0xb8;
	[tilespmem:$0x18100] =	vst v63  }
0xd7: {  	s9 =	sld [smem:$0x7F5]  }
0xd8: {  	[hbm4b:s5+s2] =	stream.indirect_vreg.scatter [tilespmem:s0], [sflag:$0x2], $0x80, v4, vm1, $0xb8;
	[tilespmem:$0x18100] =	vst v63  }
0xd9: {  	s0 =	sld [smem:$0x7F6]  }
0xda: {  	[hbm4b:s4+s2] =	stream.indirect_vreg.scatter [tilespmem:s9], [sflag:$0x2], $0x80, v3, vm0, $0xb8;
	[tilespmem:$0x18100] =	vst v63  }
0xdb: {  	_ = 	snop  }
0xdc: {  	[hbm4b:s5+s2] =	stream.indirect_vreg.scatter [tilespmem:s0], [sflag:$0x2], $0x80, v3, vm1, $0xb8;
	[tilespmem:$0x18100] =	vst v63  }
0xdd: {  	v3 =	vld [tilespmem:$0x18090];
	_ =	sdelay $0x4  }
0xde: {  	v57 =	vshrl.u32 v3, $0x3  }
0xdf: {  	v4 =	vmul.u32 $0x18, v57  }
0xe0: {  	v3 =	vand.u32 $0x7, v3  }
0xe1: {  	v3 =	vor.u32 v3, v4  }
0xe2: {  	v4 =	vperm.xlane v3, v0;
	_ =	sdelay $0x1  }
0xe3: {  	v4 =	vadd.s32 v1, v4;
	_ =	sdelay $0x1  }
0xe4: {  	s0 =	sld [smem:$0x7F7];
	v3 =	vperm.xlane v3, v2;
	_ =	sdelay $0x1  }
0xe5: {  	s9 =	sld [smem:$0x7F8];
	v3 =	vadd.s32 v1, v3  }
0xe6: {  	[hbm4b:s4+s2] =	stream.indirect_vreg.scatter [tilespmem:s0], [sflag:$0x2], $0x80, v4, vm0, $0xb8;
	[tilespmem:$0x18100] =	vst v63  }
0xe7: {  	s0 =	sld [smem:$0x7F9]  }
0xe8: {  	[hbm4b:s5+s2] =	stream.indirect_vreg.scatter [tilespmem:s9], [sflag:$0x2], $0x80, v4, vm1, $0xb8;
	[tilespmem:$0x18100] =	vst v63  }
0xe9: {  	s9 =	sld [smem:$0x7FA]  }
0xea: {  	[hbm4b:s4+s2] =	stream.indirect_vreg.scatter [tilespmem:s0], [sflag:$0x2], $0x80, v3, vm0, $0xb8;
	[tilespmem:$0x18100] =	vst v63  }
0xeb: {  	_ = 	snop  }
0xec: {  	[hbm4b:s5+s2] =	stream.indirect_vreg.scatter [tilespmem:s9], [sflag:$0x2], $0x80, v3, vm1, $0xb8;
	[tilespmem:$0x18100] =	vst v63  }
0xed: {  	v3 =	vld [tilespmem:$0x180A0];
	_ =	sdelay $0x4  }
0xee: {  	v58 =	vshrl.u32 v3, $0x3  }
0xef: {  	v4 =	vmul.u32 $0x18, v58  }
0xf0: {  	v3 =	vand.u32 $0x7, v3  }
0xf1: {  	v3 =	vor.u32 v3, v4  }
0xf2: {  	v4 =	vperm.xlane v3, v0;
	_ =	sdelay $0x1  }
0xf3: {  	v4 =	vadd.s32 v1, v4;
	_ =	sdelay $0x1  }
0xf4: {  	s0 =	sld [smem:$0x7FB];
	v3 =	vperm.xlane v3, v2;
	_ =	sdelay $0x1  }
0xf5: {  	s9 =	sld [smem:$0x7FC];
	v3 =	vadd.s32 v1, v3  }
0xf6: {  	[hbm4b:s4+s2] =	stream.indirect_vreg.scatter [tilespmem:s0], [sflag:$0x2], $0x80, v4, vm0, $0xb8;
	[tilespmem:$0x18100] =	vst v63  }
0xf7: {  	s0 =	sld [smem:$0x7FD]  }
0xf8: {  	[hbm4b:s5+s2] =	stream.indirect_vreg.scatter [tilespmem:s9], [sflag:$0x2], $0x80, v4, vm1, $0xb8;
	[tilespmem:$0x18100] =	vst v63  }
0xf9: {  	_ = 	snop  }
0xfa: {  	[hbm4b:s4+s2] =	stream.indirect_vreg.scatter [tilespmem:s0], [sflag:$0x2], $0x80, v3, vm0, $0xb8;
	[tilespmem:$0x18100] =	vst v63  }
0xfb: {  	s9 =	simm.s32 $0x10400  }
0xfc: {  	[hbm4b:s5+s2] =	stream.indirect_vreg.scatter [tilespmem:s9], [sflag:$0x2], $0x80, v3, vm1, $0xb8;
	[tilespmem:$0x18100] =	vst v63  }
0xfd: {  	v3 =	vld [tilespmem:$0x180B0];
	_ =	sdelay $0x4  }
0xfe: {  	v59 =	vshrl.u32 v3, $0x3  }
0xff: {  	v4 =	vmul.u32 $0x18, v59  }
0x100: {  	v3 =	vand.u32 $0x7, v3  }
0x101: {  	v3 =	vor.u32 v3, v4  }
0x102: {  	v4 =	vperm.xlane v3, v0;
	_ =	sdelay $0x1  }
0x103: {  	v4 =	vadd.s32 v1, v4;
	_ =	sdelay $0x1  }
0x104: {  	v3 =	vperm.xlane v3, v2;
	_ =	sdelay $0x1  }
0x105: {  	v3 =	vadd.s32 v1, v3  }
0x106: {  	[hbm4b:s4+s2] =	stream.indirect_vreg.scatter [tilespmem:s10], [sflag:$0x2], $0x80, v4, vm0, $0xb8;
	[tilespmem:$0x18100] =	vst v63  }
0x107: {  	_ = 	snop  }
0x108: {  	[hbm4b:s5+s2] =	stream.indirect_vreg.scatter [tilespmem:s11], [sflag:$0x2], $0x80, v4, vm1, $0xb8;
	[tilespmem:$0x18100] =	vst v63  }
0x109: {  	_ = 	snop  }
0x10a: {  	[hbm4b:s4+s2] =	stream.indirect_vreg.scatter [tilespmem:s12], [sflag:$0x2], $0x80, v3, vm0, $0xb8;
	[tilespmem:$0x18100] =	vst v63  }
0x10b: {  	_ = 	snop  }
0x10c: {  	[hbm4b:s5+s2] =	stream.indirect_vreg.scatter [tilespmem:s13], [sflag:$0x2], $0x80, v3, vm1, $0xb8;
	[tilespmem:$0x18100] =	vst v63  }
0x10d: {  	v3 =	vld [tilespmem:$0x180C0];
	_ =	sdelay $0x4  }
0x10e: {  	v60 =	vshrl.u32 v3, $0x3  }
0x10f: {  	v4 =	vmul.u32 $0x18, v60  }
0x110: {  	v3 =	vand.u32 $0x7, v3  }
0x111: {  	v3 =	vor.u32 v3, v4  }
0x112: {  	v4 =	vperm.xlane v3, v0;
	_ =	sdelay $0x1  }
0x113: {  	v4 =	vadd.s32 v1, v4;
	_ =	sdelay $0x1  }
0x114: {  	v3 =	vperm.xlane v3, v2;
	_ =	sdelay $0x1  }
0x115: {  	v3 =	vadd.s32 v1, v3  }
0x116: {  	[hbm4b:s4+s2] =	stream.indirect_vreg.scatter [tilespmem:s14], [sflag:$0x2], $0x80, v4, vm0, $0xb8;
	[tilespmem:$0x18100] =	vst v63  }
0x117: {  	_ = 	snop  }
0x118: {  	[hbm4b:s5+s2] =	stream.indirect_vreg.scatter [tilespmem:s15], [sflag:$0x2], $0x80, v4, vm1, $0xb8;
	[tilespmem:$0x18100] =	vst v63  }
0x119: {  	_ = 	snop  }
0x11a: {  	[hbm4b:s4+s2] =	stream.indirect_vreg.scatter [tilespmem:s16], [sflag:$0x2], $0x80, v3, vm0, $0xb8;
	[tilespmem:$0x18100] =	vst v63  }
0x11b: {  	_ = 	snop  }
0x11c: {  	[hbm4b:s5+s2] =	stream.indirect_vreg.scatter [tilespmem:s17], [sflag:$0x2], $0x80, v3, vm1, $0xb8;
	[tilespmem:$0x18100] =	vst v63  }
0x11d: {  	v3 =	vld [tilespmem:$0x180D0];
	_ =	sdelay $0x4  }
0x11e: {  	v61 =	vshrl.u32 v3, $0x3  }
0x11f: {  	v4 =	vmul.u32 $0x18, v61  }
0x120: {  	v3 =	vand.u32 $0x7, v3  }
0x121: {  	v3 =	vor.u32 v3, v4  }
0x122: {  	v4 =	vperm.xlane v3, v0;
	_ =	sdelay $0x1  }
0x123: {  	v4 =	vadd.s32 v1, v4;
	_ =	sdelay $0x1  }
0x124: {  	v3 =	vperm.xlane v3, v2;
	_ =	sdelay $0x1  }
0x125: {  	v3 =	vadd.s32 v1, v3  }
0x126: {  	[hbm4b:s4+s2] =	stream.indirect_vreg.scatter [tilespmem:s18], [sflag:$0x2], $0x80, v4, vm0, $0xb8;
	[tilespmem:$0x18100] =	vst v63  }
0x127: {  	_ = 	snop  }
0x128: {  	[hbm4b:s5+s2] =	stream.indirect_vreg.scatter [tilespmem:s19], [sflag:$0x2], $0x80, v4, vm1, $0xb8;
	[tilespmem:$0x18100] =	vst v63  }
0x129: {  	_ = 	snop  }
0x12a: {  	[hbm4b:s4+s2] =	stream.indirect_vreg.scatter [tilespmem:s20], [sflag:$0x2], $0x80, v3, vm0, $0xb8;
	[tilespmem:$0x18100] =	vst v63  }
0x12b: {  	_ = 	snop  }
0x12c: {  	[hbm4b:s5+s2] =	stream.indirect_vreg.scatter [tilespmem:s21], [sflag:$0x2], $0x80, v3, vm1, $0xb8;
	[tilespmem:$0x18100] =	vst v63  }
0x12d: {  	v3 =	vld [tilespmem:$0x180E0];
	_ =	sdelay $0x4  }
0x12e: {  	v62 =	vshrl.u32 v3, $0x3  }
0x12f: {  	v4 =	vmul.u32 $0x18, v62  }
0x130: {  	v3 =	vand.u32 $0x7, v3  }
0x131: {  	v3 =	vor.u32 v3, v4  }
0x132: {  	v4 =	vperm.xlane v3, v0;
	_ =	sdelay $0x1  }
0x133: {  	v4 =	vadd.s32 v1, v4;
	_ =	sdelay $0x1  }
0x134: {  	v3 =	vperm.xlane v3, v2;
	_ =	sdelay $0x1  }
0x135: {  	v3 =	vadd.s32 v1, v3  }
0x136: {  	[hbm4b:s4+s2] =	stream.indirect_vreg.scatter [tilespmem:s22], [sflag:$0x2], $0x80, v4, vm0, $0xb8;
	[tilespmem:$0x18100] =	vst v63  }
0x137: {  	_ = 	snop  }
0x138: {  	[hbm4b:s5+s2] =	stream.indirect_vreg.scatter [tilespmem:s23], [sflag:$0x2], $0x80, v4, vm1, $0xb8;
	[tilespmem:$0x18100] =	vst v63  }
0x139: {  	_ = 	snop  }
0x13a: {  	[hbm4b:s4+s2] =	stream.indirect_vreg.scatter [tilespmem:s24], [sflag:$0x2], $0x80, v3, vm0, $0xb8;
	[tilespmem:$0x18100] =	vst v63  }
0x13b: {  	_ = 	snop  }
0x13c: {  	[hbm4b:s5+s2] =	stream.indirect_vreg.scatter [tilespmem:s25], [sflag:$0x2], $0x80, v3, vm1, $0xb8;
	[tilespmem:$0x18100] =	vst v63  }
0x13d: {  	v3 =	vld [tilespmem:$0x180F0];
	_ =	sdelay $0x4  }
0x13e: {  	v63 =	vshrl.u32 v3, $0x3  }
0x13f: {  	v4 =	vmul.u32 $0x18, v63  }
0x140: {  	v3 =	vand.u32 $0x7, v3  }
0x141: {  	v3 =	vor.u32 v3, v4  }
0x142: {  	v4 =	vperm.xlane v3, v0;
	_ =	sdelay $0x1  }
0x143: {  	v4 =	vadd.s32 v1, v4;
	_ =	sdelay $0x1  }
0x144: {  	v3 =	vperm.xlane v3, v2;
	_ =	sdelay $0x1  }
0x145: {  	v3 =	vadd.s32 v1, v3  }
0x146: {  	[hbm4b:s4+s2] =	stream.indirect_vreg.scatter [tilespmem:s26], [sflag:$0x2], $0x80, v4, vm0, $0xb8;
	[tilespmem:$0x18100] =	vst v63  }
0x147: {  	_ = 	snop  }
0x148: {  	[hbm4b:s5+s2] =	stream.indirect_vreg.scatter [tilespmem:s28], [sflag:$0x2], $0x80, v4, vm1, $0xb8;
	[tilespmem:$0x18100] =	vst v63  }
0x149: {  	_ = 	snop  }
0x14a: {  	[hbm4b:s4+s2] =	stream.indirect_vreg.scatter [tilespmem:s29], [sflag:$0x2], $0x80, v3, vm0, $0xb8;
	[tilespmem:$0x18100] =	vst v63  }
0x14b: {  	_ = 	snop  }
0x14c: {  	[hbm4b:s5+s2] =	stream.indirect_vreg.scatter [tilespmem:s30], [sflag:$0x2], $0x80, v3, vm1, $0xb8;
	[tilespmem:$0x18100] =	vst v63  }
0x14d: {  	p0 =	sne.s32 s6, $0x1;
	_ =	swait.ge [sflag:s31], $0xC000  }
.Ltmp0:
0x14e: {  	[sflag:s31] =	ssyncset.done $0x0;
	(pc) =	sbr.rel @p0 .LBB2_1-.Ltmp0, $4  }
0x14f: {  	[sflag:s31] =	ssyncadd.s32 $0xFFFF4000  }
0x150: {  	_ =	swait.ge [sflag:s1], $0xC000  }
0x151: {  	[sflag:s1] =	ssyncset.done $0x0  }
0x152: {  	s6 =	sadd.s32 $0xFFFFFFFF, s6;
	[sflag:s1] =	ssyncadd.s32 $0xFFFF4000  }
0x153: {  	_ =	sfence.sel $0x180000  }
0x154: {  	[bflag:$0x0] =	sbarrier.arrive $0xFFFF  }
0x155: {  	_ =	strace $0x90000047  }
0x156: {  	s0 =	stileid.u32;
	[bflag:$0x2] =	sbarrier.arrive $0xFFFF  }
0x157: {  	p0 =	sne.s32 s0, $0x0;
	s0 =	rddreg [dreg:$0x2]  }
0x158: {  	s0 =	sadd.s32 @!p0 $0x100000, s0  }
0x159: {  	[sflag:s0] =	ssyncadd.tile.s32 @!p0 $0x1;
	_ =	shalt  }
.Lfunc_end2:
_tile_overlayer_lowered:
.L_overlay_start_2:
0x15a: {  	(tag) =	ssettag $0x2  }
0x15b: {  	s0 =	rddreg [dreg:$0x0];
	s2 =	stileid.u32  }
0x15c: {  	s1 =	rddreg [dreg:$0x1];
	p0 =	sne.s32 s2, $0x0  }
0x15d: {  	s3 =	rddreg [dreg:$0x2];
	[bflag:$0x3] =	sbarrier.arrive $0xFFFF;
	s2 =	simm.s32 @!p0 $0x1C03  }
0x15e: {  	[timem:s3], [sflag:s2] =	dma.local @!p0 [hbm:s0], s1  }
0x15f: {  	s0 =	simm.s32 @!p0 $0x3  }
0x160: {  	_ =	swait.ge @!p0 [sflag:s0], s1  }
0x161: {  	s1 =	ssub.s32 @!p0 $0x0, s1;
	[sflag:s0] =	ssyncset.done @!p0 $0x0  }
0x162: {  	[sflag:s0] =	ssyncadd.s32 @!p0 s1  }
0x163: {  	[bflag:$0x3] =	sbarrier.arrive $0xFFFF  }
0x164: {  	_ =	shalt  }

</sc_bundles>
